<compile_context>
chip_gen: v7x
topology: tpu7x:2x2x1
jax: 0.10.2.dev20260603
libtpu: 0.0.44.dev20260713+nightly
codegen_flags: <defaults>
</compile_context>

<pallas_src>
import functools

import jax
import jax.numpy as jnp
from jax import lax
from jax.experimental import pallas as pl
from jax.experimental.pallas import tpu as pltpu
from jax.experimental.pallas import tpu_sc as plsc

VOCAB = 1000000
EMBED = 64
BATCH = 16384
SEQ = 50

NC = 2
NS = 16
NW = NC * NS

TOTAL = BATCH * SEQ
PER_W = TOTAL // NW
CHUNK = 128
NCHUNK = PER_W // CHUNK

NB = 8
DEPTH = 4
GROUPS = (NCHUNK - 2 * DEPTH) // NB


@functools.partial(
    pl.kernel,
    out_type=jax.ShapeDtypeStruct((TOTAL, EMBED), jnp.float32),
    mesh=plsc.VectorSubcoreMesh(core_axis_name="c", subcore_axis_name="s"),
    scratch_types=[
        pltpu.VMEM((NCHUNK, CHUNK), jnp.int32),
        pltpu.VMEM((NB, CHUNK, EMBED), jnp.float32),
        pltpu.SemaphoreType.DMA((NB,)),
        pltpu.SemaphoreType.DMA((NB,)),
    ],
    compiler_params=pltpu.CompilerParams(use_tc_tiling_on_sc=False),
)
def _embed_lookup(table, idx_hbm, out, idx_v, rows, gsem, ssem):
    wid = lax.axis_index("s") * NC + lax.axis_index("c")
    row_base = wid * PER_W
    chunk_base = wid * NCHUNK

    pltpu.sync_copy(idx_hbm.at[pl.ds(chunk_base, NCHUNK)], idx_v)

    def fire_gather(b, j):
        pltpu.async_copy(table.at[idx_v.at[j]], rows.at[b], gsem.at[b])

    def wait_gather(b):
        pltpu.make_async_copy(
            table.at[idx_v.at[0]], rows.at[b], gsem.at[b]).wait()

    def fire_store(b, j):
        pltpu.async_copy(
            rows.at[b], out.at[pl.ds(row_base + j * CHUNK, CHUNK)],
            ssem.at[b])

    def wait_store(b):
        pltpu.make_async_copy(
            rows.at[b], out.at[pl.ds(row_base, CHUNK)], ssem.at[b]).wait()

    for b in range(DEPTH):
        fire_gather(b, b)
    for t in range(DEPTH):
        wait_gather(t)
        fire_store(t, t)
        fire_gather(t + DEPTH, t + DEPTH)

    def body(g, carry):
        j0 = DEPTH + g * NB
        for t in range(NB):
            j = j0 + t
            b_new = t
            b_cur = (t + DEPTH) % NB
            wait_store(b_new)
            fire_gather(b_new, j + DEPTH)
            wait_gather(b_cur)
            fire_store(b_cur, j)
        return carry

    lax.fori_loop(0, GROUPS, body, 0)

    for t in range(DEPTH):
        j = NCHUNK - DEPTH + t
        b = j % NB
        wait_gather(b)
        fire_store(b, j)
    for b in range(NB):
        wait_store(b)


def kernel(src_indices, tgt_indices, src_table, tgt_table):
    src_idx = src_indices.reshape(-1, CHUNK).astype(jnp.int32)
    tgt_idx = tgt_indices.reshape(-1, CHUNK).astype(jnp.int32)
    src_out = _embed_lookup(src_table, src_idx)
    tgt_out = _embed_lookup(tgt_table, tgt_idx)
    return (
        src_out.reshape(BATCH, SEQ, EMBED),
        tgt_out.reshape(BATCH, SEQ, EMBED),
    )

# --- scband reference (transcript-rebuilt; emitter-appended) ---
"""Pipeline reference for scband-model-embeddings-50886772523139 (READ-ONLY COPY).

The authoritative reference and input builder live on the scoring server;
editing this copy changes nothing except your own understanding.
"""

import jax, jax.numpy as jnp
import numpy as np

VOCAB = 1000000
EMBED = 64
PAD = 0
BATCH = 16384
SEQ = 50


def setup_inputs(seed: int = 0) -> dict:
    key = jax.random.key(seed)
    k1, k2, k3, k4 = jax.random.split(key, 4)
    src_indices = jax.random.randint(k1, (BATCH, SEQ), 0, VOCAB)
    tgt_indices = jax.random.randint(k2, (BATCH, SEQ), 0, VOCAB)
    src_table = jax.random.normal(k3, (VOCAB, EMBED), dtype=jnp.float32)
    tgt_table = jax.random.normal(k4, (VOCAB, EMBED), dtype=jnp.float32)
    # nn.Embedding(padding_idx=...) initializes the pad row to zeros
    src_table = src_table.at[PAD].set(0.0)
    tgt_table = tgt_table.at[PAD].set(0.0)
    return {
        "src_indices": src_indices,
        "tgt_indices": tgt_indices,
        "src_table": src_table,
        "tgt_table": tgt_table,
    }


def reference(src_indices, tgt_indices, src_table, tgt_table):
    # self.source(src_indices): embedding lookup (gather rows)
    src_emb = jnp.take(src_table, src_indices, axis=0)
    # self.target(tgt_indices): embedding lookup (gather rows)
    tgt_emb = jnp.take(tgt_table, tgt_indices, axis=0)
    return (src_emb, tgt_emb)

if __name__ == "__main__":
    import jax
    _d = setup_inputs()
    print(jax.jit(kernel)(*tuple(_d.values())))

</pallas_src>

<mosaic_0001>
#map = affine_map<(d0, d1) -> (0, 0)>
module attributes {stable_mosaic.version = 14 : i64} {
  func.func @_embed_lookup(%arg0: i32, %arg1: i32, %arg2: memref<1000000x64xf32, #tpu.memory_space<hbm>>, %arg3: memref<6400x128xi32, #tpu.memory_space<hbm>>, %arg4: memref<819200x64xf32, #tpu.memory_space<hbm>>, %arg5: memref<200x128xi32, #tpu.memory_space<vmem>>, %arg6: memref<8x128x64xf32, #tpu.memory_space<vmem>>, %arg7: memref<8x!tpu.dma_semaphore, #tpu.memory_space<semaphore_mem>>, %arg8: memref<8x!tpu.dma_semaphore, #tpu.memory_space<semaphore_mem>>) attributes {dimension_semantics = [#tpu.dimension_semantics<core_parallel>, #tpu.dimension_semantics<subcore_parallel>], iteration_bounds = array<i64: 2, 16>, scalar_prefetch = 0 : i64, scratch_operands = 4 : i64, tpu.core_type = #tpu.core_type<sc_vector_subcore>, window_params = [{transform_indices = #map}, {transform_indices = #map}, {transform_indices = #map}]} {
    %mul3A = arith.constant 2 : i32
    %mul3A_0 = arith.muli %arg1, %mul3A : i32
    %add3A = arith.addi %mul3A_0, %arg0 : i32
    %mul3A_1 = arith.constant 25600 : i32
    %mul3A_2 = arith.muli %add3A, %mul3A_1 : i32
    %mul3A_3 = arith.constant 200 : i32
    %mul3A_4 = arith.muli %add3A, %mul3A_3 : i32
    "tpu.region"() ({
      %run_scoped3A = tpu.sem_alloc : memref<!tpu.dma_semaphore, #tpu.memory_space<semaphore_mem>>
      %dma_start3A_520 = arith.constant 0 : i32
      %dma_start3A_521 = tpu.memref_slice %arg3[%mul3A_4, %dma_start3A_520] : memref<6400x128xi32, #tpu.memory_space<hbm>> -> memref<200x128xi32, #tpu.memory_space<hbm>>
      %dma_start3A_522 = arith.constant 0 : i32
      %dma_start3A_523 = tpu.memref_slice %arg3[%mul3A_4, %dma_start3A_522] : memref<6400x128xi32, #tpu.memory_space<hbm>> -> memref<200x128xi32, #tpu.memory_space<hbm>>
      tpu.enqueue_dma source(%dma_start3A_523 : memref<200x128xi32, #tpu.memory_space<hbm>>) target(%arg5 : memref<200x128xi32, #tpu.memory_space<vmem>>) target_semaphore(%run_scoped3A : memref<!tpu.dma_semaphore, #tpu.memory_space<semaphore_mem>>)
      %dma_wait3A_524 = arith.constant 0 : i32
      %dma_wait3A_525 = tpu.memref_slice %arg3[%mul3A_4, %dma_wait3A_524] : memref<6400x128xi32, #tpu.memory_space<hbm>> -> memref<200x128xi32, #tpu.memory_space<hbm>>
      %dma_wait3A_526 = arith.constant 0 : i32
      %dma_wait3A_527 = tpu.memref_slice %arg3[%mul3A_4, %dma_wait3A_526] : memref<6400x128xi32, #tpu.memory_space<hbm>> -> memref<200x128xi32, #tpu.memory_space<hbm>>
      tpu.wait_dma2 semaphore(%run_scoped3A : memref<!tpu.dma_semaphore, #tpu.memory_space<semaphore_mem>>) src(%dma_wait3A_527 : memref<200x128xi32, #tpu.memory_space<hbm>>) dst(%arg5 : memref<200x128xi32, #tpu.memory_space<vmem>>)
      tpu.yield
    }) : () -> ()
    %dma_start3A = arith.constant 0 : i32
    %dma_start3A_5 = arith.constant 0 : i32
    %dma_start3A_6 = arith.constant 0 : i32
    %dma_start3A_7 = arith.constant 0 : i32
    %dma_start3A_8 = arith.constant 0 : i32
    %dma_start3A_9 = tpu.memref_slice %arg6[%dma_start3A_5, %dma_start3A_7, %dma_start3A_8] : memref<8x128x64xf32, #tpu.memory_space<vmem>> -> memref<1x128x64xf32, #tpu.memory_space<vmem>>
    %dma_start3A_10 = tpu.memref_squeeze %dma_start3A_9 : memref<1x128x64xf32, #tpu.memory_space<vmem>> -> memref<128x64xf32, #tpu.memory_space<vmem>>
    %dma_start3A_11 = arith.constant 0 : i32
    %dma_start3A_12 = tpu.memref_slice %arg5[%dma_start3A, %dma_start3A_11] : memref<200x128xi32, #tpu.memory_space<vmem>> -> memref<1x128xi32, #tpu.memory_space<vmem>>
    %dma_start3A_13 = tpu.memref_squeeze %dma_start3A_12 : memref<1x128xi32, #tpu.memory_space<vmem>> -> memref<128xi32, #tpu.memory_space<vmem>>
    %dma_start3A_14 = arith.constant 0 : i32
    %dma_start3A_15 = arith.constant 0 : i32
    %dma_start3A_16 = tpu.memref_slice %arg2[%dma_start3A_14, %dma_start3A_15] : memref<1000000x64xf32, #tpu.memory_space<hbm>> -> memref<1000000x64xf32, #tpu.memory_space<hbm>>
    %dma_start3A_17 = tpu.memref_slice %arg7[%dma_start3A_6] : memref<8x!tpu.dma_semaphore, #tpu.memory_space<semaphore_mem>> -> memref<1x!tpu.dma_semaphore, #tpu.memory_space<semaphore_mem>>
    %dma_start3A_18 = tpu.memref_squeeze %dma_start3A_17 : memref<1x!tpu.dma_semaphore, #tpu.memory_space<semaphore_mem>> -> memref<!tpu.dma_semaphore, #tpu.memory_space<semaphore_mem>>
    tpu.enqueue_indirect_dma source(%dma_start3A_16 : memref<1000000x64xf32, #tpu.memory_space<hbm>>) target(%dma_start3A_10 : memref<128x64xf32, #tpu.memory_space<vmem>>) offsets(%dma_start3A_13 : memref<128xi32, #tpu.memory_space<vmem>>) semaphore(%dma_start3A_18 : memref<!tpu.dma_semaphore, #tpu.memory_space<semaphore_mem>>)
    %dma_start3A_19 = arith.constant 1 : i32
    %dma_start3A_20 = arith.constant 1 : i32
    %dma_start3A_21 = arith.constant 1 : i32
    %dma_start3A_22 = arith.constant 0 : i32
    %dma_start3A_23 = arith.constant 0 : i32
    %dma_start3A_24 = tpu.memref_slice %arg6[%dma_start3A_20, %dma_start3A_22, %dma_start3A_23] : memref<8x128x64xf32, #tpu.memory_space<vmem>> -> memref<1x128x64xf32, #tpu.memory_space<vmem>>
    %dma_start3A_25 = tpu.memref_squeeze %dma_start3A_24 : memref<1x128x64xf32, #tpu.memory_space<vmem>> -> memref<128x64xf32, #tpu.memory_space<vmem>>
    %dma_start3A_26 = arith.constant 0 : i32
    %dma_start3A_27 = tpu.memref_slice %arg5[%dma_start3A_19, %dma_start3A_26] : memref<200x128xi32, #tpu.memory_space<vmem>> -> memref<1x128xi32, #tpu.memory_space<vmem>>
    %dma_start3A_28 = tpu.memref_squeeze %dma_start3A_27 : memref<1x128xi32, #tpu.memory_space<vmem>> -> memref<128xi32, #tpu.memory_space<vmem>>
    %dma_start3A_29 = arith.constant 0 : i32
    %dma_start3A_30 = arith.constant 0 : i32
    %dma_start3A_31 = tpu.memref_slice %arg2[%dma_start3A_29, %dma_start3A_30] : memref<1000000x64xf32, #tpu.memory_space<hbm>> -> memref<1000000x64xf32, #tpu.memory_space<hbm>>
    %dma_start3A_32 = tpu.memref_slice %arg7[%dma_start3A_21] : memref<8x!tpu.dma_semaphore, #tpu.memory_space<semaphore_mem>> -> memref<1x!tpu.dma_semaphore, #tpu.memory_space<semaphore_mem>>
    %dma_start3A_33 = tpu.memref_squeeze %dma_start3A_32 : memref<1x!tpu.dma_semaphore, #tpu.memory_space<semaphore_mem>> -> memref<!tpu.dma_semaphore, #tpu.memory_space<semaphore_mem>>
    tpu.enqueue_indirect_dma source(%dma_start3A_31 : memref<1000000x64xf32, #tpu.memory_space<hbm>>) target(%dma_start3A_25 : memref<128x64xf32, #tpu.memory_space<vmem>>) offsets(%dma_start3A_28 : memref<128xi32, #tpu.memory_space<vmem>>) semaphore(%dma_start3A_33 : memref<!tpu.dma_semaphore, #tpu.memory_space<semaphore_mem>>)
    %dma_start3A_34 = arith.constant 2 : i32
    %dma_start3A_35 = arith.constant 2 : i32
    %dma_start3A_36 = arith.constant 2 : i32
    %dma_start3A_37 = arith.constant 0 : i32
    %dma_start3A_38 = arith.constant 0 : i32
    %dma_start3A_39 = tpu.memref_slice %arg6[%dma_start3A_35, %dma_start3A_37, %dma_start3A_38] : memref<8x128x64xf32, #tpu.memory_space<vmem>> -> memref<1x128x64xf32, #tpu.memory_space<vmem>>
    %dma_start3A_40 = tpu.memref_squeeze %dma_start3A_39 : memref<1x128x64xf32, #tpu.memory_space<vmem>> -> memref<128x64xf32, #tpu.memory_space<vmem>>
    %dma_start3A_41 = arith.constant 0 : i32
    %dma_start3A_42 = tpu.memref_slice %arg5[%dma_start3A_34, %dma_start3A_41] : memref<200x128xi32, #tpu.memory_space<vmem>> -> memref<1x128xi32, #tpu.memory_space<vmem>>
    %dma_start3A_43 = tpu.memref_squeeze %dma_start3A_42 : memref<1x128xi32, #tpu.memory_space<vmem>> -> memref<128xi32, #tpu.memory_space<vmem>>
    %dma_start3A_44 = arith.constant 0 : i32
    %dma_start3A_45 = arith.constant 0 : i32
    %dma_start3A_46 = tpu.memref_slice %arg2[%dma_start3A_44, %dma_start3A_45] : memref<1000000x64xf32, #tpu.memory_space<hbm>> -> memref<1000000x64xf32, #tpu.memory_space<hbm>>
    %dma_start3A_47 = tpu.memref_slice %arg7[%dma_start3A_36] : memref<8x!tpu.dma_semaphore, #tpu.memory_space<semaphore_mem>> -> memref<1x!tpu.dma_semaphore, #tpu.memory_space<semaphore_mem>>
    %dma_start3A_48 = tpu.memref_squeeze %dma_start3A_47 : memref<1x!tpu.dma_semaphore, #tpu.memory_space<semaphore_mem>> -> memref<!tpu.dma_semaphore, #tpu.memory_space<semaphore_mem>>
    tpu.enqueue_indirect_dma source(%dma_start3A_46 : memref<1000000x64xf32, #tpu.memory_space<hbm>>) target(%dma_start3A_40 : memref<128x64xf32, #tpu.memory_space<vmem>>) offsets(%dma_start3A_43 : memref<128xi32, #tpu.memory_space<vmem>>) semaphore(%dma_start3A_48 : memref<!tpu.dma_semaphore, #tpu.memory_space<semaphore_mem>>)
    %dma_start3A_49 = arith.constant 3 : i32
    %dma_start3A_50 = arith.constant 3 : i32
    %dma_start3A_51 = arith.constant 3 : i32
    %dma_start3A_52 = arith.constant 0 : i32
    %dma_start3A_53 = arith.constant 0 : i32
    %dma_start3A_54 = tpu.memref_slice %arg6[%dma_start3A_50, %dma_start3A_52, %dma_start3A_53] : memref<8x128x64xf32, #tpu.memory_space<vmem>> -> memref<1x128x64xf32, #tpu.memory_space<vmem>>
    %dma_start3A_55 = tpu.memref_squeeze %dma_start3A_54 : memref<1x128x64xf32, #tpu.memory_space<vmem>> -> memref<128x64xf32, #tpu.memory_space<vmem>>
    %dma_start3A_56 = arith.constant 0 : i32
    %dma_start3A_57 = tpu.memref_slice %arg5[%dma_start3A_49, %dma_start3A_56] : memref<200x128xi32, #tpu.memory_space<vmem>> -> memref<1x128xi32, #tpu.memory_space<vmem>>
    %dma_start3A_58 = tpu.memref_squeeze %dma_start3A_57 : memref<1x128xi32, #tpu.memory_space<vmem>> -> memref<128xi32, #tpu.memory_space<vmem>>
    %dma_start3A_59 = arith.constant 0 : i32
    %dma_start3A_60 = arith.constant 0 : i32
    %dma_start3A_61 = tpu.memref_slice %arg2[%dma_start3A_59, %dma_start3A_60] : memref<1000000x64xf32, #tpu.memory_space<hbm>> -> memref<1000000x64xf32, #tpu.memory_space<hbm>>
    %dma_start3A_62 = tpu.memref_slice %arg7[%dma_start3A_51] : memref<8x!tpu.dma_semaphore, #tpu.memory_space<semaphore_mem>> -> memref<1x!tpu.dma_semaphore, #tpu.memory_space<semaphore_mem>>
    %dma_start3A_63 = tpu.memref_squeeze %dma_start3A_62 : memref<1x!tpu.dma_semaphore, #tpu.memory_space<semaphore_mem>> -> memref<!tpu.dma_semaphore, #tpu.memory_space<semaphore_mem>>
    tpu.enqueue_indirect_dma source(%dma_start3A_61 : memref<1000000x64xf32, #tpu.memory_space<hbm>>) target(%dma_start3A_55 : memref<128x64xf32, #tpu.memory_space<vmem>>) offsets(%dma_start3A_58 : memref<128xi32, #tpu.memory_space<vmem>>) semaphore(%dma_start3A_63 : memref<!tpu.dma_semaphore, #tpu.memory_space<semaphore_mem>>)
    %dma_wait3A = arith.constant 0 : i32
    %dma_wait3A_64 = arith.constant 0 : i32
    %dma_wait3A_65 = arith.constant 0 : i32
    %dma_wait3A_66 = arith.constant 0 : i32
    %dma_wait3A_67 = arith.constant 0 : i32
    %dma_wait3A_68 = tpu.memref_slice %arg6[%dma_wait3A_64, %dma_wait3A_66, %dma_wait3A_67] : memref<8x128x64xf32, #tpu.memory_space<vmem>> -> memref<1x128x64xf32, #tpu.memory_space<vmem>>
    %dma_wait3A_69 = tpu.memref_squeeze %dma_wait3A_68 : memref<1x128x64xf32, #tpu.memory_space<vmem>> -> memref<128x64xf32, #tpu.memory_space<vmem>>
    %dma_wait3A_70 = arith.constant 0 : i32
    %dma_wait3A_71 = tpu.memref_slice %arg5[%dma_wait3A, %dma_wait3A_70] : memref<200x128xi32, #tpu.memory_space<vmem>> -> memref<1x128xi32, #tpu.memory_space<vmem>>
    %dma_wait3A_72 = tpu.memref_squeeze %dma_wait3A_71 : memref<1x128xi32, #tpu.memory_space<vmem>> -> memref<128xi32, #tpu.memory_space<vmem>>
    %dma_wait3A_73 = arith.constant 0 : i32
    %dma_wait3A_74 = arith.constant 0 : i32
    %dma_wait3A_75 = tpu.memref_slice %arg2[%dma_wait3A_73, %dma_wait3A_74] : memref<1000000x64xf32, #tpu.memory_space<hbm>> -> memref<1000000x64xf32, #tpu.memory_space<hbm>>
    %dma_wait3A_76 = tpu.memref_slice %arg7[%dma_wait3A_65] : memref<8x!tpu.dma_semaphore, #tpu.memory_space<semaphore_mem>> -> memref<1x!tpu.dma_semaphore, #tpu.memory_space<semaphore_mem>>
    %dma_wait3A_77 = tpu.memref_squeeze %dma_wait3A_76 : memref<1x!tpu.dma_semaphore, #tpu.memory_space<semaphore_mem>> -> memref<!tpu.dma_semaphore, #tpu.memory_space<semaphore_mem>>
    tpu.wait_indirect_dma semaphore(%dma_wait3A_77 : memref<!tpu.dma_semaphore, #tpu.memory_space<semaphore_mem>>) src(%dma_wait3A_75 : memref<1000000x64xf32, #tpu.memory_space<hbm>>) dst(%dma_wait3A_69 : memref<128x64xf32, #tpu.memory_space<vmem>>)
    %add3A_78 = arith.constant 0 : i32
    %add3A_79 = arith.addi %mul3A_2, %add3A_78 : i32
    %dma_start3A_80 = arith.constant 0 : i32
    %dma_start3A_81 = arith.constant 0 : i32
    %dma_start3A_82 = arith.constant 0 : i32
    %dma_start3A_83 = arith.constant 0 : i32
    %dma_start3A_84 = tpu.memref_slice %arg6[%dma_start3A_80, %dma_start3A_82, %dma_start3A_83] : memref<8x128x64xf32, #tpu.memory_space<vmem>> -> memref<1x128x64xf32, #tpu.memory_space<vmem>>
    %dma_start3A_85 = tpu.memref_squeeze %dma_start3A_84 : memref<1x128x64xf32, #tpu.memory_space<vmem>> -> memref<128x64xf32, #tpu.memory_space<vmem>>
    %dma_start3A_86 = arith.constant 0 : i32
    %dma_start3A_87 = tpu.memref_slice %arg4[%add3A_79, %dma_start3A_86] : memref<819200x64xf32, #tpu.memory_space<hbm>> -> memref<128x64xf32, #tpu.memory_space<hbm>>
    %dma_start3A_88 = tpu.memref_slice %arg8[%dma_start3A_81] : memref<8x!tpu.dma_semaphore, #tpu.memory_space<semaphore_mem>> -> memref<1x!tpu.dma_semaphore, #tpu.memory_space<semaphore_mem>>
    %dma_start3A_89 = tpu.memref_squeeze %dma_start3A_88 : memref<1x!tpu.dma_semaphore, #tpu.memory_space<semaphore_mem>> -> memref<!tpu.dma_semaphore, #tpu.memory_space<semaphore_mem>>
    %dma_start3A_90 = arith.constant 0 : i32
    %dma_start3A_91 = tpu.memref_slice %arg4[%add3A_79, %dma_start3A_90] : memref<819200x64xf32, #tpu.memory_space<hbm>> -> memref<128x64xf32, #tpu.memory_space<hbm>>
    %dma_start3A_92 = arith.constant 0 : i32
    %dma_start3A_93 = arith.constant 0 : i32
    %dma_start3A_94 = tpu.memref_slice %arg6[%dma_start3A_80, %dma_start3A_92, %dma_start3A_93] : memref<8x128x64xf32, #tpu.memory_space<vmem>> -> memref<1x128x64xf32, #tpu.memory_space<vmem>>
    %dma_start3A_95 = tpu.memref_squeeze %dma_start3A_94 : memref<1x128x64xf32, #tpu.memory_space<vmem>> -> memref<128x64xf32, #tpu.memory_space<vmem>>
    tpu.enqueue_dma source(%dma_start3A_95 : memref<128x64xf32, #tpu.memory_space<vmem>>) target(%dma_start3A_91 : memref<128x64xf32, #tpu.memory_space<hbm>>) target_semaphore(%dma_start3A_89 : memref<!tpu.dma_semaphore, #tpu.memory_space<semaphore_mem>>)
    %dma_start3A_96 = arith.constant 4 : i32
    %dma_start3A_97 = arith.constant 4 : i32
    %dma_start3A_98 = arith.constant 4 : i32
    %dma_start3A_99 = arith.constant 0 : i32
    %dma_start3A_100 = arith.constant 0 : i32
    %dma_start3A_101 = tpu.memref_slice %arg6[%dma_start3A_97, %dma_start3A_99, %dma_start3A_100] : memref<8x128x64xf32, #tpu.memory_space<vmem>> -> memref<1x128x64xf32, #tpu.memory_space<vmem>>
    %dma_start3A_102 = tpu.memref_squeeze %dma_start3A_101 : memref<1x128x64xf32, #tpu.memory_space<vmem>> -> memref<128x64xf32, #tpu.memory_space<vmem>>
    %dma_start3A_103 = arith.constant 0 : i32
    %dma_start3A_104 = tpu.memref_slice %arg5[%dma_start3A_96, %dma_start3A_103] : memref<200x128xi32, #tpu.memory_space<vmem>> -> memref<1x128xi32, #tpu.memory_space<vmem>>
    %dma_start3A_105 = tpu.memref_squeeze %dma_start3A_104 : memref<1x128xi32, #tpu.memory_space<vmem>> -> memref<128xi32, #tpu.memory_space<vmem>>
    %dma_start3A_106 = arith.constant 0 : i32
    %dma_start3A_107 = arith.constant 0 : i32
    %dma_start3A_108 = tpu.memref_slice %arg2[%dma_start3A_106, %dma_start3A_107] : memref<1000000x64xf32, #tpu.memory_space<hbm>> -> memref<1000000x64xf32, #tpu.memory_space<hbm>>
    %dma_start3A_109 = tpu.memref_slice %arg7[%dma_start3A_98] : memref<8x!tpu.dma_semaphore, #tpu.memory_space<semaphore_mem>> -> memref<1x!tpu.dma_semaphore, #tpu.memory_space<semaphore_mem>>
    %dma_start3A_110 = tpu.memref_squeeze %dma_start3A_109 : memref<1x!tpu.dma_semaphore, #tpu.memory_space<semaphore_mem>> -> memref<!tpu.dma_semaphore, #tpu.memory_space<semaphore_mem>>
    tpu.enqueue_indirect_dma source(%dma_start3A_108 : memref<1000000x64xf32, #tpu.memory_space<hbm>>) target(%dma_start3A_102 : memref<128x64xf32, #tpu.memory_space<vmem>>) offsets(%dma_start3A_105 : memref<128xi32, #tpu.memory_space<vmem>>) semaphore(%dma_start3A_110 : memref<!tpu.dma_semaphore, #tpu.memory_space<semaphore_mem>>)
    %dma_wait3A_111 = arith.constant 0 : i32
    %dma_wait3A_112 = arith.constant 1 : i32
    %dma_wait3A_113 = arith.constant 1 : i32
    %dma_wait3A_114 = arith.constant 0 : i32
    %dma_wait3A_115 = arith.constant 0 : i32
    %dma_wait3A_116 = tpu.memref_slice %arg6[%dma_wait3A_112, %dma_wait3A_114, %dma_wait3A_115] : memref<8x128x64xf32, #tpu.memory_space<vmem>> -> memref<1x128x64xf32, #tpu.memory_space<vmem>>
    %dma_wait3A_117 = tpu.memref_squeeze %dma_wait3A_116 : memref<1x128x64xf32, #tpu.memory_space<vmem>> -> memref<128x64xf32, #tpu.memory_space<vmem>>
    %dma_wait3A_118 = arith.constant 0 : i32
    %dma_wait3A_119 = tpu.memref_slice %arg5[%dma_wait3A_111, %dma_wait3A_118] : memref<200x128xi32, #tpu.memory_space<vmem>> -> memref<1x128xi32, #tpu.memory_space<vmem>>
    %dma_wait3A_120 = tpu.memref_squeeze %dma_wait3A_119 : memref<1x128xi32, #tpu.memory_space<vmem>> -> memref<128xi32, #tpu.memory_space<vmem>>
    %dma_wait3A_121 = arith.constant 0 : i32
    %dma_wait3A_122 = arith.constant 0 : i32
    %dma_wait3A_123 = tpu.memref_slice %arg2[%dma_wait3A_121, %dma_wait3A_122] : memref<1000000x64xf32, #tpu.memory_space<hbm>> -> memref<1000000x64xf32, #tpu.memory_space<hbm>>
    %dma_wait3A_124 = tpu.memref_slice %arg7[%dma_wait3A_113] : memref<8x!tpu.dma_semaphore, #tpu.memory_space<semaphore_mem>> -> memref<1x!tpu.dma_semaphore, #tpu.memory_space<semaphore_mem>>
    %dma_wait3A_125 = tpu.memref_squeeze %dma_wait3A_124 : memref<1x!tpu.dma_semaphore, #tpu.memory_space<semaphore_mem>> -> memref<!tpu.dma_semaphore, #tpu.memory_space<semaphore_mem>>
    tpu.wait_indirect_dma semaphore(%dma_wait3A_125 : memref<!tpu.dma_semaphore, #tpu.memory_space<semaphore_mem>>) src(%dma_wait3A_123 : memref<1000000x64xf32, #tpu.memory_space<hbm>>) dst(%dma_wait3A_117 : memref<128x64xf32, #tpu.memory_space<vmem>>)
    %add3A_126 = arith.constant 128 : i32
    %add3A_127 = arith.addi %mul3A_2, %add3A_126 : i32
    %dma_start3A_128 = arith.constant 1 : i32
    %dma_start3A_129 = arith.constant 1 : i32
    %dma_start3A_130 = arith.constant 0 : i32
    %dma_start3A_131 = arith.constant 0 : i32
    %dma_start3A_132 = tpu.memref_slice %arg6[%dma_start3A_128, %dma_start3A_130, %dma_start3A_131] : memref<8x128x64xf32, #tpu.memory_space<vmem>> -> memref<1x128x64xf32, #tpu.memory_space<vmem>>
    %dma_start3A_133 = tpu.memref_squeeze %dma_start3A_132 : memref<1x128x64xf32, #tpu.memory_space<vmem>> -> memref<128x64xf32, #tpu.memory_space<vmem>>
    %dma_start3A_134 = arith.constant 0 : i32
    %dma_start3A_135 = tpu.memref_slice %arg4[%add3A_127, %dma_start3A_134] : memref<819200x64xf32, #tpu.memory_space<hbm>> -> memref<128x64xf32, #tpu.memory_space<hbm>>
    %dma_start3A_136 = tpu.memref_slice %arg8[%dma_start3A_129] : memref<8x!tpu.dma_semaphore, #tpu.memory_space<semaphore_mem>> -> memref<1x!tpu.dma_semaphore, #tpu.memory_space<semaphore_mem>>
    %dma_start3A_137 = tpu.memref_squeeze %dma_start3A_136 : memref<1x!tpu.dma_semaphore, #tpu.memory_space<semaphore_mem>> -> memref<!tpu.dma_semaphore, #tpu.memory_space<semaphore_mem>>
    %dma_start3A_138 = arith.constant 0 : i32
    %dma_start3A_139 = tpu.memref_slice %arg4[%add3A_127, %dma_start3A_138] : memref<819200x64xf32, #tpu.memory_space<hbm>> -> memref<128x64xf32, #tpu.memory_space<hbm>>
    %dma_start3A_140 = arith.constant 0 : i32
    %dma_start3A_141 = arith.constant 0 : i32
    %dma_start3A_142 = tpu.memref_slice %arg6[%dma_start3A_128, %dma_start3A_140, %dma_start3A_141] : memref<8x128x64xf32, #tpu.memory_space<vmem>> -> memref<1x128x64xf32, #tpu.memory_space<vmem>>
    %dma_start3A_143 = tpu.memref_squeeze %dma_start3A_142 : memref<1x128x64xf32, #tpu.memory_space<vmem>> -> memref<128x64xf32, #tpu.memory_space<vmem>>
    tpu.enqueue_dma source(%dma_start3A_143 : memref<128x64xf32, #tpu.memory_space<vmem>>) target(%dma_start3A_139 : memref<128x64xf32, #tpu.memory_space<hbm>>) target_semaphore(%dma_start3A_137 : memref<!tpu.dma_semaphore, #tpu.memory_space<semaphore_mem>>)
    %dma_start3A_144 = arith.constant 5 : i32
    %dma_start3A_145 = arith.constant 5 : i32
    %dma_start3A_146 = arith.constant 5 : i32
    %dma_start3A_147 = arith.constant 0 : i32
    %dma_start3A_148 = arith.constant 0 : i32
    %dma_start3A_149 = tpu.memref_slice %arg6[%dma_start3A_145, %dma_start3A_147, %dma_start3A_148] : memref<8x128x64xf32, #tpu.memory_space<vmem>> -> memref<1x128x64xf32, #tpu.memory_space<vmem>>
    %dma_start3A_150 = tpu.memref_squeeze %dma_start3A_149 : memref<1x128x64xf32, #tpu.memory_space<vmem>> -> memref<128x64xf32, #tpu.memory_space<vmem>>
    %dma_start3A_151 = arith.constant 0 : i32
    %dma_start3A_152 = tpu.memref_slice %arg5[%dma_start3A_144, %dma_start3A_151] : memref<200x128xi32, #tpu.memory_space<vmem>> -> memref<1x128xi32, #tpu.memory_space<vmem>>
    %dma_start3A_153 = tpu.memref_squeeze %dma_start3A_152 : memref<1x128xi32, #tpu.memory_space<vmem>> -> memref<128xi32, #tpu.memory_space<vmem>>
    %dma_start3A_154 = arith.constant 0 : i32
    %dma_start3A_155 = arith.constant 0 : i32
    %dma_start3A_156 = tpu.memref_slice %arg2[%dma_start3A_154, %dma_start3A_155] : memref<1000000x64xf32, #tpu.memory_space<hbm>> -> memref<1000000x64xf32, #tpu.memory_space<hbm>>
    %dma_start3A_157 = tpu.memref_slice %arg7[%dma_start3A_146] : memref<8x!tpu.dma_semaphore, #tpu.memory_space<semaphore_mem>> -> memref<1x!tpu.dma_semaphore, #tpu.memory_space<semaphore_mem>>
    %dma_start3A_158 = tpu.memref_squeeze %dma_start3A_157 : memref<1x!tpu.dma_semaphore, #tpu.memory_space<semaphore_mem>> -> memref<!tpu.dma_semaphore, #tpu.memory_space<semaphore_mem>>
    tpu.enqueue_indirect_dma source(%dma_start3A_156 : memref<1000000x64xf32, #tpu.memory_space<hbm>>) target(%dma_start3A_150 : memref<128x64xf32, #tpu.memory_space<vmem>>) offsets(%dma_start3A_153 : memref<128xi32, #tpu.memory_space<vmem>>) semaphore(%dma_start3A_158 : memref<!tpu.dma_semaphore, #tpu.memory_space<semaphore_mem>>)
    %dma_wait3A_159 = arith.constant 0 : i32
    %dma_wait3A_160 = arith.constant 2 : i32
    %dma_wait3A_161 = arith.constant 2 : i32
    %dma_wait3A_162 = arith.constant 0 : i32
    %dma_wait3A_163 = arith.constant 0 : i32
    %dma_wait3A_164 = tpu.memref_slice %arg6[%dma_wait3A_160, %dma_wait3A_162, %dma_wait3A_163] : memref<8x128x64xf32, #tpu.memory_space<vmem>> -> memref<1x128x64xf32, #tpu.memory_space<vmem>>
    %dma_wait3A_165 = tpu.memref_squeeze %dma_wait3A_164 : memref<1x128x64xf32, #tpu.memory_space<vmem>> -> memref<128x64xf32, #tpu.memory_space<vmem>>
    %dma_wait3A_166 = arith.constant 0 : i32
    %dma_wait3A_167 = tpu.memref_slice %arg5[%dma_wait3A_159, %dma_wait3A_166] : memref<200x128xi32, #tpu.memory_space<vmem>> -> memref<1x128xi32, #tpu.memory_space<vmem>>
    %dma_wait3A_168 = tpu.memref_squeeze %dma_wait3A_167 : memref<1x128xi32, #tpu.memory_space<vmem>> -> memref<128xi32, #tpu.memory_space<vmem>>
    %dma_wait3A_169 = arith.constant 0 : i32
    %dma_wait3A_170 = arith.constant 0 : i32
    %dma_wait3A_171 = tpu.memref_slice %arg2[%dma_wait3A_169, %dma_wait3A_170] : memref<1000000x64xf32, #tpu.memory_space<hbm>> -> memref<1000000x64xf32, #tpu.memory_space<hbm>>
    %dma_wait3A_172 = tpu.memref_slice %arg7[%dma_wait3A_161] : memref<8x!tpu.dma_semaphore, #tpu.memory_space<semaphore_mem>> -> memref<1x!tpu.dma_semaphore, #tpu.memory_space<semaphore_mem>>
    %dma_wait3A_173 = tpu.memref_squeeze %dma_wait3A_172 : memref<1x!tpu.dma_semaphore, #tpu.memory_space<semaphore_mem>> -> memref<!tpu.dma_semaphore, #tpu.memory_space<semaphore_mem>>
    tpu.wait_indirect_dma semaphore(%dma_wait3A_173 : memref<!tpu.dma_semaphore, #tpu.memory_space<semaphore_mem>>) src(%dma_wait3A_171 : memref<1000000x64xf32, #tpu.memory_space<hbm>>) dst(%dma_wait3A_165 : memref<128x64xf32, #tpu.memory_space<vmem>>)
    %add3A_174 = arith.constant 256 : i32
    %add3A_175 = arith.addi %mul3A_2, %add3A_174 : i32
    %dma_start3A_176 = arith.constant 2 : i32
    %dma_start3A_177 = arith.constant 2 : i32
    %dma_start3A_178 = arith.constant 0 : i32
    %dma_start3A_179 = arith.constant 0 : i32
    %dma_start3A_180 = tpu.memref_slice %arg6[%dma_start3A_176, %dma_start3A_178, %dma_start3A_179] : memref<8x128x64xf32, #tpu.memory_space<vmem>> -> memref<1x128x64xf32, #tpu.memory_space<vmem>>
    %dma_start3A_181 = tpu.memref_squeeze %dma_start3A_180 : memref<1x128x64xf32, #tpu.memory_space<vmem>> -> memref<128x64xf32, #tpu.memory_space<vmem>>
    %dma_start3A_182 = arith.constant 0 : i32
    %dma_start3A_183 = tpu.memref_slice %arg4[%add3A_175, %dma_start3A_182] : memref<819200x64xf32, #tpu.memory_space<hbm>> -> memref<128x64xf32, #tpu.memory_space<hbm>>
    %dma_start3A_184 = tpu.memref_slice %arg8[%dma_start3A_177] : memref<8x!tpu.dma_semaphore, #tpu.memory_space<semaphore_mem>> -> memref<1x!tpu.dma_semaphore, #tpu.memory_space<semaphore_mem>>
    %dma_start3A_185 = tpu.memref_squeeze %dma_start3A_184 : memref<1x!tpu.dma_semaphore, #tpu.memory_space<semaphore_mem>> -> memref<!tpu.dma_semaphore, #tpu.memory_space<semaphore_mem>>
    %dma_start3A_186 = arith.constant 0 : i32
    %dma_start3A_187 = tpu.memref_slice %arg4[%add3A_175, %dma_start3A_186] : memref<819200x64xf32, #tpu.memory_space<hbm>> -> memref<128x64xf32, #tpu.memory_space<hbm>>
    %dma_start3A_188 = arith.constant 0 : i32
    %dma_start3A_189 = arith.constant 0 : i32
    %dma_start3A_190 = tpu.memref_slice %arg6[%dma_start3A_176, %dma_start3A_188, %dma_start3A_189] : memref<8x128x64xf32, #tpu.memory_space<vmem>> -> memref<1x128x64xf32, #tpu.memory_space<vmem>>
    %dma_start3A_191 = tpu.memref_squeeze %dma_start3A_190 : memref<1x128x64xf32, #tpu.memory_space<vmem>> -> memref<128x64xf32, #tpu.memory_space<vmem>>
    tpu.enqueue_dma source(%dma_start3A_191 : memref<128x64xf32, #tpu.memory_space<vmem>>) target(%dma_start3A_187 : memref<128x64xf32, #tpu.memory_space<hbm>>) target_semaphore(%dma_start3A_185 : memref<!tpu.dma_semaphore, #tpu.memory_space<semaphore_mem>>)
    %dma_start3A_192 = arith.constant 6 : i32
    %dma_start3A_193 = arith.constant 6 : i32
    %dma_start3A_194 = arith.constant 6 : i32
    %dma_start3A_195 = arith.constant 0 : i32
    %dma_start3A_196 = arith.constant 0 : i32
    %dma_start3A_197 = tpu.memref_slice %arg6[%dma_start3A_193, %dma_start3A_195, %dma_start3A_196] : memref<8x128x64xf32, #tpu.memory_space<vmem>> -> memref<1x128x64xf32, #tpu.memory_space<vmem>>
    %dma_start3A_198 = tpu.memref_squeeze %dma_start3A_197 : memref<1x128x64xf32, #tpu.memory_space<vmem>> -> memref<128x64xf32, #tpu.memory_space<vmem>>
    %dma_start3A_199 = arith.constant 0 : i32
    %dma_start3A_200 = tpu.memref_slice %arg5[%dma_start3A_192, %dma_start3A_199] : memref<200x128xi32, #tpu.memory_space<vmem>> -> memref<1x128xi32, #tpu.memory_space<vmem>>
    %dma_start3A_201 = tpu.memref_squeeze %dma_start3A_200 : memref<1x128xi32, #tpu.memory_space<vmem>> -> memref<128xi32, #tpu.memory_space<vmem>>
    %dma_start3A_202 = arith.constant 0 : i32
    %dma_start3A_203 = arith.constant 0 : i32
    %dma_start3A_204 = tpu.memref_slice %arg2[%dma_start3A_202, %dma_start3A_203] : memref<1000000x64xf32, #tpu.memory_space<hbm>> -> memref<1000000x64xf32, #tpu.memory_space<hbm>>
    %dma_start3A_205 = tpu.memref_slice %arg7[%dma_start3A_194] : memref<8x!tpu.dma_semaphore, #tpu.memory_space<semaphore_mem>> -> memref<1x!tpu.dma_semaphore, #tpu.memory_space<semaphore_mem>>
    %dma_start3A_206 = tpu.memref_squeeze %dma_start3A_205 : memref<1x!tpu.dma_semaphore, #tpu.memory_space<semaphore_mem>> -> memref<!tpu.dma_semaphore, #tpu.memory_space<semaphore_mem>>
    tpu.enqueue_indirect_dma source(%dma_start3A_204 : memref<1000000x64xf32, #tpu.memory_space<hbm>>) target(%dma_start3A_198 : memref<128x64xf32, #tpu.memory_space<vmem>>) offsets(%dma_start3A_201 : memref<128xi32, #tpu.memory_space<vmem>>) semaphore(%dma_start3A_206 : memref<!tpu.dma_semaphore, #tpu.memory_space<semaphore_mem>>)
    %dma_wait3A_207 = arith.constant 0 : i32
    %dma_wait3A_208 = arith.constant 3 : i32
    %dma_wait3A_209 = arith.constant 3 : i32
    %dma_wait3A_210 = arith.constant 0 : i32
    %dma_wait3A_211 = arith.constant 0 : i32
    %dma_wait3A_212 = tpu.memref_slice %arg6[%dma_wait3A_208, %dma_wait3A_210, %dma_wait3A_211] : memref<8x128x64xf32, #tpu.memory_space<vmem>> -> memref<1x128x64xf32, #tpu.memory_space<vmem>>
    %dma_wait3A_213 = tpu.memref_squeeze %dma_wait3A_212 : memref<1x128x64xf32, #tpu.memory_space<vmem>> -> memref<128x64xf32, #tpu.memory_space<vmem>>
    %dma_wait3A_214 = arith.constant 0 : i32
    %dma_wait3A_215 = tpu.memref_slice %arg5[%dma_wait3A_207, %dma_wait3A_214] : memref<200x128xi32, #tpu.memory_space<vmem>> -> memref<1x128xi32, #tpu.memory_space<vmem>>
    %dma_wait3A_216 = tpu.memref_squeeze %dma_wait3A_215 : memref<1x128xi32, #tpu.memory_space<vmem>> -> memref<128xi32, #tpu.memory_space<vmem>>
    %dma_wait3A_217 = arith.constant 0 : i32
    %dma_wait3A_218 = arith.constant 0 : i32
    %dma_wait3A_219 = tpu.memref_slice %arg2[%dma_wait3A_217, %dma_wait3A_218] : memref<1000000x64xf32, #tpu.memory_space<hbm>> -> memref<1000000x64xf32, #tpu.memory_space<hbm>>
    %dma_wait3A_220 = tpu.memref_slice %arg7[%dma_wait3A_209] : memref<8x!tpu.dma_semaphore, #tpu.memory_space<semaphore_mem>> -> memref<1x!tpu.dma_semaphore, #tpu.memory_space<semaphore_mem>>
    %dma_wait3A_221 = tpu.memref_squeeze %dma_wait3A_220 : memref<1x!tpu.dma_semaphore, #tpu.memory_space<semaphore_mem>> -> memref<!tpu.dma_semaphore, #tpu.memory_space<semaphore_mem>>
    tpu.wait_indirect_dma semaphore(%dma_wait3A_221 : memref<!tpu.dma_semaphore, #tpu.memory_space<semaphore_mem>>) src(%dma_wait3A_219 : memref<1000000x64xf32, #tpu.memory_space<hbm>>) dst(%dma_wait3A_213 : memref<128x64xf32, #tpu.memory_space<vmem>>)
    %add3A_222 = arith.constant 384 : i32
    %add3A_223 = arith.addi %mul3A_2, %add3A_222 : i32
    %dma_start3A_224 = arith.constant 3 : i32
    %dma_start3A_225 = arith.constant 3 : i32
    %dma_start3A_226 = arith.constant 0 : i32
    %dma_start3A_227 = arith.constant 0 : i32
    %dma_start3A_228 = tpu.memref_slice %arg6[%dma_start3A_224, %dma_start3A_226, %dma_start3A_227] : memref<8x128x64xf32, #tpu.memory_space<vmem>> -> memref<1x128x64xf32, #tpu.memory_space<vmem>>
    %dma_start3A_229 = tpu.memref_squeeze %dma_start3A_228 : memref<1x128x64xf32, #tpu.memory_space<vmem>> -> memref<128x64xf32, #tpu.memory_space<vmem>>
    %dma_start3A_230 = arith.constant 0 : i32
    %dma_start3A_231 = tpu.memref_slice %arg4[%add3A_223, %dma_start3A_230] : memref<819200x64xf32, #tpu.memory_space<hbm>> -> memref<128x64xf32, #tpu.memory_space<hbm>>
    %dma_start3A_232 = tpu.memref_slice %arg8[%dma_start3A_225] : memref<8x!tpu.dma_semaphore, #tpu.memory_space<semaphore_mem>> -> memref<1x!tpu.dma_semaphore, #tpu.memory_space<semaphore_mem>>
    %dma_start3A_233 = tpu.memref_squeeze %dma_start3A_232 : memref<1x!tpu.dma_semaphore, #tpu.memory_space<semaphore_mem>> -> memref<!tpu.dma_semaphore, #tpu.memory_space<semaphore_mem>>
    %dma_start3A_234 = arith.constant 0 : i32
    %dma_start3A_235 = tpu.memref_slice %arg4[%add3A_223, %dma_start3A_234] : memref<819200x64xf32, #tpu.memory_space<hbm>> -> memref<128x64xf32, #tpu.memory_space<hbm>>
    %dma_start3A_236 = arith.constant 0 : i32
    %dma_start3A_237 = arith.constant 0 : i32
    %dma_start3A_238 = tpu.memref_slice %arg6[%dma_start3A_224, %dma_start3A_236, %dma_start3A_237] : memref<8x128x64xf32, #tpu.memory_space<vmem>> -> memref<1x128x64xf32, #tpu.memory_space<vmem>>
    %dma_start3A_239 = tpu.memref_squeeze %dma_start3A_238 : memref<1x128x64xf32, #tpu.memory_space<vmem>> -> memref<128x64xf32, #tpu.memory_space<vmem>>
    tpu.enqueue_dma source(%dma_start3A_239 : memref<128x64xf32, #tpu.memory_space<vmem>>) target(%dma_start3A_235 : memref<128x64xf32, #tpu.memory_space<hbm>>) target_semaphore(%dma_start3A_233 : memref<!tpu.dma_semaphore, #tpu.memory_space<semaphore_mem>>)
    %dma_start3A_240 = arith.constant 7 : i32
    %dma_start3A_241 = arith.constant 7 : i32
    %dma_start3A_242 = arith.constant 7 : i32
    %dma_start3A_243 = arith.constant 0 : i32
    %dma_start3A_244 = arith.constant 0 : i32
    %dma_start3A_245 = tpu.memref_slice %arg6[%dma_start3A_241, %dma_start3A_243, %dma_start3A_244] : memref<8x128x64xf32, #tpu.memory_space<vmem>> -> memref<1x128x64xf32, #tpu.memory_space<vmem>>
    %dma_start3A_246 = tpu.memref_squeeze %dma_start3A_245 : memref<1x128x64xf32, #tpu.memory_space<vmem>> -> memref<128x64xf32, #tpu.memory_space<vmem>>
    %dma_start3A_247 = arith.constant 0 : i32
    %dma_start3A_248 = tpu.memref_slice %arg5[%dma_start3A_240, %dma_start3A_247] : memref<200x128xi32, #tpu.memory_space<vmem>> -> memref<1x128xi32, #tpu.memory_space<vmem>>
    %dma_start3A_249 = tpu.memref_squeeze %dma_start3A_248 : memref<1x128xi32, #tpu.memory_space<vmem>> -> memref<128xi32, #tpu.memory_space<vmem>>
    %dma_start3A_250 = arith.constant 0 : i32
    %dma_start3A_251 = arith.constant 0 : i32
    %dma_start3A_252 = tpu.memref_slice %arg2[%dma_start3A_250, %dma_start3A_251] : memref<1000000x64xf32, #tpu.memory_space<hbm>> -> memref<1000000x64xf32, #tpu.memory_space<hbm>>
    %dma_start3A_253 = tpu.memref_slice %arg7[%dma_start3A_242] : memref<8x!tpu.dma_semaphore, #tpu.memory_space<semaphore_mem>> -> memref<1x!tpu.dma_semaphore, #tpu.memory_space<semaphore_mem>>
    %dma_start3A_254 = tpu.memref_squeeze %dma_start3A_253 : memref<1x!tpu.dma_semaphore, #tpu.memory_space<semaphore_mem>> -> memref<!tpu.dma_semaphore, #tpu.memory_space<semaphore_mem>>
    tpu.enqueue_indirect_dma source(%dma_start3A_252 : memref<1000000x64xf32, #tpu.memory_space<hbm>>) target(%dma_start3A_246 : memref<128x64xf32, #tpu.memory_space<vmem>>) offsets(%dma_start3A_249 : memref<128xi32, #tpu.memory_space<vmem>>) semaphore(%dma_start3A_254 : memref<!tpu.dma_semaphore, #tpu.memory_space<semaphore_mem>>)
    %scan3A = arith.constant 0 : i32
    %scan3A_255 = arith.constant 0 : i32
    %scan3A_256 = arith.constant 24 : i32
    %scan3A_257 = arith.addi %scan3A_255, %scan3A_256 : i32
    %scan3A_258 = arith.constant 1 : i32
    scf.for %scan3A_520 = %scan3A_255 to %scan3A_257 step %scan3A_258  : i32 {
      %mul3A_521 = arith.constant 8 : i32
      %mul3A_522 = arith.muli %scan3A_520, %mul3A_521 : i32
      %add3A_523 = arith.constant 4 : i32
      %add3A_524 = arith.addi %add3A_523, %mul3A_522 : i32
      %add3A_525 = arith.constant 0 : i32
      %add3A_526 = arith.addi %add3A_524, %add3A_525 : i32
      %dma_wait3A_527 = arith.constant 0 : i32
      %dma_wait3A_528 = arith.constant 0 : i32
      %dma_wait3A_529 = arith.constant 0 : i32
      %dma_wait3A_530 = arith.constant 0 : i32
      %dma_wait3A_531 = tpu.memref_slice %arg6[%dma_wait3A_527, %dma_wait3A_529, %dma_wait3A_530] : memref<8x128x64xf32, #tpu.memory_space<vmem>> -> memref<1x128x64xf32, #tpu.memory_space<vmem>>
      %dma_wait3A_532 = tpu.memref_squeeze %dma_wait3A_531 : memref<1x128x64xf32, #tpu.memory_space<vmem>> -> memref<128x64xf32, #tpu.memory_space<vmem>>
      %dma_wait3A_533 = arith.constant 0 : i32
      %dma_wait3A_534 = tpu.memref_slice %arg4[%mul3A_2, %dma_wait3A_533] : memref<819200x64xf32, #tpu.memory_space<hbm>> -> memref<128x64xf32, #tpu.memory_space<hbm>>
      %dma_wait3A_535 = tpu.memref_slice %arg8[%dma_wait3A_528] : memref<8x!tpu.dma_semaphore, #tpu.memory_space<semaphore_mem>> -> memref<1x!tpu.dma_semaphore, #tpu.memory_space<semaphore_mem>>
      %dma_wait3A_536 = tpu.memref_squeeze %dma_wait3A_535 : memref<1x!tpu.dma_semaphore, #tpu.memory_space<semaphore_mem>> -> memref<!tpu.dma_semaphore, #tpu.memory_space<semaphore_mem>>
      %dma_wait3A_537 = arith.constant 0 : i32
      %dma_wait3A_538 = tpu.memref_slice %arg4[%mul3A_2, %dma_wait3A_537] : memref<819200x64xf32, #tpu.memory_space<hbm>> -> memref<128x64xf32, #tpu.memory_space<hbm>>
      %dma_wait3A_539 = arith.constant 0 : i32
      %dma_wait3A_540 = arith.constant 0 : i32
      %dma_wait3A_541 = tpu.memref_slice %arg6[%dma_wait3A_527, %dma_wait3A_539, %dma_wait3A_540] : memref<8x128x64xf32, #tpu.memory_space<vmem>> -> memref<1x128x64xf32, #tpu.memory_space<vmem>>
      %dma_wait3A_542 = tpu.memref_squeeze %dma_wait3A_541 : memref<1x128x64xf32, #tpu.memory_space<vmem>> -> memref<128x64xf32, #tpu.memory_space<vmem>>
      tpu.wait_dma2 semaphore(%dma_wait3A_536 : memref<!tpu.dma_semaphore, #tpu.memory_space<semaphore_mem>>) src(%dma_wait3A_542 : memref<128x64xf32, #tpu.memory_space<vmem>>) dst(%dma_wait3A_538 : memref<128x64xf32, #tpu.memory_space<hbm>>)
      %add3A_543 = arith.constant 4 : i32
      %add3A_544 = arith.addi %add3A_526, %add3A_543 : i32
      %dma_start3A_545 = arith.constant 0 : i32
      %dma_start3A_546 = arith.constant 0 : i32
      %dma_start3A_547 = arith.constant 0 : i32
      %dma_start3A_548 = arith.constant 0 : i32
      %dma_start3A_549 = tpu.memref_slice %arg6[%dma_start3A_545, %dma_start3A_547, %dma_start3A_548] : memref<8x128x64xf32, #tpu.memory_space<vmem>> -> memref<1x128x64xf32, #tpu.memory_space<vmem>>
      %dma_start3A_550 = tpu.memref_squeeze %dma_start3A_549 : memref<1x128x64xf32, #tpu.memory_space<vmem>> -> memref<128x64xf32, #tpu.memory_space<vmem>>
      %dma_start3A_551 = arith.constant 0 : i32
      %dma_start3A_552 = tpu.memref_slice %arg5[%add3A_544, %dma_start3A_551] : memref<200x128xi32, #tpu.memory_space<vmem>> -> memref<1x128xi32, #tpu.memory_space<vmem>>
      %dma_start3A_553 = tpu.memref_squeeze %dma_start3A_552 : memref<1x128xi32, #tpu.memory_space<vmem>> -> memref<128xi32, #tpu.memory_space<vmem>>
      %dma_start3A_554 = arith.constant 0 : i32
      %dma_start3A_555 = arith.constant 0 : i32
      %dma_start3A_556 = tpu.memref_slice %arg2[%dma_start3A_554, %dma_start3A_555] : memref<1000000x64xf32, #tpu.memory_space<hbm>> -> memref<1000000x64xf32, #tpu.memory_space<hbm>>
      %dma_start3A_557 = tpu.memref_slice %arg7[%dma_start3A_546] : memref<8x!tpu.dma_semaphore, #tpu.memory_space<semaphore_mem>> -> memref<1x!tpu.dma_semaphore, #tpu.memory_space<semaphore_mem>>
      %dma_start3A_558 = tpu.memref_squeeze %dma_start3A_557 : memref<1x!tpu.dma_semaphore, #tpu.memory_space<semaphore_mem>> -> memref<!tpu.dma_semaphore, #tpu.memory_space<semaphore_mem>>
      tpu.enqueue_indirect_dma source(%dma_start3A_556 : memref<1000000x64xf32, #tpu.memory_space<hbm>>) target(%dma_start3A_550 : memref<128x64xf32, #tpu.memory_space<vmem>>) offsets(%dma_start3A_553 : memref<128xi32, #tpu.memory_space<vmem>>) semaphore(%dma_start3A_558 : memref<!tpu.dma_semaphore, #tpu.memory_space<semaphore_mem>>)
      %dma_wait3A_559 = arith.constant 0 : i32
      %dma_wait3A_560 = arith.constant 4 : i32
      %dma_wait3A_561 = arith.constant 4 : i32
      %dma_wait3A_562 = arith.constant 0 : i32
      %dma_wait3A_563 = arith.constant 0 : i32
      %dma_wait3A_564 = tpu.memref_slice %arg6[%dma_wait3A_560, %dma_wait3A_562, %dma_wait3A_563] : memref<8x128x64xf32, #tpu.memory_space<vmem>> -> memref<1x128x64xf32, #tpu.memory_space<vmem>>
      %dma_wait3A_565 = tpu.memref_squeeze %dma_wait3A_564 : memref<1x128x64xf32, #tpu.memory_space<vmem>> -> memref<128x64xf32, #tpu.memory_space<vmem>>
      %dma_wait3A_566 = arith.constant 0 : i32
      %dma_wait3A_567 = tpu.memref_slice %arg5[%dma_wait3A_559, %dma_wait3A_566] : memref<200x128xi32, #tpu.memory_space<vmem>> -> memref<1x128xi32, #tpu.memory_space<vmem>>
      %dma_wait3A_568 = tpu.memref_squeeze %dma_wait3A_567 : memref<1x128xi32, #tpu.memory_space<vmem>> -> memref<128xi32, #tpu.memory_space<vmem>>
      %dma_wait3A_569 = arith.constant 0 : i32
      %dma_wait3A_570 = arith.constant 0 : i32
      %dma_wait3A_571 = tpu.memref_slice %arg2[%dma_wait3A_569, %dma_wait3A_570] : memref<1000000x64xf32, #tpu.memory_space<hbm>> -> memref<1000000x64xf32, #tpu.memory_space<hbm>>
      %dma_wait3A_572 = tpu.memref_slice %arg7[%dma_wait3A_561] : memref<8x!tpu.dma_semaphore, #tpu.memory_space<semaphore_mem>> -> memref<1x!tpu.dma_semaphore, #tpu.memory_space<semaphore_mem>>
      %dma_wait3A_573 = tpu.memref_squeeze %dma_wait3A_572 : memref<1x!tpu.dma_semaphore, #tpu.memory_space<semaphore_mem>> -> memref<!tpu.dma_semaphore, #tpu.memory_space<semaphore_mem>>
      tpu.wait_indirect_dma semaphore(%dma_wait3A_573 : memref<!tpu.dma_semaphore, #tpu.memory_space<semaphore_mem>>) src(%dma_wait3A_571 : memref<1000000x64xf32, #tpu.memory_space<hbm>>) dst(%dma_wait3A_565 : memref<128x64xf32, #tpu.memory_space<vmem>>)
      %mul3A_574 = arith.constant 128 : i32
      %mul3A_575 = arith.muli %add3A_526, %mul3A_574 : i32
      %add3A_576 = arith.addi %mul3A_2, %mul3A_575 : i32
      %dma_start3A_577 = arith.constant 4 : i32
      %dma_start3A_578 = arith.constant 4 : i32
      %dma_start3A_579 = arith.constant 0 : i32
      %dma_start3A_580 = arith.constant 0 : i32
      %dma_start3A_581 = tpu.memref_slice %arg6[%dma_start3A_577, %dma_start3A_579, %dma_start3A_580] : memref<8x128x64xf32, #tpu.memory_space<vmem>> -> memref<1x128x64xf32, #tpu.memory_space<vmem>>
      %dma_start3A_582 = tpu.memref_squeeze %dma_start3A_581 : memref<1x128x64xf32, #tpu.memory_space<vmem>> -> memref<128x64xf32, #tpu.memory_space<vmem>>
      %dma_start3A_583 = arith.constant 0 : i32
      %dma_start3A_584 = tpu.memref_slice %arg4[%add3A_576, %dma_start3A_583] : memref<819200x64xf32, #tpu.memory_space<hbm>> -> memref<128x64xf32, #tpu.memory_space<hbm>>
      %dma_start3A_585 = tpu.memref_slice %arg8[%dma_start3A_578] : memref<8x!tpu.dma_semaphore, #tpu.memory_space<semaphore_mem>> -> memref<1x!tpu.dma_semaphore, #tpu.memory_space<semaphore_mem>>
      %dma_start3A_586 = tpu.memref_squeeze %dma_start3A_585 : memref<1x!tpu.dma_semaphore, #tpu.memory_space<semaphore_mem>> -> memref<!tpu.dma_semaphore, #tpu.memory_space<semaphore_mem>>
      %dma_start3A_587 = arith.constant 0 : i32
      %dma_start3A_588 = tpu.memref_slice %arg4[%add3A_576, %dma_start3A_587] : memref<819200x64xf32, #tpu.memory_space<hbm>> -> memref<128x64xf32, #tpu.memory_space<hbm>>
      %dma_start3A_589 = arith.constant 0 : i32
      %dma_start3A_590 = arith.constant 0 : i32
      %dma_start3A_591 = tpu.memref_slice %arg6[%dma_start3A_577, %dma_start3A_589, %dma_start3A_590] : memref<8x128x64xf32, #tpu.memory_space<vmem>> -> memref<1x128x64xf32, #tpu.memory_space<vmem>>
      %dma_start3A_592 = tpu.memref_squeeze %dma_start3A_591 : memref<1x128x64xf32, #tpu.memory_space<vmem>> -> memref<128x64xf32, #tpu.memory_space<vmem>>
      tpu.enqueue_dma source(%dma_start3A_592 : memref<128x64xf32, #tpu.memory_space<vmem>>) target(%dma_start3A_588 : memref<128x64xf32, #tpu.memory_space<hbm>>) target_semaphore(%dma_start3A_586 : memref<!tpu.dma_semaphore, #tpu.memory_space<semaphore_mem>>)
      %add3A_593 = arith.constant 1 : i32
      %add3A_594 = arith.addi %add3A_524, %add3A_593 : i32
      %dma_wait3A_595 = arith.constant 1 : i32
      %dma_wait3A_596 = arith.constant 1 : i32
      %dma_wait3A_597 = arith.constant 0 : i32
      %dma_wait3A_598 = arith.constant 0 : i32
      %dma_wait3A_599 = tpu.memref_slice %arg6[%dma_wait3A_595, %dma_wait3A_597, %dma_wait3A_598] : memref<8x128x64xf32, #tpu.memory_space<vmem>> -> memref<1x128x64xf32, #tpu.memory_space<vmem>>
      %dma_wait3A_600 = tpu.memref_squeeze %dma_wait3A_599 : memref<1x128x64xf32, #tpu.memory_space<vmem>> -> memref<128x64xf32, #tpu.memory_space<vmem>>
      %dma_wait3A_601 = arith.constant 0 : i32
      %dma_wait3A_602 = tpu.memref_slice %arg4[%mul3A_2, %dma_wait3A_601] : memref<819200x64xf32, #tpu.memory_space<hbm>> -> memref<128x64xf32, #tpu.memory_space<hbm>>
      %dma_wait3A_603 = tpu.memref_slice %arg8[%dma_wait3A_596] : memref<8x!tpu.dma_semaphore, #tpu.memory_space<semaphore_mem>> -> memref<1x!tpu.dma_semaphore, #tpu.memory_space<semaphore_mem>>
      %dma_wait3A_604 = tpu.memref_squeeze %dma_wait3A_603 : memref<1x!tpu.dma_semaphore, #tpu.memory_space<semaphore_mem>> -> memref<!tpu.dma_semaphore, #tpu.memory_space<semaphore_mem>>
      %dma_wait3A_605 = arith.constant 0 : i32
      %dma_wait3A_606 = tpu.memref_slice %arg4[%mul3A_2, %dma_wait3A_605] : memref<819200x64xf32, #tpu.memory_space<hbm>> -> memref<128x64xf32, #tpu.memory_space<hbm>>
      %dma_wait3A_607 = arith.constant 0 : i32
      %dma_wait3A_608 = arith.constant 0 : i32
      %dma_wait3A_609 = tpu.memref_slice %arg6[%dma_wait3A_595, %dma_wait3A_607, %dma_wait3A_608] : memref<8x128x64xf32, #tpu.memory_space<vmem>> -> memref<1x128x64xf32, #tpu.memory_space<vmem>>
      %dma_wait3A_610 = tpu.memref_squeeze %dma_wait3A_609 : memref<1x128x64xf32, #tpu.memory_space<vmem>> -> memref<128x64xf32, #tpu.memory_space<vmem>>
      tpu.wait_dma2 semaphore(%dma_wait3A_604 : memref<!tpu.dma_semaphore, #tpu.memory_space<semaphore_mem>>) src(%dma_wait3A_610 : memref<128x64xf32, #tpu.memory_space<vmem>>) dst(%dma_wait3A_606 : memref<128x64xf32, #tpu.memory_space<hbm>>)
      %add3A_611 = arith.constant 4 : i32
      %add3A_612 = arith.addi %add3A_594, %add3A_611 : i32
      %dma_start3A_613 = arith.constant 1 : i32
      %dma_start3A_614 = arith.constant 1 : i32
      %dma_start3A_615 = arith.constant 0 : i32
      %dma_start3A_616 = arith.constant 0 : i32
      %dma_start3A_617 = tpu.memref_slice %arg6[%dma_start3A_613, %dma_start3A_615, %dma_start3A_616] : memref<8x128x64xf32, #tpu.memory_space<vmem>> -> memref<1x128x64xf32, #tpu.memory_space<vmem>>
      %dma_start3A_618 = tpu.memref_squeeze %dma_start3A_617 : memref<1x128x64xf32, #tpu.memory_space<vmem>> -> memref<128x64xf32, #tpu.memory_space<vmem>>
      %dma_start3A_619 = arith.constant 0 : i32
      %dma_start3A_620 = tpu.memref_slice %arg5[%add3A_612, %dma_start3A_619] : memref<200x128xi32, #tpu.memory_space<vmem>> -> memref<1x128xi32, #tpu.memory_space<vmem>>
      %dma_start3A_621 = tpu.memref_squeeze %dma_start3A_620 : memref<1x128xi32, #tpu.memory_space<vmem>> -> memref<128xi32, #tpu.memory_space<vmem>>
      %dma_start3A_622 = arith.constant 0 : i32
      %dma_start3A_623 = arith.constant 0 : i32
      %dma_start3A_624 = tpu.memref_slice %arg2[%dma_start3A_622, %dma_start3A_623] : memref<1000000x64xf32, #tpu.memory_space<hbm>> -> memref<1000000x64xf32, #tpu.memory_space<hbm>>
      %dma_start3A_625 = tpu.memref_slice %arg7[%dma_start3A_614] : memref<8x!tpu.dma_semaphore, #tpu.memory_space<semaphore_mem>> -> memref<1x!tpu.dma_semaphore, #tpu.memory_space<semaphore_mem>>
      %dma_start3A_626 = tpu.memref_squeeze %dma_start3A_625 : memref<1x!tpu.dma_semaphore, #tpu.memory_space<semaphore_mem>> -> memref<!tpu.dma_semaphore, #tpu.memory_space<semaphore_mem>>
      tpu.enqueue_indirect_dma source(%dma_start3A_624 : memref<1000000x64xf32, #tpu.memory_space<hbm>>) target(%dma_start3A_618 : memref<128x64xf32, #tpu.memory_space<vmem>>) offsets(%dma_start3A_621 : memref<128xi32, #tpu.memory_space<vmem>>) semaphore(%dma_start3A_626 : memref<!tpu.dma_semaphore, #tpu.memory_space<semaphore_mem>>)
      %dma_wait3A_627 = arith.constant 0 : i32
      %dma_wait3A_628 = arith.constant 5 : i32
      %dma_wait3A_629 = arith.constant 5 : i32
      %dma_wait3A_630 = arith.constant 0 : i32
      %dma_wait3A_631 = arith.constant 0 : i32
      %dma_wait3A_632 = tpu.memref_slice %arg6[%dma_wait3A_628, %dma_wait3A_630, %dma_wait3A_631] : memref<8x128x64xf32, #tpu.memory_space<vmem>> -> memref<1x128x64xf32, #tpu.memory_space<vmem>>
      %dma_wait3A_633 = tpu.memref_squeeze %dma_wait3A_632 : memref<1x128x64xf32, #tpu.memory_space<vmem>> -> memref<128x64xf32, #tpu.memory_space<vmem>>
      %dma_wait3A_634 = arith.constant 0 : i32
      %dma_wait3A_635 = tpu.memref_slice %arg5[%dma_wait3A_627, %dma_wait3A_634] : memref<200x128xi32, #tpu.memory_space<vmem>> -> memref<1x128xi32, #tpu.memory_space<vmem>>
      %dma_wait3A_636 = tpu.memref_squeeze %dma_wait3A_635 : memref<1x128xi32, #tpu.memory_space<vmem>> -> memref<128xi32, #tpu.memory_space<vmem>>
      %dma_wait3A_637 = arith.constant 0 : i32
      %dma_wait3A_638 = arith.constant 0 : i32
      %dma_wait3A_639 = tpu.memref_slice %arg2[%dma_wait3A_637, %dma_wait3A_638] : memref<1000000x64xf32, #tpu.memory_space<hbm>> -> memref<1000000x64xf32, #tpu.memory_space<hbm>>
      %dma_wait3A_640 = tpu.memref_slice %arg7[%dma_wait3A_629] : memref<8x!tpu.dma_semaphore, #tpu.memory_space<semaphore_mem>> -> memref<1x!tpu.dma_semaphore, #tpu.memory_space<semaphore_mem>>
      %dma_wait3A_641 = tpu.memref_squeeze %dma_wait3A_640 : memref<1x!tpu.dma_semaphore, #tpu.memory_space<semaphore_mem>> -> memref<!tpu.dma_semaphore, #tpu.memory_space<semaphore_mem>>
      tpu.wait_indirect_dma semaphore(%dma_wait3A_641 : memref<!tpu.dma_semaphore, #tpu.memory_space<semaphore_mem>>) src(%dma_wait3A_639 : memref<1000000x64xf32, #tpu.memory_space<hbm>>) dst(%dma_wait3A_633 : memref<128x64xf32, #tpu.memory_space<vmem>>)
      %mul3A_642 = arith.constant 128 : i32
      %mul3A_643 = arith.muli %add3A_594, %mul3A_642 : i32
      %add3A_644 = arith.addi %mul3A_2, %mul3A_643 : i32
      %dma_start3A_645 = arith.constant 5 : i32
      %dma_start3A_646 = arith.constant 5 : i32
      %dma_start3A_647 = arith.constant 0 : i32
      %dma_start3A_648 = arith.constant 0 : i32
      %dma_start3A_649 = tpu.memref_slice %arg6[%dma_start3A_645, %dma_start3A_647, %dma_start3A_648] : memref<8x128x64xf32, #tpu.memory_space<vmem>> -> memref<1x128x64xf32, #tpu.memory_space<vmem>>
      %dma_start3A_650 = tpu.memref_squeeze %dma_start3A_649 : memref<1x128x64xf32, #tpu.memory_space<vmem>> -> memref<128x64xf32, #tpu.memory_space<vmem>>
      %dma_start3A_651 = arith.constant 0 : i32
      %dma_start3A_652 = tpu.memref_slice %arg4[%add3A_644, %dma_start3A_651] : memref<819200x64xf32, #tpu.memory_space<hbm>> -> memref<128x64xf32, #tpu.memory_space<hbm>>
      %dma_start3A_653 = tpu.memref_slice %arg8[%dma_start3A_646] : memref<8x!tpu.dma_semaphore, #tpu.memory_space<semaphore_mem>> -> memref<1x!tpu.dma_semaphore, #tpu.memory_space<semaphore_mem>>
      %dma_start3A_654 = tpu.memref_squeeze %dma_start3A_653 : memref<1x!tpu.dma_semaphore, #tpu.memory_space<semaphore_mem>> -> memref<!tpu.dma_semaphore, #tpu.memory_space<semaphore_mem>>
      %dma_start3A_655 = arith.constant 0 : i32
      %dma_start3A_656 = tpu.memref_slice %arg4[%add3A_644, %dma_start3A_655] : memref<819200x64xf32, #tpu.memory_space<hbm>> -> memref<128x64xf32, #tpu.memory_space<hbm>>
      %dma_start3A_657 = arith.constant 0 : i32
      %dma_start3A_658 = arith.constant 0 : i32
      %dma_start3A_659 = tpu.memref_slice %arg6[%dma_start3A_645, %dma_start3A_657, %dma_start3A_658] : memref<8x128x64xf32, #tpu.memory_space<vmem>> -> memref<1x128x64xf32, #tpu.memory_space<vmem>>
      %dma_start3A_660 = tpu.memref_squeeze %dma_start3A_659 : memref<1x128x64xf32, #tpu.memory_space<vmem>> -> memref<128x64xf32, #tpu.memory_space<vmem>>
      tpu.enqueue_dma source(%dma_start3A_660 : memref<128x64xf32, #tpu.memory_space<vmem>>) target(%dma_start3A_656 : memref<128x64xf32, #tpu.memory_space<hbm>>) target_semaphore(%dma_start3A_654 : memref<!tpu.dma_semaphore, #tpu.memory_space<semaphore_mem>>)
      %add3A_661 = arith.constant 2 : i32
      %add3A_662 = arith.addi %add3A_524, %add3A_661 : i32
      %dma_wait3A_663 = arith.constant 2 : i32
      %dma_wait3A_664 = arith.constant 2 : i32
      %dma_wait3A_665 = arith.constant 0 : i32
      %dma_wait3A_666 = arith.constant 0 : i32
      %dma_wait3A_667 = tpu.memref_slice %arg6[%dma_wait3A_663, %dma_wait3A_665, %dma_wait3A_666] : memref<8x128x64xf32, #tpu.memory_space<vmem>> -> memref<1x128x64xf32, #tpu.memory_space<vmem>>
      %dma_wait3A_668 = tpu.memref_squeeze %dma_wait3A_667 : memref<1x128x64xf32, #tpu.memory_space<vmem>> -> memref<128x64xf32, #tpu.memory_space<vmem>>
      %dma_wait3A_669 = arith.constant 0 : i32
      %dma_wait3A_670 = tpu.memref_slice %arg4[%mul3A_2, %dma_wait3A_669] : memref<819200x64xf32, #tpu.memory_space<hbm>> -> memref<128x64xf32, #tpu.memory_space<hbm>>
      %dma_wait3A_671 = tpu.memref_slice %arg8[%dma_wait3A_664] : memref<8x!tpu.dma_semaphore, #tpu.memory_space<semaphore_mem>> -> memref<1x!tpu.dma_semaphore, #tpu.memory_space<semaphore_mem>>
      %dma_wait3A_672 = tpu.memref_squeeze %dma_wait3A_671 : memref<1x!tpu.dma_semaphore, #tpu.memory_space<semaphore_mem>> -> memref<!tpu.dma_semaphore, #tpu.memory_space<semaphore_mem>>
      %dma_wait3A_673 = arith.constant 0 : i32
      %dma_wait3A_674 = tpu.memref_slice %arg4[%mul3A_2, %dma_wait3A_673] : memref<819200x64xf32, #tpu.memory_space<hbm>> -> memref<128x64xf32, #tpu.memory_space<hbm>>
      %dma_wait3A_675 = arith.constant 0 : i32
      %dma_wait3A_676 = arith.constant 0 : i32
      %dma_wait3A_677 = tpu.memref_slice %arg6[%dma_wait3A_663, %dma_wait3A_675, %dma_wait3A_676] : memref<8x128x64xf32, #tpu.memory_space<vmem>> -> memref<1x128x64xf32, #tpu.memory_space<vmem>>
      %dma_wait3A_678 = tpu.memref_squeeze %dma_wait3A_677 : memref<1x128x64xf32, #tpu.memory_space<vmem>> -> memref<128x64xf32, #tpu.memory_space<vmem>>
      tpu.wait_dma2 semaphore(%dma_wait3A_672 : memref<!tpu.dma_semaphore, #tpu.memory_space<semaphore_mem>>) src(%dma_wait3A_678 : memref<128x64xf32, #tpu.memory_space<vmem>>) dst(%dma_wait3A_674 : memref<128x64xf32, #tpu.memory_space<hbm>>)
      %add3A_679 = arith.constant 4 : i32
      %add3A_680 = arith.addi %add3A_662, %add3A_679 : i32
      %dma_start3A_681 = arith.constant 2 : i32
      %dma_start3A_682 = arith.constant 2 : i32
      %dma_start3A_683 = arith.constant 0 : i32
      %dma_start3A_684 = arith.constant 0 : i32
      %dma_start3A_685 = tpu.memref_slice %arg6[%dma_start3A_681, %dma_start3A_683, %dma_start3A_684] : memref<8x128x64xf32, #tpu.memory_space<vmem>> -> memref<1x128x64xf32, #tpu.memory_space<vmem>>
      %dma_start3A_686 = tpu.memref_squeeze %dma_start3A_685 : memref<1x128x64xf32, #tpu.memory_space<vmem>> -> memref<128x64xf32, #tpu.memory_space<vmem>>
      %dma_start3A_687 = arith.constant 0 : i32
      %dma_start3A_688 = tpu.memref_slice %arg5[%add3A_680, %dma_start3A_687] : memref<200x128xi32, #tpu.memory_space<vmem>> -> memref<1x128xi32, #tpu.memory_space<vmem>>
      %dma_start3A_689 = tpu.memref_squeeze %dma_start3A_688 : memref<1x128xi32, #tpu.memory_space<vmem>> -> memref<128xi32, #tpu.memory_space<vmem>>
      %dma_start3A_690 = arith.constant 0 : i32
      %dma_start3A_691 = arith.constant 0 : i32
      %dma_start3A_692 = tpu.memref_slice %arg2[%dma_start3A_690, %dma_start3A_691] : memref<1000000x64xf32, #tpu.memory_space<hbm>> -> memref<1000000x64xf32, #tpu.memory_space<hbm>>
      %dma_start3A_693 = tpu.memref_slice %arg7[%dma_start3A_682] : memref<8x!tpu.dma_semaphore, #tpu.memory_space<semaphore_mem>> -> memref<1x!tpu.dma_semaphore, #tpu.memory_space<semaphore_mem>>
      %dma_start3A_694 = tpu.memref_squeeze %dma_start3A_693 : memref<1x!tpu.dma_semaphore, #tpu.memory_space<semaphore_mem>> -> memref<!tpu.dma_semaphore, #tpu.memory_space<semaphore_mem>>
      tpu.enqueue_indirect_dma source(%dma_start3A_692 : memref<1000000x64xf32, #tpu.memory_space<hbm>>) target(%dma_start3A_686 : memref<128x64xf32, #tpu.memory_space<vmem>>) offsets(%dma_start3A_689 : memref<128xi32, #tpu.memory_space<vmem>>) semaphore(%dma_start3A_694 : memref<!tpu.dma_semaphore, #tpu.memory_space<semaphore_mem>>)
      %dma_wait3A_695 = arith.constant 0 : i32
      %dma_wait3A_696 = arith.constant 6 : i32
      %dma_wait3A_697 = arith.constant 6 : i32
      %dma_wait3A_698 = arith.constant 0 : i32
      %dma_wait3A_699 = arith.constant 0 : i32
      %dma_wait3A_700 = tpu.memref_slice %arg6[%dma_wait3A_696, %dma_wait3A_698, %dma_wait3A_699] : memref<8x128x64xf32, #tpu.memory_space<vmem>> -> memref<1x128x64xf32, #tpu.memory_space<vmem>>
      %dma_wait3A_701 = tpu.memref_squeeze %dma_wait3A_700 : memref<1x128x64xf32, #tpu.memory_space<vmem>> -> memref<128x64xf32, #tpu.memory_space<vmem>>
      %dma_wait3A_702 = arith.constant 0 : i32
      %dma_wait3A_703 = tpu.memref_slice %arg5[%dma_wait3A_695, %dma_wait3A_702] : memref<200x128xi32, #tpu.memory_space<vmem>> -> memref<1x128xi32, #tpu.memory_space<vmem>>
      %dma_wait3A_704 = tpu.memref_squeeze %dma_wait3A_703 : memref<1x128xi32, #tpu.memory_space<vmem>> -> memref<128xi32, #tpu.memory_space<vmem>>
      %dma_wait3A_705 = arith.constant 0 : i32
      %dma_wait3A_706 = arith.constant 0 : i32
      %dma_wait3A_707 = tpu.memref_slice %arg2[%dma_wait3A_705, %dma_wait3A_706] : memref<1000000x64xf32, #tpu.memory_space<hbm>> -> memref<1000000x64xf32, #tpu.memory_space<hbm>>
      %dma_wait3A_708 = tpu.memref_slice %arg7[%dma_wait3A_697] : memref<8x!tpu.dma_semaphore, #tpu.memory_space<semaphore_mem>> -> memref<1x!tpu.dma_semaphore, #tpu.memory_space<semaphore_mem>>
      %dma_wait3A_709 = tpu.memref_squeeze %dma_wait3A_708 : memref<1x!tpu.dma_semaphore, #tpu.memory_space<semaphore_mem>> -> memref<!tpu.dma_semaphore, #tpu.memory_space<semaphore_mem>>
      tpu.wait_indirect_dma semaphore(%dma_wait3A_709 : memref<!tpu.dma_semaphore, #tpu.memory_space<semaphore_mem>>) src(%dma_wait3A_707 : memref<1000000x64xf32, #tpu.memory_space<hbm>>) dst(%dma_wait3A_701 : memref<128x64xf32, #tpu.memory_space<vmem>>)
      %mul3A_710 = arith.constant 128 : i32
      %mul3A_711 = arith.muli %add3A_662, %mul3A_710 : i32
      %add3A_712 = arith.addi %mul3A_2, %mul3A_711 : i32
      %dma_start3A_713 = arith.constant 6 : i32
      %dma_start3A_714 = arith.constant 6 : i32
      %dma_start3A_715 = arith.constant 0 : i32
      %dma_start3A_716 = arith.constant 0 : i32
      %dma_start3A_717 = tpu.memref_slice %arg6[%dma_start3A_713, %dma_start3A_715, %dma_start3A_716] : memref<8x128x64xf32, #tpu.memory_space<vmem>> -> memref<1x128x64xf32, #tpu.memory_space<vmem>>
      %dma_start3A_718 = tpu.memref_squeeze %dma_start3A_717 : memref<1x128x64xf32, #tpu.memory_space<vmem>> -> memref<128x64xf32, #tpu.memory_space<vmem>>
      %dma_start3A_719 = arith.constant 0 : i32
      %dma_start3A_720 = tpu.memref_slice %arg4[%add3A_712, %dma_start3A_719] : memref<819200x64xf32, #tpu.memory_space<hbm>> -> memref<128x64xf32, #tpu.memory_space<hbm>>
      %dma_start3A_721 = tpu.memref_slice %arg8[%dma_start3A_714] : memref<8x!tpu.dma_semaphore, #tpu.memory_space<semaphore_mem>> -> memref<1x!tpu.dma_semaphore, #tpu.memory_space<semaphore_mem>>
      %dma_start3A_722 = tpu.memref_squeeze %dma_start3A_721 : memref<1x!tpu.dma_semaphore, #tpu.memory_space<semaphore_mem>> -> memref<!tpu.dma_semaphore, #tpu.memory_space<semaphore_mem>>
      %dma_start3A_723 = arith.constant 0 : i32
      %dma_start3A_724 = tpu.memref_slice %arg4[%add3A_712, %dma_start3A_723] : memref<819200x64xf32, #tpu.memory_space<hbm>> -> memref<128x64xf32, #tpu.memory_space<hbm>>
      %dma_start3A_725 = arith.constant 0 : i32
      %dma_start3A_726 = arith.constant 0 : i32
      %dma_start3A_727 = tpu.memref_slice %arg6[%dma_start3A_713, %dma_start3A_725, %dma_start3A_726] : memref<8x128x64xf32, #tpu.memory_space<vmem>> -> memref<1x128x64xf32, #tpu.memory_space<vmem>>
      %dma_start3A_728 = tpu.memref_squeeze %dma_start3A_727 : memref<1x128x64xf32, #tpu.memory_space<vmem>> -> memref<128x64xf32, #tpu.memory_space<vmem>>
      tpu.enqueue_dma source(%dma_start3A_728 : memref<128x64xf32, #tpu.memory_space<vmem>>) target(%dma_start3A_724 : memref<128x64xf32, #tpu.memory_space<hbm>>) target_semaphore(%dma_start3A_722 : memref<!tpu.dma_semaphore, #tpu.memory_space<semaphore_mem>>)
      %add3A_729 = arith.constant 3 : i32
      %add3A_730 = arith.addi %add3A_524, %add3A_729 : i32
      %dma_wait3A_731 = arith.constant 3 : i32
      %dma_wait3A_732 = arith.constant 3 : i32
      %dma_wait3A_733 = arith.constant 0 : i32
      %dma_wait3A_734 = arith.constant 0 : i32
      %dma_wait3A_735 = tpu.memref_slice %arg6[%dma_wait3A_731, %dma_wait3A_733, %dma_wait3A_734] : memref<8x128x64xf32, #tpu.memory_space<vmem>> -> memref<1x128x64xf32, #tpu.memory_space<vmem>>
      %dma_wait3A_736 = tpu.memref_squeeze %dma_wait3A_735 : memref<1x128x64xf32, #tpu.memory_space<vmem>> -> memref<128x64xf32, #tpu.memory_space<vmem>>
      %dma_wait3A_737 = arith.constant 0 : i32
      %dma_wait3A_738 = tpu.memref_slice %arg4[%mul3A_2, %dma_wait3A_737] : memref<819200x64xf32, #tpu.memory_space<hbm>> -> memref<128x64xf32, #tpu.memory_space<hbm>>
      %dma_wait3A_739 = tpu.memref_slice %arg8[%dma_wait3A_732] : memref<8x!tpu.dma_semaphore, #tpu.memory_space<semaphore_mem>> -> memref<1x!tpu.dma_semaphore, #tpu.memory_space<semaphore_mem>>
      %dma_wait3A_740 = tpu.memref_squeeze %dma_wait3A_739 : memref<1x!tpu.dma_semaphore, #tpu.memory_space<semaphore_mem>> -> memref<!tpu.dma_semaphore, #tpu.memory_space<semaphore_mem>>
      %dma_wait3A_741 = arith.constant 0 : i32
      %dma_wait3A_742 = tpu.memref_slice %arg4[%mul3A_2, %dma_wait3A_741] : memref<819200x64xf32, #tpu.memory_space<hbm>> -> memref<128x64xf32, #tpu.memory_space<hbm>>
      %dma_wait3A_743 = arith.constant 0 : i32
      %dma_wait3A_744 = arith.constant 0 : i32
      %dma_wait3A_745 = tpu.memref_slice %arg6[%dma_wait3A_731, %dma_wait3A_743, %dma_wait3A_744] : memref<8x128x64xf32, #tpu.memory_space<vmem>> -> memref<1x128x64xf32, #tpu.memory_space<vmem>>
      %dma_wait3A_746 = tpu.memref_squeeze %dma_wait3A_745 : memref<1x128x64xf32, #tpu.memory_space<vmem>> -> memref<128x64xf32, #tpu.memory_space<vmem>>
      tpu.wait_dma2 semaphore(%dma_wait3A_740 : memref<!tpu.dma_semaphore, #tpu.memory_space<semaphore_mem>>) src(%dma_wait3A_746 : memref<128x64xf32, #tpu.memory_space<vmem>>) dst(%dma_wait3A_742 : memref<128x64xf32, #tpu.memory_space<hbm>>)
      %add3A_747 = arith.constant 4 : i32
      %add3A_748 = arith.addi %add3A_730, %add3A_747 : i32
      %dma_start3A_749 = arith.constant 3 : i32
      %dma_start3A_750 = arith.constant 3 : i32
      %dma_start3A_751 = arith.constant 0 : i32
      %dma_start3A_752 = arith.constant 0 : i32
      %dma_start3A_753 = tpu.memref_slice %arg6[%dma_start3A_749, %dma_start3A_751, %dma_start3A_752] : memref<8x128x64xf32, #tpu.memory_space<vmem>> -> memref<1x128x64xf32, #tpu.memory_space<vmem>>
      %dma_start3A_754 = tpu.memref_squeeze %dma_start3A_753 : memref<1x128x64xf32, #tpu.memory_space<vmem>> -> memref<128x64xf32, #tpu.memory_space<vmem>>
      %dma_start3A_755 = arith.constant 0 : i32
      %dma_start3A_756 = tpu.memref_slice %arg5[%add3A_748, %dma_start3A_755] : memref<200x128xi32, #tpu.memory_space<vmem>> -> memref<1x128xi32, #tpu.memory_space<vmem>>
      %dma_start3A_757 = tpu.memref_squeeze %dma_start3A_756 : memref<1x128xi32, #tpu.memory_space<vmem>> -> memref<128xi32, #tpu.memory_space<vmem>>
      %dma_start3A_758 = arith.constant 0 : i32
      %dma_start3A_759 = arith.constant 0 : i32
      %dma_start3A_760 = tpu.memref_slice %arg2[%dma_start3A_758, %dma_start3A_759] : memref<1000000x64xf32, #tpu.memory_space<hbm>> -> memref<1000000x64xf32, #tpu.memory_space<hbm>>
      %dma_start3A_761 = tpu.memref_slice %arg7[%dma_start3A_750] : memref<8x!tpu.dma_semaphore, #tpu.memory_space<semaphore_mem>> -> memref<1x!tpu.dma_semaphore, #tpu.memory_space<semaphore_mem>>
      %dma_start3A_762 = tpu.memref_squeeze %dma_start3A_761 : memref<1x!tpu.dma_semaphore, #tpu.memory_space<semaphore_mem>> -> memref<!tpu.dma_semaphore, #tpu.memory_space<semaphore_mem>>
      tpu.enqueue_indirect_dma source(%dma_start3A_760 : memref<1000000x64xf32, #tpu.memory_space<hbm>>) target(%dma_start3A_754 : memref<128x64xf32, #tpu.memory_space<vmem>>) offsets(%dma_start3A_757 : memref<128xi32, #tpu.memory_space<vmem>>) semaphore(%dma_start3A_762 : memref<!tpu.dma_semaphore, #tpu.memory_space<semaphore_mem>>)
      %dma_wait3A_763 = arith.constant 0 : i32
      %dma_wait3A_764 = arith.constant 7 : i32
      %dma_wait3A_765 = arith.constant 7 : i32
      %dma_wait3A_766 = arith.constant 0 : i32
      %dma_wait3A_767 = arith.constant 0 : i32
      %dma_wait3A_768 = tpu.memref_slice %arg6[%dma_wait3A_764, %dma_wait3A_766, %dma_wait3A_767] : memref<8x128x64xf32, #tpu.memory_space<vmem>> -> memref<1x128x64xf32, #tpu.memory_space<vmem>>
      %dma_wait3A_769 = tpu.memref_squeeze %dma_wait3A_768 : memref<1x128x64xf32, #tpu.memory_space<vmem>> -> memref<128x64xf32, #tpu.memory_space<vmem>>
      %dma_wait3A_770 = arith.constant 0 : i32
      %dma_wait3A_771 = tpu.memref_slice %arg5[%dma_wait3A_763, %dma_wait3A_770] : memref<200x128xi32, #tpu.memory_space<vmem>> -> memref<1x128xi32, #tpu.memory_space<vmem>>
      %dma_wait3A_772 = tpu.memref_squeeze %dma_wait3A_771 : memref<1x128xi32, #tpu.memory_space<vmem>> -> memref<128xi32, #tpu.memory_space<vmem>>
      %dma_wait3A_773 = arith.constant 0 : i32
      %dma_wait3A_774 = arith.constant 0 : i32
      %dma_wait3A_775 = tpu.memref_slice %arg2[%dma_wait3A_773, %dma_wait3A_774] : memref<1000000x64xf32, #tpu.memory_space<hbm>> -> memref<1000000x64xf32, #tpu.memory_space<hbm>>
      %dma_wait3A_776 = tpu.memref_slice %arg7[%dma_wait3A_765] : memref<8x!tpu.dma_semaphore, #tpu.memory_space<semaphore_mem>> -> memref<1x!tpu.dma_semaphore, #tpu.memory_space<semaphore_mem>>
      %dma_wait3A_777 = tpu.memref_squeeze %dma_wait3A_776 : memref<1x!tpu.dma_semaphore, #tpu.memory_space<semaphore_mem>> -> memref<!tpu.dma_semaphore, #tpu.memory_space<semaphore_mem>>
      tpu.wait_indirect_dma semaphore(%dma_wait3A_777 : memref<!tpu.dma_semaphore, #tpu.memory_space<semaphore_mem>>) src(%dma_wait3A_775 : memref<1000000x64xf32, #tpu.memory_space<hbm>>) dst(%dma_wait3A_769 : memref<128x64xf32, #tpu.memory_space<vmem>>)
      %mul3A_778 = arith.constant 128 : i32
      %mul3A_779 = arith.muli %add3A_730, %mul3A_778 : i32
      %add3A_780 = arith.addi %mul3A_2, %mul3A_779 : i32
      %dma_start3A_781 = arith.constant 7 : i32
      %dma_start3A_782 = arith.constant 7 : i32
      %dma_start3A_783 = arith.constant 0 : i32
      %dma_start3A_784 = arith.constant 0 : i32
      %dma_start3A_785 = tpu.memref_slice %arg6[%dma_start3A_781, %dma_start3A_783, %dma_start3A_784] : memref<8x128x64xf32, #tpu.memory_space<vmem>> -> memref<1x128x64xf32, #tpu.memory_space<vmem>>
      %dma_start3A_786 = tpu.memref_squeeze %dma_start3A_785 : memref<1x128x64xf32, #tpu.memory_space<vmem>> -> memref<128x64xf32, #tpu.memory_space<vmem>>
      %dma_start3A_787 = arith.constant 0 : i32
      %dma_start3A_788 = tpu.memref_slice %arg4[%add3A_780, %dma_start3A_787] : memref<819200x64xf32, #tpu.memory_space<hbm>> -> memref<128x64xf32, #tpu.memory_space<hbm>>
      %dma_start3A_789 = tpu.memref_slice %arg8[%dma_start3A_782] : memref<8x!tpu.dma_semaphore, #tpu.memory_space<semaphore_mem>> -> memref<1x!tpu.dma_semaphore, #tpu.memory_space<semaphore_mem>>
      %dma_start3A_790 = tpu.memref_squeeze %dma_start3A_789 : memref<1x!tpu.dma_semaphore, #tpu.memory_space<semaphore_mem>> -> memref<!tpu.dma_semaphore, #tpu.memory_space<semaphore_mem>>
      %dma_start3A_791 = arith.constant 0 : i32
      %dma_start3A_792 = tpu.memref_slice %arg4[%add3A_780, %dma_start3A_791] : memref<819200x64xf32, #tpu.memory_space<hbm>> -> memref<128x64xf32, #tpu.memory_space<hbm>>
      %dma_start3A_793 = arith.constant 0 : i32
      %dma_start3A_794 = arith.constant 0 : i32
      %dma_start3A_795 = tpu.memref_slice %arg6[%dma_start3A_781, %dma_start3A_793, %dma_start3A_794] : memref<8x128x64xf32, #tpu.memory_space<vmem>> -> memref<1x128x64xf32, #tpu.memory_space<vmem>>
      %dma_start3A_796 = tpu.memref_squeeze %dma_start3A_795 : memref<1x128x64xf32, #tpu.memory_space<vmem>> -> memref<128x64xf32, #tpu.memory_space<vmem>>
      tpu.enqueue_dma source(%dma_start3A_796 : memref<128x64xf32, #tpu.memory_space<vmem>>) target(%dma_start3A_792 : memref<128x64xf32, #tpu.memory_space<hbm>>) target_semaphore(%dma_start3A_790 : memref<!tpu.dma_semaphore, #tpu.memory_space<semaphore_mem>>)
      %add3A_797 = arith.constant 4 : i32
      %add3A_798 = arith.addi %add3A_524, %add3A_797 : i32
      %dma_wait3A_799 = arith.constant 4 : i32
      %dma_wait3A_800 = arith.constant 4 : i32
      %dma_wait3A_801 = arith.constant 0 : i32
      %dma_wait3A_802 = arith.constant 0 : i32
      %dma_wait3A_803 = tpu.memref_slice %arg6[%dma_wait3A_799, %dma_wait3A_801, %dma_wait3A_802] : memref<8x128x64xf32, #tpu.memory_space<vmem>> -> memref<1x128x64xf32, #tpu.memory_space<vmem>>
      %dma_wait3A_804 = tpu.memref_squeeze %dma_wait3A_803 : memref<1x128x64xf32, #tpu.memory_space<vmem>> -> memref<128x64xf32, #tpu.memory_space<vmem>>
      %dma_wait3A_805 = arith.constant 0 : i32
      %dma_wait3A_806 = tpu.memref_slice %arg4[%mul3A_2, %dma_wait3A_805] : memref<819200x64xf32, #tpu.memory_space<hbm>> -> memref<128x64xf32, #tpu.memory_space<hbm>>
      %dma_wait3A_807 = tpu.memref_slice %arg8[%dma_wait3A_800] : memref<8x!tpu.dma_semaphore, #tpu.memory_space<semaphore_mem>> -> memref<1x!tpu.dma_semaphore, #tpu.memory_space<semaphore_mem>>
      %dma_wait3A_808 = tpu.memref_squeeze %dma_wait3A_807 : memref<1x!tpu.dma_semaphore, #tpu.memory_space<semaphore_mem>> -> memref<!tpu.dma_semaphore, #tpu.memory_space<semaphore_mem>>
      %dma_wait3A_809 = arith.constant 0 : i32
      %dma_wait3A_810 = tpu.memref_slice %arg4[%mul3A_2, %dma_wait3A_809] : memref<819200x64xf32, #tpu.memory_space<hbm>> -> memref<128x64xf32, #tpu.memory_space<hbm>>
      %dma_wait3A_811 = arith.constant 0 : i32
      %dma_wait3A_812 = arith.constant 0 : i32
      %dma_wait3A_813 = tpu.memref_slice %arg6[%dma_wait3A_799, %dma_wait3A_811, %dma_wait3A_812] : memref<8x128x64xf32, #tpu.memory_space<vmem>> -> memref<1x128x64xf32, #tpu.memory_space<vmem>>
      %dma_wait3A_814 = tpu.memref_squeeze %dma_wait3A_813 : memref<1x128x64xf32, #tpu.memory_space<vmem>> -> memref<128x64xf32, #tpu.memory_space<vmem>>
      tpu.wait_dma2 semaphore(%dma_wait3A_808 : memref<!tpu.dma_semaphore, #tpu.memory_space<semaphore_mem>>) src(%dma_wait3A_814 : memref<128x64xf32, #tpu.memory_space<vmem>>) dst(%dma_wait3A_810 : memref<128x64xf32, #tpu.memory_space<hbm>>)
      %add3A_815 = arith.constant 4 : i32
      %add3A_816 = arith.addi %add3A_798, %add3A_815 : i32
      %dma_start3A_817 = arith.constant 4 : i32
      %dma_start3A_818 = arith.constant 4 : i32
      %dma_start3A_819 = arith.constant 0 : i32
      %dma_start3A_820 = arith.constant 0 : i32
      %dma_start3A_821 = tpu.memref_slice %arg6[%dma_start3A_817, %dma_start3A_819, %dma_start3A_820] : memref<8x128x64xf32, #tpu.memory_space<vmem>> -> memref<1x128x64xf32, #tpu.memory_space<vmem>>
      %dma_start3A_822 = tpu.memref_squeeze %dma_start3A_821 : memref<1x128x64xf32, #tpu.memory_space<vmem>> -> memref<128x64xf32, #tpu.memory_space<vmem>>
      %dma_start3A_823 = arith.constant 0 : i32
      %dma_start3A_824 = tpu.memref_slice %arg5[%add3A_816, %dma_start3A_823] : memref<200x128xi32, #tpu.memory_space<vmem>> -> memref<1x128xi32, #tpu.memory_space<vmem>>
      %dma_start3A_825 = tpu.memref_squeeze %dma_start3A_824 : memref<1x128xi32, #tpu.memory_space<vmem>> -> memref<128xi32, #tpu.memory_space<vmem>>
      %dma_start3A_826 = arith.constant 0 : i32
      %dma_start3A_827 = arith.constant 0 : i32
      %dma_start3A_828 = tpu.memref_slice %arg2[%dma_start3A_826, %dma_start3A_827] : memref<1000000x64xf32, #tpu.memory_space<hbm>> -> memref<1000000x64xf32, #tpu.memory_space<hbm>>
      %dma_start3A_829 = tpu.memref_slice %arg7[%dma_start3A_818] : memref<8x!tpu.dma_semaphore, #tpu.memory_space<semaphore_mem>> -> memref<1x!tpu.dma_semaphore, #tpu.memory_space<semaphore_mem>>
      %dma_start3A_830 = tpu.memref_squeeze %dma_start3A_829 : memref<1x!tpu.dma_semaphore, #tpu.memory_space<semaphore_mem>> -> memref<!tpu.dma_semaphore, #tpu.memory_space<semaphore_mem>>
      tpu.enqueue_indirect_dma source(%dma_start3A_828 : memref<1000000x64xf32, #tpu.memory_space<hbm>>) target(%dma_start3A_822 : memref<128x64xf32, #tpu.memory_space<vmem>>) offsets(%dma_start3A_825 : memref<128xi32, #tpu.memory_space<vmem>>) semaphore(%dma_start3A_830 : memref<!tpu.dma_semaphore, #tpu.memory_space<semaphore_mem>>)
      %dma_wait3A_831 = arith.constant 0 : i32
      %dma_wait3A_832 = arith.constant 0 : i32
      %dma_wait3A_833 = arith.constant 0 : i32
      %dma_wait3A_834 = arith.constant 0 : i32
      %dma_wait3A_835 = arith.constant 0 : i32
      %dma_wait3A_836 = tpu.memref_slice %arg6[%dma_wait3A_832, %dma_wait3A_834, %dma_wait3A_835] : memref<8x128x64xf32, #tpu.memory_space<vmem>> -> memref<1x128x64xf32, #tpu.memory_space<vmem>>
      %dma_wait3A_837 = tpu.memref_squeeze %dma_wait3A_836 : memref<1x128x64xf32, #tpu.memory_space<vmem>> -> memref<128x64xf32, #tpu.memory_space<vmem>>
      %dma_wait3A_838 = arith.constant 0 : i32
      %dma_wait3A_839 = tpu.memref_slice %arg5[%dma_wait3A_831, %dma_wait3A_838] : memref<200x128xi32, #tpu.memory_space<vmem>> -> memref<1x128xi32, #tpu.memory_space<vmem>>
      %dma_wait3A_840 = tpu.memref_squeeze %dma_wait3A_839 : memref<1x128xi32, #tpu.memory_space<vmem>> -> memref<128xi32, #tpu.memory_space<vmem>>
      %dma_wait3A_841 = arith.constant 0 : i32
      %dma_wait3A_842 = arith.constant 0 : i32
      %dma_wait3A_843 = tpu.memref_slice %arg2[%dma_wait3A_841, %dma_wait3A_842] : memref<1000000x64xf32, #tpu.memory_space<hbm>> -> memref<1000000x64xf32, #tpu.memory_space<hbm>>
      %dma_wait3A_844 = tpu.memref_slice %arg7[%dma_wait3A_833] : memref<8x!tpu.dma_semaphore, #tpu.memory_space<semaphore_mem>> -> memref<1x!tpu.dma_semaphore, #tpu.memory_space<semaphore_mem>>
      %dma_wait3A_845 = tpu.memref_squeeze %dma_wait3A_844 : memref<1x!tpu.dma_semaphore, #tpu.memory_space<semaphore_mem>> -> memref<!tpu.dma_semaphore, #tpu.memory_space<semaphore_mem>>
      tpu.wait_indirect_dma semaphore(%dma_wait3A_845 : memref<!tpu.dma_semaphore, #tpu.memory_space<semaphore_mem>>) src(%dma_wait3A_843 : memref<1000000x64xf32, #tpu.memory_space<hbm>>) dst(%dma_wait3A_837 : memref<128x64xf32, #tpu.memory_space<vmem>>)
      %mul3A_846 = arith.constant 128 : i32
      %mul3A_847 = arith.muli %add3A_798, %mul3A_846 : i32
      %add3A_848 = arith.addi %mul3A_2, %mul3A_847 : i32
      %dma_start3A_849 = arith.constant 0 : i32
      %dma_start3A_850 = arith.constant 0 : i32
      %dma_start3A_851 = arith.constant 0 : i32
      %dma_start3A_852 = arith.constant 0 : i32
      %dma_start3A_853 = tpu.memref_slice %arg6[%dma_start3A_849, %dma_start3A_851, %dma_start3A_852] : memref<8x128x64xf32, #tpu.memory_space<vmem>> -> memref<1x128x64xf32, #tpu.memory_space<vmem>>
      %dma_start3A_854 = tpu.memref_squeeze %dma_start3A_853 : memref<1x128x64xf32, #tpu.memory_space<vmem>> -> memref<128x64xf32, #tpu.memory_space<vmem>>
      %dma_start3A_855 = arith.constant 0 : i32
      %dma_start3A_856 = tpu.memref_slice %arg4[%add3A_848, %dma_start3A_855] : memref<819200x64xf32, #tpu.memory_space<hbm>> -> memref<128x64xf32, #tpu.memory_space<hbm>>
      %dma_start3A_857 = tpu.memref_slice %arg8[%dma_start3A_850] : memref<8x!tpu.dma_semaphore, #tpu.memory_space<semaphore_mem>> -> memref<1x!tpu.dma_semaphore, #tpu.memory_space<semaphore_mem>>
      %dma_start3A_858 = tpu.memref_squeeze %dma_start3A_857 : memref<1x!tpu.dma_semaphore, #tpu.memory_space<semaphore_mem>> -> memref<!tpu.dma_semaphore, #tpu.memory_space<semaphore_mem>>
      %dma_start3A_859 = arith.constant 0 : i32
      %dma_start3A_860 = tpu.memref_slice %arg4[%add3A_848, %dma_start3A_859] : memref<819200x64xf32, #tpu.memory_space<hbm>> -> memref<128x64xf32, #tpu.memory_space<hbm>>
      %dma_start3A_861 = arith.constant 0 : i32
      %dma_start3A_862 = arith.constant 0 : i32
      %dma_start3A_863 = tpu.memref_slice %arg6[%dma_start3A_849, %dma_start3A_861, %dma_start3A_862] : memref<8x128x64xf32, #tpu.memory_space<vmem>> -> memref<1x128x64xf32, #tpu.memory_space<vmem>>
      %dma_start3A_864 = tpu.memref_squeeze %dma_start3A_863 : memref<1x128x64xf32, #tpu.memory_space<vmem>> -> memref<128x64xf32, #tpu.memory_space<vmem>>
      tpu.enqueue_dma source(%dma_start3A_864 : memref<128x64xf32, #tpu.memory_space<vmem>>) target(%dma_start3A_860 : memref<128x64xf32, #tpu.memory_space<hbm>>) target_semaphore(%dma_start3A_858 : memref<!tpu.dma_semaphore, #tpu.memory_space<semaphore_mem>>)
      %add3A_865 = arith.constant 5 : i32
      %add3A_866 = arith.addi %add3A_524, %add3A_865 : i32
      %dma_wait3A_867 = arith.constant 5 : i32
      %dma_wait3A_868 = arith.constant 5 : i32
      %dma_wait3A_869 = arith.constant 0 : i32
      %dma_wait3A_870 = arith.constant 0 : i32
      %dma_wait3A_871 = tpu.memref_slice %arg6[%dma_wait3A_867, %dma_wait3A_869, %dma_wait3A_870] : memref<8x128x64xf32, #tpu.memory_space<vmem>> -> memref<1x128x64xf32, #tpu.memory_space<vmem>>
      %dma_wait3A_872 = tpu.memref_squeeze %dma_wait3A_871 : memref<1x128x64xf32, #tpu.memory_space<vmem>> -> memref<128x64xf32, #tpu.memory_space<vmem>>
      %dma_wait3A_873 = arith.constant 0 : i32
      %dma_wait3A_874 = tpu.memref_slice %arg4[%mul3A_2, %dma_wait3A_873] : memref<819200x64xf32, #tpu.memory_space<hbm>> -> memref<128x64xf32, #tpu.memory_space<hbm>>
      %dma_wait3A_875 = tpu.memref_slice %arg8[%dma_wait3A_868] : memref<8x!tpu.dma_semaphore, #tpu.memory_space<semaphore_mem>> -> memref<1x!tpu.dma_semaphore, #tpu.memory_space<semaphore_mem>>
      %dma_wait3A_876 = tpu.memref_squeeze %dma_wait3A_875 : memref<1x!tpu.dma_semaphore, #tpu.memory_space<semaphore_mem>> -> memref<!tpu.dma_semaphore, #tpu.memory_space<semaphore_mem>>
      %dma_wait3A_877 = arith.constant 0 : i32
      %dma_wait3A_878 = tpu.memref_slice %arg4[%mul3A_2, %dma_wait3A_877] : memref<819200x64xf32, #tpu.memory_space<hbm>> -> memref<128x64xf32, #tpu.memory_space<hbm>>
      %dma_wait3A_879 = arith.constant 0 : i32
      %dma_wait3A_880 = arith.constant 0 : i32
      %dma_wait3A_881 = tpu.memref_slice %arg6[%dma_wait3A_867, %dma_wait3A_879, %dma_wait3A_880] : memref<8x128x64xf32, #tpu.memory_space<vmem>> -> memref<1x128x64xf32, #tpu.memory_space<vmem>>
      %dma_wait3A_882 = tpu.memref_squeeze %dma_wait3A_881 : memref<1x128x64xf32, #tpu.memory_space<vmem>> -> memref<128x64xf32, #tpu.memory_space<vmem>>
      tpu.wait_dma2 semaphore(%dma_wait3A_876 : memref<!tpu.dma_semaphore, #tpu.memory_space<semaphore_mem>>) src(%dma_wait3A_882 : memref<128x64xf32, #tpu.memory_space<vmem>>) dst(%dma_wait3A_878 : memref<128x64xf32, #tpu.memory_space<hbm>>)
      %add3A_883 = arith.constant 4 : i32
      %add3A_884 = arith.addi %add3A_866, %add3A_883 : i32
      %dma_start3A_885 = arith.constant 5 : i32
      %dma_start3A_886 = arith.constant 5 : i32
      %dma_start3A_887 = arith.constant 0 : i32
      %dma_start3A_888 = arith.constant 0 : i32
      %dma_start3A_889 = tpu.memref_slice %arg6[%dma_start3A_885, %dma_start3A_887, %dma_start3A_888] : memref<8x128x64xf32, #tpu.memory_space<vmem>> -> memref<1x128x64xf32, #tpu.memory_space<vmem>>
      %dma_start3A_890 = tpu.memref_squeeze %dma_start3A_889 : memref<1x128x64xf32, #tpu.memory_space<vmem>> -> memref<128x64xf32, #tpu.memory_space<vmem>>
      %dma_start3A_891 = arith.constant 0 : i32
      %dma_start3A_892 = tpu.memref_slice %arg5[%add3A_884, %dma_start3A_891] : memref<200x128xi32, #tpu.memory_space<vmem>> -> memref<1x128xi32, #tpu.memory_space<vmem>>
      %dma_start3A_893 = tpu.memref_squeeze %dma_start3A_892 : memref<1x128xi32, #tpu.memory_space<vmem>> -> memref<128xi32, #tpu.memory_space<vmem>>
      %dma_start3A_894 = arith.constant 0 : i32
      %dma_start3A_895 = arith.constant 0 : i32
      %dma_start3A_896 = tpu.memref_slice %arg2[%dma_start3A_894, %dma_start3A_895] : memref<1000000x64xf32, #tpu.memory_space<hbm>> -> memref<1000000x64xf32, #tpu.memory_space<hbm>>
      %dma_start3A_897 = tpu.memref_slice %arg7[%dma_start3A_886] : memref<8x!tpu.dma_semaphore, #tpu.memory_space<semaphore_mem>> -> memref<1x!tpu.dma_semaphore, #tpu.memory_space<semaphore_mem>>
      %dma_start3A_898 = tpu.memref_squeeze %dma_start3A_897 : memref<1x!tpu.dma_semaphore, #tpu.memory_space<semaphore_mem>> -> memref<!tpu.dma_semaphore, #tpu.memory_space<semaphore_mem>>
      tpu.enqueue_indirect_dma source(%dma_start3A_896 : memref<1000000x64xf32, #tpu.memory_space<hbm>>) target(%dma_start3A_890 : memref<128x64xf32, #tpu.memory_space<vmem>>) offsets(%dma_start3A_893 : memref<128xi32, #tpu.memory_space<vmem>>) semaphore(%dma_start3A_898 : memref<!tpu.dma_semaphore, #tpu.memory_space<semaphore_mem>>)
      %dma_wait3A_899 = arith.constant 0 : i32
      %dma_wait3A_900 = arith.constant 1 : i32
      %dma_wait3A_901 = arith.constant 1 : i32
      %dma_wait3A_902 = arith.constant 0 : i32
      %dma_wait3A_903 = arith.constant 0 : i32
      %dma_wait3A_904 = tpu.memref_slice %arg6[%dma_wait3A_900, %dma_wait3A_902, %dma_wait3A_903] : memref<8x128x64xf32, #tpu.memory_space<vmem>> -> memref<1x128x64xf32, #tpu.memory_space<vmem>>
      %dma_wait3A_905 = tpu.memref_squeeze %dma_wait3A_904 : memref<1x128x64xf32, #tpu.memory_space<vmem>> -> memref<128x64xf32, #tpu.memory_space<vmem>>
      %dma_wait3A_906 = arith.constant 0 : i32
      %dma_wait3A_907 = tpu.memref_slice %arg5[%dma_wait3A_899, %dma_wait3A_906] : memref<200x128xi32, #tpu.memory_space<vmem>> -> memref<1x128xi32, #tpu.memory_space<vmem>>
      %dma_wait3A_908 = tpu.memref_squeeze %dma_wait3A_907 : memref<1x128xi32, #tpu.memory_space<vmem>> -> memref<128xi32, #tpu.memory_space<vmem>>
      %dma_wait3A_909 = arith.constant 0 : i32
      %dma_wait3A_910 = arith.constant 0 : i32
      %dma_wait3A_911 = tpu.memref_slice %arg2[%dma_wait3A_909, %dma_wait3A_910] : memref<1000000x64xf32, #tpu.memory_space<hbm>> -> memref<1000000x64xf32, #tpu.memory_space<hbm>>
      %dma_wait3A_912 = tpu.memref_slice %arg7[%dma_wait3A_901] : memref<8x!tpu.dma_semaphore, #tpu.memory_space<semaphore_mem>> -> memref<1x!tpu.dma_semaphore, #tpu.memory_space<semaphore_mem>>
      %dma_wait3A_913 = tpu.memref_squeeze %dma_wait3A_912 : memref<1x!tpu.dma_semaphore, #tpu.memory_space<semaphore_mem>> -> memref<!tpu.dma_semaphore, #tpu.memory_space<semaphore_mem>>
      tpu.wait_indirect_dma semaphore(%dma_wait3A_913 : memref<!tpu.dma_semaphore, #tpu.memory_space<semaphore_mem>>) src(%dma_wait3A_911 : memref<1000000x64xf32, #tpu.memory_space<hbm>>) dst(%dma_wait3A_905 : memref<128x64xf32, #tpu.memory_space<vmem>>)
      %mul3A_914 = arith.constant 128 : i32
      %mul3A_915 = arith.muli %add3A_866, %mul3A_914 : i32
      %add3A_916 = arith.addi %mul3A_2, %mul3A_915 : i32
      %dma_start3A_917 = arith.constant 1 : i32
      %dma_start3A_918 = arith.constant 1 : i32
      %dma_start3A_919 = arith.constant 0 : i32
      %dma_start3A_920 = arith.constant 0 : i32
      %dma_start3A_921 = tpu.memref_slice %arg6[%dma_start3A_917, %dma_start3A_919, %dma_start3A_920] : memref<8x128x64xf32, #tpu.memory_space<vmem>> -> memref<1x128x64xf32, #tpu.memory_space<vmem>>
      %dma_start3A_922 = tpu.memref_squeeze %dma_start3A_921 : memref<1x128x64xf32, #tpu.memory_space<vmem>> -> memref<128x64xf32, #tpu.memory_space<vmem>>
      %dma_start3A_923 = arith.constant 0 : i32
      %dma_start3A_924 = tpu.memref_slice %arg4[%add3A_916, %dma_start3A_923] : memref<819200x64xf32, #tpu.memory_space<hbm>> -> memref<128x64xf32, #tpu.memory_space<hbm>>
      %dma_start3A_925 = tpu.memref_slice %arg8[%dma_start3A_918] : memref<8x!tpu.dma_semaphore, #tpu.memory_space<semaphore_mem>> -> memref<1x!tpu.dma_semaphore, #tpu.memory_space<semaphore_mem>>
      %dma_start3A_926 = tpu.memref_squeeze %dma_start3A_925 : memref<1x!tpu.dma_semaphore, #tpu.memory_space<semaphore_mem>> -> memref<!tpu.dma_semaphore, #tpu.memory_space<semaphore_mem>>
      %dma_start3A_927 = arith.constant 0 : i32
      %dma_start3A_928 = tpu.memref_slice %arg4[%add3A_916, %dma_start3A_927] : memref<819200x64xf32, #tpu.memory_space<hbm>> -> memref<128x64xf32, #tpu.memory_space<hbm>>
      %dma_start3A_929 = arith.constant 0 : i32
      %dma_start3A_930 = arith.constant 0 : i32
      %dma_start3A_931 = tpu.memref_slice %arg6[%dma_start3A_917, %dma_start3A_929, %dma_start3A_930] : memref<8x128x64xf32, #tpu.memory_space<vmem>> -> memref<1x128x64xf32, #tpu.memory_space<vmem>>
      %dma_start3A_932 = tpu.memref_squeeze %dma_start3A_931 : memref<1x128x64xf32, #tpu.memory_space<vmem>> -> memref<128x64xf32, #tpu.memory_space<vmem>>
      tpu.enqueue_dma source(%dma_start3A_932 : memref<128x64xf32, #tpu.memory_space<vmem>>) target(%dma_start3A_928 : memref<128x64xf32, #tpu.memory_space<hbm>>) target_semaphore(%dma_start3A_926 : memref<!tpu.dma_semaphore, #tpu.memory_space<semaphore_mem>>)
      %add3A_933 = arith.constant 6 : i32
      %add3A_934 = arith.addi %add3A_524, %add3A_933 : i32
      %dma_wait3A_935 = arith.constant 6 : i32
      %dma_wait3A_936 = arith.constant 6 : i32
      %dma_wait3A_937 = arith.constant 0 : i32
      %dma_wait3A_938 = arith.constant 0 : i32
      %dma_wait3A_939 = tpu.memref_slice %arg6[%dma_wait3A_935, %dma_wait3A_937, %dma_wait3A_938] : memref<8x128x64xf32, #tpu.memory_space<vmem>> -> memref<1x128x64xf32, #tpu.memory_space<vmem>>
      %dma_wait3A_940 = tpu.memref_squeeze %dma_wait3A_939 : memref<1x128x64xf32, #tpu.memory_space<vmem>> -> memref<128x64xf32, #tpu.memory_space<vmem>>
      %dma_wait3A_941 = arith.constant 0 : i32
      %dma_wait3A_942 = tpu.memref_slice %arg4[%mul3A_2, %dma_wait3A_941] : memref<819200x64xf32, #tpu.memory_space<hbm>> -> memref<128x64xf32, #tpu.memory_space<hbm>>
      %dma_wait3A_943 = tpu.memref_slice %arg8[%dma_wait3A_936] : memref<8x!tpu.dma_semaphore, #tpu.memory_space<semaphore_mem>> -> memref<1x!tpu.dma_semaphore, #tpu.memory_space<semaphore_mem>>
      %dma_wait3A_944 = tpu.memref_squeeze %dma_wait3A_943 : memref<1x!tpu.dma_semaphore, #tpu.memory_space<semaphore_mem>> -> memref<!tpu.dma_semaphore, #tpu.memory_space<semaphore_mem>>
      %dma_wait3A_945 = arith.constant 0 : i32
      %dma_wait3A_946 = tpu.memref_slice %arg4[%mul3A_2, %dma_wait3A_945] : memref<819200x64xf32, #tpu.memory_space<hbm>> -> memref<128x64xf32, #tpu.memory_space<hbm>>
      %dma_wait3A_947 = arith.constant 0 : i32
      %dma_wait3A_948 = arith.constant 0 : i32
      %dma_wait3A_949 = tpu.memref_slice %arg6[%dma_wait3A_935, %dma_wait3A_947, %dma_wait3A_948] : memref<8x128x64xf32, #tpu.memory_space<vmem>> -> memref<1x128x64xf32, #tpu.memory_space<vmem>>
      %dma_wait3A_950 = tpu.memref_squeeze %dma_wait3A_949 : memref<1x128x64xf32, #tpu.memory_space<vmem>> -> memref<128x64xf32, #tpu.memory_space<vmem>>
      tpu.wait_dma2 semaphore(%dma_wait3A_944 : memref<!tpu.dma_semaphore, #tpu.memory_space<semaphore_mem>>) src(%dma_wait3A_950 : memref<128x64xf32, #tpu.memory_space<vmem>>) dst(%dma_wait3A_946 : memref<128x64xf32, #tpu.memory_space<hbm>>)
      %add3A_951 = arith.constant 4 : i32
      %add3A_952 = arith.addi %add3A_934, %add3A_951 : i32
      %dma_start3A_953 = arith.constant 6 : i32
      %dma_start3A_954 = arith.constant 6 : i32
      %dma_start3A_955 = arith.constant 0 : i32
      %dma_start3A_956 = arith.constant 0 : i32
      %dma_start3A_957 = tpu.memref_slice %arg6[%dma_start3A_953, %dma_start3A_955, %dma_start3A_956] : memref<8x128x64xf32, #tpu.memory_space<vmem>> -> memref<1x128x64xf32, #tpu.memory_space<vmem>>
      %dma_start3A_958 = tpu.memref_squeeze %dma_start3A_957 : memref<1x128x64xf32, #tpu.memory_space<vmem>> -> memref<128x64xf32, #tpu.memory_space<vmem>>
      %dma_start3A_959 = arith.constant 0 : i32
      %dma_start3A_960 = tpu.memref_slice %arg5[%add3A_952, %dma_start3A_959] : memref<200x128xi32, #tpu.memory_space<vmem>> -> memref<1x128xi32, #tpu.memory_space<vmem>>
      %dma_start3A_961 = tpu.memref_squeeze %dma_start3A_960 : memref<1x128xi32, #tpu.memory_space<vmem>> -> memref<128xi32, #tpu.memory_space<vmem>>
      %dma_start3A_962 = arith.constant 0 : i32
      %dma_start3A_963 = arith.constant 0 : i32
      %dma_start3A_964 = tpu.memref_slice %arg2[%dma_start3A_962, %dma_start3A_963] : memref<1000000x64xf32, #tpu.memory_space<hbm>> -> memref<1000000x64xf32, #tpu.memory_space<hbm>>
      %dma_start3A_965 = tpu.memref_slice %arg7[%dma_start3A_954] : memref<8x!tpu.dma_semaphore, #tpu.memory_space<semaphore_mem>> -> memref<1x!tpu.dma_semaphore, #tpu.memory_space<semaphore_mem>>
      %dma_start3A_966 = tpu.memref_squeeze %dma_start3A_965 : memref<1x!tpu.dma_semaphore, #tpu.memory_space<semaphore_mem>> -> memref<!tpu.dma_semaphore, #tpu.memory_space<semaphore_mem>>
      tpu.enqueue_indirect_dma source(%dma_start3A_964 : memref<1000000x64xf32, #tpu.memory_space<hbm>>) target(%dma_start3A_958 : memref<128x64xf32, #tpu.memory_space<vmem>>) offsets(%dma_start3A_961 : memref<128xi32, #tpu.memory_space<vmem>>) semaphore(%dma_start3A_966 : memref<!tpu.dma_semaphore, #tpu.memory_space<semaphore_mem>>)
      %dma_wait3A_967 = arith.constant 0 : i32
      %dma_wait3A_968 = arith.constant 2 : i32
      %dma_wait3A_969 = arith.constant 2 : i32
      %dma_wait3A_970 = arith.constant 0 : i32
      %dma_wait3A_971 = arith.constant 0 : i32
      %dma_wait3A_972 = tpu.memref_slice %arg6[%dma_wait3A_968, %dma_wait3A_970, %dma_wait3A_971] : memref<8x128x64xf32, #tpu.memory_space<vmem>> -> memref<1x128x64xf32, #tpu.memory_space<vmem>>
      %dma_wait3A_973 = tpu.memref_squeeze %dma_wait3A_972 : memref<1x128x64xf32, #tpu.memory_space<vmem>> -> memref<128x64xf32, #tpu.memory_space<vmem>>
      %dma_wait3A_974 = arith.constant 0 : i32
      %dma_wait3A_975 = tpu.memref_slice %arg5[%dma_wait3A_967, %dma_wait3A_974] : memref<200x128xi32, #tpu.memory_space<vmem>> -> memref<1x128xi32, #tpu.memory_space<vmem>>
      %dma_wait3A_976 = tpu.memref_squeeze %dma_wait3A_975 : memref<1x128xi32, #tpu.memory_space<vmem>> -> memref<128xi32, #tpu.memory_space<vmem>>
      %dma_wait3A_977 = arith.constant 0 : i32
      %dma_wait3A_978 = arith.constant 0 : i32
      %dma_wait3A_979 = tpu.memref_slice %arg2[%dma_wait3A_977, %dma_wait3A_978] : memref<1000000x64xf32, #tpu.memory_space<hbm>> -> memref<1000000x64xf32, #tpu.memory_space<hbm>>
      %dma_wait3A_980 = tpu.memref_slice %arg7[%dma_wait3A_969] : memref<8x!tpu.dma_semaphore, #tpu.memory_space<semaphore_mem>> -> memref<1x!tpu.dma_semaphore, #tpu.memory_space<semaphore_mem>>
      %dma_wait3A_981 = tpu.memref_squeeze %dma_wait3A_980 : memref<1x!tpu.dma_semaphore, #tpu.memory_space<semaphore_mem>> -> memref<!tpu.dma_semaphore, #tpu.memory_space<semaphore_mem>>
      tpu.wait_indirect_dma semaphore(%dma_wait3A_981 : memref<!tpu.dma_semaphore, #tpu.memory_space<semaphore_mem>>) src(%dma_wait3A_979 : memref<1000000x64xf32, #tpu.memory_space<hbm>>) dst(%dma_wait3A_973 : memref<128x64xf32, #tpu.memory_space<vmem>>)
      %mul3A_982 = arith.constant 128 : i32
      %mul3A_983 = arith.muli %add3A_934, %mul3A_982 : i32
      %add3A_984 = arith.addi %mul3A_2, %mul3A_983 : i32
      %dma_start3A_985 = arith.constant 2 : i32
      %dma_start3A_986 = arith.constant 2 : i32
      %dma_start3A_987 = arith.constant 0 : i32
      %dma_start3A_988 = arith.constant 0 : i32
      %dma_start3A_989 = tpu.memref_slice %arg6[%dma_start3A_985, %dma_start3A_987, %dma_start3A_988] : memref<8x128x64xf32, #tpu.memory_space<vmem>> -> memref<1x128x64xf32, #tpu.memory_space<vmem>>
      %dma_start3A_990 = tpu.memref_squeeze %dma_start3A_989 : memref<1x128x64xf32, #tpu.memory_space<vmem>> -> memref<128x64xf32, #tpu.memory_space<vmem>>
      %dma_start3A_991 = arith.constant 0 : i32
      %dma_start3A_992 = tpu.memref_slice %arg4[%add3A_984, %dma_start3A_991] : memref<819200x64xf32, #tpu.memory_space<hbm>> -> memref<128x64xf32, #tpu.memory_space<hbm>>
      %dma_start3A_993 = tpu.memref_slice %arg8[%dma_start3A_986] : memref<8x!tpu.dma_semaphore, #tpu.memory_space<semaphore_mem>> -> memref<1x!tpu.dma_semaphore, #tpu.memory_space<semaphore_mem>>
      %dma_start3A_994 = tpu.memref_squeeze %dma_start3A_993 : memref<1x!tpu.dma_semaphore, #tpu.memory_space<semaphore_mem>> -> memref<!tpu.dma_semaphore, #tpu.memory_space<semaphore_mem>>
      %dma_start3A_995 = arith.constant 0 : i32
      %dma_start3A_996 = tpu.memref_slice %arg4[%add3A_984, %dma_start3A_995] : memref<819200x64xf32, #tpu.memory_space<hbm>> -> memref<128x64xf32, #tpu.memory_space<hbm>>
      %dma_start3A_997 = arith.constant 0 : i32
      %dma_start3A_998 = arith.constant 0 : i32
      %dma_start3A_999 = tpu.memref_slice %arg6[%dma_start3A_985, %dma_start3A_997, %dma_start3A_998] : memref<8x128x64xf32, #tpu.memory_space<vmem>> -> memref<1x128x64xf32, #tpu.memory_space<vmem>>
      %dma_start3A_1000 = tpu.memref_squeeze %dma_start3A_999 : memref<1x128x64xf32, #tpu.memory_space<vmem>> -> memref<128x64xf32, #tpu.memory_space<vmem>>
      tpu.enqueue_dma source(%dma_start3A_1000 : memref<128x64xf32, #tpu.memory_space<vmem>>) target(%dma_start3A_996 : memref<128x64xf32, #tpu.memory_space<hbm>>) target_semaphore(%dma_start3A_994 : memref<!tpu.dma_semaphore, #tpu.memory_space<semaphore_mem>>)
      %add3A_1001 = arith.constant 7 : i32
      %add3A_1002 = arith.addi %add3A_524, %add3A_1001 : i32
      %dma_wait3A_1003 = arith.constant 7 : i32
      %dma_wait3A_1004 = arith.constant 7 : i32
      %dma_wait3A_1005 = arith.constant 0 : i32
      %dma_wait3A_1006 = arith.constant 0 : i32
      %dma_wait3A_1007 = tpu.memref_slice %arg6[%dma_wait3A_1003, %dma_wait3A_1005, %dma_wait3A_1006] : memref<8x128x64xf32, #tpu.memory_space<vmem>> -> memref<1x128x64xf32, #tpu.memory_space<vmem>>
      %dma_wait3A_1008 = tpu.memref_squeeze %dma_wait3A_1007 : memref<1x128x64xf32, #tpu.memory_space<vmem>> -> memref<128x64xf32, #tpu.memory_space<vmem>>
      %dma_wait3A_1009 = arith.constant 0 : i32
      %dma_wait3A_1010 = tpu.memref_slice %arg4[%mul3A_2, %dma_wait3A_1009] : memref<819200x64xf32, #tpu.memory_space<hbm>> -> memref<128x64xf32, #tpu.memory_space<hbm>>
      %dma_wait3A_1011 = tpu.memref_slice %arg8[%dma_wait3A_1004] : memref<8x!tpu.dma_semaphore, #tpu.memory_space<semaphore_mem>> -> memref<1x!tpu.dma_semaphore, #tpu.memory_space<semaphore_mem>>
      %dma_wait3A_1012 = tpu.memref_squeeze %dma_wait3A_1011 : memref<1x!tpu.dma_semaphore, #tpu.memory_space<semaphore_mem>> -> memref<!tpu.dma_semaphore, #tpu.memory_space<semaphore_mem>>
      %dma_wait3A_1013 = arith.constant 0 : i32
      %dma_wait3A_1014 = tpu.memref_slice %arg4[%mul3A_2, %dma_wait3A_1013] : memref<819200x64xf32, #tpu.memory_space<hbm>> -> memref<128x64xf32, #tpu.memory_space<hbm>>
      %dma_wait3A_1015 = arith.constant 0 : i32
      %dma_wait3A_1016 = arith.constant 0 : i32
      %dma_wait3A_1017 = tpu.memref_slice %arg6[%dma_wait3A_1003, %dma_wait3A_1015, %dma_wait3A_1016] : memref<8x128x64xf32, #tpu.memory_space<vmem>> -> memref<1x128x64xf32, #tpu.memory_space<vmem>>
      %dma_wait3A_1018 = tpu.memref_squeeze %dma_wait3A_1017 : memref<1x128x64xf32, #tpu.memory_space<vmem>> -> memref<128x64xf32, #tpu.memory_space<vmem>>
      tpu.wait_dma2 semaphore(%dma_wait3A_1012 : memref<!tpu.dma_semaphore, #tpu.memory_space<semaphore_mem>>) src(%dma_wait3A_1018 : memref<128x64xf32, #tpu.memory_space<vmem>>) dst(%dma_wait3A_1014 : memref<128x64xf32, #tpu.memory_space<hbm>>)
      %add3A_1019 = arith.constant 4 : i32
      %add3A_1020 = arith.addi %add3A_1002, %add3A_1019 : i32
      %dma_start3A_1021 = arith.constant 7 : i32
      %dma_start3A_1022 = arith.constant 7 : i32
      %dma_start3A_1023 = arith.constant 0 : i32
      %dma_start3A_1024 = arith.constant 0 : i32
      %dma_start3A_1025 = tpu.memref_slice %arg6[%dma_start3A_1021, %dma_start3A_1023, %dma_start3A_1024] : memref<8x128x64xf32, #tpu.memory_space<vmem>> -> memref<1x128x64xf32, #tpu.memory_space<vmem>>
      %dma_start3A_1026 = tpu.memref_squeeze %dma_start3A_1025 : memref<1x128x64xf32, #tpu.memory_space<vmem>> -> memref<128x64xf32, #tpu.memory_space<vmem>>
      %dma_start3A_1027 = arith.constant 0 : i32
      %dma_start3A_1028 = tpu.memref_slice %arg5[%add3A_1020, %dma_start3A_1027] : memref<200x128xi32, #tpu.memory_space<vmem>> -> memref<1x128xi32, #tpu.memory_space<vmem>>
      %dma_start3A_1029 = tpu.memref_squeeze %dma_start3A_1028 : memref<1x128xi32, #tpu.memory_space<vmem>> -> memref<128xi32, #tpu.memory_space<vmem>>
      %dma_start3A_1030 = arith.constant 0 : i32
      %dma_start3A_1031 = arith.constant 0 : i32
      %dma_start3A_1032 = tpu.memref_slice %arg2[%dma_start3A_1030, %dma_start3A_1031] : memref<1000000x64xf32, #tpu.memory_space<hbm>> -> memref<1000000x64xf32, #tpu.memory_space<hbm>>
      %dma_start3A_1033 = tpu.memref_slice %arg7[%dma_start3A_1022] : memref<8x!tpu.dma_semaphore, #tpu.memory_space<semaphore_mem>> -> memref<1x!tpu.dma_semaphore, #tpu.memory_space<semaphore_mem>>
      %dma_start3A_1034 = tpu.memref_squeeze %dma_start3A_1033 : memref<1x!tpu.dma_semaphore, #tpu.memory_space<semaphore_mem>> -> memref<!tpu.dma_semaphore, #tpu.memory_space<semaphore_mem>>
      tpu.enqueue_indirect_dma source(%dma_start3A_1032 : memref<1000000x64xf32, #tpu.memory_space<hbm>>) target(%dma_start3A_1026 : memref<128x64xf32, #tpu.memory_space<vmem>>) offsets(%dma_start3A_1029 : memref<128xi32, #tpu.memory_space<vmem>>) semaphore(%dma_start3A_1034 : memref<!tpu.dma_semaphore, #tpu.memory_space<semaphore_mem>>)
      %dma_wait3A_1035 = arith.constant 0 : i32
      %dma_wait3A_1036 = arith.constant 3 : i32
      %dma_wait3A_1037 = arith.constant 3 : i32
      %dma_wait3A_1038 = arith.constant 0 : i32
      %dma_wait3A_1039 = arith.constant 0 : i32
      %dma_wait3A_1040 = tpu.memref_slice %arg6[%dma_wait3A_1036, %dma_wait3A_1038, %dma_wait3A_1039] : memref<8x128x64xf32, #tpu.memory_space<vmem>> -> memref<1x128x64xf32, #tpu.memory_space<vmem>>
      %dma_wait3A_1041 = tpu.memref_squeeze %dma_wait3A_1040 : memref<1x128x64xf32, #tpu.memory_space<vmem>> -> memref<128x64xf32, #tpu.memory_space<vmem>>
      %dma_wait3A_1042 = arith.constant 0 : i32
      %dma_wait3A_1043 = tpu.memref_slice %arg5[%dma_wait3A_1035, %dma_wait3A_1042] : memref<200x128xi32, #tpu.memory_space<vmem>> -> memref<1x128xi32, #tpu.memory_space<vmem>>
      %dma_wait3A_1044 = tpu.memref_squeeze %dma_wait3A_1043 : memref<1x128xi32, #tpu.memory_space<vmem>> -> memref<128xi32, #tpu.memory_space<vmem>>
      %dma_wait3A_1045 = arith.constant 0 : i32
      %dma_wait3A_1046 = arith.constant 0 : i32
      %dma_wait3A_1047 = tpu.memref_slice %arg2[%dma_wait3A_1045, %dma_wait3A_1046] : memref<1000000x64xf32, #tpu.memory_space<hbm>> -> memref<1000000x64xf32, #tpu.memory_space<hbm>>
      %dma_wait3A_1048 = tpu.memref_slice %arg7[%dma_wait3A_1037] : memref<8x!tpu.dma_semaphore, #tpu.memory_space<semaphore_mem>> -> memref<1x!tpu.dma_semaphore, #tpu.memory_space<semaphore_mem>>
      %dma_wait3A_1049 = tpu.memref_squeeze %dma_wait3A_1048 : memref<1x!tpu.dma_semaphore, #tpu.memory_space<semaphore_mem>> -> memref<!tpu.dma_semaphore, #tpu.memory_space<semaphore_mem>>
      tpu.wait_indirect_dma semaphore(%dma_wait3A_1049 : memref<!tpu.dma_semaphore, #tpu.memory_space<semaphore_mem>>) src(%dma_wait3A_1047 : memref<1000000x64xf32, #tpu.memory_space<hbm>>) dst(%dma_wait3A_1041 : memref<128x64xf32, #tpu.memory_space<vmem>>)
      %mul3A_1050 = arith.constant 128 : i32
      %mul3A_1051 = arith.muli %add3A_1002, %mul3A_1050 : i32
      %add3A_1052 = arith.addi %mul3A_2, %mul3A_1051 : i32
      %dma_start3A_1053 = arith.constant 3 : i32
      %dma_start3A_1054 = arith.constant 3 : i32
      %dma_start3A_1055 = arith.constant 0 : i32
      %dma_start3A_1056 = arith.constant 0 : i32
      %dma_start3A_1057 = tpu.memref_slice %arg6[%dma_start3A_1053, %dma_start3A_1055, %dma_start3A_1056] : memref<8x128x64xf32, #tpu.memory_space<vmem>> -> memref<1x128x64xf32, #tpu.memory_space<vmem>>
      %dma_start3A_1058 = tpu.memref_squeeze %dma_start3A_1057 : memref<1x128x64xf32, #tpu.memory_space<vmem>> -> memref<128x64xf32, #tpu.memory_space<vmem>>
      %dma_start3A_1059 = arith.constant 0 : i32
      %dma_start3A_1060 = tpu.memref_slice %arg4[%add3A_1052, %dma_start3A_1059] : memref<819200x64xf32, #tpu.memory_space<hbm>> -> memref<128x64xf32, #tpu.memory_space<hbm>>
      %dma_start3A_1061 = tpu.memref_slice %arg8[%dma_start3A_1054] : memref<8x!tpu.dma_semaphore, #tpu.memory_space<semaphore_mem>> -> memref<1x!tpu.dma_semaphore, #tpu.memory_space<semaphore_mem>>
      %dma_start3A_1062 = tpu.memref_squeeze %dma_start3A_1061 : memref<1x!tpu.dma_semaphore, #tpu.memory_space<semaphore_mem>> -> memref<!tpu.dma_semaphore, #tpu.memory_space<semaphore_mem>>
      %dma_start3A_1063 = arith.constant 0 : i32
      %dma_start3A_1064 = tpu.memref_slice %arg4[%add3A_1052, %dma_start3A_1063] : memref<819200x64xf32, #tpu.memory_space<hbm>> -> memref<128x64xf32, #tpu.memory_space<hbm>>
      %dma_start3A_1065 = arith.constant 0 : i32
      %dma_start3A_1066 = arith.constant 0 : i32
      %dma_start3A_1067 = tpu.memref_slice %arg6[%dma_start3A_1053, %dma_start3A_1065, %dma_start3A_1066] : memref<8x128x64xf32, #tpu.memory_space<vmem>> -> memref<1x128x64xf32, #tpu.memory_space<vmem>>
      %dma_start3A_1068 = tpu.memref_squeeze %dma_start3A_1067 : memref<1x128x64xf32, #tpu.memory_space<vmem>> -> memref<128x64xf32, #tpu.memory_space<vmem>>
      tpu.enqueue_dma source(%dma_start3A_1068 : memref<128x64xf32, #tpu.memory_space<vmem>>) target(%dma_start3A_1064 : memref<128x64xf32, #tpu.memory_space<hbm>>) target_semaphore(%dma_start3A_1062 : memref<!tpu.dma_semaphore, #tpu.memory_space<semaphore_mem>>)
    }
    %scan3A_259 = arith.constant 24 : i32
    %dma_wait3A_260 = arith.constant 0 : i32
    %dma_wait3A_261 = arith.constant 4 : i32
    %dma_wait3A_262 = arith.constant 4 : i32
    %dma_wait3A_263 = arith.constant 0 : i32
    %dma_wait3A_264 = arith.constant 0 : i32
    %dma_wait3A_265 = tpu.memref_slice %arg6[%dma_wait3A_261, %dma_wait3A_263, %dma_wait3A_264] : memref<8x128x64xf32, #tpu.memory_space<vmem>> -> memref<1x128x64xf32, #tpu.memory_space<vmem>>
    %dma_wait3A_266 = tpu.memref_squeeze %dma_wait3A_265 : memref<1x128x64xf32, #tpu.memory_space<vmem>> -> memref<128x64xf32, #tpu.memory_space<vmem>>
    %dma_wait3A_267 = arith.constant 0 : i32
    %dma_wait3A_268 = tpu.memref_slice %arg5[%dma_wait3A_260, %dma_wait3A_267] : memref<200x128xi32, #tpu.memory_space<vmem>> -> memref<1x128xi32, #tpu.memory_space<vmem>>
    %dma_wait3A_269 = tpu.memref_squeeze %dma_wait3A_268 : memref<1x128xi32, #tpu.memory_space<vmem>> -> memref<128xi32, #tpu.memory_space<vmem>>
    %dma_wait3A_270 = arith.constant 0 : i32
    %dma_wait3A_271 = arith.constant 0 : i32
    %dma_wait3A_272 = tpu.memref_slice %arg2[%dma_wait3A_270, %dma_wait3A_271] : memref<1000000x64xf32, #tpu.memory_space<hbm>> -> memref<1000000x64xf32, #tpu.memory_space<hbm>>
    %dma_wait3A_273 = tpu.memref_slice %arg7[%dma_wait3A_262] : memref<8x!tpu.dma_semaphore, #tpu.memory_space<semaphore_mem>> -> memref<1x!tpu.dma_semaphore, #tpu.memory_space<semaphore_mem>>
    %dma_wait3A_274 = tpu.memref_squeeze %dma_wait3A_273 : memref<1x!tpu.dma_semaphore, #tpu.memory_space<semaphore_mem>> -> memref<!tpu.dma_semaphore, #tpu.memory_space<semaphore_mem>>
    tpu.wait_indirect_dma semaphore(%dma_wait3A_274 : memref<!tpu.dma_semaphore, #tpu.memory_space<semaphore_mem>>) src(%dma_wait3A_272 : memref<1000000x64xf32, #tpu.memory_space<hbm>>) dst(%dma_wait3A_266 : memref<128x64xf32, #tpu.memory_space<vmem>>)
    %add3A_275 = arith.constant 25088 : i32
    %add3A_276 = arith.addi %mul3A_2, %add3A_275 : i32
    %dma_start3A_277 = arith.constant 4 : i32
    %dma_start3A_278 = arith.constant 4 : i32
    %dma_start3A_279 = arith.constant 0 : i32
    %dma_start3A_280 = arith.constant 0 : i32
    %dma_start3A_281 = tpu.memref_slice %arg6[%dma_start3A_277, %dma_start3A_279, %dma_start3A_280] : memref<8x128x64xf32, #tpu.memory_space<vmem>> -> memref<1x128x64xf32, #tpu.memory_space<vmem>>
    %dma_start3A_282 = tpu.memref_squeeze %dma_start3A_281 : memref<1x128x64xf32, #tpu.memory_space<vmem>> -> memref<128x64xf32, #tpu.memory_space<vmem>>
    %dma_start3A_283 = arith.constant 0 : i32
    %dma_start3A_284 = tpu.memref_slice %arg4[%add3A_276, %dma_start3A_283] : memref<819200x64xf32, #tpu.memory_space<hbm>> -> memref<128x64xf32, #tpu.memory_space<hbm>>
    %dma_start3A_285 = tpu.memref_slice %arg8[%dma_start3A_278] : memref<8x!tpu.dma_semaphore, #tpu.memory_space<semaphore_mem>> -> memref<1x!tpu.dma_semaphore, #tpu.memory_space<semaphore_mem>>
    %dma_start3A_286 = tpu.memref_squeeze %dma_start3A_285 : memref<1x!tpu.dma_semaphore, #tpu.memory_space<semaphore_mem>> -> memref<!tpu.dma_semaphore, #tpu.memory_space<semaphore_mem>>
    %dma_start3A_287 = arith.constant 0 : i32
    %dma_start3A_288 = tpu.memref_slice %arg4[%add3A_276, %dma_start3A_287] : memref<819200x64xf32, #tpu.memory_space<hbm>> -> memref<128x64xf32, #tpu.memory_space<hbm>>
    %dma_start3A_289 = arith.constant 0 : i32
    %dma_start3A_290 = arith.constant 0 : i32
    %dma_start3A_291 = tpu.memref_slice %arg6[%dma_start3A_277, %dma_start3A_289, %dma_start3A_290] : memref<8x128x64xf32, #tpu.memory_space<vmem>> -> memref<1x128x64xf32, #tpu.memory_space<vmem>>
    %dma_start3A_292 = tpu.memref_squeeze %dma_start3A_291 : memref<1x128x64xf32, #tpu.memory_space<vmem>> -> memref<128x64xf32, #tpu.memory_space<vmem>>
    tpu.enqueue_dma source(%dma_start3A_292 : memref<128x64xf32, #tpu.memory_space<vmem>>) target(%dma_start3A_288 : memref<128x64xf32, #tpu.memory_space<hbm>>) target_semaphore(%dma_start3A_286 : memref<!tpu.dma_semaphore, #tpu.memory_space<semaphore_mem>>)
    %dma_wait3A_293 = arith.constant 0 : i32
    %dma_wait3A_294 = arith.constant 5 : i32
    %dma_wait3A_295 = arith.constant 5 : i32
    %dma_wait3A_296 = arith.constant 0 : i32
    %dma_wait3A_297 = arith.constant 0 : i32
    %dma_wait3A_298 = tpu.memref_slice %arg6[%dma_wait3A_294, %dma_wait3A_296, %dma_wait3A_297] : memref<8x128x64xf32, #tpu.memory_space<vmem>> -> memref<1x128x64xf32, #tpu.memory_space<vmem>>
    %dma_wait3A_299 = tpu.memref_squeeze %dma_wait3A_298 : memref<1x128x64xf32, #tpu.memory_space<vmem>> -> memref<128x64xf32, #tpu.memory_space<vmem>>
    %dma_wait3A_300 = arith.constant 0 : i32
    %dma_wait3A_301 = tpu.memref_slice %arg5[%dma_wait3A_293, %dma_wait3A_300] : memref<200x128xi32, #tpu.memory_space<vmem>> -> memref<1x128xi32, #tpu.memory_space<vmem>>
    %dma_wait3A_302 = tpu.memref_squeeze %dma_wait3A_301 : memref<1x128xi32, #tpu.memory_space<vmem>> -> memref<128xi32, #tpu.memory_space<vmem>>
    %dma_wait3A_303 = arith.constant 0 : i32
    %dma_wait3A_304 = arith.constant 0 : i32
    %dma_wait3A_305 = tpu.memref_slice %arg2[%dma_wait3A_303, %dma_wait3A_304] : memref<1000000x64xf32, #tpu.memory_space<hbm>> -> memref<1000000x64xf32, #tpu.memory_space<hbm>>
    %dma_wait3A_306 = tpu.memref_slice %arg7[%dma_wait3A_295] : memref<8x!tpu.dma_semaphore, #tpu.memory_space<semaphore_mem>> -> memref<1x!tpu.dma_semaphore, #tpu.memory_space<semaphore_mem>>
    %dma_wait3A_307 = tpu.memref_squeeze %dma_wait3A_306 : memref<1x!tpu.dma_semaphore, #tpu.memory_space<semaphore_mem>> -> memref<!tpu.dma_semaphore, #tpu.memory_space<semaphore_mem>>
    tpu.wait_indirect_dma semaphore(%dma_wait3A_307 : memref<!tpu.dma_semaphore, #tpu.memory_space<semaphore_mem>>) src(%dma_wait3A_305 : memref<1000000x64xf32, #tpu.memory_space<hbm>>) dst(%dma_wait3A_299 : memref<128x64xf32, #tpu.memory_space<vmem>>)
    %add3A_308 = arith.constant 25216 : i32
    %add3A_309 = arith.addi %mul3A_2, %add3A_308 : i32
    %dma_start3A_310 = arith.constant 5 : i32
    %dma_start3A_311 = arith.constant 5 : i32
    %dma_start3A_312 = arith.constant 0 : i32
    %dma_start3A_313 = arith.constant 0 : i32
    %dma_start3A_314 = tpu.memref_slice %arg6[%dma_start3A_310, %dma_start3A_312, %dma_start3A_313] : memref<8x128x64xf32, #tpu.memory_space<vmem>> -> memref<1x128x64xf32, #tpu.memory_space<vmem>>
    %dma_start3A_315 = tpu.memref_squeeze %dma_start3A_314 : memref<1x128x64xf32, #tpu.memory_space<vmem>> -> memref<128x64xf32, #tpu.memory_space<vmem>>
    %dma_start3A_316 = arith.constant 0 : i32
    %dma_start3A_317 = tpu.memref_slice %arg4[%add3A_309, %dma_start3A_316] : memref<819200x64xf32, #tpu.memory_space<hbm>> -> memref<128x64xf32, #tpu.memory_space<hbm>>
    %dma_start3A_318 = tpu.memref_slice %arg8[%dma_start3A_311] : memref<8x!tpu.dma_semaphore, #tpu.memory_space<semaphore_mem>> -> memref<1x!tpu.dma_semaphore, #tpu.memory_space<semaphore_mem>>
    %dma_start3A_319 = tpu.memref_squeeze %dma_start3A_318 : memref<1x!tpu.dma_semaphore, #tpu.memory_space<semaphore_mem>> -> memref<!tpu.dma_semaphore, #tpu.memory_space<semaphore_mem>>
    %dma_start3A_320 = arith.constant 0 : i32
    %dma_start3A_321 = tpu.memref_slice %arg4[%add3A_309, %dma_start3A_320] : memref<819200x64xf32, #tpu.memory_space<hbm>> -> memref<128x64xf32, #tpu.memory_space<hbm>>
    %dma_start3A_322 = arith.constant 0 : i32
    %dma_start3A_323 = arith.constant 0 : i32
    %dma_start3A_324 = tpu.memref_slice %arg6[%dma_start3A_310, %dma_start3A_322, %dma_start3A_323] : memref<8x128x64xf32, #tpu.memory_space<vmem>> -> memref<1x128x64xf32, #tpu.memory_space<vmem>>
    %dma_start3A_325 = tpu.memref_squeeze %dma_start3A_324 : memref<1x128x64xf32, #tpu.memory_space<vmem>> -> memref<128x64xf32, #tpu.memory_space<vmem>>
    tpu.enqueue_dma source(%dma_start3A_325 : memref<128x64xf32, #tpu.memory_space<vmem>>) target(%dma_start3A_321 : memref<128x64xf32, #tpu.memory_space<hbm>>) target_semaphore(%dma_start3A_319 : memref<!tpu.dma_semaphore, #tpu.memory_space<semaphore_mem>>)
    %dma_wait3A_326 = arith.constant 0 : i32
    %dma_wait3A_327 = arith.constant 6 : i32
    %dma_wait3A_328 = arith.constant 6 : i32
    %dma_wait3A_329 = arith.constant 0 : i32
    %dma_wait3A_330 = arith.constant 0 : i32
    %dma_wait3A_331 = tpu.memref_slice %arg6[%dma_wait3A_327, %dma_wait3A_329, %dma_wait3A_330] : memref<8x128x64xf32, #tpu.memory_space<vmem>> -> memref<1x128x64xf32, #tpu.memory_space<vmem>>
    %dma_wait3A_332 = tpu.memref_squeeze %dma_wait3A_331 : memref<1x128x64xf32, #tpu.memory_space<vmem>> -> memref<128x64xf32, #tpu.memory_space<vmem>>
    %dma_wait3A_333 = arith.constant 0 : i32
    %dma_wait3A_334 = tpu.memref_slice %arg5[%dma_wait3A_326, %dma_wait3A_333] : memref<200x128xi32, #tpu.memory_space<vmem>> -> memref<1x128xi32, #tpu.memory_space<vmem>>
    %dma_wait3A_335 = tpu.memref_squeeze %dma_wait3A_334 : memref<1x128xi32, #tpu.memory_space<vmem>> -> memref<128xi32, #tpu.memory_space<vmem>>
    %dma_wait3A_336 = arith.constant 0 : i32
    %dma_wait3A_337 = arith.constant 0 : i32
    %dma_wait3A_338 = tpu.memref_slice %arg2[%dma_wait3A_336, %dma_wait3A_337] : memref<1000000x64xf32, #tpu.memory_space<hbm>> -> memref<1000000x64xf32, #tpu.memory_space<hbm>>
    %dma_wait3A_339 = tpu.memref_slice %arg7[%dma_wait3A_328] : memref<8x!tpu.dma_semaphore, #tpu.memory_space<semaphore_mem>> -> memref<1x!tpu.dma_semaphore, #tpu.memory_space<semaphore_mem>>
    %dma_wait3A_340 = tpu.memref_squeeze %dma_wait3A_339 : memref<1x!tpu.dma_semaphore, #tpu.memory_space<semaphore_mem>> -> memref<!tpu.dma_semaphore, #tpu.memory_space<semaphore_mem>>
    tpu.wait_indirect_dma semaphore(%dma_wait3A_340 : memref<!tpu.dma_semaphore, #tpu.memory_space<semaphore_mem>>) src(%dma_wait3A_338 : memref<1000000x64xf32, #tpu.memory_space<hbm>>) dst(%dma_wait3A_332 : memref<128x64xf32, #tpu.memory_space<vmem>>)
    %add3A_341 = arith.constant 25344 : i32
    %add3A_342 = arith.addi %mul3A_2, %add3A_341 : i32
    %dma_start3A_343 = arith.constant 6 : i32
    %dma_start3A_344 = arith.constant 6 : i32
    %dma_start3A_345 = arith.constant 0 : i32
    %dma_start3A_346 = arith.constant 0 : i32
    %dma_start3A_347 = tpu.memref_slice %arg6[%dma_start3A_343, %dma_start3A_345, %dma_start3A_346] : memref<8x128x64xf32, #tpu.memory_space<vmem>> -> memref<1x128x64xf32, #tpu.memory_space<vmem>>
    %dma_start3A_348 = tpu.memref_squeeze %dma_start3A_347 : memref<1x128x64xf32, #tpu.memory_space<vmem>> -> memref<128x64xf32, #tpu.memory_space<vmem>>
    %dma_start3A_349 = arith.constant 0 : i32
    %dma_start3A_350 = tpu.memref_slice %arg4[%add3A_342, %dma_start3A_349] : memref<819200x64xf32, #tpu.memory_space<hbm>> -> memref<128x64xf32, #tpu.memory_space<hbm>>
    %dma_start3A_351 = tpu.memref_slice %arg8[%dma_start3A_344] : memref<8x!tpu.dma_semaphore, #tpu.memory_space<semaphore_mem>> -> memref<1x!tpu.dma_semaphore, #tpu.memory_space<semaphore_mem>>
    %dma_start3A_352 = tpu.memref_squeeze %dma_start3A_351 : memref<1x!tpu.dma_semaphore, #tpu.memory_space<semaphore_mem>> -> memref<!tpu.dma_semaphore, #tpu.memory_space<semaphore_mem>>
    %dma_start3A_353 = arith.constant 0 : i32
    %dma_start3A_354 = tpu.memref_slice %arg4[%add3A_342, %dma_start3A_353] : memref<819200x64xf32, #tpu.memory_space<hbm>> -> memref<128x64xf32, #tpu.memory_space<hbm>>
    %dma_start3A_355 = arith.constant 0 : i32
    %dma_start3A_356 = arith.constant 0 : i32
    %dma_start3A_357 = tpu.memref_slice %arg6[%dma_start3A_343, %dma_start3A_355, %dma_start3A_356] : memref<8x128x64xf32, #tpu.memory_space<vmem>> -> memref<1x128x64xf32, #tpu.memory_space<vmem>>
    %dma_start3A_358 = tpu.memref_squeeze %dma_start3A_357 : memref<1x128x64xf32, #tpu.memory_space<vmem>> -> memref<128x64xf32, #tpu.memory_space<vmem>>
    tpu.enqueue_dma source(%dma_start3A_358 : memref<128x64xf32, #tpu.memory_space<vmem>>) target(%dma_start3A_354 : memref<128x64xf32, #tpu.memory_space<hbm>>) target_semaphore(%dma_start3A_352 : memref<!tpu.dma_semaphore, #tpu.memory_space<semaphore_mem>>)
    %dma_wait3A_359 = arith.constant 0 : i32
    %dma_wait3A_360 = arith.constant 7 : i32
    %dma_wait3A_361 = arith.constant 7 : i32
    %dma_wait3A_362 = arith.constant 0 : i32
    %dma_wait3A_363 = arith.constant 0 : i32
    %dma_wait3A_364 = tpu.memref_slice %arg6[%dma_wait3A_360, %dma_wait3A_362, %dma_wait3A_363] : memref<8x128x64xf32, #tpu.memory_space<vmem>> -> memref<1x128x64xf32, #tpu.memory_space<vmem>>
    %dma_wait3A_365 = tpu.memref_squeeze %dma_wait3A_364 : memref<1x128x64xf32, #tpu.memory_space<vmem>> -> memref<128x64xf32, #tpu.memory_space<vmem>>
    %dma_wait3A_366 = arith.constant 0 : i32
    %dma_wait3A_367 = tpu.memref_slice %arg5[%dma_wait3A_359, %dma_wait3A_366] : memref<200x128xi32, #tpu.memory_space<vmem>> -> memref<1x128xi32, #tpu.memory_space<vmem>>
    %dma_wait3A_368 = tpu.memref_squeeze %dma_wait3A_367 : memref<1x128xi32, #tpu.memory_space<vmem>> -> memref<128xi32, #tpu.memory_space<vmem>>
    %dma_wait3A_369 = arith.constant 0 : i32
    %dma_wait3A_370 = arith.constant 0 : i32
    %dma_wait3A_371 = tpu.memref_slice %arg2[%dma_wait3A_369, %dma_wait3A_370] : memref<1000000x64xf32, #tpu.memory_space<hbm>> -> memref<1000000x64xf32, #tpu.memory_space<hbm>>
    %dma_wait3A_372 = tpu.memref_slice %arg7[%dma_wait3A_361] : memref<8x!tpu.dma_semaphore, #tpu.memory_space<semaphore_mem>> -> memref<1x!tpu.dma_semaphore, #tpu.memory_space<semaphore_mem>>
    %dma_wait3A_373 = tpu.memref_squeeze %dma_wait3A_372 : memref<1x!tpu.dma_semaphore, #tpu.memory_space<semaphore_mem>> -> memref<!tpu.dma_semaphore, #tpu.memory_space<semaphore_mem>>
    tpu.wait_indirect_dma semaphore(%dma_wait3A_373 : memref<!tpu.dma_semaphore, #tpu.memory_space<semaphore_mem>>) src(%dma_wait3A_371 : memref<1000000x64xf32, #tpu.memory_space<hbm>>) dst(%dma_wait3A_365 : memref<128x64xf32, #tpu.memory_space<vmem>>)
    %add3A_374 = arith.constant 25472 : i32
    %add3A_375 = arith.addi %mul3A_2, %add3A_374 : i32
    %dma_start3A_376 = arith.constant 7 : i32
    %dma_start3A_377 = arith.constant 7 : i32
    %dma_start3A_378 = arith.constant 0 : i32
    %dma_start3A_379 = arith.constant 0 : i32
    %dma_start3A_380 = tpu.memref_slice %arg6[%dma_start3A_376, %dma_start3A_378, %dma_start3A_379] : memref<8x128x64xf32, #tpu.memory_space<vmem>> -> memref<1x128x64xf32, #tpu.memory_space<vmem>>
    %dma_start3A_381 = tpu.memref_squeeze %dma_start3A_380 : memref<1x128x64xf32, #tpu.memory_space<vmem>> -> memref<128x64xf32, #tpu.memory_space<vmem>>
    %dma_start3A_382 = arith.constant 0 : i32
    %dma_start3A_383 = tpu.memref_slice %arg4[%add3A_375, %dma_start3A_382] : memref<819200x64xf32, #tpu.memory_space<hbm>> -> memref<128x64xf32, #tpu.memory_space<hbm>>
    %dma_start3A_384 = tpu.memref_slice %arg8[%dma_start3A_377] : memref<8x!tpu.dma_semaphore, #tpu.memory_space<semaphore_mem>> -> memref<1x!tpu.dma_semaphore, #tpu.memory_space<semaphore_mem>>
    %dma_start3A_385 = tpu.memref_squeeze %dma_start3A_384 : memref<1x!tpu.dma_semaphore, #tpu.memory_space<semaphore_mem>> -> memref<!tpu.dma_semaphore, #tpu.memory_space<semaphore_mem>>
    %dma_start3A_386 = arith.constant 0 : i32
    %dma_start3A_387 = tpu.memref_slice %arg4[%add3A_375, %dma_start3A_386] : memref<819200x64xf32, #tpu.memory_space<hbm>> -> memref<128x64xf32, #tpu.memory_space<hbm>>
    %dma_start3A_388 = arith.constant 0 : i32
    %dma_start3A_389 = arith.constant 0 : i32
    %dma_start3A_390 = tpu.memref_slice %arg6[%dma_start3A_376, %dma_start3A_388, %dma_start3A_389] : memref<8x128x64xf32, #tpu.memory_space<vmem>> -> memref<1x128x64xf32, #tpu.memory_space<vmem>>
    %dma_start3A_391 = tpu.memref_squeeze %dma_start3A_390 : memref<1x128x64xf32, #tpu.memory_space<vmem>> -> memref<128x64xf32, #tpu.memory_space<vmem>>
    tpu.enqueue_dma source(%dma_start3A_391 : memref<128x64xf32, #tpu.memory_space<vmem>>) target(%dma_start3A_387 : memref<128x64xf32, #tpu.memory_space<hbm>>) target_semaphore(%dma_start3A_385 : memref<!tpu.dma_semaphore, #tpu.memory_space<semaphore_mem>>)
    %dma_wait3A_392 = arith.constant 0 : i32
    %dma_wait3A_393 = arith.constant 0 : i32
    %dma_wait3A_394 = arith.constant 0 : i32
    %dma_wait3A_395 = arith.constant 0 : i32
    %dma_wait3A_396 = tpu.memref_slice %arg6[%dma_wait3A_392, %dma_wait3A_394, %dma_wait3A_395] : memref<8x128x64xf32, #tpu.memory_space<vmem>> -> memref<1x128x64xf32, #tpu.memory_space<vmem>>
    %dma_wait3A_397 = tpu.memref_squeeze %dma_wait3A_396 : memref<1x128x64xf32, #tpu.memory_space<vmem>> -> memref<128x64xf32, #tpu.memory_space<vmem>>
    %dma_wait3A_398 = arith.constant 0 : i32
    %dma_wait3A_399 = tpu.memref_slice %arg4[%mul3A_2, %dma_wait3A_398] : memref<819200x64xf32, #tpu.memory_space<hbm>> -> memref<128x64xf32, #tpu.memory_space<hbm>>
    %dma_wait3A_400 = tpu.memref_slice %arg8[%dma_wait3A_393] : memref<8x!tpu.dma_semaphore, #tpu.memory_space<semaphore_mem>> -> memref<1x!tpu.dma_semaphore, #tpu.memory_space<semaphore_mem>>
    %dma_wait3A_401 = tpu.memref_squeeze %dma_wait3A_400 : memref<1x!tpu.dma_semaphore, #tpu.memory_space<semaphore_mem>> -> memref<!tpu.dma_semaphore, #tpu.memory_space<semaphore_mem>>
    %dma_wait3A_402 = arith.constant 0 : i32
    %dma_wait3A_403 = tpu.memref_slice %arg4[%mul3A_2, %dma_wait3A_402] : memref<819200x64xf32, #tpu.memory_space<hbm>> -> memref<128x64xf32, #tpu.memory_space<hbm>>
    %dma_wait3A_404 = arith.constant 0 : i32
    %dma_wait3A_405 = arith.constant 0 : i32
    %dma_wait3A_406 = tpu.memref_slice %arg6[%dma_wait3A_392, %dma_wait3A_404, %dma_wait3A_405] : memref<8x128x64xf32, #tpu.memory_space<vmem>> -> memref<1x128x64xf32, #tpu.memory_space<vmem>>
    %dma_wait3A_407 = tpu.memref_squeeze %dma_wait3A_406 : memref<1x128x64xf32, #tpu.memory_space<vmem>> -> memref<128x64xf32, #tpu.memory_space<vmem>>
    tpu.wait_dma2 semaphore(%dma_wait3A_401 : memref<!tpu.dma_semaphore, #tpu.memory_space<semaphore_mem>>) src(%dma_wait3A_407 : memref<128x64xf32, #tpu.memory_space<vmem>>) dst(%dma_wait3A_403 : memref<128x64xf32, #tpu.memory_space<hbm>>)
    %dma_wait3A_408 = arith.constant 1 : i32
    %dma_wait3A_409 = arith.constant 1 : i32
    %dma_wait3A_410 = arith.constant 0 : i32
    %dma_wait3A_411 = arith.constant 0 : i32
    %dma_wait3A_412 = tpu.memref_slice %arg6[%dma_wait3A_408, %dma_wait3A_410, %dma_wait3A_411] : memref<8x128x64xf32, #tpu.memory_space<vmem>> -> memref<1x128x64xf32, #tpu.memory_space<vmem>>
    %dma_wait3A_413 = tpu.memref_squeeze %dma_wait3A_412 : memref<1x128x64xf32, #tpu.memory_space<vmem>> -> memref<128x64xf32, #tpu.memory_space<vmem>>
    %dma_wait3A_414 = arith.constant 0 : i32
    %dma_wait3A_415 = tpu.memref_slice %arg4[%mul3A_2, %dma_wait3A_414] : memref<819200x64xf32, #tpu.memory_space<hbm>> -> memref<128x64xf32, #tpu.memory_space<hbm>>
    %dma_wait3A_416 = tpu.memref_slice %arg8[%dma_wait3A_409] : memref<8x!tpu.dma_semaphore, #tpu.memory_space<semaphore_mem>> -> memref<1x!tpu.dma_semaphore, #tpu.memory_space<semaphore_mem>>
    %dma_wait3A_417 = tpu.memref_squeeze %dma_wait3A_416 : memref<1x!tpu.dma_semaphore, #tpu.memory_space<semaphore_mem>> -> memref<!tpu.dma_semaphore, #tpu.memory_space<semaphore_mem>>
    %dma_wait3A_418 = arith.constant 0 : i32
    %dma_wait3A_419 = tpu.memref_slice %arg4[%mul3A_2, %dma_wait3A_418] : memref<819200x64xf32, #tpu.memory_space<hbm>> -> memref<128x64xf32, #tpu.memory_space<hbm>>
    %dma_wait3A_420 = arith.constant 0 : i32
    %dma_wait3A_421 = arith.constant 0 : i32
    %dma_wait3A_422 = tpu.memref_slice %arg6[%dma_wait3A_408, %dma_wait3A_420, %dma_wait3A_421] : memref<8x128x64xf32, #tpu.memory_space<vmem>> -> memref<1x128x64xf32, #tpu.memory_space<vmem>>
    %dma_wait3A_423 = tpu.memref_squeeze %dma_wait3A_422 : memref<1x128x64xf32, #tpu.memory_space<vmem>> -> memref<128x64xf32, #tpu.memory_space<vmem>>
    tpu.wait_dma2 semaphore(%dma_wait3A_417 : memref<!tpu.dma_semaphore, #tpu.memory_space<semaphore_mem>>) src(%dma_wait3A_423 : memref<128x64xf32, #tpu.memory_space<vmem>>) dst(%dma_wait3A_419 : memref<128x64xf32, #tpu.memory_space<hbm>>)
    %dma_wait3A_424 = arith.constant 2 : i32
    %dma_wait3A_425 = arith.constant 2 : i32
    %dma_wait3A_426 = arith.constant 0 : i32
    %dma_wait3A_427 = arith.constant 0 : i32
    %dma_wait3A_428 = tpu.memref_slice %arg6[%dma_wait3A_424, %dma_wait3A_426, %dma_wait3A_427] : memref<8x128x64xf32, #tpu.memory_space<vmem>> -> memref<1x128x64xf32, #tpu.memory_space<vmem>>
    %dma_wait3A_429 = tpu.memref_squeeze %dma_wait3A_428 : memref<1x128x64xf32, #tpu.memory_space<vmem>> -> memref<128x64xf32, #tpu.memory_space<vmem>>
    %dma_wait3A_430 = arith.constant 0 : i32
    %dma_wait3A_431 = tpu.memref_slice %arg4[%mul3A_2, %dma_wait3A_430] : memref<819200x64xf32, #tpu.memory_space<hbm>> -> memref<128x64xf32, #tpu.memory_space<hbm>>
    %dma_wait3A_432 = tpu.memref_slice %arg8[%dma_wait3A_425] : memref<8x!tpu.dma_semaphore, #tpu.memory_space<semaphore_mem>> -> memref<1x!tpu.dma_semaphore, #tpu.memory_space<semaphore_mem>>
    %dma_wait3A_433 = tpu.memref_squeeze %dma_wait3A_432 : memref<1x!tpu.dma_semaphore, #tpu.memory_space<semaphore_mem>> -> memref<!tpu.dma_semaphore, #tpu.memory_space<semaphore_mem>>
    %dma_wait3A_434 = arith.constant 0 : i32
    %dma_wait3A_435 = tpu.memref_slice %arg4[%mul3A_2, %dma_wait3A_434] : memref<819200x64xf32, #tpu.memory_space<hbm>> -> memref<128x64xf32, #tpu.memory_space<hbm>>
    %dma_wait3A_436 = arith.constant 0 : i32
    %dma_wait3A_437 = arith.constant 0 : i32
    %dma_wait3A_438 = tpu.memref_slice %arg6[%dma_wait3A_424, %dma_wait3A_436, %dma_wait3A_437] : memref<8x128x64xf32, #tpu.memory_space<vmem>> -> memref<1x128x64xf32, #tpu.memory_space<vmem>>
    %dma_wait3A_439 = tpu.memref_squeeze %dma_wait3A_438 : memref<1x128x64xf32, #tpu.memory_space<vmem>> -> memref<128x64xf32, #tpu.memory_space<vmem>>
    tpu.wait_dma2 semaphore(%dma_wait3A_433 : memref<!tpu.dma_semaphore, #tpu.memory_space<semaphore_mem>>) src(%dma_wait3A_439 : memref<128x64xf32, #tpu.memory_space<vmem>>) dst(%dma_wait3A_435 : memref<128x64xf32, #tpu.memory_space<hbm>>)
    %dma_wait3A_440 = arith.constant 3 : i32
    %dma_wait3A_441 = arith.constant 3 : i32
    %dma_wait3A_442 = arith.constant 0 : i32
    %dma_wait3A_443 = arith.constant 0 : i32
    %dma_wait3A_444 = tpu.memref_slice %arg6[%dma_wait3A_440, %dma_wait3A_442, %dma_wait3A_443] : memref<8x128x64xf32, #tpu.memory_space<vmem>> -> memref<1x128x64xf32, #tpu.memory_space<vmem>>
    %dma_wait3A_445 = tpu.memref_squeeze %dma_wait3A_444 : memref<1x128x64xf32, #tpu.memory_space<vmem>> -> memref<128x64xf32, #tpu.memory_space<vmem>>
    %dma_wait3A_446 = arith.constant 0 : i32
    %dma_wait3A_447 = tpu.memref_slice %arg4[%mul3A_2, %dma_wait3A_446] : memref<819200x64xf32, #tpu.memory_space<hbm>> -> memref<128x64xf32, #tpu.memory_space<hbm>>
    %dma_wait3A_448 = tpu.memref_slice %arg8[%dma_wait3A_441] : memref<8x!tpu.dma_semaphore, #tpu.memory_space<semaphore_mem>> -> memref<1x!tpu.dma_semaphore, #tpu.memory_space<semaphore_mem>>
    %dma_wait3A_449 = tpu.memref_squeeze %dma_wait3A_448 : memref<1x!tpu.dma_semaphore, #tpu.memory_space<semaphore_mem>> -> memref<!tpu.dma_semaphore, #tpu.memory_space<semaphore_mem>>
    %dma_wait3A_450 = arith.constant 0 : i32
    %dma_wait3A_451 = tpu.memref_slice %arg4[%mul3A_2, %dma_wait3A_450] : memref<819200x64xf32, #tpu.memory_space<hbm>> -> memref<128x64xf32, #tpu.memory_space<hbm>>
    %dma_wait3A_452 = arith.constant 0 : i32
    %dma_wait3A_453 = arith.constant 0 : i32
    %dma_wait3A_454 = tpu.memref_slice %arg6[%dma_wait3A_440, %dma_wait3A_452, %dma_wait3A_453] : memref<8x128x64xf32, #tpu.memory_space<vmem>> -> memref<1x128x64xf32, #tpu.memory_space<vmem>>
    %dma_wait3A_455 = tpu.memref_squeeze %dma_wait3A_454 : memref<1x128x64xf32, #tpu.memory_space<vmem>> -> memref<128x64xf32, #tpu.memory_space<vmem>>
    tpu.wait_dma2 semaphore(%dma_wait3A_449 : memref<!tpu.dma_semaphore, #tpu.memory_space<semaphore_mem>>) src(%dma_wait3A_455 : memref<128x64xf32, #tpu.memory_space<vmem>>) dst(%dma_wait3A_451 : memref<128x64xf32, #tpu.memory_space<hbm>>)
    %dma_wait3A_456 = arith.constant 4 : i32
    %dma_wait3A_457 = arith.constant 4 : i32
    %dma_wait3A_458 = arith.constant 0 : i32
    %dma_wait3A_459 = arith.constant 0 : i32
    %dma_wait3A_460 = tpu.memref_slice %arg6[%dma_wait3A_456, %dma_wait3A_458, %dma_wait3A_459] : memref<8x128x64xf32, #tpu.memory_space<vmem>> -> memref<1x128x64xf32, #tpu.memory_space<vmem>>
    %dma_wait3A_461 = tpu.memref_squeeze %dma_wait3A_460 : memref<1x128x64xf32, #tpu.memory_space<vmem>> -> memref<128x64xf32, #tpu.memory_space<vmem>>
    %dma_wait3A_462 = arith.constant 0 : i32
    %dma_wait3A_463 = tpu.memref_slice %arg4[%mul3A_2, %dma_wait3A_462] : memref<819200x64xf32, #tpu.memory_space<hbm>> -> memref<128x64xf32, #tpu.memory_space<hbm>>
    %dma_wait3A_464 = tpu.memref_slice %arg8[%dma_wait3A_457] : memref<8x!tpu.dma_semaphore, #tpu.memory_space<semaphore_mem>> -> memref<1x!tpu.dma_semaphore, #tpu.memory_space<semaphore_mem>>
    %dma_wait3A_465 = tpu.memref_squeeze %dma_wait3A_464 : memref<1x!tpu.dma_semaphore, #tpu.memory_space<semaphore_mem>> -> memref<!tpu.dma_semaphore, #tpu.memory_space<semaphore_mem>>
    %dma_wait3A_466 = arith.constant 0 : i32
    %dma_wait3A_467 = tpu.memref_slice %arg4[%mul3A_2, %dma_wait3A_466] : memref<819200x64xf32, #tpu.memory_space<hbm>> -> memref<128x64xf32, #tpu.memory_space<hbm>>
    %dma_wait3A_468 = arith.constant 0 : i32
    %dma_wait3A_469 = arith.constant 0 : i32
    %dma_wait3A_470 = tpu.memref_slice %arg6[%dma_wait3A_456, %dma_wait3A_468, %dma_wait3A_469] : memref<8x128x64xf32, #tpu.memory_space<vmem>> -> memref<1x128x64xf32, #tpu.memory_space<vmem>>
    %dma_wait3A_471 = tpu.memref_squeeze %dma_wait3A_470 : memref<1x128x64xf32, #tpu.memory_space<vmem>> -> memref<128x64xf32, #tpu.memory_space<vmem>>
    tpu.wait_dma2 semaphore(%dma_wait3A_465 : memref<!tpu.dma_semaphore, #tpu.memory_space<semaphore_mem>>) src(%dma_wait3A_471 : memref<128x64xf32, #tpu.memory_space<vmem>>) dst(%dma_wait3A_467 : memref<128x64xf32, #tpu.memory_space<hbm>>)
    %dma_wait3A_472 = arith.constant 5 : i32
    %dma_wait3A_473 = arith.constant 5 : i32
    %dma_wait3A_474 = arith.constant 0 : i32
    %dma_wait3A_475 = arith.constant 0 : i32
    %dma_wait3A_476 = tpu.memref_slice %arg6[%dma_wait3A_472, %dma_wait3A_474, %dma_wait3A_475] : memref<8x128x64xf32, #tpu.memory_space<vmem>> -> memref<1x128x64xf32, #tpu.memory_space<vmem>>
    %dma_wait3A_477 = tpu.memref_squeeze %dma_wait3A_476 : memref<1x128x64xf32, #tpu.memory_space<vmem>> -> memref<128x64xf32, #tpu.memory_space<vmem>>
    %dma_wait3A_478 = arith.constant 0 : i32
    %dma_wait3A_479 = tpu.memref_slice %arg4[%mul3A_2, %dma_wait3A_478] : memref<819200x64xf32, #tpu.memory_space<hbm>> -> memref<128x64xf32, #tpu.memory_space<hbm>>
    %dma_wait3A_480 = tpu.memref_slice %arg8[%dma_wait3A_473] : memref<8x!tpu.dma_semaphore, #tpu.memory_space<semaphore_mem>> -> memref<1x!tpu.dma_semaphore, #tpu.memory_space<semaphore_mem>>
    %dma_wait3A_481 = tpu.memref_squeeze %dma_wait3A_480 : memref<1x!tpu.dma_semaphore, #tpu.memory_space<semaphore_mem>> -> memref<!tpu.dma_semaphore, #tpu.memory_space<semaphore_mem>>
    %dma_wait3A_482 = arith.constant 0 : i32
    %dma_wait3A_483 = tpu.memref_slice %arg4[%mul3A_2, %dma_wait3A_482] : memref<819200x64xf32, #tpu.memory_space<hbm>> -> memref<128x64xf32, #tpu.memory_space<hbm>>
    %dma_wait3A_484 = arith.constant 0 : i32
    %dma_wait3A_485 = arith.constant 0 : i32
    %dma_wait3A_486 = tpu.memref_slice %arg6[%dma_wait3A_472, %dma_wait3A_484, %dma_wait3A_485] : memref<8x128x64xf32, #tpu.memory_space<vmem>> -> memref<1x128x64xf32, #tpu.memory_space<vmem>>
    %dma_wait3A_487 = tpu.memref_squeeze %dma_wait3A_486 : memref<1x128x64xf32, #tpu.memory_space<vmem>> -> memref<128x64xf32, #tpu.memory_space<vmem>>
    tpu.wait_dma2 semaphore(%dma_wait3A_481 : memref<!tpu.dma_semaphore, #tpu.memory_space<semaphore_mem>>) src(%dma_wait3A_487 : memref<128x64xf32, #tpu.memory_space<vmem>>) dst(%dma_wait3A_483 : memref<128x64xf32, #tpu.memory_space<hbm>>)
    %dma_wait3A_488 = arith.constant 6 : i32
    %dma_wait3A_489 = arith.constant 6 : i32
    %dma_wait3A_490 = arith.constant 0 : i32
    %dma_wait3A_491 = arith.constant 0 : i32
    %dma_wait3A_492 = tpu.memref_slice %arg6[%dma_wait3A_488, %dma_wait3A_490, %dma_wait3A_491] : memref<8x128x64xf32, #tpu.memory_space<vmem>> -> memref<1x128x64xf32, #tpu.memory_space<vmem>>
    %dma_wait3A_493 = tpu.memref_squeeze %dma_wait3A_492 : memref<1x128x64xf32, #tpu.memory_space<vmem>> -> memref<128x64xf32, #tpu.memory_space<vmem>>
    %dma_wait3A_494 = arith.constant 0 : i32
    %dma_wait3A_495 = tpu.memref_slice %arg4[%mul3A_2, %dma_wait3A_494] : memref<819200x64xf32, #tpu.memory_space<hbm>> -> memref<128x64xf32, #tpu.memory_space<hbm>>
    %dma_wait3A_496 = tpu.memref_slice %arg8[%dma_wait3A_489] : memref<8x!tpu.dma_semaphore, #tpu.memory_space<semaphore_mem>> -> memref<1x!tpu.dma_semaphore, #tpu.memory_space<semaphore_mem>>
    %dma_wait3A_497 = tpu.memref_squeeze %dma_wait3A_496 : memref<1x!tpu.dma_semaphore, #tpu.memory_space<semaphore_mem>> -> memref<!tpu.dma_semaphore, #tpu.memory_space<semaphore_mem>>
    %dma_wait3A_498 = arith.constant 0 : i32
    %dma_wait3A_499 = tpu.memref_slice %arg4[%mul3A_2, %dma_wait3A_498] : memref<819200x64xf32, #tpu.memory_space<hbm>> -> memref<128x64xf32, #tpu.memory_space<hbm>>
    %dma_wait3A_500 = arith.constant 0 : i32
    %dma_wait3A_501 = arith.constant 0 : i32
    %dma_wait3A_502 = tpu.memref_slice %arg6[%dma_wait3A_488, %dma_wait3A_500, %dma_wait3A_501] : memref<8x128x64xf32, #tpu.memory_space<vmem>> -> memref<1x128x64xf32, #tpu.memory_space<vmem>>
    %dma_wait3A_503 = tpu.memref_squeeze %dma_wait3A_502 : memref<1x128x64xf32, #tpu.memory_space<vmem>> -> memref<128x64xf32, #tpu.memory_space<vmem>>
    tpu.wait_dma2 semaphore(%dma_wait3A_497 : memref<!tpu.dma_semaphore, #tpu.memory_space<semaphore_mem>>) src(%dma_wait3A_503 : memref<128x64xf32, #tpu.memory_space<vmem>>) dst(%dma_wait3A_499 : memref<128x64xf32, #tpu.memory_space<hbm>>)
    %dma_wait3A_504 = arith.constant 7 : i32
    %dma_wait3A_505 = arith.constant 7 : i32
    %dma_wait3A_506 = arith.constant 0 : i32
    %dma_wait3A_507 = arith.constant 0 : i32
    %dma_wait3A_508 = tpu.memref_slice %arg6[%dma_wait3A_504, %dma_wait3A_506, %dma_wait3A_507] : memref<8x128x64xf32, #tpu.memory_space<vmem>> -> memref<1x128x64xf32, #tpu.memory_space<vmem>>
    %dma_wait3A_509 = tpu.memref_squeeze %dma_wait3A_508 : memref<1x128x64xf32, #tpu.memory_space<vmem>> -> memref<128x64xf32, #tpu.memory_space<vmem>>
    %dma_wait3A_510 = arith.constant 0 : i32
    %dma_wait3A_511 = tpu.memref_slice %arg4[%mul3A_2, %dma_wait3A_510] : memref<819200x64xf32, #tpu.memory_space<hbm>> -> memref<128x64xf32, #tpu.memory_space<hbm>>
    %dma_wait3A_512 = tpu.memref_slice %arg8[%dma_wait3A_505] : memref<8x!tpu.dma_semaphore, #tpu.memory_space<semaphore_mem>> -> memref<1x!tpu.dma_semaphore, #tpu.memory_space<semaphore_mem>>
    %dma_wait3A_513 = tpu.memref_squeeze %dma_wait3A_512 : memref<1x!tpu.dma_semaphore, #tpu.memory_space<semaphore_mem>> -> memref<!tpu.dma_semaphore, #tpu.memory_space<semaphore_mem>>
    %dma_wait3A_514 = arith.constant 0 : i32
    %dma_wait3A_515 = tpu.memref_slice %arg4[%mul3A_2, %dma_wait3A_514] : memref<819200x64xf32, #tpu.memory_space<hbm>> -> memref<128x64xf32, #tpu.memory_space<hbm>>
    %dma_wait3A_516 = arith.constant 0 : i32
    %dma_wait3A_517 = arith.constant 0 : i32
    %dma_wait3A_518 = tpu.memref_slice %arg6[%dma_wait3A_504, %dma_wait3A_516, %dma_wait3A_517] : memref<8x128x64xf32, #tpu.memory_space<vmem>> -> memref<1x128x64xf32, #tpu.memory_space<vmem>>
    %dma_wait3A_519 = tpu.memref_squeeze %dma_wait3A_518 : memref<1x128x64xf32, #tpu.memory_space<vmem>> -> memref<128x64xf32, #tpu.memory_space<vmem>>
    tpu.wait_dma2 semaphore(%dma_wait3A_513 : memref<!tpu.dma_semaphore, #tpu.memory_space<semaphore_mem>>) src(%dma_wait3A_519 : memref<128x64xf32, #tpu.memory_space<vmem>>) dst(%dma_wait3A_515 : memref<128x64xf32, #tpu.memory_space<hbm>>)
    return
  }
}

#map = affine_map<(d0, d1) -> (0, 0)>
module attributes {stable_mosaic.version = 14 : i64} {
  func.func @_embed_lookup(%arg0: i32, %arg1: i32, %arg2: memref<1000000x64xf32, #tpu.memory_space<hbm>>, %arg3: memref<6400x128xi32, #tpu.memory_space<hbm>>, %arg4: memref<819200x64xf32, #tpu.memory_space<hbm>>, %arg5: memref<200x128xi32, #tpu.memory_space<vmem>>, %arg6: memref<8x128x64xf32, #tpu.memory_space<vmem>>, %arg7: memref<8x!tpu.dma_semaphore, #tpu.memory_space<semaphore_mem>>, %arg8: memref<8x!tpu.dma_semaphore, #tpu.memory_space<semaphore_mem>>) attributes {dimension_semantics = [#tpu.dimension_semantics<core_parallel>, #tpu.dimension_semantics<subcore_parallel>], iteration_bounds = array<i64: 2, 16>, scalar_prefetch = 0 : i64, scratch_operands = 4 : i64, tpu.core_type = #tpu.core_type<sc_vector_subcore>, window_params = [{transform_indices = #map}, {transform_indices = #map}, {transform_indices = #map}]} {
    %mul3A = arith.constant 2 : i32
    %mul3A_0 = arith.muli %arg1, %mul3A : i32
    %add3A = arith.addi %mul3A_0, %arg0 : i32
    %mul3A_1 = arith.constant 25600 : i32
    %mul3A_2 = arith.muli %add3A, %mul3A_1 : i32
    %mul3A_3 = arith.constant 200 : i32
    %mul3A_4 = arith.muli %add3A, %mul3A_3 : i32
    "tpu.region"() ({
      %run_scoped3A = tpu.sem_alloc : memref<!tpu.dma_semaphore, #tpu.memory_space<semaphore_mem>>
      %dma_start3A_520 = arith.constant 0 : i32
      %dma_start3A_521 = tpu.memref_slice %arg3[%mul3A_4, %dma_start3A_520] : memref<6400x128xi32, #tpu.memory_space<hbm>> -> memref<200x128xi32, #tpu.memory_space<hbm>>
      %dma_start3A_522 = arith.constant 0 : i32
      %dma_start3A_523 = tpu.memref_slice %arg3[%mul3A_4, %dma_start3A_522] : memref<6400x128xi32, #tpu.memory_space<hbm>> -> memref<200x128xi32, #tpu.memory_space<hbm>>
      tpu.enqueue_dma source(%dma_start3A_523 : memref<200x128xi32, #tpu.memory_space<hbm>>) target(%arg5 : memref<200x128xi32, #tpu.memory_space<vmem>>) target_semaphore(%run_scoped3A : memref<!tpu.dma_semaphore, #tpu.memory_space<semaphore_mem>>)
      %dma_wait3A_524 = arith.constant 0 : i32
      %dma_wait3A_525 = tpu.memref_slice %arg3[%mul3A_4, %dma_wait3A_524] : memref<6400x128xi32, #tpu.memory_space<hbm>> -> memref<200x128xi32, #tpu.memory_space<hbm>>
      %dma_wait3A_526 = arith.constant 0 : i32
      %dma_wait3A_527 = tpu.memref_slice %arg3[%mul3A_4, %dma_wait3A_526] : memref<6400x128xi32, #tpu.memory_space<hbm>> -> memref<200x128xi32, #tpu.memory_space<hbm>>
      tpu.wait_dma2 semaphore(%run_scoped3A : memref<!tpu.dma_semaphore, #tpu.memory_space<semaphore_mem>>) src(%dma_wait3A_527 : memref<200x128xi32, #tpu.memory_space<hbm>>) dst(%arg5 : memref<200x128xi32, #tpu.memory_space<vmem>>)
      tpu.yield
    }) : () -> ()
    %dma_start3A = arith.constant 0 : i32
    %dma_start3A_5 = arith.constant 0 : i32
    %dma_start3A_6 = arith.constant 0 : i32
    %dma_start3A_7 = arith.constant 0 : i32
    %dma_start3A_8 = arith.constant 0 : i32
    %dma_start3A_9 = tpu.memref_slice %arg6[%dma_start3A_5, %dma_start3A_7, %dma_start3A_8] : memref<8x128x64xf32, #tpu.memory_space<vmem>> -> memref<1x128x64xf32, #tpu.memory_space<vmem>>
    %dma_start3A_10 = tpu.memref_squeeze %dma_start3A_9 : memref<1x128x64xf32, #tpu.memory_space<vmem>> -> memref<128x64xf32, #tpu.memory_space<vmem>>
    %dma_start3A_11 = arith.constant 0 : i32
    %dma_start3A_12 = tpu.memref_slice %arg5[%dma_start3A, %dma_start3A_11] : memref<200x128xi32, #tpu.memory_space<vmem>> -> memref<1x128xi32, #tpu.memory_space<vmem>>
    %dma_start3A_13 = tpu.memref_squeeze %dma_start3A_12 : memref<1x128xi32, #tpu.memory_space<vmem>> -> memref<128xi32, #tpu.memory_space<vmem>>
    %dma_start3A_14 = arith.constant 0 : i32
    %dma_start3A_15 = arith.constant 0 : i32
    %dma_start3A_16 = tpu.memref_slice %arg2[%dma_start3A_14, %dma_start3A_15] : memref<1000000x64xf32, #tpu.memory_space<hbm>> -> memref<1000000x64xf32, #tpu.memory_space<hbm>>
    %dma_start3A_17 = tpu.memref_slice %arg7[%dma_start3A_6] : memref<8x!tpu.dma_semaphore, #tpu.memory_space<semaphore_mem>> -> memref<1x!tpu.dma_semaphore, #tpu.memory_space<semaphore_mem>>
    %dma_start3A_18 = tpu.memref_squeeze %dma_start3A_17 : memref<1x!tpu.dma_semaphore, #tpu.memory_space<semaphore_mem>> -> memref<!tpu.dma_semaphore, #tpu.memory_space<semaphore_mem>>
    tpu.enqueue_indirect_dma source(%dma_start3A_16 : memref<1000000x64xf32, #tpu.memory_space<hbm>>) target(%dma_start3A_10 : memref<128x64xf32, #tpu.memory_space<vmem>>) offsets(%dma_start3A_13 : memref<128xi32, #tpu.memory_space<vmem>>) semaphore(%dma_start3A_18 : memref<!tpu.dma_semaphore, #tpu.memory_space<semaphore_mem>>)
    %dma_start3A_19 = arith.constant 1 : i32
    %dma_start3A_20 = arith.constant 1 : i32
    %dma_start3A_21 = arith.constant 1 : i32
    %dma_start3A_22 = arith.constant 0 : i32
    %dma_start3A_23 = arith.constant 0 : i32
    %dma_start3A_24 = tpu.memref_slice %arg6[%dma_start3A_20, %dma_start3A_22, %dma_start3A_23] : memref<8x128x64xf32, #tpu.memory_space<vmem>> -> memref<1x128x64xf32, #tpu.memory_space<vmem>>
    %dma_start3A_25 = tpu.memref_squeeze %dma_start3A_24 : memref<1x128x64xf32, #tpu.memory_space<vmem>> -> memref<128x64xf32, #tpu.memory_space<vmem>>
    %dma_start3A_26 = arith.constant 0 : i32
    %dma_start3A_27 = tpu.memref_slice %arg5[%dma_start3A_19, %dma_start3A_26] : memref<200x128xi32, #tpu.memory_space<vmem>> -> memref<1x128xi32, #tpu.memory_space<vmem>>
    %dma_start3A_28 = tpu.memref_squeeze %dma_start3A_27 : memref<1x128xi32, #tpu.memory_space<vmem>> -> memref<128xi32, #tpu.memory_space<vmem>>
    %dma_start3A_29 = arith.constant 0 : i32
    %dma_start3A_30 = arith.constant 0 : i32
    %dma_start3A_31 = tpu.memref_slice %arg2[%dma_start3A_29, %dma_start3A_30] : memref<1000000x64xf32, #tpu.memory_space<hbm>> -> memref<1000000x64xf32, #tpu.memory_space<hbm>>
    %dma_start3A_32 = tpu.memref_slice %arg7[%dma_start3A_21] : memref<8x!tpu.dma_semaphore, #tpu.memory_space<semaphore_mem>> -> memref<1x!tpu.dma_semaphore, #tpu.memory_space<semaphore_mem>>
    %dma_start3A_33 = tpu.memref_squeeze %dma_start3A_32 : memref<1x!tpu.dma_semaphore, #tpu.memory_space<semaphore_mem>> -> memref<!tpu.dma_semaphore, #tpu.memory_space<semaphore_mem>>
    tpu.enqueue_indirect_dma source(%dma_start3A_31 : memref<1000000x64xf32, #tpu.memory_space<hbm>>) target(%dma_start3A_25 : memref<128x64xf32, #tpu.memory_space<vmem>>) offsets(%dma_start3A_28 : memref<128xi32, #tpu.memory_space<vmem>>) semaphore(%dma_start3A_33 : memref<!tpu.dma_semaphore, #tpu.memory_space<semaphore_mem>>)
    %dma_start3A_34 = arith.constant 2 : i32
    %dma_start3A_35 = arith.constant 2 : i32
    %dma_start3A_36 = arith.constant 2 : i32
    %dma_start3A_37 = arith.constant 0 : i32
    %dma_start3A_38 = arith.constant 0 : i32
    %dma_start3A_39 = tpu.memref_slice %arg6[%dma_start3A_35, %dma_start3A_37, %dma_start3A_38] : memref<8x128x64xf32, #tpu.memory_space<vmem>> -> memref<1x128x64xf32, #tpu.memory_space<vmem>>
    %dma_start3A_40 = tpu.memref_squeeze %dma_start3A_39 : memref<1x128x64xf32, #tpu.memory_space<vmem>> -> memref<128x64xf32, #tpu.memory_space<vmem>>
    %dma_start3A_41 = arith.constant 0 : i32
    %dma_start3A_42 = tpu.memref_slice %arg5[%dma_start3A_34, %dma_start3A_41] : memref<200x128xi32, #tpu.memory_space<vmem>> -> memref<1x128xi32, #tpu.memory_space<vmem>>
    %dma_start3A_43 = tpu.memref_squeeze %dma_start3A_42 : memref<1x128xi32, #tpu.memory_space<vmem>> -> memref<128xi32, #tpu.memory_space<vmem>>
    %dma_start3A_44 = arith.constant 0 : i32
    %dma_start3A_45 = arith.constant 0 : i32
    %dma_start3A_46 = tpu.memref_slice %arg2[%dma_start3A_44, %dma_start3A_45] : memref<1000000x64xf32, #tpu.memory_space<hbm>> -> memref<1000000x64xf32, #tpu.memory_space<hbm>>
    %dma_start3A_47 = tpu.memref_slice %arg7[%dma_start3A_36] : memref<8x!tpu.dma_semaphore, #tpu.memory_space<semaphore_mem>> -> memref<1x!tpu.dma_semaphore, #tpu.memory_space<semaphore_mem>>
    %dma_start3A_48 = tpu.memref_squeeze %dma_start3A_47 : memref<1x!tpu.dma_semaphore, #tpu.memory_space<semaphore_mem>> -> memref<!tpu.dma_semaphore, #tpu.memory_space<semaphore_mem>>
    tpu.enqueue_indirect_dma source(%dma_start3A_46 : memref<1000000x64xf32, #tpu.memory_space<hbm>>) target(%dma_start3A_40 : memref<128x64xf32, #tpu.memory_space<vmem>>) offsets(%dma_start3A_43 : memref<128xi32, #tpu.memory_space<vmem>>) semaphore(%dma_start3A_48 : memref<!tpu.dma_semaphore, #tpu.memory_space<semaphore_mem>>)
    %dma_start3A_49 = arith.constant 3 : i32
    %dma_start3A_50 = arith.constant 3 : i32
    %dma_start3A_51 = arith.constant 3 : i32
    %dma_start3A_52 = arith.constant 0 : i32
    %dma_start3A_53 = arith.constant 0 : i32
    %dma_start3A_54 = tpu.memref_slice %arg6[%dma_start3A_50, %dma_start3A_52, %dma_start3A_53] : memref<8x128x64xf32, #tpu.memory_space<vmem>> -> memref<1x128x64xf32, #tpu.memory_space<vmem>>
    %dma_start3A_55 = tpu.memref_squeeze %dma_start3A_54 : memref<1x128x64xf32, #tpu.memory_space<vmem>> -> memref<128x64xf32, #tpu.memory_space<vmem>>
    %dma_start3A_56 = arith.constant 0 : i32
    %dma_start3A_57 = tpu.memref_slice %arg5[%dma_start3A_49, %dma_start3A_56] : memref<200x128xi32, #tpu.memory_space<vmem>> -> memref<1x128xi32, #tpu.memory_space<vmem>>
    %dma_start3A_58 = tpu.memref_squeeze %dma_start3A_57 : memref<1x128xi32, #tpu.memory_space<vmem>> -> memref<128xi32, #tpu.memory_space<vmem>>
    %dma_start3A_59 = arith.constant 0 : i32
    %dma_start3A_60 = arith.constant 0 : i32
    %dma_start3A_61 = tpu.memref_slice %arg2[%dma_start3A_59, %dma_start3A_60] : memref<1000000x64xf32, #tpu.memory_space<hbm>> -> memref<1000000x64xf32, #tpu.memory_space<hbm>>
    %dma_start3A_62 = tpu.memref_slice %arg7[%dma_start3A_51] : memref<8x!tpu.dma_semaphore, #tpu.memory_space<semaphore_mem>> -> memref<1x!tpu.dma_semaphore, #tpu.memory_space<semaphore_mem>>
    %dma_start3A_63 = tpu.memref_squeeze %dma_start3A_62 : memref<1x!tpu.dma_semaphore, #tpu.memory_space<semaphore_mem>> -> memref<!tpu.dma_semaphore, #tpu.memory_space<semaphore_mem>>
    tpu.enqueue_indirect_dma source(%dma_start3A_61 : memref<1000000x64xf32, #tpu.memory_space<hbm>>) target(%dma_start3A_55 : memref<128x64xf32, #tpu.memory_space<vmem>>) offsets(%dma_start3A_58 : memref<128xi32, #tpu.memory_space<vmem>>) semaphore(%dma_start3A_63 : memref<!tpu.dma_semaphore, #tpu.memory_space<semaphore_mem>>)
    %dma_wait3A = arith.constant 0 : i32
    %dma_wait3A_64 = arith.constant 0 : i32
    %dma_wait3A_65 = arith.constant 0 : i32
    %dma_wait3A_66 = arith.constant 0 : i32
    %dma_wait3A_67 = arith.constant 0 : i32
    %dma_wait3A_68 = tpu.memref_slice %arg6[%dma_wait3A_64, %dma_wait3A_66, %dma_wait3A_67] : memref<8x128x64xf32, #tpu.memory_space<vmem>> -> memref<1x128x64xf32, #tpu.memory_space<vmem>>
    %dma_wait3A_69 = tpu.memref_squeeze %dma_wait3A_68 : memref<1x128x64xf32, #tpu.memory_space<vmem>> -> memref<128x64xf32, #tpu.memory_space<vmem>>
    %dma_wait3A_70 = arith.constant 0 : i32
    %dma_wait3A_71 = tpu.memref_slice %arg5[%dma_wait3A, %dma_wait3A_70] : memref<200x128xi32, #tpu.memory_space<vmem>> -> memref<1x128xi32, #tpu.memory_space<vmem>>
    %dma_wait3A_72 = tpu.memref_squeeze %dma_wait3A_71 : memref<1x128xi32, #tpu.memory_space<vmem>> -> memref<128xi32, #tpu.memory_space<vmem>>
    %dma_wait3A_73 = arith.constant 0 : i32
    %dma_wait3A_74 = arith.constant 0 : i32
    %dma_wait3A_75 = tpu.memref_slice %arg2[%dma_wait3A_73, %dma_wait3A_74] : memref<1000000x64xf32, #tpu.memory_space<hbm>> -> memref<1000000x64xf32, #tpu.memory_space<hbm>>
    %dma_wait3A_76 = tpu.memref_slice %arg7[%dma_wait3A_65] : memref<8x!tpu.dma_semaphore, #tpu.memory_space<semaphore_mem>> -> memref<1x!tpu.dma_semaphore, #tpu.memory_space<semaphore_mem>>
    %dma_wait3A_77 = tpu.memref_squeeze %dma_wait3A_76 : memref<1x!tpu.dma_semaphore, #tpu.memory_space<semaphore_mem>> -> memref<!tpu.dma_semaphore, #tpu.memory_space<semaphore_mem>>
    tpu.wait_indirect_dma semaphore(%dma_wait3A_77 : memref<!tpu.dma_semaphore, #tpu.memory_space<semaphore_mem>>) src(%dma_wait3A_75 : memref<1000000x64xf32, #tpu.memory_space<hbm>>) dst(%dma_wait3A_69 : memref<128x64xf32, #tpu.memory_space<vmem>>)
    %add3A_78 = arith.constant 0 : i32
    %add3A_79 = arith.addi %mul3A_2, %add3A_78 : i32
    %dma_start3A_80 = arith.constant 0 : i32
    %dma_start3A_81 = arith.constant 0 : i32
    %dma_start3A_82 = arith.constant 0 : i32
    %dma_start3A_83 = arith.constant 0 : i32
    %dma_start3A_84 = tpu.memref_slice %arg6[%dma_start3A_80, %dma_start3A_82, %dma_start3A_83] : memref<8x128x64xf32, #tpu.memory_space<vmem>> -> memref<1x128x64xf32, #tpu.memory_space<vmem>>
    %dma_start3A_85 = tpu.memref_squeeze %dma_start3A_84 : memref<1x128x64xf32, #tpu.memory_space<vmem>> -> memref<128x64xf32, #tpu.memory_space<vmem>>
    %dma_start3A_86 = arith.constant 0 : i32
    %dma_start3A_87 = tpu.memref_slice %arg4[%add3A_79, %dma_start3A_86] : memref<819200x64xf32, #tpu.memory_space<hbm>> -> memref<128x64xf32, #tpu.memory_space<hbm>>
    %dma_start3A_88 = tpu.memref_slice %arg8[%dma_start3A_81] : memref<8x!tpu.dma_semaphore, #tpu.memory_space<semaphore_mem>> -> memref<1x!tpu.dma_semaphore, #tpu.memory_space<semaphore_mem>>
    %dma_start3A_89 = tpu.memref_squeeze %dma_start3A_88 : memref<1x!tpu.dma_semaphore, #tpu.memory_space<semaphore_mem>> -> memref<!tpu.dma_semaphore, #tpu.memory_space<semaphore_mem>>
    %dma_start3A_90 = arith.constant 0 : i32
    %dma_start3A_91 = tpu.memref_slice %arg4[%add3A_79, %dma_start3A_90] : memref<819200x64xf32, #tpu.memory_space<hbm>> -> memref<128x64xf32, #tpu.memory_space<hbm>>
    %dma_start3A_92 = arith.constant 0 : i32
    %dma_start3A_93 = arith.constant 0 : i32
    %dma_start3A_94 = tpu.memref_slice %arg6[%dma_start3A_80, %dma_start3A_92, %dma_start3A_93] : memref<8x128x64xf32, #tpu.memory_space<vmem>> -> memref<1x128x64xf32, #tpu.memory_space<vmem>>
    %dma_start3A_95 = tpu.memref_squeeze %dma_start3A_94 : memref<1x128x64xf32, #tpu.memory_space<vmem>> -> memref<128x64xf32, #tpu.memory_space<vmem>>
    tpu.enqueue_dma source(%dma_start3A_95 : memref<128x64xf32, #tpu.memory_space<vmem>>) target(%dma_start3A_91 : memref<128x64xf32, #tpu.memory_space<hbm>>) target_semaphore(%dma_start3A_89 : memref<!tpu.dma_semaphore, #tpu.memory_space<semaphore_mem>>)
    %dma_start3A_96 = arith.constant 4 : i32
    %dma_start3A_97 = arith.constant 4 : i32
    %dma_start3A_98 = arith.constant 4 : i32
    %dma_start3A_99 = arith.constant 0 : i32
    %dma_start3A_100 = arith.constant 0 : i32
    %dma_start3A_101 = tpu.memref_slice %arg6[%dma_start3A_97, %dma_start3A_99, %dma_start3A_100] : memref<8x128x64xf32, #tpu.memory_space<vmem>> -> memref<1x128x64xf32, #tpu.memory_space<vmem>>
    %dma_start3A_102 = tpu.memref_squeeze %dma_start3A_101 : memref<1x128x64xf32, #tpu.memory_space<vmem>> -> memref<128x64xf32, #tpu.memory_space<vmem>>
    %dma_start3A_103 = arith.constant 0 : i32
    %dma_start3A_104 = tpu.memref_slice %arg5[%dma_start3A_96, %dma_start3A_103] : memref<200x128xi32, #tpu.memory_space<vmem>> -> memref<1x128xi32, #tpu.memory_space<vmem>>
    %dma_start3A_105 = tpu.memref_squeeze %dma_start3A_104 : memref<1x128xi32, #tpu.memory_space<vmem>> -> memref<128xi32, #tpu.memory_space<vmem>>
    %dma_start3A_106 = arith.constant 0 : i32
    %dma_start3A_107 = arith.constant 0 : i32
    %dma_start3A_108 = tpu.memref_slice %arg2[%dma_start3A_106, %dma_start3A_107] : memref<1000000x64xf32, #tpu.memory_space<hbm>> -> memref<1000000x64xf32, #tpu.memory_space<hbm>>
    %dma_start3A_109 = tpu.memref_slice %arg7[%dma_start3A_98] : memref<8x!tpu.dma_semaphore, #tpu.memory_space<semaphore_mem>> -> memref<1x!tpu.dma_semaphore, #tpu.memory_space<semaphore_mem>>
    %dma_start3A_110 = tpu.memref_squeeze %dma_start3A_109 : memref<1x!tpu.dma_semaphore, #tpu.memory_space<semaphore_mem>> -> memref<!tpu.dma_semaphore, #tpu.memory_space<semaphore_mem>>
    tpu.enqueue_indirect_dma source(%dma_start3A_108 : memref<1000000x64xf32, #tpu.memory_space<hbm>>) target(%dma_start3A_102 : memref<128x64xf32, #tpu.memory_space<vmem>>) offsets(%dma_start3A_105 : memref<128xi32, #tpu.memory_space<vmem>>) semaphore(%dma_start3A_110 : memref<!tpu.dma_semaphore, #tpu.memory_space<semaphore_mem>>)
    %dma_wait3A_111 = arith.constant 0 : i32
    %dma_wait3A_112 = arith.constant 1 : i32
    %dma_wait3A_113 = arith.constant 1 : i32
    %dma_wait3A_114 = arith.constant 0 : i32
    %dma_wait3A_115 = arith.constant 0 : i32
    %dma_wait3A_116 = tpu.memref_slice %arg6[%dma_wait3A_112, %dma_wait3A_114, %dma_wait3A_115] : memref<8x128x64xf32, #tpu.memory_space<vmem>> -> memref<1x128x64xf32, #tpu.memory_space<vmem>>
    %dma_wait3A_117 = tpu.memref_squeeze %dma_wait3A_116 : memref<1x128x64xf32, #tpu.memory_space<vmem>> -> memref<128x64xf32, #tpu.memory_space<vmem>>
    %dma_wait3A_118 = arith.constant 0 : i32
    %dma_wait3A_119 = tpu.memref_slice %arg5[%dma_wait3A_111, %dma_wait3A_118] : memref<200x128xi32, #tpu.memory_space<vmem>> -> memref<1x128xi32, #tpu.memory_space<vmem>>
    %dma_wait3A_120 = tpu.memref_squeeze %dma_wait3A_119 : memref<1x128xi32, #tpu.memory_space<vmem>> -> memref<128xi32, #tpu.memory_space<vmem>>
    %dma_wait3A_121 = arith.constant 0 : i32
    %dma_wait3A_122 = arith.constant 0 : i32
    %dma_wait3A_123 = tpu.memref_slice %arg2[%dma_wait3A_121, %dma_wait3A_122] : memref<1000000x64xf32, #tpu.memory_space<hbm>> -> memref<1000000x64xf32, #tpu.memory_space<hbm>>
    %dma_wait3A_124 = tpu.memref_slice %arg7[%dma_wait3A_113] : memref<8x!tpu.dma_semaphore, #tpu.memory_space<semaphore_mem>> -> memref<1x!tpu.dma_semaphore, #tpu.memory_space<semaphore_mem>>
    %dma_wait3A_125 = tpu.memref_squeeze %dma_wait3A_124 : memref<1x!tpu.dma_semaphore, #tpu.memory_space<semaphore_mem>> -> memref<!tpu.dma_semaphore, #tpu.memory_space<semaphore_mem>>
    tpu.wait_indirect_dma semaphore(%dma_wait3A_125 : memref<!tpu.dma_semaphore, #tpu.memory_space<semaphore_mem>>) src(%dma_wait3A_123 : memref<1000000x64xf32, #tpu.memory_space<hbm>>) dst(%dma_wait3A_117 : memref<128x64xf32, #tpu.memory_space<vmem>>)
    %add3A_126 = arith.constant 128 : i32
    %add3A_127 = arith.addi %mul3A_2, %add3A_126 : i32
    %dma_start3A_128 = arith.constant 1 : i32
    %dma_start3A_129 = arith.constant 1 : i32
    %dma_start3A_130 = arith.constant 0 : i32
    %dma_start3A_131 = arith.constant 0 : i32
    %dma_start3A_132 = tpu.memref_slice %arg6[%dma_start3A_128, %dma_start3A_130, %dma_start3A_131] : memref<8x128x64xf32, #tpu.memory_space<vmem>> -> memref<1x128x64xf32, #tpu.memory_space<vmem>>
    %dma_start3A_133 = tpu.memref_squeeze %dma_start3A_132 : memref<1x128x64xf32, #tpu.memory_space<vmem>> -> memref<128x64xf32, #tpu.memory_space<vmem>>
    %dma_start3A_134 = arith.constant 0 : i32
    %dma_start3A_135 = tpu.memref_slice %arg4[%add3A_127, %dma_start3A_134] : memref<819200x64xf32, #tpu.memory_space<hbm>> -> memref<128x64xf32, #tpu.memory_space<hbm>>
    %dma_start3A_136 = tpu.memref_slice %arg8[%dma_start3A_129] : memref<8x!tpu.dma_semaphore, #tpu.memory_space<semaphore_mem>> -> memref<1x!tpu.dma_semaphore, #tpu.memory_space<semaphore_mem>>
    %dma_start3A_137 = tpu.memref_squeeze %dma_start3A_136 : memref<1x!tpu.dma_semaphore, #tpu.memory_space<semaphore_mem>> -> memref<!tpu.dma_semaphore, #tpu.memory_space<semaphore_mem>>
    %dma_start3A_138 = arith.constant 0 : i32
    %dma_start3A_139 = tpu.memref_slice %arg4[%add3A_127, %dma_start3A_138] : memref<819200x64xf32, #tpu.memory_space<hbm>> -> memref<128x64xf32, #tpu.memory_space<hbm>>
    %dma_start3A_140 = arith.constant 0 : i32
    %dma_start3A_141 = arith.constant 0 : i32
    %dma_start3A_142 = tpu.memref_slice %arg6[%dma_start3A_128, %dma_start3A_140, %dma_start3A_141] : memref<8x128x64xf32, #tpu.memory_space<vmem>> -> memref<1x128x64xf32, #tpu.memory_space<vmem>>
    %dma_start3A_143 = tpu.memref_squeeze %dma_start3A_142 : memref<1x128x64xf32, #tpu.memory_space<vmem>> -> memref<128x64xf32, #tpu.memory_space<vmem>>
    tpu.enqueue_dma source(%dma_start3A_143 : memref<128x64xf32, #tpu.memory_space<vmem>>) target(%dma_start3A_139 : memref<128x64xf32, #tpu.memory_space<hbm>>) target_semaphore(%dma_start3A_137 : memref<!tpu.dma_semaphore, #tpu.memory_space<semaphore_mem>>)
    %dma_start3A_144 = arith.constant 5 : i32
    %dma_start3A_145 = arith.constant 5 : i32
    %dma_start3A_146 = arith.constant 5 : i32
    %dma_start3A_147 = arith.constant 0 : i32
    %dma_start3A_148 = arith.constant 0 : i32
    %dma_start3A_149 = tpu.memref_slice %arg6[%dma_start3A_145, %dma_start3A_147, %dma_start3A_148] : memref<8x128x64xf32, #tpu.memory_space<vmem>> -> memref<1x128x64xf32, #tpu.memory_space<vmem>>
    %dma_start3A_150 = tpu.memref_squeeze %dma_start3A_149 : memref<1x128x64xf32, #tpu.memory_space<vmem>> -> memref<128x64xf32, #tpu.memory_space<vmem>>
    %dma_start3A_151 = arith.constant 0 : i32
    %dma_start3A_152 = tpu.memref_slice %arg5[%dma_start3A_144, %dma_start3A_151] : memref<200x128xi32, #tpu.memory_space<vmem>> -> memref<1x128xi32, #tpu.memory_space<vmem>>
    %dma_start3A_153 = tpu.memref_squeeze %dma_start3A_152 : memref<1x128xi32, #tpu.memory_space<vmem>> -> memref<128xi32, #tpu.memory_space<vmem>>
    %dma_start3A_154 = arith.constant 0 : i32
    %dma_start3A_155 = arith.constant 0 : i32
    %dma_start3A_156 = tpu.memref_slice %arg2[%dma_start3A_154, %dma_start3A_155] : memref<1000000x64xf32, #tpu.memory_space<hbm>> -> memref<1000000x64xf32, #tpu.memory_space<hbm>>
    %dma_start3A_157 = tpu.memref_slice %arg7[%dma_start3A_146] : memref<8x!tpu.dma_semaphore, #tpu.memory_space<semaphore_mem>> -> memref<1x!tpu.dma_semaphore, #tpu.memory_space<semaphore_mem>>
    %dma_start3A_158 = tpu.memref_squeeze %dma_start3A_157 : memref<1x!tpu.dma_semaphore, #tpu.memory_space<semaphore_mem>> -> memref<!tpu.dma_semaphore, #tpu.memory_space<semaphore_mem>>
    tpu.enqueue_indirect_dma source(%dma_start3A_156 : memref<1000000x64xf32, #tpu.memory_space<hbm>>) target(%dma_start3A_150 : memref<128x64xf32, #tpu.memory_space<vmem>>) offsets(%dma_start3A_153 : memref<128xi32, #tpu.memory_space<vmem>>) semaphore(%dma_start3A_158 : memref<!tpu.dma_semaphore, #tpu.memory_space<semaphore_mem>>)
    %dma_wait3A_159 = arith.constant 0 : i32
    %dma_wait3A_160 = arith.constant 2 : i32
    %dma_wait3A_161 = arith.constant 2 : i32
    %dma_wait3A_162 = arith.constant 0 : i32
    %dma_wait3A_163 = arith.constant 0 : i32
    %dma_wait3A_164 = tpu.memref_slice %arg6[%dma_wait3A_160, %dma_wait3A_162, %dma_wait3A_163] : memref<8x128x64xf32, #tpu.memory_space<vmem>> -> memref<1x128x64xf32, #tpu.memory_space<vmem>>
    %dma_wait3A_165 = tpu.memref_squeeze %dma_wait3A_164 : memref<1x128x64xf32, #tpu.memory_space<vmem>> -> memref<128x64xf32, #tpu.memory_space<vmem>>
    %dma_wait3A_166 = arith.constant 0 : i32
    %dma_wait3A_167 = tpu.memref_slice %arg5[%dma_wait3A_159, %dma_wait3A_166] : memref<200x128xi32, #tpu.memory_space<vmem>> -> memref<1x128xi32, #tpu.memory_space<vmem>>
    %dma_wait3A_168 = tpu.memref_squeeze %dma_wait3A_167 : memref<1x128xi32, #tpu.memory_space<vmem>> -> memref<128xi32, #tpu.memory_space<vmem>>
    %dma_wait3A_169 = arith.constant 0 : i32
    %dma_wait3A_170 = arith.constant 0 : i32
    %dma_wait3A_171 = tpu.memref_slice %arg2[%dma_wait3A_169, %dma_wait3A_170] : memref<1000000x64xf32, #tpu.memory_space<hbm>> -> memref<1000000x64xf32, #tpu.memory_space<hbm>>
    %dma_wait3A_172 = tpu.memref_slice %arg7[%dma_wait3A_161] : memref<8x!tpu.dma_semaphore, #tpu.memory_space<semaphore_mem>> -> memref<1x!tpu.dma_semaphore, #tpu.memory_space<semaphore_mem>>
    %dma_wait3A_173 = tpu.memref_squeeze %dma_wait3A_172 : memref<1x!tpu.dma_semaphore, #tpu.memory_space<semaphore_mem>> -> memref<!tpu.dma_semaphore, #tpu.memory_space<semaphore_mem>>
    tpu.wait_indirect_dma semaphore(%dma_wait3A_173 : memref<!tpu.dma_semaphore, #tpu.memory_space<semaphore_mem>>) src(%dma_wait3A_171 : memref<1000000x64xf32, #tpu.memory_space<hbm>>) dst(%dma_wait3A_165 : memref<128x64xf32, #tpu.memory_space<vmem>>)
    %add3A_174 = arith.constant 256 : i32
    %add3A_175 = arith.addi %mul3A_2, %add3A_174 : i32
    %dma_start3A_176 = arith.constant 2 : i32
    %dma_start3A_177 = arith.constant 2 : i32
    %dma_start3A_178 = arith.constant 0 : i32
    %dma_start3A_179 = arith.constant 0 : i32
    %dma_start3A_180 = tpu.memref_slice %arg6[%dma_start3A_176, %dma_start3A_178, %dma_start3A_179] : memref<8x128x64xf32, #tpu.memory_space<vmem>> -> memref<1x128x64xf32, #tpu.memory_space<vmem>>
    %dma_start3A_181 = tpu.memref_squeeze %dma_start3A_180 : memref<1x128x64xf32, #tpu.memory_space<vmem>> -> memref<128x64xf32, #tpu.memory_space<vmem>>
    %dma_start3A_182 = arith.constant 0 : i32
    %dma_start3A_183 = tpu.memref_slice %arg4[%add3A_175, %dma_start3A_182] : memref<819200x64xf32, #tpu.memory_space<hbm>> -> memref<128x64xf32, #tpu.memory_space<hbm>>
    %dma_start3A_184 = tpu.memref_slice %arg8[%dma_start3A_177] : memref<8x!tpu.dma_semaphore, #tpu.memory_space<semaphore_mem>> -> memref<1x!tpu.dma_semaphore, #tpu.memory_space<semaphore_mem>>
    %dma_start3A_185 = tpu.memref_squeeze %dma_start3A_184 : memref<1x!tpu.dma_semaphore, #tpu.memory_space<semaphore_mem>> -> memref<!tpu.dma_semaphore, #tpu.memory_space<semaphore_mem>>
    %dma_start3A_186 = arith.constant 0 : i32
    %dma_start3A_187 = tpu.memref_slice %arg4[%add3A_175, %dma_start3A_186] : memref<819200x64xf32, #tpu.memory_space<hbm>> -> memref<128x64xf32, #tpu.memory_space<hbm>>
    %dma_start3A_188 = arith.constant 0 : i32
    %dma_start3A_189 = arith.constant 0 : i32
    %dma_start3A_190 = tpu.memref_slice %arg6[%dma_start3A_176, %dma_start3A_188, %dma_start3A_189] : memref<8x128x64xf32, #tpu.memory_space<vmem>> -> memref<1x128x64xf32, #tpu.memory_space<vmem>>
    %dma_start3A_191 = tpu.memref_squeeze %dma_start3A_190 : memref<1x128x64xf32, #tpu.memory_space<vmem>> -> memref<128x64xf32, #tpu.memory_space<vmem>>
    tpu.enqueue_dma source(%dma_start3A_191 : memref<128x64xf32, #tpu.memory_space<vmem>>) target(%dma_start3A_187 : memref<128x64xf32, #tpu.memory_space<hbm>>) target_semaphore(%dma_start3A_185 : memref<!tpu.dma_semaphore, #tpu.memory_space<semaphore_mem>>)
    %dma_start3A_192 = arith.constant 6 : i32
    %dma_start3A_193 = arith.constant 6 : i32
    %dma_start3A_194 = arith.constant 6 : i32
    %dma_start3A_195 = arith.constant 0 : i32
    %dma_start3A_196 = arith.constant 0 : i32
    %dma_start3A_197 = tpu.memref_slice %arg6[%dma_start3A_193, %dma_start3A_195, %dma_start3A_196] : memref<8x128x64xf32, #tpu.memory_space<vmem>> -> memref<1x128x64xf32, #tpu.memory_space<vmem>>
    %dma_start3A_198 = tpu.memref_squeeze %dma_start3A_197 : memref<1x128x64xf32, #tpu.memory_space<vmem>> -> memref<128x64xf32, #tpu.memory_space<vmem>>
    %dma_start3A_199 = arith.constant 0 : i32
    %dma_start3A_200 = tpu.memref_slice %arg5[%dma_start3A_192, %dma_start3A_199] : memref<200x128xi32, #tpu.memory_space<vmem>> -> memref<1x128xi32, #tpu.memory_space<vmem>>
    %dma_start3A_201 = tpu.memref_squeeze %dma_start3A_200 : memref<1x128xi32, #tpu.memory_space<vmem>> -> memref<128xi32, #tpu.memory_space<vmem>>
    %dma_start3A_202 = arith.constant 0 : i32
    %dma_start3A_203 = arith.constant 0 : i32
    %dma_start3A_204 = tpu.memref_slice %arg2[%dma_start3A_202, %dma_start3A_203] : memref<1000000x64xf32, #tpu.memory_space<hbm>> -> memref<1000000x64xf32, #tpu.memory_space<hbm>>
    %dma_start3A_205 = tpu.memref_slice %arg7[%dma_start3A_194] : memref<8x!tpu.dma_semaphore, #tpu.memory_space<semaphore_mem>> -> memref<1x!tpu.dma_semaphore, #tpu.memory_space<semaphore_mem>>
    %dma_start3A_206 = tpu.memref_squeeze %dma_start3A_205 : memref<1x!tpu.dma_semaphore, #tpu.memory_space<semaphore_mem>> -> memref<!tpu.dma_semaphore, #tpu.memory_space<semaphore_mem>>
    tpu.enqueue_indirect_dma source(%dma_start3A_204 : memref<1000000x64xf32, #tpu.memory_space<hbm>>) target(%dma_start3A_198 : memref<128x64xf32, #tpu.memory_space<vmem>>) offsets(%dma_start3A_201 : memref<128xi32, #tpu.memory_space<vmem>>) semaphore(%dma_start3A_206 : memref<!tpu.dma_semaphore, #tpu.memory_space<semaphore_mem>>)
    %dma_wait3A_207 = arith.constant 0 : i32
    %dma_wait3A_208 = arith.constant 3 : i32
    %dma_wait3A_209 = arith.constant 3 : i32
    %dma_wait3A_210 = arith.constant 0 : i32
    %dma_wait3A_211 = arith.constant 0 : i32
    %dma_wait3A_212 = tpu.memref_slice %arg6[%dma_wait3A_208, %dma_wait3A_210, %dma_wait3A_211] : memref<8x128x64xf32, #tpu.memory_space<vmem>> -> memref<1x128x64xf32, #tpu.memory_space<vmem>>
    %dma_wait3A_213 = tpu.memref_squeeze %dma_wait3A_212 : memref<1x128x64xf32, #tpu.memory_space<vmem>> -> memref<128x64xf32, #tpu.memory_space<vmem>>
    %dma_wait3A_214 = arith.constant 0 : i32
    %dma_wait3A_215 = tpu.memref_slice %arg5[%dma_wait3A_207, %dma_wait3A_214] : memref<200x128xi32, #tpu.memory_space<vmem>> -> memref<1x128xi32, #tpu.memory_space<vmem>>
    %dma_wait3A_216 = tpu.memref_squeeze %dma_wait3A_215 : memref<1x128xi32, #tpu.memory_space<vmem>> -> memref<128xi32, #tpu.memory_space<vmem>>
    %dma_wait3A_217 = arith.constant 0 : i32
    %dma_wait3A_218 = arith.constant 0 : i32
    %dma_wait3A_219 = tpu.memref_slice %arg2[%dma_wait3A_217, %dma_wait3A_218] : memref<1000000x64xf32, #tpu.memory_space<hbm>> -> memref<1000000x64xf32, #tpu.memory_space<hbm>>
    %dma_wait3A_220 = tpu.memref_slice %arg7[%dma_wait3A_209] : memref<8x!tpu.dma_semaphore, #tpu.memory_space<semaphore_mem>> -> memref<1x!tpu.dma_semaphore, #tpu.memory_space<semaphore_mem>>
    %dma_wait3A_221 = tpu.memref_squeeze %dma_wait3A_220 : memref<1x!tpu.dma_semaphore, #tpu.memory_space<semaphore_mem>> -> memref<!tpu.dma_semaphore, #tpu.memory_space<semaphore_mem>>
    tpu.wait_indirect_dma semaphore(%dma_wait3A_221 : memref<!tpu.dma_semaphore, #tpu.memory_space<semaphore_mem>>) src(%dma_wait3A_219 : memref<1000000x64xf32, #tpu.memory_space<hbm>>) dst(%dma_wait3A_213 : memref<128x64xf32, #tpu.memory_space<vmem>>)
    %add3A_222 = arith.constant 384 : i32
    %add3A_223 = arith.addi %mul3A_2, %add3A_222 : i32
    %dma_start3A_224 = arith.constant 3 : i32
    %dma_start3A_225 = arith.constant 3 : i32
    %dma_start3A_226 = arith.constant 0 : i32
    %dma_start3A_227 = arith.constant 0 : i32
    %dma_start3A_228 = tpu.memref_slice %arg6[%dma_start3A_224, %dma_start3A_226, %dma_start3A_227] : memref<8x128x64xf32, #tpu.memory_space<vmem>> -> memref<1x128x64xf32, #tpu.memory_space<vmem>>
    %dma_start3A_229 = tpu.memref_squeeze %dma_start3A_228 : memref<1x128x64xf32, #tpu.memory_space<vmem>> -> memref<128x64xf32, #tpu.memory_space<vmem>>
    %dma_start3A_230 = arith.constant 0 : i32
    %dma_start3A_231 = tpu.memref_slice %arg4[%add3A_223, %dma_start3A_230] : memref<819200x64xf32, #tpu.memory_space<hbm>> -> memref<128x64xf32, #tpu.memory_space<hbm>>
    %dma_start3A_232 = tpu.memref_slice %arg8[%dma_start3A_225] : memref<8x!tpu.dma_semaphore, #tpu.memory_space<semaphore_mem>> -> memref<1x!tpu.dma_semaphore, #tpu.memory_space<semaphore_mem>>
    %dma_start3A_233 = tpu.memref_squeeze %dma_start3A_232 : memref<1x!tpu.dma_semaphore, #tpu.memory_space<semaphore_mem>> -> memref<!tpu.dma_semaphore, #tpu.memory_space<semaphore_mem>>
    %dma_start3A_234 = arith.constant 0 : i32
    %dma_start3A_235 = tpu.memref_slice %arg4[%add3A_223, %dma_start3A_234] : memref<819200x64xf32, #tpu.memory_space<hbm>> -> memref<128x64xf32, #tpu.memory_space<hbm>>
    %dma_start3A_236 = arith.constant 0 : i32
    %dma_start3A_237 = arith.constant 0 : i32
    %dma_start3A_238 = tpu.memref_slice %arg6[%dma_start3A_224, %dma_start3A_236, %dma_start3A_237] : memref<8x128x64xf32, #tpu.memory_space<vmem>> -> memref<1x128x64xf32, #tpu.memory_space<vmem>>
    %dma_start3A_239 = tpu.memref_squeeze %dma_start3A_238 : memref<1x128x64xf32, #tpu.memory_space<vmem>> -> memref<128x64xf32, #tpu.memory_space<vmem>>
    tpu.enqueue_dma source(%dma_start3A_239 : memref<128x64xf32, #tpu.memory_space<vmem>>) target(%dma_start3A_235 : memref<128x64xf32, #tpu.memory_space<hbm>>) target_semaphore(%dma_start3A_233 : memref<!tpu.dma_semaphore, #tpu.memory_space<semaphore_mem>>)
    %dma_start3A_240 = arith.constant 7 : i32
    %dma_start3A_241 = arith.constant 7 : i32
    %dma_start3A_242 = arith.constant 7 : i32
    %dma_start3A_243 = arith.constant 0 : i32
    %dma_start3A_244 = arith.constant 0 : i32
    %dma_start3A_245 = tpu.memref_slice %arg6[%dma_start3A_241, %dma_start3A_243, %dma_start3A_244] : memref<8x128x64xf32, #tpu.memory_space<vmem>> -> memref<1x128x64xf32, #tpu.memory_space<vmem>>
    %dma_start3A_246 = tpu.memref_squeeze %dma_start3A_245 : memref<1x128x64xf32, #tpu.memory_space<vmem>> -> memref<128x64xf32, #tpu.memory_space<vmem>>
    %dma_start3A_247 = arith.constant 0 : i32
    %dma_start3A_248 = tpu.memref_slice %arg5[%dma_start3A_240, %dma_start3A_247] : memref<200x128xi32, #tpu.memory_space<vmem>> -> memref<1x128xi32, #tpu.memory_space<vmem>>
    %dma_start3A_249 = tpu.memref_squeeze %dma_start3A_248 : memref<1x128xi32, #tpu.memory_space<vmem>> -> memref<128xi32, #tpu.memory_space<vmem>>
    %dma_start3A_250 = arith.constant 0 : i32
    %dma_start3A_251 = arith.constant 0 : i32
    %dma_start3A_252 = tpu.memref_slice %arg2[%dma_start3A_250, %dma_start3A_251] : memref<1000000x64xf32, #tpu.memory_space<hbm>> -> memref<1000000x64xf32, #tpu.memory_space<hbm>>
    %dma_start3A_253 = tpu.memref_slice %arg7[%dma_start3A_242] : memref<8x!tpu.dma_semaphore, #tpu.memory_space<semaphore_mem>> -> memref<1x!tpu.dma_semaphore, #tpu.memory_space<semaphore_mem>>
    %dma_start3A_254 = tpu.memref_squeeze %dma_start3A_253 : memref<1x!tpu.dma_semaphore, #tpu.memory_space<semaphore_mem>> -> memref<!tpu.dma_semaphore, #tpu.memory_space<semaphore_mem>>
    tpu.enqueue_indirect_dma source(%dma_start3A_252 : memref<1000000x64xf32, #tpu.memory_space<hbm>>) target(%dma_start3A_246 : memref<128x64xf32, #tpu.memory_space<vmem>>) offsets(%dma_start3A_249 : memref<128xi32, #tpu.memory_space<vmem>>) semaphore(%dma_start3A_254 : memref<!tpu.dma_semaphore, #tpu.memory_space<semaphore_mem>>)
    %scan3A = arith.constant 0 : i32
    %scan3A_255 = arith.constant 0 : i32
    %scan3A_256 = arith.constant 24 : i32
    %scan3A_257 = arith.addi %scan3A_255, %scan3A_256 : i32
    %scan3A_258 = arith.constant 1 : i32
    scf.for %scan3A_520 = %scan3A_255 to %scan3A_257 step %scan3A_258  : i32 {
      %mul3A_521 = arith.constant 8 : i32
      %mul3A_522 = arith.muli %scan3A_520, %mul3A_521 : i32
      %add3A_523 = arith.constant 4 : i32
      %add3A_524 = arith.addi %add3A_523, %mul3A_522 : i32
      %add3A_525 = arith.constant 0 : i32
      %add3A_526 = arith.addi %add3A_524, %add3A_525 : i32
      %dma_wait3A_527 = arith.constant 0 : i32
      %dma_wait3A_528 = arith.constant 0 : i32
      %dma_wait3A_529 = arith.constant 0 : i32
      %dma_wait3A_530 = arith.constant 0 : i32
      %dma_wait3A_531 = tpu.memref_slice %arg6[%dma_wait3A_527, %dma_wait3A_529, %dma_wait3A_530] : memref<8x128x64xf32, #tpu.memory_space<vmem>> -> memref<1x128x64xf32, #tpu.memory_space<vmem>>
      %dma_wait3A_532 = tpu.memref_squeeze %dma_wait3A_531 : memref<1x128x64xf32, #tpu.memory_space<vmem>> -> memref<128x64xf32, #tpu.memory_space<vmem>>
      %dma_wait3A_533 = arith.constant 0 : i32
      %dma_wait3A_534 = tpu.memref_slice %arg4[%mul3A_2, %dma_wait3A_533] : memref<819200x64xf32, #tpu.memory_space<hbm>> -> memref<128x64xf32, #tpu.memory_space<hbm>>
      %dma_wait3A_535 = tpu.memref_slice %arg8[%dma_wait3A_528] : memref<8x!tpu.dma_semaphore, #tpu.memory_space<semaphore_mem>> -> memref<1x!tpu.dma_semaphore, #tpu.memory_space<semaphore_mem>>
      %dma_wait3A_536 = tpu.memref_squeeze %dma_wait3A_535 : memref<1x!tpu.dma_semaphore, #tpu.memory_space<semaphore_mem>> -> memref<!tpu.dma_semaphore, #tpu.memory_space<semaphore_mem>>
      %dma_wait3A_537 = arith.constant 0 : i32
      %dma_wait3A_538 = tpu.memref_slice %arg4[%mul3A_2, %dma_wait3A_537] : memref<819200x64xf32, #tpu.memory_space<hbm>> -> memref<128x64xf32, #tpu.memory_space<hbm>>
      %dma_wait3A_539 = arith.constant 0 : i32
      %dma_wait3A_540 = arith.constant 0 : i32
      %dma_wait3A_541 = tpu.memref_slice %arg6[%dma_wait3A_527, %dma_wait3A_539, %dma_wait3A_540] : memref<8x128x64xf32, #tpu.memory_space<vmem>> -> memref<1x128x64xf32, #tpu.memory_space<vmem>>
      %dma_wait3A_542 = tpu.memref_squeeze %dma_wait3A_541 : memref<1x128x64xf32, #tpu.memory_space<vmem>> -> memref<128x64xf32, #tpu.memory_space<vmem>>
      tpu.wait_dma2 semaphore(%dma_wait3A_536 : memref<!tpu.dma_semaphore, #tpu.memory_space<semaphore_mem>>) src(%dma_wait3A_542 : memref<128x64xf32, #tpu.memory_space<vmem>>) dst(%dma_wait3A_538 : memref<128x64xf32, #tpu.memory_space<hbm>>)
      %add3A_543 = arith.constant 4 : i32
      %add3A_544 = arith.addi %add3A_526, %add3A_543 : i32
      %dma_start3A_545 = arith.constant 0 : i32
      %dma_start3A_546 = arith.constant 0 : i32
      %dma_start3A_547 = arith.constant 0 : i32
      %dma_start3A_548 = arith.constant 0 : i32
      %dma_start3A_549 = tpu.memref_slice %arg6[%dma_start3A_545, %dma_start3A_547, %dma_start3A_548] : memref<8x128x64xf32, #tpu.memory_space<vmem>> -> memref<1x128x64xf32, #tpu.memory_space<vmem>>
      %dma_start3A_550 = tpu.memref_squeeze %dma_start3A_549 : memref<1x128x64xf32, #tpu.memory_space<vmem>> -> memref<128x64xf32, #tpu.memory_space<vmem>>
      %dma_start3A_551 = arith.constant 0 : i32
      %dma_start3A_552 = tpu.memref_slice %arg5[%add3A_544, %dma_start3A_551] : memref<200x128xi32, #tpu.memory_space<vmem>> -> memref<1x128xi32, #tpu.memory_space<vmem>>
      %dma_start3A_553 = tpu.memref_squeeze %dma_start3A_552 : memref<1x128xi32, #tpu.memory_space<vmem>> -> memref<128xi32, #tpu.memory_space<vmem>>
      %dma_start3A_554 = arith.constant 0 : i32
      %dma_start3A_555 = arith.constant 0 : i32
      %dma_start3A_556 = tpu.memref_slice %arg2[%dma_start3A_554, %dma_start3A_555] : memref<1000000x64xf32, #tpu.memory_space<hbm>> -> memref<1000000x64xf32, #tpu.memory_space<hbm>>
      %dma_start3A_557 = tpu.memref_slice %arg7[%dma_start3A_546] : memref<8x!tpu.dma_semaphore, #tpu.memory_space<semaphore_mem>> -> memref<1x!tpu.dma_semaphore, #tpu.memory_space<semaphore_mem>>
      %dma_start3A_558 = tpu.memref_squeeze %dma_start3A_557 : memref<1x!tpu.dma_semaphore, #tpu.memory_space<semaphore_mem>> -> memref<!tpu.dma_semaphore, #tpu.memory_space<semaphore_mem>>
      tpu.enqueue_indirect_dma source(%dma_start3A_556 : memref<1000000x64xf32, #tpu.memory_space<hbm>>) target(%dma_start3A_550 : memref<128x64xf32, #tpu.memory_space<vmem>>) offsets(%dma_start3A_553 : memref<128xi32, #tpu.memory_space<vmem>>) semaphore(%dma_start3A_558 : memref<!tpu.dma_semaphore, #tpu.memory_space<semaphore_mem>>)
      %dma_wait3A_559 = arith.constant 0 : i32
      %dma_wait3A_560 = arith.constant 4 : i32
      %dma_wait3A_561 = arith.constant 4 : i32
      %dma_wait3A_562 = arith.constant 0 : i32
      %dma_wait3A_563 = arith.constant 0 : i32
      %dma_wait3A_564 = tpu.memref_slice %arg6[%dma_wait3A_560, %dma_wait3A_562, %dma_wait3A_563] : memref<8x128x64xf32, #tpu.memory_space<vmem>> -> memref<1x128x64xf32, #tpu.memory_space<vmem>>
      %dma_wait3A_565 = tpu.memref_squeeze %dma_wait3A_564 : memref<1x128x64xf32, #tpu.memory_space<vmem>> -> memref<128x64xf32, #tpu.memory_space<vmem>>
      %dma_wait3A_566 = arith.constant 0 : i32
      %dma_wait3A_567 = tpu.memref_slice %arg5[%dma_wait3A_559, %dma_wait3A_566] : memref<200x128xi32, #tpu.memory_space<vmem>> -> memref<1x128xi32, #tpu.memory_space<vmem>>
      %dma_wait3A_568 = tpu.memref_squeeze %dma_wait3A_567 : memref<1x128xi32, #tpu.memory_space<vmem>> -> memref<128xi32, #tpu.memory_space<vmem>>
      %dma_wait3A_569 = arith.constant 0 : i32
      %dma_wait3A_570 = arith.constant 0 : i32
      %dma_wait3A_571 = tpu.memref_slice %arg2[%dma_wait3A_569, %dma_wait3A_570] : memref<1000000x64xf32, #tpu.memory_space<hbm>> -> memref<1000000x64xf32, #tpu.memory_space<hbm>>
      %dma_wait3A_572 = tpu.memref_slice %arg7[%dma_wait3A_561] : memref<8x!tpu.dma_semaphore, #tpu.memory_space<semaphore_mem>> -> memref<1x!tpu.dma_semaphore, #tpu.memory_space<semaphore_mem>>
      %dma_wait3A_573 = tpu.memref_squeeze %dma_wait3A_572 : memref<1x!tpu.dma_semaphore, #tpu.memory_space<semaphore_mem>> -> memref<!tpu.dma_semaphore, #tpu.memory_space<semaphore_mem>>
      tpu.wait_indirect_dma semaphore(%dma_wait3A_573 : memref<!tpu.dma_semaphore, #tpu.memory_space<semaphore_mem>>) src(%dma_wait3A_571 : memref<1000000x64xf32, #tpu.memory_space<hbm>>) dst(%dma_wait3A_565 : memref<128x64xf32, #tpu.memory_space<vmem>>)
      %mul3A_574 = arith.constant 128 : i32
      %mul3A_575 = arith.muli %add3A_526, %mul3A_574 : i32
      %add3A_576 = arith.addi %mul3A_2, %mul3A_575 : i32
      %dma_start3A_577 = arith.constant 4 : i32
      %dma_start3A_578 = arith.constant 4 : i32
      %dma_start3A_579 = arith.constant 0 : i32
      %dma_start3A_580 = arith.constant 0 : i32
      %dma_start3A_581 = tpu.memref_slice %arg6[%dma_start3A_577, %dma_start3A_579, %dma_start3A_580] : memref<8x128x64xf32, #tpu.memory_space<vmem>> -> memref<1x128x64xf32, #tpu.memory_space<vmem>>
      %dma_start3A_582 = tpu.memref_squeeze %dma_start3A_581 : memref<1x128x64xf32, #tpu.memory_space<vmem>> -> memref<128x64xf32, #tpu.memory_space<vmem>>
      %dma_start3A_583 = arith.constant 0 : i32
      %dma_start3A_584 = tpu.memref_slice %arg4[%add3A_576, %dma_start3A_583] : memref<819200x64xf32, #tpu.memory_space<hbm>> -> memref<128x64xf32, #tpu.memory_space<hbm>>
      %dma_start3A_585 = tpu.memref_slice %arg8[%dma_start3A_578] : memref<8x!tpu.dma_semaphore, #tpu.memory_space<semaphore_mem>> -> memref<1x!tpu.dma_semaphore, #tpu.memory_space<semaphore_mem>>
      %dma_start3A_586 = tpu.memref_squeeze %dma_start3A_585 : memref<1x!tpu.dma_semaphore, #tpu.memory_space<semaphore_mem>> -> memref<!tpu.dma_semaphore, #tpu.memory_space<semaphore_mem>>
      %dma_start3A_587 = arith.constant 0 : i32
      %dma_start3A_588 = tpu.memref_slice %arg4[%add3A_576, %dma_start3A_587] : memref<819200x64xf32, #tpu.memory_space<hbm>> -> memref<128x64xf32, #tpu.memory_space<hbm>>
      %dma_start3A_589 = arith.constant 0 : i32
      %dma_start3A_590 = arith.constant 0 : i32
      %dma_start3A_591 = tpu.memref_slice %arg6[%dma_start3A_577, %dma_start3A_589, %dma_start3A_590] : memref<8x128x64xf32, #tpu.memory_space<vmem>> -> memref<1x128x64xf32, #tpu.memory_space<vmem>>
      %dma_start3A_592 = tpu.memref_squeeze %dma_start3A_591 : memref<1x128x64xf32, #tpu.memory_space<vmem>> -> memref<128x64xf32, #tpu.memory_space<vmem>>
      tpu.enqueue_dma source(%dma_start3A_592 : memref<128x64xf32, #tpu.memory_space<vmem>>) target(%dma_start3A_588 : memref<128x64xf32, #tpu.memory_space<hbm>>) target_semaphore(%dma_start3A_586 : memref<!tpu.dma_semaphore, #tpu.memory_space<semaphore_mem>>)
      %add3A_593 = arith.constant 1 : i32
      %add3A_594 = arith.addi %add3A_524, %add3A_593 : i32
      %dma_wait3A_595 = arith.constant 1 : i32
      %dma_wait3A_596 = arith.constant 1 : i32
      %dma_wait3A_597 = arith.constant 0 : i32
      %dma_wait3A_598 = arith.constant 0 : i32
      %dma_wait3A_599 = tpu.memref_slice %arg6[%dma_wait3A_595, %dma_wait3A_597, %dma_wait3A_598] : memref<8x128x64xf32, #tpu.memory_space<vmem>> -> memref<1x128x64xf32, #tpu.memory_space<vmem>>
      %dma_wait3A_600 = tpu.memref_squeeze %dma_wait3A_599 : memref<1x128x64xf32, #tpu.memory_space<vmem>> -> memref<128x64xf32, #tpu.memory_space<vmem>>
      %dma_wait3A_601 = arith.constant 0 : i32
      %dma_wait3A_602 = tpu.memref_slice %arg4[%mul3A_2, %dma_wait3A_601] : memref<819200x64xf32, #tpu.memory_space<hbm>> -> memref<128x64xf32, #tpu.memory_space<hbm>>
      %dma_wait3A_603 = tpu.memref_slice %arg8[%dma_wait3A_596] : memref<8x!tpu.dma_semaphore, #tpu.memory_space<semaphore_mem>> -> memref<1x!tpu.dma_semaphore, #tpu.memory_space<semaphore_mem>>
      %dma_wait3A_604 = tpu.memref_squeeze %dma_wait3A_603 : memref<1x!tpu.dma_semaphore, #tpu.memory_space<semaphore_mem>> -> memref<!tpu.dma_semaphore, #tpu.memory_space<semaphore_mem>>
      %dma_wait3A_605 = arith.constant 0 : i32
      %dma_wait3A_606 = tpu.memref_slice %arg4[%mul3A_2, %dma_wait3A_605] : memref<819200x64xf32, #tpu.memory_space<hbm>> -> memref<128x64xf32, #tpu.memory_space<hbm>>
      %dma_wait3A_607 = arith.constant 0 : i32
      %dma_wait3A_608 = arith.constant 0 : i32
      %dma_wait3A_609 = tpu.memref_slice %arg6[%dma_wait3A_595, %dma_wait3A_607, %dma_wait3A_608] : memref<8x128x64xf32, #tpu.memory_space<vmem>> -> memref<1x128x64xf32, #tpu.memory_space<vmem>>
      %dma_wait3A_610 = tpu.memref_squeeze %dma_wait3A_609 : memref<1x128x64xf32, #tpu.memory_space<vmem>> -> memref<128x64xf32, #tpu.memory_space<vmem>>
      tpu.wait_dma2 semaphore(%dma_wait3A_604 : memref<!tpu.dma_semaphore, #tpu.memory_space<semaphore_mem>>) src(%dma_wait3A_610 : memref<128x64xf32, #tpu.memory_space<vmem>>) dst(%dma_wait3A_606 : memref<128x64xf32, #tpu.memory_space<hbm>>)
      %add3A_611 = arith.constant 4 : i32
      %add3A_612 = arith.addi %add3A_594, %add3A_611 : i32
      %dma_start3A_613 = arith.constant 1 : i32
      %dma_start3A_614 = arith.constant 1 : i32
      %dma_start3A_615 = arith.constant 0 : i32
      %dma_start3A_616 = arith.constant 0 : i32
      %dma_start3A_617 = tpu.memref_slice %arg6[%dma_start3A_613, %dma_start3A_615, %dma_start3A_616] : memref<8x128x64xf32, #tpu.memory_space<vmem>> -> memref<1x128x64xf32, #tpu.memory_space<vmem>>
      %dma_start3A_618 = tpu.memref_squeeze %dma_start3A_617 : memref<1x128x64xf32, #tpu.memory_space<vmem>> -> memref<128x64xf32, #tpu.memory_space<vmem>>
      %dma_start3A_619 = arith.constant 0 : i32
      %dma_start3A_620 = tpu.memref_slice %arg5[%add3A_612, %dma_start3A_619] : memref<200x128xi32, #tpu.memory_space<vmem>> -> memref<1x128xi32, #tpu.memory_space<vmem>>
      %dma_start3A_621 = tpu.memref_squeeze %dma_start3A_620 : memref<1x128xi32, #tpu.memory_space<vmem>> -> memref<128xi32, #tpu.memory_space<vmem>>
      %dma_start3A_622 = arith.constant 0 : i32
      %dma_start3A_623 = arith.constant 0 : i32
      %dma_start3A_624 = tpu.memref_slice %arg2[%dma_start3A_622, %dma_start3A_623] : memref<1000000x64xf32, #tpu.memory_space<hbm>> -> memref<1000000x64xf32, #tpu.memory_space<hbm>>
      %dma_start3A_625 = tpu.memref_slice %arg7[%dma_start3A_614] : memref<8x!tpu.dma_semaphore, #tpu.memory_space<semaphore_mem>> -> memref<1x!tpu.dma_semaphore, #tpu.memory_space<semaphore_mem>>
      %dma_start3A_626 = tpu.memref_squeeze %dma_start3A_625 : memref<1x!tpu.dma_semaphore, #tpu.memory_space<semaphore_mem>> -> memref<!tpu.dma_semaphore, #tpu.memory_space<semaphore_mem>>
      tpu.enqueue_indirect_dma source(%dma_start3A_624 : memref<1000000x64xf32, #tpu.memory_space<hbm>>) target(%dma_start3A_618 : memref<128x64xf32, #tpu.memory_space<vmem>>) offsets(%dma_start3A_621 : memref<128xi32, #tpu.memory_space<vmem>>) semaphore(%dma_start3A_626 : memref<!tpu.dma_semaphore, #tpu.memory_space<semaphore_mem>>)
      %dma_wait3A_627 = arith.constant 0 : i32
      %dma_wait3A_628 = arith.constant 5 : i32
      %dma_wait3A_629 = arith.constant 5 : i32
      %dma_wait3A_630 = arith.constant 0 : i32
      %dma_wait3A_631 = arith.constant 0 : i32
      %dma_wait3A_632 = tpu.memref_slice %arg6[%dma_wait3A_628, %dma_wait3A_630, %dma_wait3A_631] : memref<8x128x64xf32, #tpu.memory_space<vmem>> -> memref<1x128x64xf32, #tpu.memory_space<vmem>>
      %dma_wait3A_633 = tpu.memref_squeeze %dma_wait3A_632 : memref<1x128x64xf32, #tpu.memory_space<vmem>> -> memref<128x64xf32, #tpu.memory_space<vmem>>
      %dma_wait3A_634 = arith.constant 0 : i32
      %dma_wait3A_635 = tpu.memref_slice %arg5[%dma_wait3A_627, %dma_wait3A_634] : memref<200x128xi32, #tpu.memory_space<vmem>> -> memref<1x128xi32, #tpu.memory_space<vmem>>
      %dma_wait3A_636 = tpu.memref_squeeze %dma_wait3A_635 : memref<1x128xi32, #tpu.memory_space<vmem>> -> memref<128xi32, #tpu.memory_space<vmem>>
      %dma_wait3A_637 = arith.constant 0 : i32
      %dma_wait3A_638 = arith.constant 0 : i32
      %dma_wait3A_639 = tpu.memref_slice %arg2[%dma_wait3A_637, %dma_wait3A_638] : memref<1000000x64xf32, #tpu.memory_space<hbm>> -> memref<1000000x64xf32, #tpu.memory_space<hbm>>
      %dma_wait3A_640 = tpu.memref_slice %arg7[%dma_wait3A_629] : memref<8x!tpu.dma_semaphore, #tpu.memory_space<semaphore_mem>> -> memref<1x!tpu.dma_semaphore, #tpu.memory_space<semaphore_mem>>
      %dma_wait3A_641 = tpu.memref_squeeze %dma_wait3A_640 : memref<1x!tpu.dma_semaphore, #tpu.memory_space<semaphore_mem>> -> memref<!tpu.dma_semaphore, #tpu.memory_space<semaphore_mem>>
      tpu.wait_indirect_dma semaphore(%dma_wait3A_641 : memref<!tpu.dma_semaphore, #tpu.memory_space<semaphore_mem>>) src(%dma_wait3A_639 : memref<1000000x64xf32, #tpu.memory_space<hbm>>) dst(%dma_wait3A_633 : memref<128x64xf32, #tpu.memory_space<vmem>>)
      %mul3A_642 = arith.constant 128 : i32
      %mul3A_643 = arith.muli %add3A_594, %mul3A_642 : i32
      %add3A_644 = arith.addi %mul3A_2, %mul3A_643 : i32
      %dma_start3A_645 = arith.constant 5 : i32
      %dma_start3A_646 = arith.constant 5 : i32
      %dma_start3A_647 = arith.constant 0 : i32
      %dma_start3A_648 = arith.constant 0 : i32
      %dma_start3A_649 = tpu.memref_slice %arg6[%dma_start3A_645, %dma_start3A_647, %dma_start3A_648] : memref<8x128x64xf32, #tpu.memory_space<vmem>> -> memref<1x128x64xf32, #tpu.memory_space<vmem>>
      %dma_start3A_650 = tpu.memref_squeeze %dma_start3A_649 : memref<1x128x64xf32, #tpu.memory_space<vmem>> -> memref<128x64xf32, #tpu.memory_space<vmem>>
      %dma_start3A_651 = arith.constant 0 : i32
      %dma_start3A_652 = tpu.memref_slice %arg4[%add3A_644, %dma_start3A_651] : memref<819200x64xf32, #tpu.memory_space<hbm>> -> memref<128x64xf32, #tpu.memory_space<hbm>>
      %dma_start3A_653 = tpu.memref_slice %arg8[%dma_start3A_646] : memref<8x!tpu.dma_semaphore, #tpu.memory_space<semaphore_mem>> -> memref<1x!tpu.dma_semaphore, #tpu.memory_space<semaphore_mem>>
      %dma_start3A_654 = tpu.memref_squeeze %dma_start3A_653 : memref<1x!tpu.dma_semaphore, #tpu.memory_space<semaphore_mem>> -> memref<!tpu.dma_semaphore, #tpu.memory_space<semaphore_mem>>
      %dma_start3A_655 = arith.constant 0 : i32
      %dma_start3A_656 = tpu.memref_slice %arg4[%add3A_644, %dma_start3A_655] : memref<819200x64xf32, #tpu.memory_space<hbm>> -> memref<128x64xf32, #tpu.memory_space<hbm>>
      %dma_start3A_657 = arith.constant 0 : i32
      %dma_start3A_658 = arith.constant 0 : i32
      %dma_start3A_659 = tpu.memref_slice %arg6[%dma_start3A_645, %dma_start3A_657, %dma_start3A_658] : memref<8x128x64xf32, #tpu.memory_space<vmem>> -> memref<1x128x64xf32, #tpu.memory_space<vmem>>
      %dma_start3A_660 = tpu.memref_squeeze %dma_start3A_659 : memref<1x128x64xf32, #tpu.memory_space<vmem>> -> memref<128x64xf32, #tpu.memory_space<vmem>>
      tpu.enqueue_dma source(%dma_start3A_660 : memref<128x64xf32, #tpu.memory_space<vmem>>) target(%dma_start3A_656 : memref<128x64xf32, #tpu.memory_space<hbm>>) target_semaphore(%dma_start3A_654 : memref<!tpu.dma_semaphore, #tpu.memory_space<semaphore_mem>>)
      %add3A_661 = arith.constant 2 : i32
      %add3A_662 = arith.addi %add3A_524, %add3A_661 : i32
      %dma_wait3A_663 = arith.constant 2 : i32
      %dma_wait3A_664 = arith.constant 2 : i32
      %dma_wait3A_665 = arith.constant 0 : i32
      %dma_wait3A_666 = arith.constant 0 : i32
      %dma_wait3A_667 = tpu.memref_slice %arg6[%dma_wait3A_663, %dma_wait3A_665, %dma_wait3A_666] : memref<8x128x64xf32, #tpu.memory_space<vmem>> -> memref<1x128x64xf32, #tpu.memory_space<vmem>>
      %dma_wait3A_668 = tpu.memref_squeeze %dma_wait3A_667 : memref<1x128x64xf32, #tpu.memory_space<vmem>> -> memref<128x64xf32, #tpu.memory_space<vmem>>
      %dma_wait3A_669 = arith.constant 0 : i32
      %dma_wait3A_670 = tpu.memref_slice %arg4[%mul3A_2, %dma_wait3A_669] : memref<819200x64xf32, #tpu.memory_space<hbm>> -> memref<128x64xf32, #tpu.memory_space<hbm>>
      %dma_wait3A_671 = tpu.memref_slice %arg8[%dma_wait3A_664] : memref<8x!tpu.dma_semaphore, #tpu.memory_space<semaphore_mem>> -> memref<1x!tpu.dma_semaphore, #tpu.memory_space<semaphore_mem>>
      %dma_wait3A_672 = tpu.memref_squeeze %dma_wait3A_671 : memref<1x!tpu.dma_semaphore, #tpu.memory_space<semaphore_mem>> -> memref<!tpu.dma_semaphore, #tpu.memory_space<semaphore_mem>>
      %dma_wait3A_673 = arith.constant 0 : i32
      %dma_wait3A_674 = tpu.memref_slice %arg4[%mul3A_2, %dma_wait3A_673] : memref<819200x64xf32, #tpu.memory_space<hbm>> -> memref<128x64xf32, #tpu.memory_space<hbm>>
      %dma_wait3A_675 = arith.constant 0 : i32
      %dma_wait3A_676 = arith.constant 0 : i32
      %dma_wait3A_677 = tpu.memref_slice %arg6[%dma_wait3A_663, %dma_wait3A_675, %dma_wait3A_676] : memref<8x128x64xf32, #tpu.memory_space<vmem>> -> memref<1x128x64xf32, #tpu.memory_space<vmem>>
      %dma_wait3A_678 = tpu.memref_squeeze %dma_wait3A_677 : memref<1x128x64xf32, #tpu.memory_space<vmem>> -> memref<128x64xf32, #tpu.memory_space<vmem>>
      tpu.wait_dma2 semaphore(%dma_wait3A_672 : memref<!tpu.dma_semaphore, #tpu.memory_space<semaphore_mem>>) src(%dma_wait3A_678 : memref<128x64xf32, #tpu.memory_space<vmem>>) dst(%dma_wait3A_674 : memref<128x64xf32, #tpu.memory_space<hbm>>)
      %add3A_679 = arith.constant 4 : i32
      %add3A_680 = arith.addi %add3A_662, %add3A_679 : i32
      %dma_start3A_681 = arith.constant 2 : i32
      %dma_start3A_682 = arith.constant 2 : i32
      %dma_start3A_683 = arith.constant 0 : i32
      %dma_start3A_684 = arith.constant 0 : i32
      %dma_start3A_685 = tpu.memref_slice %arg6[%dma_start3A_681, %dma_start3A_683, %dma_start3A_684] : memref<8x128x64xf32, #tpu.memory_space<vmem>> -> memref<1x128x64xf32, #tpu.memory_space<vmem>>
      %dma_start3A_686 = tpu.memref_squeeze %dma_start3A_685 : memref<1x128x64xf32, #tpu.memory_space<vmem>> -> memref<128x64xf32, #tpu.memory_space<vmem>>
      %dma_start3A_687 = arith.constant 0 : i32
      %dma_start3A_688 = tpu.memref_slice %arg5[%add3A_680, %dma_start3A_687] : memref<200x128xi32, #tpu.memory_space<vmem>> -> memref<1x128xi32, #tpu.memory_space<vmem>>
      %dma_start3A_689 = tpu.memref_squeeze %dma_start3A_688 : memref<1x128xi32, #tpu.memory_space<vmem>> -> memref<128xi32, #tpu.memory_space<vmem>>
      %dma_start3A_690 = arith.constant 0 : i32
      %dma_start3A_691 = arith.constant 0 : i32
      %dma_start3A_692 = tpu.memref_slice %arg2[%dma_start3A_690, %dma_start3A_691] : memref<1000000x64xf32, #tpu.memory_space<hbm>> -> memref<1000000x64xf32, #tpu.memory_space<hbm>>
      %dma_start3A_693 = tpu.memref_slice %arg7[%dma_start3A_682] : memref<8x!tpu.dma_semaphore, #tpu.memory_space<semaphore_mem>> -> memref<1x!tpu.dma_semaphore, #tpu.memory_space<semaphore_mem>>
      %dma_start3A_694 = tpu.memref_squeeze %dma_start3A_693 : memref<1x!tpu.dma_semaphore, #tpu.memory_space<semaphore_mem>> -> memref<!tpu.dma_semaphore, #tpu.memory_space<semaphore_mem>>
      tpu.enqueue_indirect_dma source(%dma_start3A_692 : memref<1000000x64xf32, #tpu.memory_space<hbm>>) target(%dma_start3A_686 : memref<128x64xf32, #tpu.memory_space<vmem>>) offsets(%dma_start3A_689 : memref<128xi32, #tpu.memory_space<vmem>>) semaphore(%dma_start3A_694 : memref<!tpu.dma_semaphore, #tpu.memory_space<semaphore_mem>>)
      %dma_wait3A_695 = arith.constant 0 : i32
      %dma_wait3A_696 = arith.constant 6 : i32
      %dma_wait3A_697 = arith.constant 6 : i32
      %dma_wait3A_698 = arith.constant 0 : i32
      %dma_wait3A_699 = arith.constant 0 : i32
      %dma_wait3A_700 = tpu.memref_slice %arg6[%dma_wait3A_696, %dma_wait3A_698, %dma_wait3A_699] : memref<8x128x64xf32, #tpu.memory_space<vmem>> -> memref<1x128x64xf32, #tpu.memory_space<vmem>>
      %dma_wait3A_701 = tpu.memref_squeeze %dma_wait3A_700 : memref<1x128x64xf32, #tpu.memory_space<vmem>> -> memref<128x64xf32, #tpu.memory_space<vmem>>
      %dma_wait3A_702 = arith.constant 0 : i32
      %dma_wait3A_703 = tpu.memref_slice %arg5[%dma_wait3A_695, %dma_wait3A_702] : memref<200x128xi32, #tpu.memory_space<vmem>> -> memref<1x128xi32, #tpu.memory_space<vmem>>
      %dma_wait3A_704 = tpu.memref_squeeze %dma_wait3A_703 : memref<1x128xi32, #tpu.memory_space<vmem>> -> memref<128xi32, #tpu.memory_space<vmem>>
      %dma_wait3A_705 = arith.constant 0 : i32
      %dma_wait3A_706 = arith.constant 0 : i32
      %dma_wait3A_707 = tpu.memref_slice %arg2[%dma_wait3A_705, %dma_wait3A_706] : memref<1000000x64xf32, #tpu.memory_space<hbm>> -> memref<1000000x64xf32, #tpu.memory_space<hbm>>
      %dma_wait3A_708 = tpu.memref_slice %arg7[%dma_wait3A_697] : memref<8x!tpu.dma_semaphore, #tpu.memory_space<semaphore_mem>> -> memref<1x!tpu.dma_semaphore, #tpu.memory_space<semaphore_mem>>
      %dma_wait3A_709 = tpu.memref_squeeze %dma_wait3A_708 : memref<1x!tpu.dma_semaphore, #tpu.memory_space<semaphore_mem>> -> memref<!tpu.dma_semaphore, #tpu.memory_space<semaphore_mem>>
      tpu.wait_indirect_dma semaphore(%dma_wait3A_709 : memref<!tpu.dma_semaphore, #tpu.memory_space<semaphore_mem>>) src(%dma_wait3A_707 : memref<1000000x64xf32, #tpu.memory_space<hbm>>) dst(%dma_wait3A_701 : memref<128x64xf32, #tpu.memory_space<vmem>>)
      %mul3A_710 = arith.constant 128 : i32
      %mul3A_711 = arith.muli %add3A_662, %mul3A_710 : i32
      %add3A_712 = arith.addi %mul3A_2, %mul3A_711 : i32
      %dma_start3A_713 = arith.constant 6 : i32
      %dma_start3A_714 = arith.constant 6 : i32
      %dma_start3A_715 = arith.constant 0 : i32
      %dma_start3A_716 = arith.constant 0 : i32
      %dma_start3A_717 = tpu.memref_slice %arg6[%dma_start3A_713, %dma_start3A_715, %dma_start3A_716] : memref<8x128x64xf32, #tpu.memory_space<vmem>> -> memref<1x128x64xf32, #tpu.memory_space<vmem>>
      %dma_start3A_718 = tpu.memref_squeeze %dma_start3A_717 : memref<1x128x64xf32, #tpu.memory_space<vmem>> -> memref<128x64xf32, #tpu.memory_space<vmem>>
      %dma_start3A_719 = arith.constant 0 : i32
      %dma_start3A_720 = tpu.memref_slice %arg4[%add3A_712, %dma_start3A_719] : memref<819200x64xf32, #tpu.memory_space<hbm>> -> memref<128x64xf32, #tpu.memory_space<hbm>>
      %dma_start3A_721 = tpu.memref_slice %arg8[%dma_start3A_714] : memref<8x!tpu.dma_semaphore, #tpu.memory_space<semaphore_mem>> -> memref<1x!tpu.dma_semaphore, #tpu.memory_space<semaphore_mem>>
      %dma_start3A_722 = tpu.memref_squeeze %dma_start3A_721 : memref<1x!tpu.dma_semaphore, #tpu.memory_space<semaphore_mem>> -> memref<!tpu.dma_semaphore, #tpu.memory_space<semaphore_mem>>
      %dma_start3A_723 = arith.constant 0 : i32
      %dma_start3A_724 = tpu.memref_slice %arg4[%add3A_712, %dma_start3A_723] : memref<819200x64xf32, #tpu.memory_space<hbm>> -> memref<128x64xf32, #tpu.memory_space<hbm>>
      %dma_start3A_725 = arith.constant 0 : i32
      %dma_start3A_726 = arith.constant 0 : i32
      %dma_start3A_727 = tpu.memref_slice %arg6[%dma_start3A_713, %dma_start3A_725, %dma_start3A_726] : memref<8x128x64xf32, #tpu.memory_space<vmem>> -> memref<1x128x64xf32, #tpu.memory_space<vmem>>
      %dma_start3A_728 = tpu.memref_squeeze %dma_start3A_727 : memref<1x128x64xf32, #tpu.memory_space<vmem>> -> memref<128x64xf32, #tpu.memory_space<vmem>>
      tpu.enqueue_dma source(%dma_start3A_728 : memref<128x64xf32, #tpu.memory_space<vmem>>) target(%dma_start3A_724 : memref<128x64xf32, #tpu.memory_space<hbm>>) target_semaphore(%dma_start3A_722 : memref<!tpu.dma_semaphore, #tpu.memory_space<semaphore_mem>>)
      %add3A_729 = arith.constant 3 : i32
      %add3A_730 = arith.addi %add3A_524, %add3A_729 : i32
      %dma_wait3A_731 = arith.constant 3 : i32
      %dma_wait3A_732 = arith.constant 3 : i32
      %dma_wait3A_733 = arith.constant 0 : i32
      %dma_wait3A_734 = arith.constant 0 : i32
      %dma_wait3A_735 = tpu.memref_slice %arg6[%dma_wait3A_731, %dma_wait3A_733, %dma_wait3A_734] : memref<8x128x64xf32, #tpu.memory_space<vmem>> -> memref<1x128x64xf32, #tpu.memory_space<vmem>>
      %dma_wait3A_736 = tpu.memref_squeeze %dma_wait3A_735 : memref<1x128x64xf32, #tpu.memory_space<vmem>> -> memref<128x64xf32, #tpu.memory_space<vmem>>
      %dma_wait3A_737 = arith.constant 0 : i32
      %dma_wait3A_738 = tpu.memref_slice %arg4[%mul3A_2, %dma_wait3A_737] : memref<819200x64xf32, #tpu.memory_space<hbm>> -> memref<128x64xf32, #tpu.memory_space<hbm>>
      %dma_wait3A_739 = tpu.memref_slice %arg8[%dma_wait3A_732] : memref<8x!tpu.dma_semaphore, #tpu.memory_space<semaphore_mem>> -> memref<1x!tpu.dma_semaphore, #tpu.memory_space<semaphore_mem>>
      %dma_wait3A_740 = tpu.memref_squeeze %dma_wait3A_739 : memref<1x!tpu.dma_semaphore, #tpu.memory_space<semaphore_mem>> -> memref<!tpu.dma_semaphore, #tpu.memory_space<semaphore_mem>>
      %dma_wait3A_741 = arith.constant 0 : i32
      %dma_wait3A_742 = tpu.memref_slice %arg4[%mul3A_2, %dma_wait3A_741] : memref<819200x64xf32, #tpu.memory_space<hbm>> -> memref<128x64xf32, #tpu.memory_space<hbm>>
      %dma_wait3A_743 = arith.constant 0 : i32
      %dma_wait3A_744 = arith.constant 0 : i32
      %dma_wait3A_745 = tpu.memref_slice %arg6[%dma_wait3A_731, %dma_wait3A_743, %dma_wait3A_744] : memref<8x128x64xf32, #tpu.memory_space<vmem>> -> memref<1x128x64xf32, #tpu.memory_space<vmem>>
      %dma_wait3A_746 = tpu.memref_squeeze %dma_wait3A_745 : memref<1x128x64xf32, #tpu.memory_space<vmem>> -> memref<128x64xf32, #tpu.memory_space<vmem>>
      tpu.wait_dma2 semaphore(%dma_wait3A_740 : memref<!tpu.dma_semaphore, #tpu.memory_space<semaphore_mem>>) src(%dma_wait3A_746 : memref<128x64xf32, #tpu.memory_space<vmem>>) dst(%dma_wait3A_742 : memref<128x64xf32, #tpu.memory_space<hbm>>)
      %add3A_747 = arith.constant 4 : i32
      %add3A_748 = arith.addi %add3A_730, %add3A_747 : i32
      %dma_start3A_749 = arith.constant 3 : i32
      %dma_start3A_750 = arith.constant 3 : i32
      %dma_start3A_751 = arith.constant 0 : i32
      %dma_start3A_752 = arith.constant 0 : i32
      %dma_start3A_753 = tpu.memref_slice %arg6[%dma_start3A_749, %dma_start3A_751, %dma_start3A_752] : memref<8x128x64xf32, #tpu.memory_space<vmem>> -> memref<1x128x64xf32, #tpu.memory_space<vmem>>
      %dma_start3A_754 = tpu.memref_squeeze %dma_start3A_753 : memref<1x128x64xf32, #tpu.memory_space<vmem>> -> memref<128x64xf32, #tpu.memory_space<vmem>>
      %dma_start3A_755 = arith.constant 0 : i32
      %dma_start3A_756 = tpu.memref_slice %arg5[%add3A_748, %dma_start3A_755] : memref<200x128xi32, #tpu.memory_space<vmem>> -> memref<1x128xi32, #tpu.memory_space<vmem>>
      %dma_start3A_757 = tpu.memref_squeeze %dma_start3A_756 : memref<1x128xi32, #tpu.memory_space<vmem>> -> memref<128xi32, #tpu.memory_space<vmem>>
      %dma_start3A_758 = arith.constant 0 : i32
      %dma_start3A_759 = arith.constant 0 : i32
      %dma_start3A_760 = tpu.memref_slice %arg2[%dma_start3A_758, %dma_start3A_759] : memref<1000000x64xf32, #tpu.memory_space<hbm>> -> memref<1000000x64xf32, #tpu.memory_space<hbm>>
      %dma_start3A_761 = tpu.memref_slice %arg7[%dma_start3A_750] : memref<8x!tpu.dma_semaphore, #tpu.memory_space<semaphore_mem>> -> memref<1x!tpu.dma_semaphore, #tpu.memory_space<semaphore_mem>>
      %dma_start3A_762 = tpu.memref_squeeze %dma_start3A_761 : memref<1x!tpu.dma_semaphore, #tpu.memory_space<semaphore_mem>> -> memref<!tpu.dma_semaphore, #tpu.memory_space<semaphore_mem>>
      tpu.enqueue_indirect_dma source(%dma_start3A_760 : memref<1000000x64xf32, #tpu.memory_space<hbm>>) target(%dma_start3A_754 : memref<128x64xf32, #tpu.memory_space<vmem>>) offsets(%dma_start3A_757 : memref<128xi32, #tpu.memory_space<vmem>>) semaphore(%dma_start3A_762 : memref<!tpu.dma_semaphore, #tpu.memory_space<semaphore_mem>>)
      %dma_wait3A_763 = arith.constant 0 : i32
      %dma_wait3A_764 = arith.constant 7 : i32
      %dma_wait3A_765 = arith.constant 7 : i32
      %dma_wait3A_766 = arith.constant 0 : i32
      %dma_wait3A_767 = arith.constant 0 : i32
      %dma_wait3A_768 = tpu.memref_slice %arg6[%dma_wait3A_764, %dma_wait3A_766, %dma_wait3A_767] : memref<8x128x64xf32, #tpu.memory_space<vmem>> -> memref<1x128x64xf32, #tpu.memory_space<vmem>>
      %dma_wait3A_769 = tpu.memref_squeeze %dma_wait3A_768 : memref<1x128x64xf32, #tpu.memory_space<vmem>> -> memref<128x64xf32, #tpu.memory_space<vmem>>
      %dma_wait3A_770 = arith.constant 0 : i32
      %dma_wait3A_771 = tpu.memref_slice %arg5[%dma_wait3A_763, %dma_wait3A_770] : memref<200x128xi32, #tpu.memory_space<vmem>> -> memref<1x128xi32, #tpu.memory_space<vmem>>
      %dma_wait3A_772 = tpu.memref_squeeze %dma_wait3A_771 : memref<1x128xi32, #tpu.memory_space<vmem>> -> memref<128xi32, #tpu.memory_space<vmem>>
      %dma_wait3A_773 = arith.constant 0 : i32
      %dma_wait3A_774 = arith.constant 0 : i32
      %dma_wait3A_775 = tpu.memref_slice %arg2[%dma_wait3A_773, %dma_wait3A_774] : memref<1000000x64xf32, #tpu.memory_space<hbm>> -> memref<1000000x64xf32, #tpu.memory_space<hbm>>
      %dma_wait3A_776 = tpu.memref_slice %arg7[%dma_wait3A_765] : memref<8x!tpu.dma_semaphore, #tpu.memory_space<semaphore_mem>> -> memref<1x!tpu.dma_semaphore, #tpu.memory_space<semaphore_mem>>
      %dma_wait3A_777 = tpu.memref_squeeze %dma_wait3A_776 : memref<1x!tpu.dma_semaphore, #tpu.memory_space<semaphore_mem>> -> memref<!tpu.dma_semaphore, #tpu.memory_space<semaphore_mem>>
      tpu.wait_indirect_dma semaphore(%dma_wait3A_777 : memref<!tpu.dma_semaphore, #tpu.memory_space<semaphore_mem>>) src(%dma_wait3A_775 : memref<1000000x64xf32, #tpu.memory_space<hbm>>) dst(%dma_wait3A_769 : memref<128x64xf32, #tpu.memory_space<vmem>>)
      %mul3A_778 = arith.constant 128 : i32
      %mul3A_779 = arith.muli %add3A_730, %mul3A_778 : i32
      %add3A_780 = arith.addi %mul3A_2, %mul3A_779 : i32
      %dma_start3A_781 = arith.constant 7 : i32
      %dma_start3A_782 = arith.constant 7 : i32
      %dma_start3A_783 = arith.constant 0 : i32
      %dma_start3A_784 = arith.constant 0 : i32
      %dma_start3A_785 = tpu.memref_slice %arg6[%dma_start3A_781, %dma_start3A_783, %dma_start3A_784] : memref<8x128x64xf32, #tpu.memory_space<vmem>> -> memref<1x128x64xf32, #tpu.memory_space<vmem>>
      %dma_start3A_786 = tpu.memref_squeeze %dma_start3A_785 : memref<1x128x64xf32, #tpu.memory_space<vmem>> -> memref<128x64xf32, #tpu.memory_space<vmem>>
      %dma_start3A_787 = arith.constant 0 : i32
      %dma_start3A_788 = tpu.memref_slice %arg4[%add3A_780, %dma_start3A_787] : memref<819200x64xf32, #tpu.memory_space<hbm>> -> memref<128x64xf32, #tpu.memory_space<hbm>>
      %dma_start3A_789 = tpu.memref_slice %arg8[%dma_start3A_782] : memref<8x!tpu.dma_semaphore, #tpu.memory_space<semaphore_mem>> -> memref<1x!tpu.dma_semaphore, #tpu.memory_space<semaphore_mem>>
      %dma_start3A_790 = tpu.memref_squeeze %dma_start3A_789 : memref<1x!tpu.dma_semaphore, #tpu.memory_space<semaphore_mem>> -> memref<!tpu.dma_semaphore, #tpu.memory_space<semaphore_mem>>
      %dma_start3A_791 = arith.constant 0 : i32
      %dma_start3A_792 = tpu.memref_slice %arg4[%add3A_780, %dma_start3A_791] : memref<819200x64xf32, #tpu.memory_space<hbm>> -> memref<128x64xf32, #tpu.memory_space<hbm>>
      %dma_start3A_793 = arith.constant 0 : i32
      %dma_start3A_794 = arith.constant 0 : i32
      %dma_start3A_795 = tpu.memref_slice %arg6[%dma_start3A_781, %dma_start3A_793, %dma_start3A_794] : memref<8x128x64xf32, #tpu.memory_space<vmem>> -> memref<1x128x64xf32, #tpu.memory_space<vmem>>
      %dma_start3A_796 = tpu.memref_squeeze %dma_start3A_795 : memref<1x128x64xf32, #tpu.memory_space<vmem>> -> memref<128x64xf32, #tpu.memory_space<vmem>>
      tpu.enqueue_dma source(%dma_start3A_796 : memref<128x64xf32, #tpu.memory_space<vmem>>) target(%dma_start3A_792 : memref<128x64xf32, #tpu.memory_space<hbm>>) target_semaphore(%dma_start3A_790 : memref<!tpu.dma_semaphore, #tpu.memory_space<semaphore_mem>>)
      %add3A_797 = arith.constant 4 : i32
      %add3A_798 = arith.addi %add3A_524, %add3A_797 : i32
      %dma_wait3A_799 = arith.constant 4 : i32
      %dma_wait3A_800 = arith.constant 4 : i32
      %dma_wait3A_801 = arith.constant 0 : i32
      %dma_wait3A_802 = arith.constant 0 : i32
      %dma_wait3A_803 = tpu.memref_slice %arg6[%dma_wait3A_799, %dma_wait3A_801, %dma_wait3A_802] : memref<8x128x64xf32, #tpu.memory_space<vmem>> -> memref<1x128x64xf32, #tpu.memory_space<vmem>>
      %dma_wait3A_804 = tpu.memref_squeeze %dma_wait3A_803 : memref<1x128x64xf32, #tpu.memory_space<vmem>> -> memref<128x64xf32, #tpu.memory_space<vmem>>
      %dma_wait3A_805 = arith.constant 0 : i32
      %dma_wait3A_806 = tpu.memref_slice %arg4[%mul3A_2, %dma_wait3A_805] : memref<819200x64xf32, #tpu.memory_space<hbm>> -> memref<128x64xf32, #tpu.memory_space<hbm>>
      %dma_wait3A_807 = tpu.memref_slice %arg8[%dma_wait3A_800] : memref<8x!tpu.dma_semaphore, #tpu.memory_space<semaphore_mem>> -> memref<1x!tpu.dma_semaphore, #tpu.memory_space<semaphore_mem>>
      %dma_wait3A_808 = tpu.memref_squeeze %dma_wait3A_807 : memref<1x!tpu.dma_semaphore, #tpu.memory_space<semaphore_mem>> -> memref<!tpu.dma_semaphore, #tpu.memory_space<semaphore_mem>>
      %dma_wait3A_809 = arith.constant 0 : i32
      %dma_wait3A_810 = tpu.memref_slice %arg4[%mul3A_2, %dma_wait3A_809] : memref<819200x64xf32, #tpu.memory_space<hbm>> -> memref<128x64xf32, #tpu.memory_space<hbm>>
      %dma_wait3A_811 = arith.constant 0 : i32
      %dma_wait3A_812 = arith.constant 0 : i32
      %dma_wait3A_813 = tpu.memref_slice %arg6[%dma_wait3A_799, %dma_wait3A_811, %dma_wait3A_812] : memref<8x128x64xf32, #tpu.memory_space<vmem>> -> memref<1x128x64xf32, #tpu.memory_space<vmem>>
      %dma_wait3A_814 = tpu.memref_squeeze %dma_wait3A_813 : memref<1x128x64xf32, #tpu.memory_space<vmem>> -> memref<128x64xf32, #tpu.memory_space<vmem>>
      tpu.wait_dma2 semaphore(%dma_wait3A_808 : memref<!tpu.dma_semaphore, #tpu.memory_space<semaphore_mem>>) src(%dma_wait3A_814 : memref<128x64xf32, #tpu.memory_space<vmem>>) dst(%dma_wait3A_810 : memref<128x64xf32, #tpu.memory_space<hbm>>)
      %add3A_815 = arith.constant 4 : i32
      %add3A_816 = arith.addi %add3A_798, %add3A_815 : i32
      %dma_start3A_817 = arith.constant 4 : i32
      %dma_start3A_818 = arith.constant 4 : i32
      %dma_start3A_819 = arith.constant 0 : i32
      %dma_start3A_820 = arith.constant 0 : i32
      %dma_start3A_821 = tpu.memref_slice %arg6[%dma_start3A_817, %dma_start3A_819, %dma_start3A_820] : memref<8x128x64xf32, #tpu.memory_space<vmem>> -> memref<1x128x64xf32, #tpu.memory_space<vmem>>
      %dma_start3A_822 = tpu.memref_squeeze %dma_start3A_821 : memref<1x128x64xf32, #tpu.memory_space<vmem>> -> memref<128x64xf32, #tpu.memory_space<vmem>>
      %dma_start3A_823 = arith.constant 0 : i32
      %dma_start3A_824 = tpu.memref_slice %arg5[%add3A_816, %dma_start3A_823] : memref<200x128xi32, #tpu.memory_space<vmem>> -> memref<1x128xi32, #tpu.memory_space<vmem>>
      %dma_start3A_825 = tpu.memref_squeeze %dma_start3A_824 : memref<1x128xi32, #tpu.memory_space<vmem>> -> memref<128xi32, #tpu.memory_space<vmem>>
      %dma_start3A_826 = arith.constant 0 : i32
      %dma_start3A_827 = arith.constant 0 : i32
      %dma_start3A_828 = tpu.memref_slice %arg2[%dma_start3A_826, %dma_start3A_827] : memref<1000000x64xf32, #tpu.memory_space<hbm>> -> memref<1000000x64xf32, #tpu.memory_space<hbm>>
      %dma_start3A_829 = tpu.memref_slice %arg7[%dma_start3A_818] : memref<8x!tpu.dma_semaphore, #tpu.memory_space<semaphore_mem>> -> memref<1x!tpu.dma_semaphore, #tpu.memory_space<semaphore_mem>>
      %dma_start3A_830 = tpu.memref_squeeze %dma_start3A_829 : memref<1x!tpu.dma_semaphore, #tpu.memory_space<semaphore_mem>> -> memref<!tpu.dma_semaphore, #tpu.memory_space<semaphore_mem>>
      tpu.enqueue_indirect_dma source(%dma_start3A_828 : memref<1000000x64xf32, #tpu.memory_space<hbm>>) target(%dma_start3A_822 : memref<128x64xf32, #tpu.memory_space<vmem>>) offsets(%dma_start3A_825 : memref<128xi32, #tpu.memory_space<vmem>>) semaphore(%dma_start3A_830 : memref<!tpu.dma_semaphore, #tpu.memory_space<semaphore_mem>>)
      %dma_wait3A_831 = arith.constant 0 : i32
      %dma_wait3A_832 = arith.constant 0 : i32
      %dma_wait3A_833 = arith.constant 0 : i32
      %dma_wait3A_834 = arith.constant 0 : i32
      %dma_wait3A_835 = arith.constant 0 : i32
      %dma_wait3A_836 = tpu.memref_slice %arg6[%dma_wait3A_832, %dma_wait3A_834, %dma_wait3A_835] : memref<8x128x64xf32, #tpu.memory_space<vmem>> -> memref<1x128x64xf32, #tpu.memory_space<vmem>>
      %dma_wait3A_837 = tpu.memref_squeeze %dma_wait3A_836 : memref<1x128x64xf32, #tpu.memory_space<vmem>> -> memref<128x64xf32, #tpu.memory_space<vmem>>
      %dma_wait3A_838 = arith.constant 0 : i32
      %dma_wait3A_839 = tpu.memref_slice %arg5[%dma_wait3A_831, %dma_wait3A_838] : memref<200x128xi32, #tpu.memory_space<vmem>> -> memref<1x128xi32, #tpu.memory_space<vmem>>
      %dma_wait3A_840 = tpu.memref_squeeze %dma_wait3A_839 : memref<1x128xi32, #tpu.memory_space<vmem>> -> memref<128xi32, #tpu.memory_space<vmem>>
      %dma_wait3A_841 = arith.constant 0 : i32
      %dma_wait3A_842 = arith.constant 0 : i32
      %dma_wait3A_843 = tpu.memref_slice %arg2[%dma_wait3A_841, %dma_wait3A_842] : memref<1000000x64xf32, #tpu.memory_space<hbm>> -> memref<1000000x64xf32, #tpu.memory_space<hbm>>
      %dma_wait3A_844 = tpu.memref_slice %arg7[%dma_wait3A_833] : memref<8x!tpu.dma_semaphore, #tpu.memory_space<semaphore_mem>> -> memref<1x!tpu.dma_semaphore, #tpu.memory_space<semaphore_mem>>
      %dma_wait3A_845 = tpu.memref_squeeze %dma_wait3A_844 : memref<1x!tpu.dma_semaphore, #tpu.memory_space<semaphore_mem>> -> memref<!tpu.dma_semaphore, #tpu.memory_space<semaphore_mem>>
      tpu.wait_indirect_dma semaphore(%dma_wait3A_845 : memref<!tpu.dma_semaphore, #tpu.memory_space<semaphore_mem>>) src(%dma_wait3A_843 : memref<1000000x64xf32, #tpu.memory_space<hbm>>) dst(%dma_wait3A_837 : memref<128x64xf32, #tpu.memory_space<vmem>>)
      %mul3A_846 = arith.constant 128 : i32
      %mul3A_847 = arith.muli %add3A_798, %mul3A_846 : i32
      %add3A_848 = arith.addi %mul3A_2, %mul3A_847 : i32
      %dma_start3A_849 = arith.constant 0 : i32
      %dma_start3A_850 = arith.constant 0 : i32
      %dma_start3A_851 = arith.constant 0 : i32
      %dma_start3A_852 = arith.constant 0 : i32
      %dma_start3A_853 = tpu.memref_slice %arg6[%dma_start3A_849, %dma_start3A_851, %dma_start3A_852] : memref<8x128x64xf32, #tpu.memory_space<vmem>> -> memref<1x128x64xf32, #tpu.memory_space<vmem>>
      %dma_start3A_854 = tpu.memref_squeeze %dma_start3A_853 : memref<1x128x64xf32, #tpu.memory_space<vmem>> -> memref<128x64xf32, #tpu.memory_space<vmem>>
      %dma_start3A_855 = arith.constant 0 : i32
      %dma_start3A_856 = tpu.memref_slice %arg4[%add3A_848, %dma_start3A_855] : memref<819200x64xf32, #tpu.memory_space<hbm>> -> memref<128x64xf32, #tpu.memory_space<hbm>>
      %dma_start3A_857 = tpu.memref_slice %arg8[%dma_start3A_850] : memref<8x!tpu.dma_semaphore, #tpu.memory_space<semaphore_mem>> -> memref<1x!tpu.dma_semaphore, #tpu.memory_space<semaphore_mem>>
      %dma_start3A_858 = tpu.memref_squeeze %dma_start3A_857 : memref<1x!tpu.dma_semaphore, #tpu.memory_space<semaphore_mem>> -> memref<!tpu.dma_semaphore, #tpu.memory_space<semaphore_mem>>
      %dma_start3A_859 = arith.constant 0 : i32
      %dma_start3A_860 = tpu.memref_slice %arg4[%add3A_848, %dma_start3A_859] : memref<819200x64xf32, #tpu.memory_space<hbm>> -> memref<128x64xf32, #tpu.memory_space<hbm>>
      %dma_start3A_861 = arith.constant 0 : i32
      %dma_start3A_862 = arith.constant 0 : i32
      %dma_start3A_863 = tpu.memref_slice %arg6[%dma_start3A_849, %dma_start3A_861, %dma_start3A_862] : memref<8x128x64xf32, #tpu.memory_space<vmem>> -> memref<1x128x64xf32, #tpu.memory_space<vmem>>
      %dma_start3A_864 = tpu.memref_squeeze %dma_start3A_863 : memref<1x128x64xf32, #tpu.memory_space<vmem>> -> memref<128x64xf32, #tpu.memory_space<vmem>>
      tpu.enqueue_dma source(%dma_start3A_864 : memref<128x64xf32, #tpu.memory_space<vmem>>) target(%dma_start3A_860 : memref<128x64xf32, #tpu.memory_space<hbm>>) target_semaphore(%dma_start3A_858 : memref<!tpu.dma_semaphore, #tpu.memory_space<semaphore_mem>>)
      %add3A_865 = arith.constant 5 : i32
      %add3A_866 = arith.addi %add3A_524, %add3A_865 : i32
      %dma_wait3A_867 = arith.constant 5 : i32
      %dma_wait3A_868 = arith.constant 5 : i32
      %dma_wait3A_869 = arith.constant 0 : i32
      %dma_wait3A_870 = arith.constant 0 : i32
      %dma_wait3A_871 = tpu.memref_slice %arg6[%dma_wait3A_867, %dma_wait3A_869, %dma_wait3A_870] : memref<8x128x64xf32, #tpu.memory_space<vmem>> -> memref<1x128x64xf32, #tpu.memory_space<vmem>>
      %dma_wait3A_872 = tpu.memref_squeeze %dma_wait3A_871 : memref<1x128x64xf32, #tpu.memory_space<vmem>> -> memref<128x64xf32, #tpu.memory_space<vmem>>
      %dma_wait3A_873 = arith.constant 0 : i32
      %dma_wait3A_874 = tpu.memref_slice %arg4[%mul3A_2, %dma_wait3A_873] : memref<819200x64xf32, #tpu.memory_space<hbm>> -> memref<128x64xf32, #tpu.memory_space<hbm>>
      %dma_wait3A_875 = tpu.memref_slice %arg8[%dma_wait3A_868] : memref<8x!tpu.dma_semaphore, #tpu.memory_space<semaphore_mem>> -> memref<1x!tpu.dma_semaphore, #tpu.memory_space<semaphore_mem>>
      %dma_wait3A_876 = tpu.memref_squeeze %dma_wait3A_875 : memref<1x!tpu.dma_semaphore, #tpu.memory_space<semaphore_mem>> -> memref<!tpu.dma_semaphore, #tpu.memory_space<semaphore_mem>>
      %dma_wait3A_877 = arith.constant 0 : i32
      %dma_wait3A_878 = tpu.memref_slice %arg4[%mul3A_2, %dma_wait3A_877] : memref<819200x64xf32, #tpu.memory_space<hbm>> -> memref<128x64xf32, #tpu.memory_space<hbm>>
      %dma_wait3A_879 = arith.constant 0 : i32
      %dma_wait3A_880 = arith.constant 0 : i32
      %dma_wait3A_881 = tpu.memref_slice %arg6[%dma_wait3A_867, %dma_wait3A_879, %dma_wait3A_880] : memref<8x128x64xf32, #tpu.memory_space<vmem>> -> memref<1x128x64xf32, #tpu.memory_space<vmem>>
      %dma_wait3A_882 = tpu.memref_squeeze %dma_wait3A_881 : memref<1x128x64xf32, #tpu.memory_space<vmem>> -> memref<128x64xf32, #tpu.memory_space<vmem>>
      tpu.wait_dma2 semaphore(%dma_wait3A_876 : memref<!tpu.dma_semaphore, #tpu.memory_space<semaphore_mem>>) src(%dma_wait3A_882 : memref<128x64xf32, #tpu.memory_space<vmem>>) dst(%dma_wait3A_878 : memref<128x64xf32, #tpu.memory_space<hbm>>)
      %add3A_883 = arith.constant 4 : i32
      %add3A_884 = arith.addi %add3A_866, %add3A_883 : i32
      %dma_start3A_885 = arith.constant 5 : i32
      %dma_start3A_886 = arith.constant 5 : i32
      %dma_start3A_887 = arith.constant 0 : i32
      %dma_start3A_888 = arith.constant 0 : i32
      %dma_start3A_889 = tpu.memref_slice %arg6[%dma_start3A_885, %dma_start3A_887, %dma_start3A_888] : memref<8x128x64xf32, #tpu.memory_space<vmem>> -> memref<1x128x64xf32, #tpu.memory_space<vmem>>
      %dma_start3A_890 = tpu.memref_squeeze %dma_start3A_889 : memref<1x128x64xf32, #tpu.memory_space<vmem>> -> memref<128x64xf32, #tpu.memory_space<vmem>>
      %dma_start3A_891 = arith.constant 0 : i32
      %dma_start3A_892 = tpu.memref_slice %arg5[%add3A_884, %dma_start3A_891] : memref<200x128xi32, #tpu.memory_space<vmem>> -> memref<1x128xi32, #tpu.memory_space<vmem>>
      %dma_start3A_893 = tpu.memref_squeeze %dma_start3A_892 : memref<1x128xi32, #tpu.memory_space<vmem>> -> memref<128xi32, #tpu.memory_space<vmem>>
      %dma_start3A_894 = arith.constant 0 : i32
      %dma_start3A_895 = arith.constant 0 : i32
      %dma_start3A_896 = tpu.memref_slice %arg2[%dma_start3A_894, %dma_start3A_895] : memref<1000000x64xf32, #tpu.memory_space<hbm>> -> memref<1000000x64xf32, #tpu.memory_space<hbm>>
      %dma_start3A_897 = tpu.memref_slice %arg7[%dma_start3A_886] : memref<8x!tpu.dma_semaphore, #tpu.memory_space<semaphore_mem>> -> memref<1x!tpu.dma_semaphore, #tpu.memory_space<semaphore_mem>>
      %dma_start3A_898 = tpu.memref_squeeze %dma_start3A_897 : memref<1x!tpu.dma_semaphore, #tpu.memory_space<semaphore_mem>> -> memref<!tpu.dma_semaphore, #tpu.memory_space<semaphore_mem>>
      tpu.enqueue_indirect_dma source(%dma_start3A_896 : memref<1000000x64xf32, #tpu.memory_space<hbm>>) target(%dma_start3A_890 : memref<128x64xf32, #tpu.memory_space<vmem>>) offsets(%dma_start3A_893 : memref<128xi32, #tpu.memory_space<vmem>>) semaphore(%dma_start3A_898 : memref<!tpu.dma_semaphore, #tpu.memory_space<semaphore_mem>>)
      %dma_wait3A_899 = arith.constant 0 : i32
      %dma_wait3A_900 = arith.constant 1 : i32
      %dma_wait3A_901 = arith.constant 1 : i32
      %dma_wait3A_902 = arith.constant 0 : i32
      %dma_wait3A_903 = arith.constant 0 : i32
      %dma_wait3A_904 = tpu.memref_slice %arg6[%dma_wait3A_900, %dma_wait3A_902, %dma_wait3A_903] : memref<8x128x64xf32, #tpu.memory_space<vmem>> -> memref<1x128x64xf32, #tpu.memory_space<vmem>>
      %dma_wait3A_905 = tpu.memref_squeeze %dma_wait3A_904 : memref<1x128x64xf32, #tpu.memory_space<vmem>> -> memref<128x64xf32, #tpu.memory_space<vmem>>
      %dma_wait3A_906 = arith.constant 0 : i32
      %dma_wait3A_907 = tpu.memref_slice %arg5[%dma_wait3A_899, %dma_wait3A_906] : memref<200x128xi32, #tpu.memory_space<vmem>> -> memref<1x128xi32, #tpu.memory_space<vmem>>
      %dma_wait3A_908 = tpu.memref_squeeze %dma_wait3A_907 : memref<1x128xi32, #tpu.memory_space<vmem>> -> memref<128xi32, #tpu.memory_space<vmem>>
      %dma_wait3A_909 = arith.constant 0 : i32
      %dma_wait3A_910 = arith.constant 0 : i32
      %dma_wait3A_911 = tpu.memref_slice %arg2[%dma_wait3A_909, %dma_wait3A_910] : memref<1000000x64xf32, #tpu.memory_space<hbm>> -> memref<1000000x64xf32, #tpu.memory_space<hbm>>
      %dma_wait3A_912 = tpu.memref_slice %arg7[%dma_wait3A_901] : memref<8x!tpu.dma_semaphore, #tpu.memory_space<semaphore_mem>> -> memref<1x!tpu.dma_semaphore, #tpu.memory_space<semaphore_mem>>
      %dma_wait3A_913 = tpu.memref_squeeze %dma_wait3A_912 : memref<1x!tpu.dma_semaphore, #tpu.memory_space<semaphore_mem>> -> memref<!tpu.dma_semaphore, #tpu.memory_space<semaphore_mem>>
      tpu.wait_indirect_dma semaphore(%dma_wait3A_913 : memref<!tpu.dma_semaphore, #tpu.memory_space<semaphore_mem>>) src(%dma_wait3A_911 : memref<1000000x64xf32, #tpu.memory_space<hbm>>) dst(%dma_wait3A_905 : memref<128x64xf32, #tpu.memory_space<vmem>>)
      %mul3A_914 = arith.constant 128 : i32
      %mul3A_915 = arith.muli %add3A_866, %mul3A_914 : i32
      %add3A_916 = arith.addi %mul3A_2, %mul3A_915 : i32
      %dma_start3A_917 = arith.constant 1 : i32
      %dma_start3A_918 = arith.constant 1 : i32
      %dma_start3A_919 = arith.constant 0 : i32
      %dma_start3A_920 = arith.constant 0 : i32
      %dma_start3A_921 = tpu.memref_slice %arg6[%dma_start3A_917, %dma_start3A_919, %dma_start3A_920] : memref<8x128x64xf32, #tpu.memory_space<vmem>> -> memref<1x128x64xf32, #tpu.memory_space<vmem>>
      %dma_start3A_922 = tpu.memref_squeeze %dma_start3A_921 : memref<1x128x64xf32, #tpu.memory_space<vmem>> -> memref<128x64xf32, #tpu.memory_space<vmem>>
      %dma_start3A_923 = arith.constant 0 : i32
      %dma_start3A_924 = tpu.memref_slice %arg4[%add3A_916, %dma_start3A_923] : memref<819200x64xf32, #tpu.memory_space<hbm>> -> memref<128x64xf32, #tpu.memory_space<hbm>>
      %dma_start3A_925 = tpu.memref_slice %arg8[%dma_start3A_918] : memref<8x!tpu.dma_semaphore, #tpu.memory_space<semaphore_mem>> -> memref<1x!tpu.dma_semaphore, #tpu.memory_space<semaphore_mem>>
      %dma_start3A_926 = tpu.memref_squeeze %dma_start3A_925 : memref<1x!tpu.dma_semaphore, #tpu.memory_space<semaphore_mem>> -> memref<!tpu.dma_semaphore, #tpu.memory_space<semaphore_mem>>
      %dma_start3A_927 = arith.constant 0 : i32
      %dma_start3A_928 = tpu.memref_slice %arg4[%add3A_916, %dma_start3A_927] : memref<819200x64xf32, #tpu.memory_space<hbm>> -> memref<128x64xf32, #tpu.memory_space<hbm>>
      %dma_start3A_929 = arith.constant 0 : i32
      %dma_start3A_930 = arith.constant 0 : i32
      %dma_start3A_931 = tpu.memref_slice %arg6[%dma_start3A_917, %dma_start3A_929, %dma_start3A_930] : memref<8x128x64xf32, #tpu.memory_space<vmem>> -> memref<1x128x64xf32, #tpu.memory_space<vmem>>
      %dma_start3A_932 = tpu.memref_squeeze %dma_start3A_931 : memref<1x128x64xf32, #tpu.memory_space<vmem>> -> memref<128x64xf32, #tpu.memory_space<vmem>>
      tpu.enqueue_dma source(%dma_start3A_932 : memref<128x64xf32, #tpu.memory_space<vmem>>) target(%dma_start3A_928 : memref<128x64xf32, #tpu.memory_space<hbm>>) target_semaphore(%dma_start3A_926 : memref<!tpu.dma_semaphore, #tpu.memory_space<semaphore_mem>>)
      %add3A_933 = arith.constant 6 : i32
      %add3A_934 = arith.addi %add3A_524, %add3A_933 : i32
      %dma_wait3A_935 = arith.constant 6 : i32
      %dma_wait3A_936 = arith.constant 6 : i32
      %dma_wait3A_937 = arith.constant 0 : i32
      %dma_wait3A_938 = arith.constant 0 : i32
      %dma_wait3A_939 = tpu.memref_slice %arg6[%dma_wait3A_935, %dma_wait3A_937, %dma_wait3A_938] : memref<8x128x64xf32, #tpu.memory_space<vmem>> -> memref<1x128x64xf32, #tpu.memory_space<vmem>>
      %dma_wait3A_940 = tpu.memref_squeeze %dma_wait3A_939 : memref<1x128x64xf32, #tpu.memory_space<vmem>> -> memref<128x64xf32, #tpu.memory_space<vmem>>
      %dma_wait3A_941 = arith.constant 0 : i32
      %dma_wait3A_942 = tpu.memref_slice %arg4[%mul3A_2, %dma_wait3A_941] : memref<819200x64xf32, #tpu.memory_space<hbm>> -> memref<128x64xf32, #tpu.memory_space<hbm>>
      %dma_wait3A_943 = tpu.memref_slice %arg8[%dma_wait3A_936] : memref<8x!tpu.dma_semaphore, #tpu.memory_space<semaphore_mem>> -> memref<1x!tpu.dma_semaphore, #tpu.memory_space<semaphore_mem>>
      %dma_wait3A_944 = tpu.memref_squeeze %dma_wait3A_943 : memref<1x!tpu.dma_semaphore, #tpu.memory_space<semaphore_mem>> -> memref<!tpu.dma_semaphore, #tpu.memory_space<semaphore_mem>>
      %dma_wait3A_945 = arith.constant 0 : i32
      %dma_wait3A_946 = tpu.memref_slice %arg4[%mul3A_2, %dma_wait3A_945] : memref<819200x64xf32, #tpu.memory_space<hbm>> -> memref<128x64xf32, #tpu.memory_space<hbm>>
      %dma_wait3A_947 = arith.constant 0 : i32
      %dma_wait3A_948 = arith.constant 0 : i32
      %dma_wait3A_949 = tpu.memref_slice %arg6[%dma_wait3A_935, %dma_wait3A_947, %dma_wait3A_948] : memref<8x128x64xf32, #tpu.memory_space<vmem>> -> memref<1x128x64xf32, #tpu.memory_space<vmem>>
      %dma_wait3A_950 = tpu.memref_squeeze %dma_wait3A_949 : memref<1x128x64xf32, #tpu.memory_space<vmem>> -> memref<128x64xf32, #tpu.memory_space<vmem>>
      tpu.wait_dma2 semaphore(%dma_wait3A_944 : memref<!tpu.dma_semaphore, #tpu.memory_space<semaphore_mem>>) src(%dma_wait3A_950 : memref<128x64xf32, #tpu.memory_space<vmem>>) dst(%dma_wait3A_946 : memref<128x64xf32, #tpu.memory_space<hbm>>)
      %add3A_951 = arith.constant 4 : i32
      %add3A_952 = arith.addi %add3A_934, %add3A_951 : i32
      %dma_start3A_953 = arith.constant 6 : i32
      %dma_start3A_954 = arith.constant 6 : i32
      %dma_start3A_955 = arith.constant 0 : i32
      %dma_start3A_956 = arith.constant 0 : i32
      %dma_start3A_957 = tpu.memref_slice %arg6[%dma_start3A_953, %dma_start3A_955, %dma_start3A_956] : memref<8x128x64xf32, #tpu.memory_space<vmem>> -> memref<1x128x64xf32, #tpu.memory_space<vmem>>
      %dma_start3A_958 = tpu.memref_squeeze %dma_start3A_957 : memref<1x128x64xf32, #tpu.memory_space<vmem>> -> memref<128x64xf32, #tpu.memory_space<vmem>>
      %dma_start3A_959 = arith.constant 0 : i32
      %dma_start3A_960 = tpu.memref_slice %arg5[%add3A_952, %dma_start3A_959] : memref<200x128xi32, #tpu.memory_space<vmem>> -> memref<1x128xi32, #tpu.memory_space<vmem>>
      %dma_start3A_961 = tpu.memref_squeeze %dma_start3A_960 : memref<1x128xi32, #tpu.memory_space<vmem>> -> memref<128xi32, #tpu.memory_space<vmem>>
      %dma_start3A_962 = arith.constant 0 : i32
      %dma_start3A_963 = arith.constant 0 : i32
      %dma_start3A_964 = tpu.memref_slice %arg2[%dma_start3A_962, %dma_start3A_963] : memref<1000000x64xf32, #tpu.memory_space<hbm>> -> memref<1000000x64xf32, #tpu.memory_space<hbm>>
      %dma_start3A_965 = tpu.memref_slice %arg7[%dma_start3A_954] : memref<8x!tpu.dma_semaphore, #tpu.memory_space<semaphore_mem>> -> memref<1x!tpu.dma_semaphore, #tpu.memory_space<semaphore_mem>>
      %dma_start3A_966 = tpu.memref_squeeze %dma_start3A_965 : memref<1x!tpu.dma_semaphore, #tpu.memory_space<semaphore_mem>> -> memref<!tpu.dma_semaphore, #tpu.memory_space<semaphore_mem>>
      tpu.enqueue_indirect_dma source(%dma_start3A_964 : memref<1000000x64xf32, #tpu.memory_space<hbm>>) target(%dma_start3A_958 : memref<128x64xf32, #tpu.memory_space<vmem>>) offsets(%dma_start3A_961 : memref<128xi32, #tpu.memory_space<vmem>>) semaphore(%dma_start3A_966 : memref<!tpu.dma_semaphore, #tpu.memory_space<semaphore_mem>>)
      %dma_wait3A_967 = arith.constant 0 : i32
      %dma_wait3A_968 = arith.constant 2 : i32
      %dma_wait3A_969 = arith.constant 2 : i32
      %dma_wait3A_970 = arith.constant 0 : i32
      %dma_wait3A_971 = arith.constant 0 : i32
      %dma_wait3A_972 = tpu.memref_slice %arg6[%dma_wait3A_968, %dma_wait3A_970, %dma_wait3A_971] : memref<8x128x64xf32, #tpu.memory_space<vmem>> -> memref<1x128x64xf32, #tpu.memory_space<vmem>>
      %dma_wait3A_973 = tpu.memref_squeeze %dma_wait3A_972 : memref<1x128x64xf32, #tpu.memory_space<vmem>> -> memref<128x64xf32, #tpu.memory_space<vmem>>
      %dma_wait3A_974 = arith.constant 0 : i32
      %dma_wait3A_975 = tpu.memref_slice %arg5[%dma_wait3A_967, %dma_wait3A_974] : memref<200x128xi32, #tpu.memory_space<vmem>> -> memref<1x128xi32, #tpu.memory_space<vmem>>
      %dma_wait3A_976 = tpu.memref_squeeze %dma_wait3A_975 : memref<1x128xi32, #tpu.memory_space<vmem>> -> memref<128xi32, #tpu.memory_space<vmem>>
      %dma_wait3A_977 = arith.constant 0 : i32
      %dma_wait3A_978 = arith.constant 0 : i32
      %dma_wait3A_979 = tpu.memref_slice %arg2[%dma_wait3A_977, %dma_wait3A_978] : memref<1000000x64xf32, #tpu.memory_space<hbm>> -> memref<1000000x64xf32, #tpu.memory_space<hbm>>
      %dma_wait3A_980 = tpu.memref_slice %arg7[%dma_wait3A_969] : memref<8x!tpu.dma_semaphore, #tpu.memory_space<semaphore_mem>> -> memref<1x!tpu.dma_semaphore, #tpu.memory_space<semaphore_mem>>
      %dma_wait3A_981 = tpu.memref_squeeze %dma_wait3A_980 : memref<1x!tpu.dma_semaphore, #tpu.memory_space<semaphore_mem>> -> memref<!tpu.dma_semaphore, #tpu.memory_space<semaphore_mem>>
      tpu.wait_indirect_dma semaphore(%dma_wait3A_981 : memref<!tpu.dma_semaphore, #tpu.memory_space<semaphore_mem>>) src(%dma_wait3A_979 : memref<1000000x64xf32, #tpu.memory_space<hbm>>) dst(%dma_wait3A_973 : memref<128x64xf32, #tpu.memory_space<vmem>>)
      %mul3A_982 = arith.constant 128 : i32
      %mul3A_983 = arith.muli %add3A_934, %mul3A_982 : i32
      %add3A_984 = arith.addi %mul3A_2, %mul3A_983 : i32
      %dma_start3A_985 = arith.constant 2 : i32
      %dma_start3A_986 = arith.constant 2 : i32
      %dma_start3A_987 = arith.constant 0 : i32
      %dma_start3A_988 = arith.constant 0 : i32
      %dma_start3A_989 = tpu.memref_slice %arg6[%dma_start3A_985, %dma_start3A_987, %dma_start3A_988] : memref<8x128x64xf32, #tpu.memory_space<vmem>> -> memref<1x128x64xf32, #tpu.memory_space<vmem>>
      %dma_start3A_990 = tpu.memref_squeeze %dma_start3A_989 : memref<1x128x64xf32, #tpu.memory_space<vmem>> -> memref<128x64xf32, #tpu.memory_space<vmem>>
      %dma_start3A_991 = arith.constant 0 : i32
      %dma_start3A_992 = tpu.memref_slice %arg4[%add3A_984, %dma_start3A_991] : memref<819200x64xf32, #tpu.memory_space<hbm>> -> memref<128x64xf32, #tpu.memory_space<hbm>>
      %dma_start3A_993 = tpu.memref_slice %arg8[%dma_start3A_986] : memref<8x!tpu.dma_semaphore, #tpu.memory_space<semaphore_mem>> -> memref<1x!tpu.dma_semaphore, #tpu.memory_space<semaphore_mem>>
      %dma_start3A_994 = tpu.memref_squeeze %dma_start3A_993 : memref<1x!tpu.dma_semaphore, #tpu.memory_space<semaphore_mem>> -> memref<!tpu.dma_semaphore, #tpu.memory_space<semaphore_mem>>
      %dma_start3A_995 = arith.constant 0 : i32
      %dma_start3A_996 = tpu.memref_slice %arg4[%add3A_984, %dma_start3A_995] : memref<819200x64xf32, #tpu.memory_space<hbm>> -> memref<128x64xf32, #tpu.memory_space<hbm>>
      %dma_start3A_997 = arith.constant 0 : i32
      %dma_start3A_998 = arith.constant 0 : i32
      %dma_start3A_999 = tpu.memref_slice %arg6[%dma_start3A_985, %dma_start3A_997, %dma_start3A_998] : memref<8x128x64xf32, #tpu.memory_space<vmem>> -> memref<1x128x64xf32, #tpu.memory_space<vmem>>
      %dma_start3A_1000 = tpu.memref_squeeze %dma_start3A_999 : memref<1x128x64xf32, #tpu.memory_space<vmem>> -> memref<128x64xf32, #tpu.memory_space<vmem>>
      tpu.enqueue_dma source(%dma_start3A_1000 : memref<128x64xf32, #tpu.memory_space<vmem>>) target(%dma_start3A_996 : memref<128x64xf32, #tpu.memory_space<hbm>>) target_semaphore(%dma_start3A_994 : memref<!tpu.dma_semaphore, #tpu.memory_space<semaphore_mem>>)
      %add3A_1001 = arith.constant 7 : i32
      %add3A_1002 = arith.addi %add3A_524, %add3A_1001 : i32
      %dma_wait3A_1003 = arith.constant 7 : i32
      %dma_wait3A_1004 = arith.constant 7 : i32
      %dma_wait3A_1005 = arith.constant 0 : i32
      %dma_wait3A_1006 = arith.constant 0 : i32
      %dma_wait3A_1007 = tpu.memref_slice %arg6[%dma_wait3A_1003, %dma_wait3A_1005, %dma_wait3A_1006] : memref<8x128x64xf32, #tpu.memory_space<vmem>> -> memref<1x128x64xf32, #tpu.memory_space<vmem>>
      %dma_wait3A_1008 = tpu.memref_squeeze %dma_wait3A_1007 : memref<1x128x64xf32, #tpu.memory_space<vmem>> -> memref<128x64xf32, #tpu.memory_space<vmem>>
      %dma_wait3A_1009 = arith.constant 0 : i32
      %dma_wait3A_1010 = tpu.memref_slice %arg4[%mul3A_2, %dma_wait3A_1009] : memref<819200x64xf32, #tpu.memory_space<hbm>> -> memref<128x64xf32, #tpu.memory_space<hbm>>
      %dma_wait3A_1011 = tpu.memref_slice %arg8[%dma_wait3A_1004] : memref<8x!tpu.dma_semaphore, #tpu.memory_space<semaphore_mem>> -> memref<1x!tpu.dma_semaphore, #tpu.memory_space<semaphore_mem>>
      %dma_wait3A_1012 = tpu.memref_squeeze %dma_wait3A_1011 : memref<1x!tpu.dma_semaphore, #tpu.memory_space<semaphore_mem>> -> memref<!tpu.dma_semaphore, #tpu.memory_space<semaphore_mem>>
      %dma_wait3A_1013 = arith.constant 0 : i32
      %dma_wait3A_1014 = tpu.memref_slice %arg4[%mul3A_2, %dma_wait3A_1013] : memref<819200x64xf32, #tpu.memory_space<hbm>> -> memref<128x64xf32, #tpu.memory_space<hbm>>
      %dma_wait3A_1015 = arith.constant 0 : i32
      %dma_wait3A_1016 = arith.constant 0 : i32
      %dma_wait3A_1017 = tpu.memref_slice %arg6[%dma_wait3A_1003, %dma_wait3A_1015, %dma_wait3A_1016] : memref<8x128x64xf32, #tpu.memory_space<vmem>> -> memref<1x128x64xf32, #tpu.memory_space<vmem>>
      %dma_wait3A_1018 = tpu.memref_squeeze %dma_wait3A_1017 : memref<1x128x64xf32, #tpu.memory_space<vmem>> -> memref<128x64xf32, #tpu.memory_space<vmem>>
      tpu.wait_dma2 semaphore(%dma_wait3A_1012 : memref<!tpu.dma_semaphore, #tpu.memory_space<semaphore_mem>>) src(%dma_wait3A_1018 : memref<128x64xf32, #tpu.memory_space<vmem>>) dst(%dma_wait3A_1014 : memref<128x64xf32, #tpu.memory_space<hbm>>)
      %add3A_1019 = arith.constant 4 : i32
      %add3A_1020 = arith.addi %add3A_1002, %add3A_1019 : i32
      %dma_start3A_1021 = arith.constant 7 : i32
      %dma_start3A_1022 = arith.constant 7 : i32
      %dma_start3A_1023 = arith.constant 0 : i32
      %dma_start3A_1024 = arith.constant 0 : i32
      %dma_start3A_1025 = tpu.memref_slice %arg6[%dma_start3A_1021, %dma_start3A_1023, %dma_start3A_1024] : memref<8x128x64xf32, #tpu.memory_space<vmem>> -> memref<1x128x64xf32, #tpu.memory_space<vmem>>
      %dma_start3A_1026 = tpu.memref_squeeze %dma_start3A_1025 : memref<1x128x64xf32, #tpu.memory_space<vmem>> -> memref<128x64xf32, #tpu.memory_space<vmem>>
      %dma_start3A_1027 = arith.constant 0 : i32
      %dma_start3A_1028 = tpu.memref_slice %arg5[%add3A_1020, %dma_start3A_1027] : memref<200x128xi32, #tpu.memory_space<vmem>> -> memref<1x128xi32, #tpu.memory_space<vmem>>
      %dma_start3A_1029 = tpu.memref_squeeze %dma_start3A_1028 : memref<1x128xi32, #tpu.memory_space<vmem>> -> memref<128xi32, #tpu.memory_space<vmem>>
      %dma_start3A_1030 = arith.constant 0 : i32
      %dma_start3A_1031 = arith.constant 0 : i32
      %dma_start3A_1032 = tpu.memref_slice %arg2[%dma_start3A_1030, %dma_start3A_1031] : memref<1000000x64xf32, #tpu.memory_space<hbm>> -> memref<1000000x64xf32, #tpu.memory_space<hbm>>
      %dma_start3A_1033 = tpu.memref_slice %arg7[%dma_start3A_1022] : memref<8x!tpu.dma_semaphore, #tpu.memory_space<semaphore_mem>> -> memref<1x!tpu.dma_semaphore, #tpu.memory_space<semaphore_mem>>
      %dma_start3A_1034 = tpu.memref_squeeze %dma_start3A_1033 : memref<1x!tpu.dma_semaphore, #tpu.memory_space<semaphore_mem>> -> memref<!tpu.dma_semaphore, #tpu.memory_space<semaphore_mem>>
      tpu.enqueue_indirect_dma source(%dma_start3A_1032 : memref<1000000x64xf32, #tpu.memory_space<hbm>>) target(%dma_start3A_1026 : memref<128x64xf32, #tpu.memory_space<vmem>>) offsets(%dma_start3A_1029 : memref<128xi32, #tpu.memory_space<vmem>>) semaphore(%dma_start3A_1034 : memref<!tpu.dma_semaphore, #tpu.memory_space<semaphore_mem>>)
      %dma_wait3A_1035 = arith.constant 0 : i32
      %dma_wait3A_1036 = arith.constant 3 : i32
      %dma_wait3A_1037 = arith.constant 3 : i32
      %dma_wait3A_1038 = arith.constant 0 : i32
      %dma_wait3A_1039 = arith.constant 0 : i32
      %dma_wait3A_1040 = tpu.memref_slice %arg6[%dma_wait3A_1036, %dma_wait3A_1038, %dma_wait3A_1039] : memref<8x128x64xf32, #tpu.memory_space<vmem>> -> memref<1x128x64xf32, #tpu.memory_space<vmem>>
      %dma_wait3A_1041 = tpu.memref_squeeze %dma_wait3A_1040 : memref<1x128x64xf32, #tpu.memory_space<vmem>> -> memref<128x64xf32, #tpu.memory_space<vmem>>
      %dma_wait3A_1042 = arith.constant 0 : i32
      %dma_wait3A_1043 = tpu.memref_slice %arg5[%dma_wait3A_1035, %dma_wait3A_1042] : memref<200x128xi32, #tpu.memory_space<vmem>> -> memref<1x128xi32, #tpu.memory_space<vmem>>
      %dma_wait3A_1044 = tpu.memref_squeeze %dma_wait3A_1043 : memref<1x128xi32, #tpu.memory_space<vmem>> -> memref<128xi32, #tpu.memory_space<vmem>>
      %dma_wait3A_1045 = arith.constant 0 : i32
      %dma_wait3A_1046 = arith.constant 0 : i32
      %dma_wait3A_1047 = tpu.memref_slice %arg2[%dma_wait3A_1045, %dma_wait3A_1046] : memref<1000000x64xf32, #tpu.memory_space<hbm>> -> memref<1000000x64xf32, #tpu.memory_space<hbm>>
      %dma_wait3A_1048 = tpu.memref_slice %arg7[%dma_wait3A_1037] : memref<8x!tpu.dma_semaphore, #tpu.memory_space<semaphore_mem>> -> memref<1x!tpu.dma_semaphore, #tpu.memory_space<semaphore_mem>>
      %dma_wait3A_1049 = tpu.memref_squeeze %dma_wait3A_1048 : memref<1x!tpu.dma_semaphore, #tpu.memory_space<semaphore_mem>> -> memref<!tpu.dma_semaphore, #tpu.memory_space<semaphore_mem>>
      tpu.wait_indirect_dma semaphore(%dma_wait3A_1049 : memref<!tpu.dma_semaphore, #tpu.memory_space<semaphore_mem>>) src(%dma_wait3A_1047 : memref<1000000x64xf32, #tpu.memory_space<hbm>>) dst(%dma_wait3A_1041 : memref<128x64xf32, #tpu.memory_space<vmem>>)
      %mul3A_1050 = arith.constant 128 : i32
      %mul3A_1051 = arith.muli %add3A_1002, %mul3A_1050 : i32
      %add3A_1052 = arith.addi %mul3A_2, %mul3A_1051 : i32
      %dma_start3A_1053 = arith.constant 3 : i32
      %dma_start3A_1054 = arith.constant 3 : i32
      %dma_start3A_1055 = arith.constant 0 : i32
      %dma_start3A_1056 = arith.constant 0 : i32
      %dma_start3A_1057 = tpu.memref_slice %arg6[%dma_start3A_1053, %dma_start3A_1055, %dma_start3A_1056] : memref<8x128x64xf32, #tpu.memory_space<vmem>> -> memref<1x128x64xf32, #tpu.memory_space<vmem>>
      %dma_start3A_1058 = tpu.memref_squeeze %dma_start3A_1057 : memref<1x128x64xf32, #tpu.memory_space<vmem>> -> memref<128x64xf32, #tpu.memory_space<vmem>>
      %dma_start3A_1059 = arith.constant 0 : i32
      %dma_start3A_1060 = tpu.memref_slice %arg4[%add3A_1052, %dma_start3A_1059] : memref<819200x64xf32, #tpu.memory_space<hbm>> -> memref<128x64xf32, #tpu.memory_space<hbm>>
      %dma_start3A_1061 = tpu.memref_slice %arg8[%dma_start3A_1054] : memref<8x!tpu.dma_semaphore, #tpu.memory_space<semaphore_mem>> -> memref<1x!tpu.dma_semaphore, #tpu.memory_space<semaphore_mem>>
      %dma_start3A_1062 = tpu.memref_squeeze %dma_start3A_1061 : memref<1x!tpu.dma_semaphore, #tpu.memory_space<semaphore_mem>> -> memref<!tpu.dma_semaphore, #tpu.memory_space<semaphore_mem>>
      %dma_start3A_1063 = arith.constant 0 : i32
      %dma_start3A_1064 = tpu.memref_slice %arg4[%add3A_1052, %dma_start3A_1063] : memref<819200x64xf32, #tpu.memory_space<hbm>> -> memref<128x64xf32, #tpu.memory_space<hbm>>
      %dma_start3A_1065 = arith.constant 0 : i32
      %dma_start3A_1066 = arith.constant 0 : i32
      %dma_start3A_1067 = tpu.memref_slice %arg6[%dma_start3A_1053, %dma_start3A_1065, %dma_start3A_1066] : memref<8x128x64xf32, #tpu.memory_space<vmem>> -> memref<1x128x64xf32, #tpu.memory_space<vmem>>
      %dma_start3A_1068 = tpu.memref_squeeze %dma_start3A_1067 : memref<1x128x64xf32, #tpu.memory_space<vmem>> -> memref<128x64xf32, #tpu.memory_space<vmem>>
      tpu.enqueue_dma source(%dma_start3A_1068 : memref<128x64xf32, #tpu.memory_space<vmem>>) target(%dma_start3A_1064 : memref<128x64xf32, #tpu.memory_space<hbm>>) target_semaphore(%dma_start3A_1062 : memref<!tpu.dma_semaphore, #tpu.memory_space<semaphore_mem>>)
    }
    %scan3A_259 = arith.constant 24 : i32
    %dma_wait3A_260 = arith.constant 0 : i32
    %dma_wait3A_261 = arith.constant 4 : i32
    %dma_wait3A_262 = arith.constant 4 : i32
    %dma_wait3A_263 = arith.constant 0 : i32
    %dma_wait3A_264 = arith.constant 0 : i32
    %dma_wait3A_265 = tpu.memref_slice %arg6[%dma_wait3A_261, %dma_wait3A_263, %dma_wait3A_264] : memref<8x128x64xf32, #tpu.memory_space<vmem>> -> memref<1x128x64xf32, #tpu.memory_space<vmem>>
    %dma_wait3A_266 = tpu.memref_squeeze %dma_wait3A_265 : memref<1x128x64xf32, #tpu.memory_space<vmem>> -> memref<128x64xf32, #tpu.memory_space<vmem>>
    %dma_wait3A_267 = arith.constant 0 : i32
    %dma_wait3A_268 = tpu.memref_slice %arg5[%dma_wait3A_260, %dma_wait3A_267] : memref<200x128xi32, #tpu.memory_space<vmem>> -> memref<1x128xi32, #tpu.memory_space<vmem>>
    %dma_wait3A_269 = tpu.memref_squeeze %dma_wait3A_268 : memref<1x128xi32, #tpu.memory_space<vmem>> -> memref<128xi32, #tpu.memory_space<vmem>>
    %dma_wait3A_270 = arith.constant 0 : i32
    %dma_wait3A_271 = arith.constant 0 : i32
    %dma_wait3A_272 = tpu.memref_slice %arg2[%dma_wait3A_270, %dma_wait3A_271] : memref<1000000x64xf32, #tpu.memory_space<hbm>> -> memref<1000000x64xf32, #tpu.memory_space<hbm>>
    %dma_wait3A_273 = tpu.memref_slice %arg7[%dma_wait3A_262] : memref<8x!tpu.dma_semaphore, #tpu.memory_space<semaphore_mem>> -> memref<1x!tpu.dma_semaphore, #tpu.memory_space<semaphore_mem>>
    %dma_wait3A_274 = tpu.memref_squeeze %dma_wait3A_273 : memref<1x!tpu.dma_semaphore, #tpu.memory_space<semaphore_mem>> -> memref<!tpu.dma_semaphore, #tpu.memory_space<semaphore_mem>>
    tpu.wait_indirect_dma semaphore(%dma_wait3A_274 : memref<!tpu.dma_semaphore, #tpu.memory_space<semaphore_mem>>) src(%dma_wait3A_272 : memref<1000000x64xf32, #tpu.memory_space<hbm>>) dst(%dma_wait3A_266 : memref<128x64xf32, #tpu.memory_space<vmem>>)
    %add3A_275 = arith.constant 25088 : i32
    %add3A_276 = arith.addi %mul3A_2, %add3A_275 : i32
    %dma_start3A_277 = arith.constant 4 : i32
    %dma_start3A_278 = arith.constant 4 : i32
    %dma_start3A_279 = arith.constant 0 : i32
    %dma_start3A_280 = arith.constant 0 : i32
    %dma_start3A_281 = tpu.memref_slice %arg6[%dma_start3A_277, %dma_start3A_279, %dma_start3A_280] : memref<8x128x64xf32, #tpu.memory_space<vmem>> -> memref<1x128x64xf32, #tpu.memory_space<vmem>>
    %dma_start3A_282 = tpu.memref_squeeze %dma_start3A_281 : memref<1x128x64xf32, #tpu.memory_space<vmem>> -> memref<128x64xf32, #tpu.memory_space<vmem>>
    %dma_start3A_283 = arith.constant 0 : i32
    %dma_start3A_284 = tpu.memref_slice %arg4[%add3A_276, %dma_start3A_283] : memref<819200x64xf32, #tpu.memory_space<hbm>> -> memref<128x64xf32, #tpu.memory_space<hbm>>
    %dma_start3A_285 = tpu.memref_slice %arg8[%dma_start3A_278] : memref<8x!tpu.dma_semaphore, #tpu.memory_space<semaphore_mem>> -> memref<1x!tpu.dma_semaphore, #tpu.memory_space<semaphore_mem>>
    %dma_start3A_286 = tpu.memref_squeeze %dma_start3A_285 : memref<1x!tpu.dma_semaphore, #tpu.memory_space<semaphore_mem>> -> memref<!tpu.dma_semaphore, #tpu.memory_space<semaphore_mem>>
    %dma_start3A_287 = arith.constant 0 : i32
    %dma_start3A_288 = tpu.memref_slice %arg4[%add3A_276, %dma_start3A_287] : memref<819200x64xf32, #tpu.memory_space<hbm>> -> memref<128x64xf32, #tpu.memory_space<hbm>>
    %dma_start3A_289 = arith.constant 0 : i32
    %dma_start3A_290 = arith.constant 0 : i32
    %dma_start3A_291 = tpu.memref_slice %arg6[%dma_start3A_277, %dma_start3A_289, %dma_start3A_290] : memref<8x128x64xf32, #tpu.memory_space<vmem>> -> memref<1x128x64xf32, #tpu.memory_space<vmem>>
    %dma_start3A_292 = tpu.memref_squeeze %dma_start3A_291 : memref<1x128x64xf32, #tpu.memory_space<vmem>> -> memref<128x64xf32, #tpu.memory_space<vmem>>
    tpu.enqueue_dma source(%dma_start3A_292 : memref<128x64xf32, #tpu.memory_space<vmem>>) target(%dma_start3A_288 : memref<128x64xf32, #tpu.memory_space<hbm>>) target_semaphore(%dma_start3A_286 : memref<!tpu.dma_semaphore, #tpu.memory_space<semaphore_mem>>)
    %dma_wait3A_293 = arith.constant 0 : i32
    %dma_wait3A_294 = arith.constant 5 : i32
    %dma_wait3A_295 = arith.constant 5 : i32
    %dma_wait3A_296 = arith.constant 0 : i32
    %dma_wait3A_297 = arith.constant 0 : i32
    %dma_wait3A_298 = tpu.memref_slice %arg6[%dma_wait3A_294, %dma_wait3A_296, %dma_wait3A_297] : memref<8x128x64xf32, #tpu.memory_space<vmem>> -> memref<1x128x64xf32, #tpu.memory_space<vmem>>
    %dma_wait3A_299 = tpu.memref_squeeze %dma_wait3A_298 : memref<1x128x64xf32, #tpu.memory_space<vmem>> -> memref<128x64xf32, #tpu.memory_space<vmem>>
    %dma_wait3A_300 = arith.constant 0 : i32
    %dma_wait3A_301 = tpu.memref_slice %arg5[%dma_wait3A_293, %dma_wait3A_300] : memref<200x128xi32, #tpu.memory_space<vmem>> -> memref<1x128xi32, #tpu.memory_space<vmem>>
    %dma_wait3A_302 = tpu.memref_squeeze %dma_wait3A_301 : memref<1x128xi32, #tpu.memory_space<vmem>> -> memref<128xi32, #tpu.memory_space<vmem>>
    %dma_wait3A_303 = arith.constant 0 : i32
    %dma_wait3A_304 = arith.constant 0 : i32
    %dma_wait3A_305 = tpu.memref_slice %arg2[%dma_wait3A_303, %dma_wait3A_304] : memref<1000000x64xf32, #tpu.memory_space<hbm>> -> memref<1000000x64xf32, #tpu.memory_space<hbm>>
    %dma_wait3A_306 = tpu.memref_slice %arg7[%dma_wait3A_295] : memref<8x!tpu.dma_semaphore, #tpu.memory_space<semaphore_mem>> -> memref<1x!tpu.dma_semaphore, #tpu.memory_space<semaphore_mem>>
    %dma_wait3A_307 = tpu.memref_squeeze %dma_wait3A_306 : memref<1x!tpu.dma_semaphore, #tpu.memory_space<semaphore_mem>> -> memref<!tpu.dma_semaphore, #tpu.memory_space<semaphore_mem>>
    tpu.wait_indirect_dma semaphore(%dma_wait3A_307 : memref<!tpu.dma_semaphore, #tpu.memory_space<semaphore_mem>>) src(%dma_wait3A_305 : memref<1000000x64xf32, #tpu.memory_space<hbm>>) dst(%dma_wait3A_299 : memref<128x64xf32, #tpu.memory_space<vmem>>)
    %add3A_308 = arith.constant 25216 : i32
    %add3A_309 = arith.addi %mul3A_2, %add3A_308 : i32
    %dma_start3A_310 = arith.constant 5 : i32
    %dma_start3A_311 = arith.constant 5 : i32
    %dma_start3A_312 = arith.constant 0 : i32
    %dma_start3A_313 = arith.constant 0 : i32
    %dma_start3A_314 = tpu.memref_slice %arg6[%dma_start3A_310, %dma_start3A_312, %dma_start3A_313] : memref<8x128x64xf32, #tpu.memory_space<vmem>> -> memref<1x128x64xf32, #tpu.memory_space<vmem>>
    %dma_start3A_315 = tpu.memref_squeeze %dma_start3A_314 : memref<1x128x64xf32, #tpu.memory_space<vmem>> -> memref<128x64xf32, #tpu.memory_space<vmem>>
    %dma_start3A_316 = arith.constant 0 : i32
    %dma_start3A_317 = tpu.memref_slice %arg4[%add3A_309, %dma_start3A_316] : memref<819200x64xf32, #tpu.memory_space<hbm>> -> memref<128x64xf32, #tpu.memory_space<hbm>>
    %dma_start3A_318 = tpu.memref_slice %arg8[%dma_start3A_311] : memref<8x!tpu.dma_semaphore, #tpu.memory_space<semaphore_mem>> -> memref<1x!tpu.dma_semaphore, #tpu.memory_space<semaphore_mem>>
    %dma_start3A_319 = tpu.memref_squeeze %dma_start3A_318 : memref<1x!tpu.dma_semaphore, #tpu.memory_space<semaphore_mem>> -> memref<!tpu.dma_semaphore, #tpu.memory_space<semaphore_mem>>
    %dma_start3A_320 = arith.constant 0 : i32
    %dma_start3A_321 = tpu.memref_slice %arg4[%add3A_309, %dma_start3A_320] : memref<819200x64xf32, #tpu.memory_space<hbm>> -> memref<128x64xf32, #tpu.memory_space<hbm>>
    %dma_start3A_322 = arith.constant 0 : i32
    %dma_start3A_323 = arith.constant 0 : i32
    %dma_start3A_324 = tpu.memref_slice %arg6[%dma_start3A_310, %dma_start3A_322, %dma_start3A_323] : memref<8x128x64xf32, #tpu.memory_space<vmem>> -> memref<1x128x64xf32, #tpu.memory_space<vmem>>
    %dma_start3A_325 = tpu.memref_squeeze %dma_start3A_324 : memref<1x128x64xf32, #tpu.memory_space<vmem>> -> memref<128x64xf32, #tpu.memory_space<vmem>>
    tpu.enqueue_dma source(%dma_start3A_325 : memref<128x64xf32, #tpu.memory_space<vmem>>) target(%dma_start3A_321 : memref<128x64xf32, #tpu.memory_space<hbm>>) target_semaphore(%dma_start3A_319 : memref<!tpu.dma_semaphore, #tpu.memory_space<semaphore_mem>>)
    %dma_wait3A_326 = arith.constant 0 : i32
    %dma_wait3A_327 = arith.constant 6 : i32
    %dma_wait3A_328 = arith.constant 6 : i32
    %dma_wait3A_329 = arith.constant 0 : i32
    %dma_wait3A_330 = arith.constant 0 : i32
    %dma_wait3A_331 = tpu.memref_slice %arg6[%dma_wait3A_327, %dma_wait3A_329, %dma_wait3A_330] : memref<8x128x64xf32, #tpu.memory_space<vmem>> -> memref<1x128x64xf32, #tpu.memory_space<vmem>>
    %dma_wait3A_332 = tpu.memref_squeeze %dma_wait3A_331 : memref<1x128x64xf32, #tpu.memory_space<vmem>> -> memref<128x64xf32, #tpu.memory_space<vmem>>
    %dma_wait3A_333 = arith.constant 0 : i32
    %dma_wait3A_334 = tpu.memref_slice %arg5[%dma_wait3A_326, %dma_wait3A_333] : memref<200x128xi32, #tpu.memory_space<vmem>> -> memref<1x128xi32, #tpu.memory_space<vmem>>
    %dma_wait3A_335 = tpu.memref_squeeze %dma_wait3A_334 : memref<1x128xi32, #tpu.memory_space<vmem>> -> memref<128xi32, #tpu.memory_space<vmem>>
    %dma_wait3A_336 = arith.constant 0 : i32
    %dma_wait3A_337 = arith.constant 0 : i32
    %dma_wait3A_338 = tpu.memref_slice %arg2[%dma_wait3A_336, %dma_wait3A_337] : memref<1000000x64xf32, #tpu.memory_space<hbm>> -> memref<1000000x64xf32, #tpu.memory_space<hbm>>
    %dma_wait3A_339 = tpu.memref_slice %arg7[%dma_wait3A_328] : memref<8x!tpu.dma_semaphore, #tpu.memory_space<semaphore_mem>> -> memref<1x!tpu.dma_semaphore, #tpu.memory_space<semaphore_mem>>
    %dma_wait3A_340 = tpu.memref_squeeze %dma_wait3A_339 : memref<1x!tpu.dma_semaphore, #tpu.memory_space<semaphore_mem>> -> memref<!tpu.dma_semaphore, #tpu.memory_space<semaphore_mem>>
    tpu.wait_indirect_dma semaphore(%dma_wait3A_340 : memref<!tpu.dma_semaphore, #tpu.memory_space<semaphore_mem>>) src(%dma_wait3A_338 : memref<1000000x64xf32, #tpu.memory_space<hbm>>) dst(%dma_wait3A_332 : memref<128x64xf32, #tpu.memory_space<vmem>>)
    %add3A_341 = arith.constant 25344 : i32
    %add3A_342 = arith.addi %mul3A_2, %add3A_341 : i32
    %dma_start3A_343 = arith.constant 6 : i32
    %dma_start3A_344 = arith.constant 6 : i32
    %dma_start3A_345 = arith.constant 0 : i32
    %dma_start3A_346 = arith.constant 0 : i32
    %dma_start3A_347 = tpu.memref_slice %arg6[%dma_start3A_343, %dma_start3A_345, %dma_start3A_346] : memref<8x128x64xf32, #tpu.memory_space<vmem>> -> memref<1x128x64xf32, #tpu.memory_space<vmem>>
    %dma_start3A_348 = tpu.memref_squeeze %dma_start3A_347 : memref<1x128x64xf32, #tpu.memory_space<vmem>> -> memref<128x64xf32, #tpu.memory_space<vmem>>
    %dma_start3A_349 = arith.constant 0 : i32
    %dma_start3A_350 = tpu.memref_slice %arg4[%add3A_342, %dma_start3A_349] : memref<819200x64xf32, #tpu.memory_space<hbm>> -> memref<128x64xf32, #tpu.memory_space<hbm>>
    %dma_start3A_351 = tpu.memref_slice %arg8[%dma_start3A_344] : memref<8x!tpu.dma_semaphore, #tpu.memory_space<semaphore_mem>> -> memref<1x!tpu.dma_semaphore, #tpu.memory_space<semaphore_mem>>
    %dma_start3A_352 = tpu.memref_squeeze %dma_start3A_351 : memref<1x!tpu.dma_semaphore, #tpu.memory_space<semaphore_mem>> -> memref<!tpu.dma_semaphore, #tpu.memory_space<semaphore_mem>>
    %dma_start3A_353 = arith.constant 0 : i32
    %dma_start3A_354 = tpu.memref_slice %arg4[%add3A_342, %dma_start3A_353] : memref<819200x64xf32, #tpu.memory_space<hbm>> -> memref<128x64xf32, #tpu.memory_space<hbm>>
    %dma_start3A_355 = arith.constant 0 : i32
    %dma_start3A_356 = arith.constant 0 : i32
    %dma_start3A_357 = tpu.memref_slice %arg6[%dma_start3A_343, %dma_start3A_355, %dma_start3A_356] : memref<8x128x64xf32, #tpu.memory_space<vmem>> -> memref<1x128x64xf32, #tpu.memory_space<vmem>>
    %dma_start3A_358 = tpu.memref_squeeze %dma_start3A_357 : memref<1x128x64xf32, #tpu.memory_space<vmem>> -> memref<128x64xf32, #tpu.memory_space<vmem>>
    tpu.enqueue_dma source(%dma_start3A_358 : memref<128x64xf32, #tpu.memory_space<vmem>>) target(%dma_start3A_354 : memref<128x64xf32, #tpu.memory_space<hbm>>) target_semaphore(%dma_start3A_352 : memref<!tpu.dma_semaphore, #tpu.memory_space<semaphore_mem>>)
    %dma_wait3A_359 = arith.constant 0 : i32
    %dma_wait3A_360 = arith.constant 7 : i32
    %dma_wait3A_361 = arith.constant 7 : i32
    %dma_wait3A_362 = arith.constant 0 : i32
    %dma_wait3A_363 = arith.constant 0 : i32
    %dma_wait3A_364 = tpu.memref_slice %arg6[%dma_wait3A_360, %dma_wait3A_362, %dma_wait3A_363] : memref<8x128x64xf32, #tpu.memory_space<vmem>> -> memref<1x128x64xf32, #tpu.memory_space<vmem>>
    %dma_wait3A_365 = tpu.memref_squeeze %dma_wait3A_364 : memref<1x128x64xf32, #tpu.memory_space<vmem>> -> memref<128x64xf32, #tpu.memory_space<vmem>>
    %dma_wait3A_366 = arith.constant 0 : i32
    %dma_wait3A_367 = tpu.memref_slice %arg5[%dma_wait3A_359, %dma_wait3A_366] : memref<200x128xi32, #tpu.memory_space<vmem>> -> memref<1x128xi32, #tpu.memory_space<vmem>>
    %dma_wait3A_368 = tpu.memref_squeeze %dma_wait3A_367 : memref<1x128xi32, #tpu.memory_space<vmem>> -> memref<128xi32, #tpu.memory_space<vmem>>
    %dma_wait3A_369 = arith.constant 0 : i32
    %dma_wait3A_370 = arith.constant 0 : i32
    %dma_wait3A_371 = tpu.memref_slice %arg2[%dma_wait3A_369, %dma_wait3A_370] : memref<1000000x64xf32, #tpu.memory_space<hbm>> -> memref<1000000x64xf32, #tpu.memory_space<hbm>>
    %dma_wait3A_372 = tpu.memref_slice %arg7[%dma_wait3A_361] : memref<8x!tpu.dma_semaphore, #tpu.memory_space<semaphore_mem>> -> memref<1x!tpu.dma_semaphore, #tpu.memory_space<semaphore_mem>>
    %dma_wait3A_373 = tpu.memref_squeeze %dma_wait3A_372 : memref<1x!tpu.dma_semaphore, #tpu.memory_space<semaphore_mem>> -> memref<!tpu.dma_semaphore, #tpu.memory_space<semaphore_mem>>
    tpu.wait_indirect_dma semaphore(%dma_wait3A_373 : memref<!tpu.dma_semaphore, #tpu.memory_space<semaphore_mem>>) src(%dma_wait3A_371 : memref<1000000x64xf32, #tpu.memory_space<hbm>>) dst(%dma_wait3A_365 : memref<128x64xf32, #tpu.memory_space<vmem>>)
    %add3A_374 = arith.constant 25472 : i32
    %add3A_375 = arith.addi %mul3A_2, %add3A_374 : i32
    %dma_start3A_376 = arith.constant 7 : i32
    %dma_start3A_377 = arith.constant 7 : i32
    %dma_start3A_378 = arith.constant 0 : i32
    %dma_start3A_379 = arith.constant 0 : i32
    %dma_start3A_380 = tpu.memref_slice %arg6[%dma_start3A_376, %dma_start3A_378, %dma_start3A_379] : memref<8x128x64xf32, #tpu.memory_space<vmem>> -> memref<1x128x64xf32, #tpu.memory_space<vmem>>
    %dma_start3A_381 = tpu.memref_squeeze %dma_start3A_380 : memref<1x128x64xf32, #tpu.memory_space<vmem>> -> memref<128x64xf32, #tpu.memory_space<vmem>>
    %dma_start3A_382 = arith.constant 0 : i32
    %dma_start3A_383 = tpu.memref_slice %arg4[%add3A_375, %dma_start3A_382] : memref<819200x64xf32, #tpu.memory_space<hbm>> -> memref<128x64xf32, #tpu.memory_space<hbm>>
    %dma_start3A_384 = tpu.memref_slice %arg8[%dma_start3A_377] : memref<8x!tpu.dma_semaphore, #tpu.memory_space<semaphore_mem>> -> memref<1x!tpu.dma_semaphore, #tpu.memory_space<semaphore_mem>>
    %dma_start3A_385 = tpu.memref_squeeze %dma_start3A_384 : memref<1x!tpu.dma_semaphore, #tpu.memory_space<semaphore_mem>> -> memref<!tpu.dma_semaphore, #tpu.memory_space<semaphore_mem>>
    %dma_start3A_386 = arith.constant 0 : i32
    %dma_start3A_387 = tpu.memref_slice %arg4[%add3A_375, %dma_start3A_386] : memref<819200x64xf32, #tpu.memory_space<hbm>> -> memref<128x64xf32, #tpu.memory_space<hbm>>
    %dma_start3A_388 = arith.constant 0 : i32
    %dma_start3A_389 = arith.constant 0 : i32
    %dma_start3A_390 = tpu.memref_slice %arg6[%dma_start3A_376, %dma_start3A_388, %dma_start3A_389] : memref<8x128x64xf32, #tpu.memory_space<vmem>> -> memref<1x128x64xf32, #tpu.memory_space<vmem>>
    %dma_start3A_391 = tpu.memref_squeeze %dma_start3A_390 : memref<1x128x64xf32, #tpu.memory_space<vmem>> -> memref<128x64xf32, #tpu.memory_space<vmem>>
    tpu.enqueue_dma source(%dma_start3A_391 : memref<128x64xf32, #tpu.memory_space<vmem>>) target(%dma_start3A_387 : memref<128x64xf32, #tpu.memory_space<hbm>>) target_semaphore(%dma_start3A_385 : memref<!tpu.dma_semaphore, #tpu.memory_space<semaphore_mem>>)
    %dma_wait3A_392 = arith.constant 0 : i32
    %dma_wait3A_393 = arith.constant 0 : i32
    %dma_wait3A_394 = arith.constant 0 : i32
    %dma_wait3A_395 = arith.constant 0 : i32
    %dma_wait3A_396 = tpu.memref_slice %arg6[%dma_wait3A_392, %dma_wait3A_394, %dma_wait3A_395] : memref<8x128x64xf32, #tpu.memory_space<vmem>> -> memref<1x128x64xf32, #tpu.memory_space<vmem>>
    %dma_wait3A_397 = tpu.memref_squeeze %dma_wait3A_396 : memref<1x128x64xf32, #tpu.memory_space<vmem>> -> memref<128x64xf32, #tpu.memory_space<vmem>>
    %dma_wait3A_398 = arith.constant 0 : i32
    %dma_wait3A_399 = tpu.memref_slice %arg4[%mul3A_2, %dma_wait3A_398] : memref<819200x64xf32, #tpu.memory_space<hbm>> -> memref<128x64xf32, #tpu.memory_space<hbm>>
    %dma_wait3A_400 = tpu.memref_slice %arg8[%dma_wait3A_393] : memref<8x!tpu.dma_semaphore, #tpu.memory_space<semaphore_mem>> -> memref<1x!tpu.dma_semaphore, #tpu.memory_space<semaphore_mem>>
    %dma_wait3A_401 = tpu.memref_squeeze %dma_wait3A_400 : memref<1x!tpu.dma_semaphore, #tpu.memory_space<semaphore_mem>> -> memref<!tpu.dma_semaphore, #tpu.memory_space<semaphore_mem>>
    %dma_wait3A_402 = arith.constant 0 : i32
    %dma_wait3A_403 = tpu.memref_slice %arg4[%mul3A_2, %dma_wait3A_402] : memref<819200x64xf32, #tpu.memory_space<hbm>> -> memref<128x64xf32, #tpu.memory_space<hbm>>
    %dma_wait3A_404 = arith.constant 0 : i32
    %dma_wait3A_405 = arith.constant 0 : i32
    %dma_wait3A_406 = tpu.memref_slice %arg6[%dma_wait3A_392, %dma_wait3A_404, %dma_wait3A_405] : memref<8x128x64xf32, #tpu.memory_space<vmem>> -> memref<1x128x64xf32, #tpu.memory_space<vmem>>
    %dma_wait3A_407 = tpu.memref_squeeze %dma_wait3A_406 : memref<1x128x64xf32, #tpu.memory_space<vmem>> -> memref<128x64xf32, #tpu.memory_space<vmem>>
    tpu.wait_dma2 semaphore(%dma_wait3A_401 : memref<!tpu.dma_semaphore, #tpu.memory_space<semaphore_mem>>) src(%dma_wait3A_407 : memref<128x64xf32, #tpu.memory_space<vmem>>) dst(%dma_wait3A_403 : memref<128x64xf32, #tpu.memory_space<hbm>>)
    %dma_wait3A_408 = arith.constant 1 : i32
    %dma_wait3A_409 = arith.constant 1 : i32
    %dma_wait3A_410 = arith.constant 0 : i32
    %dma_wait3A_411 = arith.constant 0 : i32
    %dma_wait3A_412 = tpu.memref_slice %arg6[%dma_wait3A_408, %dma_wait3A_410, %dma_wait3A_411] : memref<8x128x64xf32, #tpu.memory_space<vmem>> -> memref<1x128x64xf32, #tpu.memory_space<vmem>>
    %dma_wait3A_413 = tpu.memref_squeeze %dma_wait3A_412 : memref<1x128x64xf32, #tpu.memory_space<vmem>> -> memref<128x64xf32, #tpu.memory_space<vmem>>
    %dma_wait3A_414 = arith.constant 0 : i32
    %dma_wait3A_415 = tpu.memref_slice %arg4[%mul3A_2, %dma_wait3A_414] : memref<819200x64xf32, #tpu.memory_space<hbm>> -> memref<128x64xf32, #tpu.memory_space<hbm>>
    %dma_wait3A_416 = tpu.memref_slice %arg8[%dma_wait3A_409] : memref<8x!tpu.dma_semaphore, #tpu.memory_space<semaphore_mem>> -> memref<1x!tpu.dma_semaphore, #tpu.memory_space<semaphore_mem>>
    %dma_wait3A_417 = tpu.memref_squeeze %dma_wait3A_416 : memref<1x!tpu.dma_semaphore, #tpu.memory_space<semaphore_mem>> -> memref<!tpu.dma_semaphore, #tpu.memory_space<semaphore_mem>>
    %dma_wait3A_418 = arith.constant 0 : i32
    %dma_wait3A_419 = tpu.memref_slice %arg4[%mul3A_2, %dma_wait3A_418] : memref<819200x64xf32, #tpu.memory_space<hbm>> -> memref<128x64xf32, #tpu.memory_space<hbm>>
    %dma_wait3A_420 = arith.constant 0 : i32
    %dma_wait3A_421 = arith.constant 0 : i32
    %dma_wait3A_422 = tpu.memref_slice %arg6[%dma_wait3A_408, %dma_wait3A_420, %dma_wait3A_421] : memref<8x128x64xf32, #tpu.memory_space<vmem>> -> memref<1x128x64xf32, #tpu.memory_space<vmem>>
    %dma_wait3A_423 = tpu.memref_squeeze %dma_wait3A_422 : memref<1x128x64xf32, #tpu.memory_space<vmem>> -> memref<128x64xf32, #tpu.memory_space<vmem>>
    tpu.wait_dma2 semaphore(%dma_wait3A_417 : memref<!tpu.dma_semaphore, #tpu.memory_space<semaphore_mem>>) src(%dma_wait3A_423 : memref<128x64xf32, #tpu.memory_space<vmem>>) dst(%dma_wait3A_419 : memref<128x64xf32, #tpu.memory_space<hbm>>)
    %dma_wait3A_424 = arith.constant 2 : i32
    %dma_wait3A_425 = arith.constant 2 : i32
    %dma_wait3A_426 = arith.constant 0 : i32
    %dma_wait3A_427 = arith.constant 0 : i32
    %dma_wait3A_428 = tpu.memref_slice %arg6[%dma_wait3A_424, %dma_wait3A_426, %dma_wait3A_427] : memref<8x128x64xf32, #tpu.memory_space<vmem>> -> memref<1x128x64xf32, #tpu.memory_space<vmem>>
    %dma_wait3A_429 = tpu.memref_squeeze %dma_wait3A_428 : memref<1x128x64xf32, #tpu.memory_space<vmem>> -> memref<128x64xf32, #tpu.memory_space<vmem>>
    %dma_wait3A_430 = arith.constant 0 : i32
    %dma_wait3A_431 = tpu.memref_slice %arg4[%mul3A_2, %dma_wait3A_430] : memref<819200x64xf32, #tpu.memory_space<hbm>> -> memref<128x64xf32, #tpu.memory_space<hbm>>
    %dma_wait3A_432 = tpu.memref_slice %arg8[%dma_wait3A_425] : memref<8x!tpu.dma_semaphore, #tpu.memory_space<semaphore_mem>> -> memref<1x!tpu.dma_semaphore, #tpu.memory_space<semaphore_mem>>
    %dma_wait3A_433 = tpu.memref_squeeze %dma_wait3A_432 : memref<1x!tpu.dma_semaphore, #tpu.memory_space<semaphore_mem>> -> memref<!tpu.dma_semaphore, #tpu.memory_space<semaphore_mem>>
    %dma_wait3A_434 = arith.constant 0 : i32
    %dma_wait3A_435 = tpu.memref_slice %arg4[%mul3A_2, %dma_wait3A_434] : memref<819200x64xf32, #tpu.memory_space<hbm>> -> memref<128x64xf32, #tpu.memory_space<hbm>>
    %dma_wait3A_436 = arith.constant 0 : i32
    %dma_wait3A_437 = arith.constant 0 : i32
    %dma_wait3A_438 = tpu.memref_slice %arg6[%dma_wait3A_424, %dma_wait3A_436, %dma_wait3A_437] : memref<8x128x64xf32, #tpu.memory_space<vmem>> -> memref<1x128x64xf32, #tpu.memory_space<vmem>>
    %dma_wait3A_439 = tpu.memref_squeeze %dma_wait3A_438 : memref<1x128x64xf32, #tpu.memory_space<vmem>> -> memref<128x64xf32, #tpu.memory_space<vmem>>
    tpu.wait_dma2 semaphore(%dma_wait3A_433 : memref<!tpu.dma_semaphore, #tpu.memory_space<semaphore_mem>>) src(%dma_wait3A_439 : memref<128x64xf32, #tpu.memory_space<vmem>>) dst(%dma_wait3A_435 : memref<128x64xf32, #tpu.memory_space<hbm>>)
    %dma_wait3A_440 = arith.constant 3 : i32
    %dma_wait3A_441 = arith.constant 3 : i32
    %dma_wait3A_442 = arith.constant 0 : i32
    %dma_wait3A_443 = arith.constant 0 : i32
    %dma_wait3A_444 = tpu.memref_slice %arg6[%dma_wait3A_440, %dma_wait3A_442, %dma_wait3A_443] : memref<8x128x64xf32, #tpu.memory_space<vmem>> -> memref<1x128x64xf32, #tpu.memory_space<vmem>>
    %dma_wait3A_445 = tpu.memref_squeeze %dma_wait3A_444 : memref<1x128x64xf32, #tpu.memory_space<vmem>> -> memref<128x64xf32, #tpu.memory_space<vmem>>
    %dma_wait3A_446 = arith.constant 0 : i32
    %dma_wait3A_447 = tpu.memref_slice %arg4[%mul3A_2, %dma_wait3A_446] : memref<819200x64xf32, #tpu.memory_space<hbm>> -> memref<128x64xf32, #tpu.memory_space<hbm>>
    %dma_wait3A_448 = tpu.memref_slice %arg8[%dma_wait3A_441] : memref<8x!tpu.dma_semaphore, #tpu.memory_space<semaphore_mem>> -> memref<1x!tpu.dma_semaphore, #tpu.memory_space<semaphore_mem>>
    %dma_wait3A_449 = tpu.memref_squeeze %dma_wait3A_448 : memref<1x!tpu.dma_semaphore, #tpu.memory_space<semaphore_mem>> -> memref<!tpu.dma_semaphore, #tpu.memory_space<semaphore_mem>>
    %dma_wait3A_450 = arith.constant 0 : i32
    %dma_wait3A_451 = tpu.memref_slice %arg4[%mul3A_2, %dma_wait3A_450] : memref<819200x64xf32, #tpu.memory_space<hbm>> -> memref<128x64xf32, #tpu.memory_space<hbm>>
    %dma_wait3A_452 = arith.constant 0 : i32
    %dma_wait3A_453 = arith.constant 0 : i32
    %dma_wait3A_454 = tpu.memref_slice %arg6[%dma_wait3A_440, %dma_wait3A_452, %dma_wait3A_453] : memref<8x128x64xf32, #tpu.memory_space<vmem>> -> memref<1x128x64xf32, #tpu.memory_space<vmem>>
    %dma_wait3A_455 = tpu.memref_squeeze %dma_wait3A_454 : memref<1x128x64xf32, #tpu.memory_space<vmem>> -> memref<128x64xf32, #tpu.memory_space<vmem>>
    tpu.wait_dma2 semaphore(%dma_wait3A_449 : memref<!tpu.dma_semaphore, #tpu.memory_space<semaphore_mem>>) src(%dma_wait3A_455 : memref<128x64xf32, #tpu.memory_space<vmem>>) dst(%dma_wait3A_451 : memref<128x64xf32, #tpu.memory_space<hbm>>)
    %dma_wait3A_456 = arith.constant 4 : i32
    %dma_wait3A_457 = arith.constant 4 : i32
    %dma_wait3A_458 = arith.constant 0 : i32
    %dma_wait3A_459 = arith.constant 0 : i32
    %dma_wait3A_460 = tpu.memref_slice %arg6[%dma_wait3A_456, %dma_wait3A_458, %dma_wait3A_459] : memref<8x128x64xf32, #tpu.memory_space<vmem>> -> memref<1x128x64xf32, #tpu.memory_space<vmem>>
    %dma_wait3A_461 = tpu.memref_squeeze %dma_wait3A_460 : memref<1x128x64xf32, #tpu.memory_space<vmem>> -> memref<128x64xf32, #tpu.memory_space<vmem>>
    %dma_wait3A_462 = arith.constant 0 : i32
    %dma_wait3A_463 = tpu.memref_slice %arg4[%mul3A_2, %dma_wait3A_462] : memref<819200x64xf32, #tpu.memory_space<hbm>> -> memref<128x64xf32, #tpu.memory_space<hbm>>
    %dma_wait3A_464 = tpu.memref_slice %arg8[%dma_wait3A_457] : memref<8x!tpu.dma_semaphore, #tpu.memory_space<semaphore_mem>> -> memref<1x!tpu.dma_semaphore, #tpu.memory_space<semaphore_mem>>
    %dma_wait3A_465 = tpu.memref_squeeze %dma_wait3A_464 : memref<1x!tpu.dma_semaphore, #tpu.memory_space<semaphore_mem>> -> memref<!tpu.dma_semaphore, #tpu.memory_space<semaphore_mem>>
    %dma_wait3A_466 = arith.constant 0 : i32
    %dma_wait3A_467 = tpu.memref_slice %arg4[%mul3A_2, %dma_wait3A_466] : memref<819200x64xf32, #tpu.memory_space<hbm>> -> memref<128x64xf32, #tpu.memory_space<hbm>>
    %dma_wait3A_468 = arith.constant 0 : i32
    %dma_wait3A_469 = arith.constant 0 : i32
    %dma_wait3A_470 = tpu.memref_slice %arg6[%dma_wait3A_456, %dma_wait3A_468, %dma_wait3A_469] : memref<8x128x64xf32, #tpu.memory_space<vmem>> -> memref<1x128x64xf32, #tpu.memory_space<vmem>>
    %dma_wait3A_471 = tpu.memref_squeeze %dma_wait3A_470 : memref<1x128x64xf32, #tpu.memory_space<vmem>> -> memref<128x64xf32, #tpu.memory_space<vmem>>
    tpu.wait_dma2 semaphore(%dma_wait3A_465 : memref<!tpu.dma_semaphore, #tpu.memory_space<semaphore_mem>>) src(%dma_wait3A_471 : memref<128x64xf32, #tpu.memory_space<vmem>>) dst(%dma_wait3A_467 : memref<128x64xf32, #tpu.memory_space<hbm>>)
    %dma_wait3A_472 = arith.constant 5 : i32
    %dma_wait3A_473 = arith.constant 5 : i32
    %dma_wait3A_474 = arith.constant 0 : i32
    %dma_wait3A_475 = arith.constant 0 : i32
    %dma_wait3A_476 = tpu.memref_slice %arg6[%dma_wait3A_472, %dma_wait3A_474, %dma_wait3A_475] : memref<8x128x64xf32, #tpu.memory_space<vmem>> -> memref<1x128x64xf32, #tpu.memory_space<vmem>>
    %dma_wait3A_477 = tpu.memref_squeeze %dma_wait3A_476 : memref<1x128x64xf32, #tpu.memory_space<vmem>> -> memref<128x64xf32, #tpu.memory_space<vmem>>
    %dma_wait3A_478 = arith.constant 0 : i32
    %dma_wait3A_479 = tpu.memref_slice %arg4[%mul3A_2, %dma_wait3A_478] : memref<819200x64xf32, #tpu.memory_space<hbm>> -> memref<128x64xf32, #tpu.memory_space<hbm>>
    %dma_wait3A_480 = tpu.memref_slice %arg8[%dma_wait3A_473] : memref<8x!tpu.dma_semaphore, #tpu.memory_space<semaphore_mem>> -> memref<1x!tpu.dma_semaphore, #tpu.memory_space<semaphore_mem>>
    %dma_wait3A_481 = tpu.memref_squeeze %dma_wait3A_480 : memref<1x!tpu.dma_semaphore, #tpu.memory_space<semaphore_mem>> -> memref<!tpu.dma_semaphore, #tpu.memory_space<semaphore_mem>>
    %dma_wait3A_482 = arith.constant 0 : i32
    %dma_wait3A_483 = tpu.memref_slice %arg4[%mul3A_2, %dma_wait3A_482] : memref<819200x64xf32, #tpu.memory_space<hbm>> -> memref<128x64xf32, #tpu.memory_space<hbm>>
    %dma_wait3A_484 = arith.constant 0 : i32
    %dma_wait3A_485 = arith.constant 0 : i32
    %dma_wait3A_486 = tpu.memref_slice %arg6[%dma_wait3A_472, %dma_wait3A_484, %dma_wait3A_485] : memref<8x128x64xf32, #tpu.memory_space<vmem>> -> memref<1x128x64xf32, #tpu.memory_space<vmem>>
    %dma_wait3A_487 = tpu.memref_squeeze %dma_wait3A_486 : memref<1x128x64xf32, #tpu.memory_space<vmem>> -> memref<128x64xf32, #tpu.memory_space<vmem>>
    tpu.wait_dma2 semaphore(%dma_wait3A_481 : memref<!tpu.dma_semaphore, #tpu.memory_space<semaphore_mem>>) src(%dma_wait3A_487 : memref<128x64xf32, #tpu.memory_space<vmem>>) dst(%dma_wait3A_483 : memref<128x64xf32, #tpu.memory_space<hbm>>)
    %dma_wait3A_488 = arith.constant 6 : i32
    %dma_wait3A_489 = arith.constant 6 : i32
    %dma_wait3A_490 = arith.constant 0 : i32
    %dma_wait3A_491 = arith.constant 0 : i32
    %dma_wait3A_492 = tpu.memref_slice %arg6[%dma_wait3A_488, %dma_wait3A_490, %dma_wait3A_491] : memref<8x128x64xf32, #tpu.memory_space<vmem>> -> memref<1x128x64xf32, #tpu.memory_space<vmem>>
    %dma_wait3A_493 = tpu.memref_squeeze %dma_wait3A_492 : memref<1x128x64xf32, #tpu.memory_space<vmem>> -> memref<128x64xf32, #tpu.memory_space<vmem>>
    %dma_wait3A_494 = arith.constant 0 : i32
    %dma_wait3A_495 = tpu.memref_slice %arg4[%mul3A_2, %dma_wait3A_494] : memref<819200x64xf32, #tpu.memory_space<hbm>> -> memref<128x64xf32, #tpu.memory_space<hbm>>
    %dma_wait3A_496 = tpu.memref_slice %arg8[%dma_wait3A_489] : memref<8x!tpu.dma_semaphore, #tpu.memory_space<semaphore_mem>> -> memref<1x!tpu.dma_semaphore, #tpu.memory_space<semaphore_mem>>
    %dma_wait3A_497 = tpu.memref_squeeze %dma_wait3A_496 : memref<1x!tpu.dma_semaphore, #tpu.memory_space<semaphore_mem>> -> memref<!tpu.dma_semaphore, #tpu.memory_space<semaphore_mem>>
    %dma_wait3A_498 = arith.constant 0 : i32
    %dma_wait3A_499 = tpu.memref_slice %arg4[%mul3A_2, %dma_wait3A_498] : memref<819200x64xf32, #tpu.memory_space<hbm>> -> memref<128x64xf32, #tpu.memory_space<hbm>>
    %dma_wait3A_500 = arith.constant 0 : i32
    %dma_wait3A_501 = arith.constant 0 : i32
    %dma_wait3A_502 = tpu.memref_slice %arg6[%dma_wait3A_488, %dma_wait3A_500, %dma_wait3A_501] : memref<8x128x64xf32, #tpu.memory_space<vmem>> -> memref<1x128x64xf32, #tpu.memory_space<vmem>>
    %dma_wait3A_503 = tpu.memref_squeeze %dma_wait3A_502 : memref<1x128x64xf32, #tpu.memory_space<vmem>> -> memref<128x64xf32, #tpu.memory_space<vmem>>
    tpu.wait_dma2 semaphore(%dma_wait3A_497 : memref<!tpu.dma_semaphore, #tpu.memory_space<semaphore_mem>>) src(%dma_wait3A_503 : memref<128x64xf32, #tpu.memory_space<vmem>>) dst(%dma_wait3A_499 : memref<128x64xf32, #tpu.memory_space<hbm>>)
    %dma_wait3A_504 = arith.constant 7 : i32
    %dma_wait3A_505 = arith.constant 7 : i32
    %dma_wait3A_506 = arith.constant 0 : i32
    %dma_wait3A_507 = arith.constant 0 : i32
    %dma_wait3A_508 = tpu.memref_slice %arg6[%dma_wait3A_504, %dma_wait3A_506, %dma_wait3A_507] : memref<8x128x64xf32, #tpu.memory_space<vmem>> -> memref<1x128x64xf32, #tpu.memory_space<vmem>>
    %dma_wait3A_509 = tpu.memref_squeeze %dma_wait3A_508 : memref<1x128x64xf32, #tpu.memory_space<vmem>> -> memref<128x64xf32, #tpu.memory_space<vmem>>
    %dma_wait3A_510 = arith.constant 0 : i32
    %dma_wait3A_511 = tpu.memref_slice %arg4[%mul3A_2, %dma_wait3A_510] : memref<819200x64xf32, #tpu.memory_space<hbm>> -> memref<128x64xf32, #tpu.memory_space<hbm>>
    %dma_wait3A_512 = tpu.memref_slice %arg8[%dma_wait3A_505] : memref<8x!tpu.dma_semaphore, #tpu.memory_space<semaphore_mem>> -> memref<1x!tpu.dma_semaphore, #tpu.memory_space<semaphore_mem>>
    %dma_wait3A_513 = tpu.memref_squeeze %dma_wait3A_512 : memref<1x!tpu.dma_semaphore, #tpu.memory_space<semaphore_mem>> -> memref<!tpu.dma_semaphore, #tpu.memory_space<semaphore_mem>>
    %dma_wait3A_514 = arith.constant 0 : i32
    %dma_wait3A_515 = tpu.memref_slice %arg4[%mul3A_2, %dma_wait3A_514] : memref<819200x64xf32, #tpu.memory_space<hbm>> -> memref<128x64xf32, #tpu.memory_space<hbm>>
    %dma_wait3A_516 = arith.constant 0 : i32
    %dma_wait3A_517 = arith.constant 0 : i32
    %dma_wait3A_518 = tpu.memref_slice %arg6[%dma_wait3A_504, %dma_wait3A_516, %dma_wait3A_517] : memref<8x128x64xf32, #tpu.memory_space<vmem>> -> memref<1x128x64xf32, #tpu.memory_space<vmem>>
    %dma_wait3A_519 = tpu.memref_squeeze %dma_wait3A_518 : memref<1x128x64xf32, #tpu.memory_space<vmem>> -> memref<128x64xf32, #tpu.memory_space<vmem>>
    tpu.wait_dma2 semaphore(%dma_wait3A_513 : memref<!tpu.dma_semaphore, #tpu.memory_space<semaphore_mem>>) src(%dma_wait3A_519 : memref<128x64xf32, #tpu.memory_space<vmem>>) dst(%dma_wait3A_515 : memref<128x64xf32, #tpu.memory_space<hbm>>)
    return
  }
}

</mosaic_0001>

<sc_bundles>
// kernel: kernel.4.cloned.1.call-start
scs
__scs_entry_jumppad:
0x0: {  	(pc) =	sbr.rel $0x88, $3  }
0x1: {  	(tag) =	ssettag $0x0;
	lr =	simm.s32 $0x1  }
0x2: {  	[smem:$0x3F9D] =	sst lr;
	_ =	strace $0xD0000000  }
0x3: {  	_ = 	snop  }
0x4: {  	_ = 	snop  }
0x5: {  	_ = 	snop  }
0x6: {  	_ = 	snop  }
0x7: {  	_ = 	snop  }
__scs_overlays_trampoline_lowered:
0x8: {  	[smem:$0x3FAC] =	sst s0  }
0x9: {  	[smem:$0x3FAD] =	sst s1  }
0xa: {  	[smem:$0x3FAE] =	sst s2  }
0xb: {  	[smem:$0x3FAF] =	sst s3  }
0xc: {  	[smem:$0x3FB0] =	sst s4  }
0xd: {  	[smem:$0x3FB1] =	sst s5  }
0xe: {  	[smem:$0x3FB2] =	sst s6  }
0xf: {  	[smem:$0x3FB3] =	sst s7  }
0x10: {  	[smem:$0x3FB4] =	sst s8  }
0x11: {  	[smem:$0x3FB5] =	sst s9;
	s0 =	simm.s32 @!p0 $0x0  }
0x12: {  	s1 =	sld [smem:$0x3F9B];
	s0 =	simm.s32 @p0 $0x1  }
0x13: {  	[smem:$0x3FB6] =	sst s0;
	s0 =	simm.s32 @!p1 $0x0  }
0x14: {  	s2 =	sld [smem:$0x3F9A];
	s0 =	simm.s32 @p1 $0x1  }
0x15: {  	[smem:$0x3FB7] =	sst s0;
	s0 =	simm.s32 @!p2 $0x0  }
0x16: {  	s3 =	sld [smem:$0x3FDB];
	s0 =	simm.s32 @p2 $0x1  }
0x17: {  	s4 =	simm.s32 $0x1BF5;
	[smem:$0x3FB9] =	sst s0  }
0x18: {  	s0 =	sld [smem:$0x3F9C];
	_ =	swait.ge [sflag:s4], $0x0  }
0x19: {  	s7 =	sld [smem:$0x3F9D]  }
0x1a: {  	s8 =	sadd.s32 $0xFFFFE003, lr  }
0x1b: {  	s9 =	sadd.s32 $0xFFFFFEF7, lr;
	s5 =	simm.s32 $0xFFFFFFFF;
	p2 =	slt.u32 s8, $0xFFFFF086  }
0x1c: {  	p1 =	slt.u32 s9, $0xF7A;
	s5 =	simm.s32 @!p2 $0x0  }
0x1d: {  	s5 =	simm.s32 @p1 $0x1;
	p0 =	seq.s32 s7, s2  }
0x1e: {  	s7 =	smul.u32 @!p0 $0xF7A, s2;
	p2 =	seq.s32 @!p0 s5, $0x0  }
0x1f: {  	s9 =	smul.u32 $0xF7A, s1;
	s8 =	simm.s32 @!p0 $0x1BF5;
	p2 =	por !p2, p0  }
0x20: {  	[sflag:s8] =	ssyncset.s32 @!p0 $0xFFFFF086;
	s6 =	sadd.s32 @!p0 s3, s7;
	s7 =	simm.s32 @!p0 $0x108  }
0x21: {  	s3 =	sadd.s32 s3, s9;
	s6 =	sadd.s32 @!p0 $0x88, s6;
	s7 =	simm.s32 @p2 $0x1082  }
0x22: {  	[simem:s7], [sflag:s8] =	dma.local @!p0 [hbm:s6], $0xF7A  }
0x23: {  	s9 =	sor.u32 $0xD0000000, s2;
	s6 =	simm.s32 $0x108;
	_ =	swait.ge @!p0 [sflag:s8], $0x0  }
0x24: {  	s3 =	sadd.s32 $0x88, s3;
	s6 =	simm.s32 @!p1 $0x1082;
	[sflag:s4] =	ssyncset.s32 $0xFFFFF086  }
0x25: {  	[simem:s6], [sflag:s4] =	dma.local [hbm:s3], $0xF7A  }
0x26: {  	[smem:$0x3F9D] =	sst s1;
	(tag) =	ssettag s2;
	_ =	strace s9  }
0x27: {  	s1 =	sld [smem:$0x3FAD]  }
0x28: {  	s2 =	sld [smem:$0x3FAE]  }
0x29: {  	s4 =	sld [smem:$0x3FB0]  }
0x2a: {  	p0 =	seq.s32 s5, $0x0;
	s5 =	sld [smem:$0x3FB1]  }
0x2b: {  	s6 =	sld [smem:$0x3FB2]  }
0x2c: {  	s7 =	sld [smem:$0x3FB3]  }
0x2d: {  	s3 =	simm.s32 $0x108;
	s8 =	sld [smem:$0x3FB4]  }
0x2e: {  	s3 =	simm.s32 @!p0 $0x1082;
	s9 =	sld [smem:$0x3FB5]  }
0x2f: {  	lr =	sadd.s32 s0, s3;
	s0 =	sld [smem:$0x3FAC]  }
0x30: {  	s3 =	sld [smem:$0x3FAF]  }
0x31: {  	[smem:$0x3FB8] =	sst s10  }
0x32: {  	s10 =	sld [smem:$0x3FB6];
	_ =	sdelay $0x3  }
0x33: {  	p0 =	seq.s32 s10, $0x1;
	s10 =	sld [smem:$0x3FB8];
	_ =	sdelay $0x3  }
0x34: {  	[smem:$0x3FB8] =	sst s10  }
0x35: {  	s10 =	sld [smem:$0x3FB7];
	_ =	sdelay $0x3  }
0x36: {  	p1 =	seq.s32 s10, $0x1;
	s10 =	sld [smem:$0x3FB8];
	_ =	sdelay $0x3  }
0x37: {  	[smem:$0x3FB8] =	sst s10  }
0x38: {  	s10 =	sld [smem:$0x3FB9]  }
0x39: {  	_ = 	snop;
	(pc) =	sbr.ind lr, $3  }
0x3a: {  	_ = 	snop  }
0x3b: {  	_ = 	snop  }
0x3c: {  	p2 =	seq.s32 s10, $0x1;
	s10 =	sld [smem:$0x3FB8]  }
0x3d: {  	_ =	shalt  }
0x3e: {  	_ =	shalt  }
0x3f: {  	_ =	shalt  }
0x40: {  	_ =	shalt  }
0x41: {  	_ =	shalt  }
0x42: {  	_ =	shalt  }
0x43: {  	_ =	shalt  }
0x44: {  	_ =	shalt  }
0x45: {  	_ =	shalt  }
0x46: {  	_ =	shalt  }
0x47: {  	_ =	shalt  }
0x48: {  	_ =	shalt  }
0x49: {  	_ =	shalt  }
0x4a: {  	_ =	shalt  }
0x4b: {  	_ =	shalt  }
0x4c: {  	_ =	shalt  }
0x4d: {  	_ =	shalt  }
0x4e: {  	_ =	shalt  }
0x4f: {  	_ =	shalt  }
0x50: {  	_ =	shalt  }
0x51: {  	_ =	shalt  }
0x52: {  	_ =	shalt  }
0x53: {  	_ =	shalt  }
0x54: {  	_ =	shalt  }
0x55: {  	_ =	shalt  }
0x56: {  	_ =	shalt  }
0x57: {  	_ =	shalt  }
0x58: {  	_ =	shalt  }
0x59: {  	_ =	shalt  }
0x5a: {  	_ =	shalt  }
0x5b: {  	_ =	shalt  }
0x5c: {  	_ =	shalt  }
0x5d: {  	_ =	shalt  }
0x5e: {  	_ =	shalt  }
0x5f: {  	_ =	shalt  }
0x60: {  	_ =	shalt  }
0x61: {  	_ =	shalt  }
0x62: {  	_ =	shalt  }
0x63: {  	_ =	shalt  }
0x64: {  	_ =	shalt  }
0x65: {  	_ =	shalt  }
0x66: {  	_ =	shalt  }
0x67: {  	_ =	shalt  }
0x68: {  	_ =	shalt  }
0x69: {  	_ =	shalt  }
0x6a: {  	_ =	shalt  }
0x6b: {  	_ =	shalt  }
0x6c: {  	_ =	shalt  }
0x6d: {  	_ =	shalt  }
0x6e: {  	_ =	shalt  }
0x6f: {  	_ =	shalt  }
0x70: {  	_ =	shalt  }
0x71: {  	_ =	shalt  }
0x72: {  	_ =	shalt  }
0x73: {  	_ =	shalt  }
0x74: {  	_ =	shalt  }
0x75: {  	_ =	shalt  }
0x76: {  	_ =	shalt  }
0x77: {  	_ =	shalt  }
0x78: {  	_ =	shalt  }
0x79: {  	_ =	shalt  }
0x7a: {  	_ =	shalt  }
0x7b: {  	_ =	shalt  }
0x7c: {  	_ =	shalt  }
0x7d: {  	_ =	shalt  }
0x7e: {  	_ =	shalt  }
0x7f: {  	_ =	shalt  }
0x80: {  	_ =	shalt  }
0x81: {  	_ =	shalt  }
0x82: {  	_ =	shalt  }
0x83: {  	_ =	shalt  }
0x84: {  	_ =	shalt  }
0x85: {  	_ =	shalt  }
0x86: {  	_ =	shalt  }
0x87: {  	_ =	shalt  }
.Lfunc_end0:
.L_simem_size_0:
called_computation.2_lowered:
.L_overlay_start_0:
0x88: {  	s2 =	sld [smem:$0x3FD9]  }
0x89: {  	s3 =	sld [smem:$0x3FFE];
	_ =	sdelay $0x1  }
0x8a: {  	s1 =	srdreg.scid  }
0x8b: {  	s0 =	sand.u32 $0x1, s1  }
0x8c: {  	s14 =	sshll.u32 s0, $0xA;
	s2 =	sadd.s32 s3, s2  }
0x8d: {  	s2 =	sadd.s32 s2, s14  }
0x8e: {  	[smem:$0x3FC4] =	sst s2  }
0x8f: {  	_ = 	snop  }
0x90: {  	s2 =	sld [smem:$0x3FD0];
	_ =	sdelay $0x2  }
0x91: {  	s15 =	simm.s32 $0xB;
	s4 =	simm.s32 $0x10  }
0x92: {  	[smem:s4], [sflag:s15] =	dma.local [hbm:s2], $0x1  }
0x93: {  	_ =	swait.eq [sflag:s15], $0x1  }
0x94: {  	[sflag:s15] =	ssyncset.done $0x0  }
0x95: {  	[sflag:s15] =	ssyncadd.s32 $0xFFFFFFFF  }
0x96: {  	s16 =	sld [smem:$0x10];
	(tm) =	ssettm $0x1  }
0x97: {  	s17 =	sld [smem:$0x3FFB];
	_ =	sdelay $0x3  }
0x98: {  	_ =	strace s17  }
0x99: {  	s3 =	sld [smem:$0x3FFC];
	_ =	sdelay $0x3  }
0x9a: {  	_ =	strace s3  }
0x9b: {  	s3 =	sld [smem:$0x3FFD];
	_ =	sdelay $0x3  }
0x9c: {  	_ =	strace s3  }
0x9d: {  	_ =	strace $0x8FFFFFFF  }
0x9e: {  	s18 =	sld [smem:$0x3FDB];
	_ =	sdelay $0x1  }
0x9f: {  	s19 =	simm.s32 $_scs_section_size  }
0xa0: {  	s5 =	simm.s32 $_size__tile_overlayer_lowered;
	s6 =	simm.s32 $_tile_overlayer_lowered  }
0xa1: {  	s22 =	simm.s32 $0x1BFF;
	s21 =	sshll.u32 s6, $0x1;
	s3 =	sadd.s32 s19, s18  }
0xa2: {  	s7 =	simm.s32 $0x0;
	s20 =	sshll.u32 s5, $0x1;
	s5 =	sadd.s32 s21, s3  }
0xa3: {  	[timem:s7], [sflag:s22] =	dma.local [hbm:s5], s20  }
0xa4: {  	_ =	swait.ge [sflag:s22], s20  }
0xa5: {  	s4 =	ssub.s32 $0x0, s20;
	[sflag:s22] =	ssyncset.done $0x0  }
0xa6: {  	[sflag:s22] =	ssyncadd.s32 s4;
	_ =	sdelay $0x1  }
0xa7: {  	s23 =	simm.s32 $0x1B8B  }
0xa8: {  	_ =	swait.ge [sflag:s23], $0x1  }
0xa9: {  	[sflag:s23] =	ssyncset.done $0x0  }
0xaa: {  	s25 =	simm.s32 $0x1B8E;
	s24 =	sld [smem:$0x3FFE];
	[sflag:s23] =	ssyncadd.s32 $0xFFFFFFFF  }
0xab: {  	s26 =	simm.s32 $execute0_lowered;
	[smem:$0x3FD2] =	sst s25  }
0xac: {  	s5 =	sshll.u32 s26, $0x1;
	_ =	strace $0x80000046;
	[dreg:$0x1] =	wrdreg $0xFFFFFFFF  }
0xad: {  	s28 =	simm.s32 $_size_execute0_lowered;
	s3 =	sadd.s32 s3, s5;
	[dreg:$0x0] =	wrdreg $0x0  }
0xae: {  	s5 =	sshll.u32 s28, $0x1;
	[dreg:$0x2] =	wrdreg s3  }
0xaf: {  	[dreg:$0x3] =	wrdreg s5  }
0xb0: {  	[dreg:$0x4] =	wrdreg $0xC0  }
0xb1: {  	_ =	task [dreg:s7], $0x5FFFF  }
0xb2: {  	[dreg:$0x1] =	wrdreg $0xFFFFFFFF  }
0xb3: {  	[dreg:$0x0] =	wrdreg $0x60  }
0xb4: {  	[dreg:$0x2] =	wrdreg s24  }
0xb5: {  	[dreg:$0x3] =	wrdreg s16  }
0xb6: {  	[dreg:$0x4] =	wrdreg $0x9  }
0xb7: {  	_ =	task.clear_ibuf [dreg:s7], $0x5FFFF;
	_ =	strace $0x90000046  }
0xb8: {  	s29 =	simm.s32 $0x9;
	_ =	strace $0x80000048  }
0xb9: {  	_ =	swait.ge [sflag:s29], $0x1  }
0xba: {  	[sflag:s29] =	ssyncadd.s32 $0xFFFFFFFF  }
0xbb: {  	_ =	strace $0x90000048  }
0xbc: {  	_ =	sfence  }
0xbd: {  	s30 =	sld [smem:$0x0];
	_ =	sdelay $0x2  }
0xbe: {  	s31 =	sshll.u32 s1, $0xD;
	s1 =	sshrl.u32 s1, $0x2  }
0xbf: {  	s3 =	sand.u32 $0x4000, s31;
	s1 =	sadd.s32 s1, s30  }
0xc0: {  	s0 =	sor.u32 s3, s0;
	s1 =	sshll.u32 s1, $0x11  }
0xc1: {  	s0 =	sor.u32 s1, s0  }
0xc2: {  	s0 =	sadd.s32 $0x8F2B, s0  }
0xc3: {  	[sflag:s0] =	ssyncadd.remote.s32 $0x1  }
0xc4: {  	_ =	sfence.sel $0xFFFF  }
0xc5: {  	[dreg:$0x0] =	wrdreg $0xFFFFFFFF;
	(pc) =	sbr.abs _section_cstart, $3  }
0xc6: {  	[dreg:$0x1] =	wrdreg $0xFFFFFFFF  }
0xc7: {  	_ =	task.clear_ibuf [dreg:s7], $0x2FFFF;
	_ =	strace $0x9FFFFFFF  }
0xc8: {  	(tm) =	ssettm $0x7FFFFFFF  }
0xc9: {  	_ =	shalt  }
tec
execute0_lowered:
.L_overlay_start_1:
0x0: {  	(tag) =	ssettag $0x1  }
0x1: {  	s0 =	srdreg.scid;
	s1 =	rddreg [dreg:$0x0]  }
0x2: {  	s4 =	stileid.u32;
	s10 =	rddreg [dreg:$0x1];
	s3 =	simm.s32 $0x0  }
0x3: {  	s29 =	simm.s32 $0x10400;
	s30 =	simm.s32 $0x3;
	s28 =	simm.s32 $0x5  }
0x4: {  	s0 =	sand.u32 $0x1, s0;
	s2 =	sshll.u32 s4, $0x1;
	s6 =	smul.u32 $0xC800, s4  }
0x5: {  	s2 =	sor.u32 s0, s2;
	s7 =	ssub.s32 $0x2, s0;
	s0 =	smul.u32 $0x6400, s0  }
0x6: {  	s31 =	simm.s32 $0xA;
	[smem:$0x7FF] =	sst s3;
	s5 =	smul.u32 $0xC80, s2  }
0x7: {  	s4 =	sadd.s32 $0xF43800, s1;
	s8 =	sshrl.u32 s7, $0x1;
	s9 =	smul.u32 $0x32000, s2  }
0x8: {  	_ =	strace $0x80000047;
	s2 =	smul.u32 $0x190000, s2;
	s11 =	ssub.s32 s7, s8  }
0x9: {  	s0 =	sadd.s32 s0, s6;
	s7 =	simm.s32 $0x7;
	s12 =	sadd.s32 s10, s9  }
0xa: {  	s1 =	sadd.s32 s5, s1;
	s26 =	smax.u32 s11, $0x1;
	[dreg:$0xc] =	wrdreg s12  }
0xb: {  	s8 =	simm.s32 $0xC;
	s1 =	sadd.s32 $0x1400, s1;
	[dreg:$0x14] =	wrdreg s26  }
0xc: {  	s0 =	sshll.u32 s0, $0x3;
	s13 =	sadd.s32 $0x400, s12;
	[dreg:$0xb] =	wrdreg s1  }
0xd: {  	s2 =	sshrl.u32 s2, $0x3;
	s14 =	sadd.s32 $0x800, s12;
	[dreg:$0xd] =	wrdreg s13  }
0xe: {  	s5 =	simm.s32 $0xB;
	s15 =	sor.u32 $0x1C00, s0;
	[dreg:$0xe] =	wrdreg s14  }
0xf: {  	s9 =	simm.s32 $0x8;
	s6 =	sadd.s32 $0xC00, s12;
	[dreg:$0x3] =	wrdreg s15  }
0x10: {  	s11 =	simm.s32 $0xE;
	s16 =	sor.u32 $0x1800, s0;
	[dreg:$0xf] =	wrdreg s6  }
0x11: {  	s17 =	sor.u32 $0x1400, s0;
	s18 =	sor.u32 $0x1000, s0;
	[dreg:$0x4] =	wrdreg s16  }
0x12: {  	s2 =	sadd.s32 s10, s2;
	s19 =	sadd.s32 $0x2C00, s0;
	[dreg:$0x5] =	wrdreg s17  }
0x13: {  	s21 =	sadd.s32 $0x2800, s0;
	s23 =	sadd.s32 $0x2400, s0;
	[dreg:$0x6] =	wrdreg s18  }
0x14: {  	s0 =	sadd.s32 $0x2000, s0;
	s26 =	simm.s32 $0x2;
	[dreg:$0x7] =	wrdreg s19  }
0x15: {  	s10 =	simm.s32 $0xD;
	s12 =	simm.s32 $0xF;
	[dreg:$0x8] =	wrdreg s21  }
0x16: {  	s20 =	sadd.s32 $0x31000, s2;
	s22 =	sadd.s32 $0x31400, s2;
	[dreg:$0x9] =	wrdreg s23  }
0x17: {  	s24 =	sadd.s32 $0x31800, s2;
	s25 =	sadd.s32 $0x31C00, s2;
	[dreg:$0xa] =	wrdreg s0  }
0x18: {  	s16 =	simm.s32 $0x80;
	s17 =	simm.s32 $0x6400;
	s18 =	simm.s32 $0x8400  }
0x19: {  	s23 =	simm.s32 $0x1;
	s1 =	simm.s32 $0x12400;
	[dreg:$0x10] =	wrdreg s20  }
0x1a: {  	s0 =	simm.s32 $0x4;
	s21 =	simm.s32 $0x14400;
	[dreg:$0x11] =	wrdreg s22  }
0x1b: {  	s19 =	simm.s32 $0x6;
	s13 =	simm.s32 $0x10;
	[dreg:$0x12] =	wrdreg s24  }
0x1c: {  	s6 =	simm.s32 $0x0;
	[dreg:$0x13] =	wrdreg s25;
	s20 =	simm.s32 $0xA400  }
0x1d: {  	s22 =	simm.s32 $0xC400;
	s25 =	simm.s32 $0xE400;
	s24 =	simm.s32 $0x9  }
.LBB2_1:
0x1e: {  	[dreg:$0x15] =	wrdreg s6  }
0x1f: {  	s2 =	rddreg [dreg:$0xb];
	s15 =	simm.s32 $0x11  }
0x20: {  	[tilespmem:s3], [sflag:$0x11] =	stream.linear.gather [hbm4b:s2+s3], $0x6400, $0x38;
	[tilespmem:$0x16400] =	vst v63  }
0x21: {  	_ =	swait.ge [sflag:s15], $0x6400  }
0x22: {  	[sflag:s15] =	ssyncset.done $0x0  }
0x23: {  	[sflag:s15] =	ssyncadd.s32 $0xFFFF9C00  }
0x24: {  	[tilespmem:s17], [sflag:$0x1] =	stream.indirect.gather [hbm4b:s4+s16], $0x40, s3, s16, $0xb8;
	[tilespmem:$0x16400] =	vst v63  }
0x25: {  	_ = 	snop  }
0x26: {  	[tilespmem:s18], [sflag:$0x2] =	stream.indirect.gather [hbm4b:s4+s16], $0x40, s16, s16, $0xb8;
	[tilespmem:$0x16400] =	vst v63  }
0x27: {  	s6 =	simm.s32 $0x100  }
0x28: {  	[tilespmem:s20], [sflag:$0x3] =	stream.indirect.gather [hbm4b:s4+s16], $0x40, s6, s16, $0xb8;
	[tilespmem:$0x16400] =	vst v63  }
0x29: {  	s14 =	simm.s32 $0x180  }
0x2a: {  	[tilespmem:s22], [sflag:$0x4] =	stream.indirect.gather [hbm4b:s4+s16], $0x40, s14, s16, $0xb8;
	[tilespmem:$0x16400] =	vst v63  }
0x2b: {  	_ =	swait.ge [sflag:s23], $0x2000  }
0x2c: {  	[sflag:s23] =	ssyncset.done $0x0  }
0x2d: {  	s15 =	rddreg [dreg:$0xc];
	[sflag:s23] =	ssyncadd.s32 $0xFFFFE000  }
0x2e: {  	[hbm4b:s15+s3] =	stream.linear.scatter [tilespmem:s17], [sflag:$0x9], $0x2000, $0x38;
	[tilespmem:$0x16400] =	vst v63  }
0x2f: {  	s6 =	simm.s32 $0x200  }
0x30: {  	[tilespmem:s25], [sflag:$0x5] =	stream.indirect.gather [hbm4b:s4+s16], $0x40, s6, s16, $0xb8;
	[tilespmem:$0x16400] =	vst v63  }
0x31: {  	_ =	swait.ge [sflag:s26], $0x2000  }
0x32: {  	[sflag:s26] =	ssyncset.done $0x0  }
0x33: {  	s14 =	rddreg [dreg:$0xd];
	[sflag:s26] =	ssyncadd.s32 $0xFFFFE000  }
0x34: {  	[hbm4b:s14+s3] =	stream.linear.scatter [tilespmem:s18], [sflag:$0xA], $0x2000, $0x38;
	[tilespmem:$0x16400] =	vst v63  }
0x35: {  	s15 =	simm.s32 $0x280  }
0x36: {  	[tilespmem:s29], [sflag:$0x6] =	stream.indirect.gather [hbm4b:s4+s16], $0x40, s15, s16, $0xb8;
	[tilespmem:$0x16400] =	vst v63  }
0x37: {  	_ =	swait.ge [sflag:s30], $0x2000  }
0x38: {  	[sflag:s30] =	ssyncset.done $0x0  }
0x39: {  	s6 =	rddreg [dreg:$0xe];
	[sflag:s30] =	ssyncadd.s32 $0xFFFFE000  }
0x3a: {  	[hbm4b:s6+s3] =	stream.linear.scatter [tilespmem:s20], [sflag:$0xB], $0x2000, $0x38;
	[tilespmem:$0x16400] =	vst v63  }
0x3b: {  	s14 =	simm.s32 $0x300  }
0x3c: {  	[tilespmem:s1], [sflag:$0x7] =	stream.indirect.gather [hbm4b:s4+s16], $0x40, s14, s16, $0xb8;
	[tilespmem:$0x16400] =	vst v63  }
0x3d: {  	_ =	swait.ge [sflag:s0], $0x2000  }
0x3e: {  	[sflag:s0] =	ssyncset.done $0x0  }
0x3f: {  	s15 =	rddreg [dreg:$0xf];
	[sflag:s0] =	ssyncadd.s32 $0xFFFFE000  }
0x40: {  	[hbm4b:s15+s3] =	stream.linear.scatter [tilespmem:s22], [sflag:$0xC], $0x2000, $0x38;
	[tilespmem:$0x16400] =	vst v63  }
0x41: {  	s6 =	simm.s32 $0x380  }
0x42: {  	[tilespmem:s21], [sflag:$0x8] =	stream.indirect.gather [hbm4b:s4+s16], $0x40, s6, s16, $0xb8;
	[tilespmem:$0x16400] =	vst v63  }
0x43: {  	_ =	swait.ge [sflag:s24], $0x2000  }
0x44: {  	[sflag:s24] =	ssyncset.done $0x0  }
0x45: {  	s14 =	simm.s32 $0x400;
	[sflag:s24] =	ssyncadd.s32 $0xFFFFE000  }
0x46: {  	[tilespmem:s17], [sflag:$0x1] =	stream.indirect.gather [hbm4b:s4+s16], $0x40, s14, s16, $0xb8;
	[tilespmem:$0x16400] =	vst v63  }
0x47: {  	_ =	swait.ge [sflag:s28], $0x2000  }
0x48: {  	[sflag:s28] =	ssyncset.done $0x0  }
0x49: {  	s15 =	rddreg [dreg:$0x6];
	[sflag:s28] =	ssyncadd.s32 $0xFFFFE000  }
0x4a: {  	s14 =	rddreg [dreg:$0x1]  }
0x4b: {  	s2 =	sadd.s32 s14, s15  }
0x4c: {  	[hbm4b:s2+s3] =	stream.linear.scatter [tilespmem:s25], [sflag:$0xD], $0x2000, $0x38;
	[tilespmem:$0x16400] =	vst v63  }
0x4d: {  	_ =	swait.ge [sflag:s31], $0x2000  }
0x4e: {  	[sflag:s31] =	ssyncset.done $0x0  }
0x4f: {  	s6 =	simm.s32 $0x480;
	[sflag:s31] =	ssyncadd.s32 $0xFFFFE000  }
0x50: {  	[tilespmem:s18], [sflag:$0x2] =	stream.indirect.gather [hbm4b:s4+s16], $0x40, s6, s16, $0xb8;
	[tilespmem:$0x16400] =	vst v63  }
0x51: {  	_ =	swait.ge [sflag:s19], $0x2000  }
0x52: {  	s15 =	rddreg [dreg:$0x5];
	[sflag:s19] =	ssyncset.done $0x0  }
0x53: {  	[sflag:s19] =	ssyncadd.s32 $0xFFFFE000;
	s2 =	sadd.s32 s14, s15  }
0x54: {  	[hbm4b:s2+s3] =	stream.linear.scatter [tilespmem:s29], [sflag:$0xE], $0x2000, $0x38;
	[tilespmem:$0x16400] =	vst v63  }
0x55: {  	_ =	swait.ge [sflag:s5], $0x2000  }
0x56: {  	[sflag:s5] =	ssyncset.done $0x0  }
0x57: {  	s6 =	simm.s32 $0x500;
	[sflag:s5] =	ssyncadd.s32 $0xFFFFE000  }
0x58: {  	[tilespmem:s20], [sflag:$0x3] =	stream.indirect.gather [hbm4b:s4+s16], $0x40, s6, s16, $0xb8;
	[tilespmem:$0x16400] =	vst v63  }
0x59: {  	_ =	swait.ge [sflag:s7], $0x2000  }
0x5a: {  	s15 =	rddreg [dreg:$0x4];
	[sflag:s7] =	ssyncset.done $0x0  }
0x5b: {  	[sflag:s7] =	ssyncadd.s32 $0xFFFFE000;
	s2 =	sadd.s32 s14, s15  }
0x5c: {  	[hbm4b:s2+s3] =	stream.linear.scatter [tilespmem:s1], [sflag:$0xF], $0x2000, $0x38;
	[tilespmem:$0x16400] =	vst v63  }
0x5d: {  	_ =	swait.ge [sflag:s8], $0x2000  }
0x5e: {  	[sflag:s8] =	ssyncset.done $0x0  }
0x5f: {  	s6 =	simm.s32 $0x580;
	[sflag:s8] =	ssyncadd.s32 $0xFFFFE000  }
0x60: {  	[tilespmem:s22], [sflag:$0x4] =	stream.indirect.gather [hbm4b:s4+s16], $0x40, s6, s16, $0xb8;
	[tilespmem:$0x16400] =	vst v63  }
0x61: {  	_ =	swait.ge [sflag:s9], $0x2000  }
0x62: {  	s15 =	rddreg [dreg:$0x3];
	[sflag:s9] =	ssyncset.done $0x0  }
0x63: {  	[sflag:s9] =	ssyncadd.s32 $0xFFFFE000;
	s2 =	sadd.s32 s14, s15  }
0x64: {  	[hbm4b:s2+s3] =	stream.linear.scatter [tilespmem:s21], [sflag:$0x10], $0x2000, $0x38;
	[tilespmem:$0x16400] =	vst v63  }
0x65: {  	_ =	swait.ge [sflag:s10], $0x2000  }
0x66: {  	[sflag:s10] =	ssyncset.done $0x0  }
0x67: {  	s6 =	simm.s32 $0x600;
	[sflag:s10] =	ssyncadd.s32 $0xFFFFE000  }
0x68: {  	[tilespmem:s25], [sflag:$0x5] =	stream.indirect.gather [hbm4b:s4+s16], $0x40, s6, s16, $0xb8;
	[tilespmem:$0x16400] =	vst v63  }
0x69: {  	_ =	swait.ge [sflag:s23], $0x2000  }
0x6a: {  	s15 =	rddreg [dreg:$0xa];
	[sflag:s23] =	ssyncset.done $0x0  }
0x6b: {  	[sflag:s23] =	ssyncadd.s32 $0xFFFFE000;
	s2 =	sadd.s32 s14, s15  }
0x6c: {  	[hbm4b:s2+s3] =	stream.linear.scatter [tilespmem:s17], [sflag:$0x9], $0x2000, $0x38;
	[tilespmem:$0x16400] =	vst v63  }
0x6d: {  	_ =	swait.ge [sflag:s11], $0x2000  }
0x6e: {  	[sflag:s11] =	ssyncset.done $0x0  }
0x6f: {  	s6 =	simm.s32 $0x680;
	[sflag:s11] =	ssyncadd.s32 $0xFFFFE000  }
0x70: {  	[tilespmem:s29], [sflag:$0x6] =	stream.indirect.gather [hbm4b:s4+s16], $0x40, s6, s16, $0xb8;
	[tilespmem:$0x16400] =	vst v63  }
0x71: {  	_ =	swait.ge [sflag:s26], $0x2000  }
0x72: {  	s15 =	rddreg [dreg:$0x9];
	[sflag:s26] =	ssyncset.done $0x0  }
0x73: {  	[sflag:s26] =	ssyncadd.s32 $0xFFFFE000;
	s2 =	sadd.s32 s14, s15  }
0x74: {  	[hbm4b:s2+s3] =	stream.linear.scatter [tilespmem:s18], [sflag:$0xA], $0x2000, $0x38;
	[tilespmem:$0x16400] =	vst v63  }
0x75: {  	_ =	swait.ge [sflag:s12], $0x2000  }
0x76: {  	[sflag:s12] =	ssyncset.done $0x0  }
0x77: {  	s6 =	simm.s32 $0x700;
	[sflag:s12] =	ssyncadd.s32 $0xFFFFE000  }
0x78: {  	[tilespmem:s1], [sflag:$0x7] =	stream.indirect.gather [hbm4b:s4+s16], $0x40, s6, s16, $0xb8;
	[tilespmem:$0x16400] =	vst v63  }
0x79: {  	_ =	swait.ge [sflag:s30], $0x2000  }
0x7a: {  	s15 =	rddreg [dreg:$0x8];
	[sflag:s30] =	ssyncset.done $0x0  }
0x7b: {  	[sflag:s30] =	ssyncadd.s32 $0xFFFFE000;
	s2 =	sadd.s32 s14, s15  }
0x7c: {  	[hbm4b:s2+s3] =	stream.linear.scatter [tilespmem:s20], [sflag:$0xB], $0x2000, $0x38;
	[tilespmem:$0x16400] =	vst v63  }
0x7d: {  	_ =	swait.ge [sflag:s13], $0x2000  }
0x7e: {  	[sflag:s13] =	ssyncset.done $0x0  }
0x7f: {  	s6 =	simm.s32 $0x780;
	[sflag:s13] =	ssyncadd.s32 $0xFFFFE000  }
0x80: {  	[tilespmem:s21], [sflag:$0x8] =	stream.indirect.gather [hbm4b:s4+s16], $0x40, s6, s16, $0xb8;
	[tilespmem:$0x16400] =	vst v63  }
0x81: {  	_ =	swait.ge [sflag:s0], $0x2000  }
0x82: {  	s6 =	simm.s32 $0x1000;
	s15 =	rddreg [dreg:$0x7];
	[sflag:s0] =	ssyncset.done $0x0  }
0x83: {  	[sflag:s0] =	ssyncadd.s32 $0xFFFFE000;
	s2 =	sadd.s32 s14, s15;
	s15 =	sadd.s32 $0x2000, s14  }
.LBB2_2:
0x84: {  	[hbm4b:s2+s3] =	stream.linear.scatter [tilespmem:s22], [sflag:$0xC], $0x2000, $0x38;
	[tilespmem:$0x16400] =	vst v63  }
0x85: {  	s14 =	smov.u32 s6;
	_ =	swait.ge [sflag:s24], $0x2000  }
0x86: {  	s2 =	sshra.s32 s14, $0x2;
	[sflag:s24] =	ssyncset.done $0x0  }
0x87: {  	s14 =	sadd.s32 $0x400, s2;
	[sflag:s24] =	ssyncadd.s32 $0xFFFFE000  }
0x88: {  	[tilespmem:s17], [sflag:$0x1] =	stream.indirect.gather [hbm4b:s4+s16], $0x40, s14, s16, $0xb8;
	[tilespmem:$0x16400] =	vst v63  }
0x89: {  	_ =	swait.ge [sflag:s28], $0x2000  }
0x8a: {  	s14 =	rddreg [dreg:$0x6];
	[sflag:s28] =	ssyncset.done $0x0  }
0x8b: {  	[sflag:s28] =	ssyncadd.s32 $0xFFFFE000;
	s14 =	sadd.s32 s15, s14  }
0x8c: {  	[hbm4b:s14+s3] =	stream.linear.scatter [tilespmem:s25], [sflag:$0xD], $0x2000, $0x38;
	[tilespmem:$0x16400] =	vst v63  }
0x8d: {  	_ =	swait.ge [sflag:s31], $0x2000  }
0x8e: {  	[sflag:s31] =	ssyncset.done $0x0  }
0x8f: {  	s14 =	sadd.s32 $0x480, s2;
	[sflag:s31] =	ssyncadd.s32 $0xFFFFE000  }
0x90: {  	[tilespmem:s18], [sflag:$0x2] =	stream.indirect.gather [hbm4b:s4+s16], $0x40, s14, s16, $0xb8;
	[tilespmem:$0x16400] =	vst v63  }
0x91: {  	_ =	swait.ge [sflag:s19], $0x2000  }
0x92: {  	s14 =	rddreg [dreg:$0x5];
	[sflag:s19] =	ssyncset.done $0x0  }
0x93: {  	[sflag:s19] =	ssyncadd.s32 $0xFFFFE000;
	s14 =	sadd.s32 s15, s14  }
0x94: {  	[hbm4b:s14+s3] =	stream.linear.scatter [tilespmem:s29], [sflag:$0xE], $0x2000, $0x38;
	[tilespmem:$0x16400] =	vst v63  }
0x95: {  	_ =	swait.ge [sflag:s5], $0x2000  }
0x96: {  	[sflag:s5] =	ssyncset.done $0x0  }
0x97: {  	s14 =	sadd.s32 $0x500, s2;
	[sflag:s5] =	ssyncadd.s32 $0xFFFFE000  }
0x98: {  	[tilespmem:s20], [sflag:$0x3] =	stream.indirect.gather [hbm4b:s4+s16], $0x40, s14, s16, $0xb8;
	[tilespmem:$0x16400] =	vst v63  }
0x99: {  	_ =	swait.ge [sflag:s7], $0x2000  }
0x9a: {  	s14 =	rddreg [dreg:$0x4];
	[sflag:s7] =	ssyncset.done $0x0  }
0x9b: {  	[sflag:s7] =	ssyncadd.s32 $0xFFFFE000;
	s14 =	sadd.s32 s15, s14  }
0x9c: {  	[hbm4b:s14+s3] =	stream.linear.scatter [tilespmem:s1], [sflag:$0xF], $0x2000, $0x38;
	[tilespmem:$0x16400] =	vst v63  }
0x9d: {  	_ =	swait.ge [sflag:s8], $0x2000  }
0x9e: {  	[sflag:s8] =	ssyncset.done $0x0  }
0x9f: {  	s14 =	sadd.s32 $0x580, s2;
	[sflag:s8] =	ssyncadd.s32 $0xFFFFE000  }
0xa0: {  	[tilespmem:s22], [sflag:$0x4] =	stream.indirect.gather [hbm4b:s4+s16], $0x40, s14, s16, $0xb8;
	[tilespmem:$0x16400] =	vst v63  }
0xa1: {  	_ =	swait.ge [sflag:s9], $0x2000  }
0xa2: {  	s14 =	rddreg [dreg:$0x3];
	[sflag:s9] =	ssyncset.done $0x0  }
0xa3: {  	[sflag:s9] =	ssyncadd.s32 $0xFFFFE000;
	s14 =	sadd.s32 s15, s14  }
0xa4: {  	[hbm4b:s14+s3] =	stream.linear.scatter [tilespmem:s21], [sflag:$0x10], $0x2000, $0x38;
	[tilespmem:$0x16400] =	vst v63  }
0xa5: {  	_ =	swait.ge [sflag:s10], $0x2000  }
0xa6: {  	[sflag:s10] =	ssyncset.done $0x0  }
0xa7: {  	s14 =	sadd.s32 $0x600, s2;
	[sflag:s10] =	ssyncadd.s32 $0xFFFFE000  }
0xa8: {  	[tilespmem:s25], [sflag:$0x5] =	stream.indirect.gather [hbm4b:s4+s16], $0x40, s14, s16, $0xb8;
	[tilespmem:$0x16400] =	vst v63  }
0xa9: {  	_ =	swait.ge [sflag:s23], $0x2000  }
0xaa: {  	s14 =	rddreg [dreg:$0xa];
	[sflag:s23] =	ssyncset.done $0x0  }
0xab: {  	[sflag:s23] =	ssyncadd.s32 $0xFFFFE000;
	s14 =	sadd.s32 s15, s14  }
0xac: {  	[hbm4b:s14+s3] =	stream.linear.scatter [tilespmem:s17], [sflag:$0x9], $0x2000, $0x38;
	[tilespmem:$0x16400] =	vst v63  }
0xad: {  	_ =	swait.ge [sflag:s11], $0x2000  }
0xae: {  	[sflag:s11] =	ssyncset.done $0x0  }
0xaf: {  	s14 =	sadd.s32 $0x680, s2;
	[sflag:s11] =	ssyncadd.s32 $0xFFFFE000  }
0xb0: {  	[tilespmem:s29], [sflag:$0x6] =	stream.indirect.gather [hbm4b:s4+s16], $0x40, s14, s16, $0xb8;
	[tilespmem:$0x16400] =	vst v63  }
0xb1: {  	_ =	swait.ge [sflag:s26], $0x2000  }
0xb2: {  	s14 =	rddreg [dreg:$0x9];
	[sflag:s26] =	ssyncset.done $0x0  }
0xb3: {  	[sflag:s26] =	ssyncadd.s32 $0xFFFFE000;
	s14 =	sadd.s32 s15, s14  }
0xb4: {  	[hbm4b:s14+s3] =	stream.linear.scatter [tilespmem:s18], [sflag:$0xA], $0x2000, $0x38;
	[tilespmem:$0x16400] =	vst v63  }
0xb5: {  	_ =	swait.ge [sflag:s12], $0x2000  }
0xb6: {  	[sflag:s12] =	ssyncset.done $0x0  }
0xb7: {  	s14 =	sadd.s32 $0x700, s2;
	[sflag:s12] =	ssyncadd.s32 $0xFFFFE000  }
0xb8: {  	[tilespmem:s1], [sflag:$0x7] =	stream.indirect.gather [hbm4b:s4+s16], $0x40, s14, s16, $0xb8;
	[tilespmem:$0x16400] =	vst v63  }
0xb9: {  	_ =	swait.ge [sflag:s30], $0x2000  }
0xba: {  	s14 =	rddreg [dreg:$0x8];
	[sflag:s30] =	ssyncset.done $0x0  }
0xbb: {  	[sflag:s30] =	ssyncadd.s32 $0xFFFFE000;
	s14 =	sadd.s32 s15, s14  }
0xbc: {  	[hbm4b:s14+s3] =	stream.linear.scatter [tilespmem:s20], [sflag:$0xB], $0x2000, $0x38;
	[tilespmem:$0x16400] =	vst v63  }
0xbd: {  	_ =	swait.ge [sflag:s13], $0x2000  }
0xbe: {  	p0 =	sne.s32 s6, $0x17000;
	[sflag:s13] =	ssyncset.done $0x0  }
.Ltmp0:
0xbf: {  	s2 =	sadd.s32 $0x780, s2;
	[sflag:s13] =	ssyncadd.s32 $0xFFFFE000;
	(pc) =	sbr.rel @p0 .LBB2_2-.Ltmp0, $4  }
0xc0: {  	[tilespmem:s21], [sflag:$0x8] =	stream.indirect.gather [hbm4b:s4+s16], $0x40, s2, s16, $0xb8;
	[tilespmem:$0x16400] =	vst v63  }
0xc1: {  	_ =	swait.ge [sflag:s0], $0x2000  }
0xc2: {  	s6 =	sadd.s32 $0x1000, s6;
	[sflag:s0] =	ssyncset.done $0x0;
	s14 =	rddreg [dreg:$0x7]  }
0xc3: {  	[sflag:s0] =	ssyncadd.s32 $0xFFFFE000;
	s2 =	sadd.s32 s15, s14;
	s15 =	sadd.s32 $0x2000, s15  }
0xc4: {  	[hbm4b:s2+s3] =	stream.linear.scatter [tilespmem:s22], [sflag:$0xC], $0x2000, $0x38;
	[tilespmem:$0x16400] =	vst v63  }
0xc5: {  	_ =	swait.ge [sflag:s28], $0x2000  }
0xc6: {  	[sflag:s28] =	ssyncset.done $0x0  }
0xc7: {  	s14 =	rddreg [dreg:$0x10];
	[sflag:s28] =	ssyncadd.s32 $0xFFFFE000  }
0xc8: {  	[hbm4b:s14+s3] =	stream.linear.scatter [tilespmem:s25], [sflag:$0xD], $0x2000, $0x38;
	[tilespmem:$0x16400] =	vst v63  }
0xc9: {  	_ =	swait.ge [sflag:s19], $0x2000  }
0xca: {  	[sflag:s19] =	ssyncset.done $0x0  }
0xcb: {  	s15 =	rddreg [dreg:$0x11];
	[sflag:s19] =	ssyncadd.s32 $0xFFFFE000  }
0xcc: {  	[hbm4b:s15+s3] =	stream.linear.scatter [tilespmem:s29], [sflag:$0xE], $0x2000, $0x38;
	[tilespmem:$0x16400] =	vst v63  }
0xcd: {  	_ =	swait.ge [sflag:s7], $0x2000  }
0xce: {  	[sflag:s7] =	ssyncset.done $0x0  }
0xcf: {  	s6 =	rddreg [dreg:$0x12];
	[sflag:s7] =	ssyncadd.s32 $0xFFFFE000  }
0xd0: {  	[hbm4b:s6+s3] =	stream.linear.scatter [tilespmem:s1], [sflag:$0xF], $0x2000, $0x38;
	[tilespmem:$0x16400] =	vst v63  }
0xd1: {  	_ =	swait.ge [sflag:s9], $0x2000  }
0xd2: {  	[sflag:s9] =	ssyncset.done $0x0  }
0xd3: {  	s14 =	rddreg [dreg:$0x13];
	[sflag:s9] =	ssyncadd.s32 $0xFFFFE000  }
0xd4: {  	[hbm4b:s14+s3] =	stream.linear.scatter [tilespmem:s21], [sflag:$0x10], $0x2000, $0x38;
	[tilespmem:$0x16400] =	vst v63  }
0xd5: {  	_ =	swait.ge [sflag:s24], $0x2000  }
0xd6: {  	[sflag:s24] =	ssyncset.done $0x0  }
0xd7: {  	[sflag:s24] =	ssyncadd.s32 $0xFFFFE000  }
0xd8: {  	_ =	swait.ge [sflag:s31], $0x2000  }
0xd9: {  	[sflag:s31] =	ssyncset.done $0x0  }
0xda: {  	[sflag:s31] =	ssyncadd.s32 $0xFFFFE000  }
0xdb: {  	_ =	swait.ge [sflag:s5], $0x2000  }
0xdc: {  	[sflag:s5] =	ssyncset.done $0x0  }
0xdd: {  	[sflag:s5] =	ssyncadd.s32 $0xFFFFE000  }
0xde: {  	_ =	swait.ge [sflag:s8], $0x2000  }
0xdf: {  	[sflag:s8] =	ssyncset.done $0x0  }
0xe0: {  	[sflag:s8] =	ssyncadd.s32 $0xFFFFE000  }
0xe1: {  	_ =	swait.ge [sflag:s10], $0x2000  }
0xe2: {  	[sflag:s10] =	ssyncset.done $0x0  }
0xe3: {  	[sflag:s10] =	ssyncadd.s32 $0xFFFFE000  }
0xe4: {  	_ =	swait.ge [sflag:s11], $0x2000  }
0xe5: {  	[sflag:s11] =	ssyncset.done $0x0  }
0xe6: {  	[sflag:s11] =	ssyncadd.s32 $0xFFFFE000  }
0xe7: {  	_ =	swait.ge [sflag:s12], $0x2000  }
0xe8: {  	[sflag:s12] =	ssyncset.done $0x0  }
0xe9: {  	[sflag:s12] =	ssyncadd.s32 $0xFFFFE000  }
0xea: {  	_ =	swait.ge [sflag:s13], $0x2000  }
0xeb: {  	s6 =	rddreg [dreg:$0x15]  }
0xec: {  	s15 =	rddreg [dreg:$0x14];
	s6 =	sadd.s32 $0x1, s6  }
0xed: {  	p0 =	sne.s32 s6, s15  }
.Ltmp1:
0xee: {  	_ = 	snop;
	(pc) =	sbr.rel @p0 .LBB2_1-.Ltmp1, $3  }
0xef: {  	_ =	sdelay $0x1  }
0xf0: {  	[sflag:s13] =	ssyncset.done $0x0  }
0xf1: {  	[sflag:s13] =	ssyncadd.s32 $0xFFFFE000  }
0xf2: {  	_ =	sfence.sel $0x180000  }
0xf3: {  	[bflag:$0x0] =	sbarrier.arrive $0xFFFF  }
0xf4: {  	_ =	strace $0x90000047  }
0xf5: {  	s0 =	stileid.u32;
	[bflag:$0x2] =	sbarrier.arrive $0xFFFF  }
0xf6: {  	p0 =	sne.s32 s0, $0x0;
	s0 =	rddreg [dreg:$0x2]  }
0xf7: {  	s0 =	sadd.s32 @!p0 $0x100000, s0  }
0xf8: {  	[sflag:s0] =	ssyncadd.tile.s32 @!p0 $0x1;
	_ =	shalt  }
.Lfunc_end2:
_tile_overlayer_lowered:
.L_overlay_start_2:
0xf9: {  	(tag) =	ssettag $0x2  }
0xfa: {  	s0 =	rddreg [dreg:$0x0];
	s2 =	stileid.u32  }
0xfb: {  	s1 =	rddreg [dreg:$0x1];
	p0 =	sne.s32 s2, $0x0  }
0xfc: {  	s3 =	rddreg [dreg:$0x2];
	[bflag:$0x3] =	sbarrier.arrive $0xFFFF;
	s2 =	simm.s32 @!p0 $0x1C11  }
0xfd: {  	[timem:s3], [sflag:s2] =	dma.local @!p0 [hbm:s0], s1  }
0xfe: {  	s0 =	simm.s32 @!p0 $0x11  }
0xff: {  	_ =	swait.ge @!p0 [sflag:s0], s1  }
0x100: {  	s1 =	ssub.s32 @!p0 $0x0, s1;
	[sflag:s0] =	ssyncset.done @!p0 $0x0  }
0x101: {  	[sflag:s0] =	ssyncadd.s32 @!p0 s1  }
0x102: {  	[bflag:$0x3] =	sbarrier.arrive $0xFFFF  }
0x103: {  	_ =	shalt  }

// kernel: kernel.7.cloned.1.call-start
scs
__scs_entry_jumppad:
0x0: {  	(pc) =	sbr.rel $0x88, $3  }
0x1: {  	(tag) =	ssettag $0x0;
	lr =	simm.s32 $0x1  }
0x2: {  	[smem:$0x3F9D] =	sst lr;
	_ =	strace $0xD0000000  }
0x3: {  	_ = 	snop  }
0x4: {  	_ = 	snop  }
0x5: {  	_ = 	snop  }
0x6: {  	_ = 	snop  }
0x7: {  	_ = 	snop  }
__scs_overlays_trampoline_lowered:
0x8: {  	[smem:$0x3FAC] =	sst s0  }
0x9: {  	[smem:$0x3FAD] =	sst s1  }
0xa: {  	[smem:$0x3FAE] =	sst s2  }
0xb: {  	[smem:$0x3FAF] =	sst s3  }
0xc: {  	[smem:$0x3FB0] =	sst s4  }
0xd: {  	[smem:$0x3FB1] =	sst s5  }
0xe: {  	[smem:$0x3FB2] =	sst s6  }
0xf: {  	[smem:$0x3FB3] =	sst s7  }
0x10: {  	[smem:$0x3FB4] =	sst s8  }
0x11: {  	[smem:$0x3FB5] =	sst s9;
	s0 =	simm.s32 @!p0 $0x0  }
0x12: {  	s1 =	sld [smem:$0x3F9B];
	s0 =	simm.s32 @p0 $0x1  }
0x13: {  	[smem:$0x3FB6] =	sst s0;
	s0 =	simm.s32 @!p1 $0x0  }
0x14: {  	s2 =	sld [smem:$0x3F9A];
	s0 =	simm.s32 @p1 $0x1  }
0x15: {  	[smem:$0x3FB7] =	sst s0;
	s0 =	simm.s32 @!p2 $0x0  }
0x16: {  	s3 =	sld [smem:$0x3FDB];
	s0 =	simm.s32 @p2 $0x1  }
0x17: {  	s4 =	simm.s32 $0x1BF5;
	[smem:$0x3FB9] =	sst s0  }
0x18: {  	s0 =	sld [smem:$0x3F9C];
	_ =	swait.ge [sflag:s4], $0x0  }
0x19: {  	s7 =	sld [smem:$0x3F9D]  }
0x1a: {  	s8 =	sadd.s32 $0xFFFFE003, lr  }
0x1b: {  	s9 =	sadd.s32 $0xFFFFFEF7, lr;
	s5 =	simm.s32 $0xFFFFFFFF;
	p2 =	slt.u32 s8, $0xFFFFF086  }
0x1c: {  	p1 =	slt.u32 s9, $0xF7A;
	s5 =	simm.s32 @!p2 $0x0  }
0x1d: {  	s5 =	simm.s32 @p1 $0x1;
	p0 =	seq.s32 s7, s2  }
0x1e: {  	s7 =	smul.u32 @!p0 $0xF7A, s2;
	p2 =	seq.s32 @!p0 s5, $0x0  }
0x1f: {  	s9 =	smul.u32 $0xF7A, s1;
	s8 =	simm.s32 @!p0 $0x1BF5;
	p2 =	por !p2, p0  }
0x20: {  	[sflag:s8] =	ssyncset.s32 @!p0 $0xFFFFF086;
	s6 =	sadd.s32 @!p0 s3, s7;
	s7 =	simm.s32 @!p0 $0x108  }
0x21: {  	s3 =	sadd.s32 s3, s9;
	s6 =	sadd.s32 @!p0 $0x88, s6;
	s7 =	simm.s32 @p2 $0x1082  }
0x22: {  	[simem:s7], [sflag:s8] =	dma.local @!p0 [hbm:s6], $0xF7A  }
0x23: {  	s9 =	sor.u32 $0xD0000000, s2;
	s6 =	simm.s32 $0x108;
	_ =	swait.ge @!p0 [sflag:s8], $0x0  }
0x24: {  	s3 =	sadd.s32 $0x88, s3;
	s6 =	simm.s32 @!p1 $0x1082;
	[sflag:s4] =	ssyncset.s32 $0xFFFFF086  }
0x25: {  	[simem:s6], [sflag:s4] =	dma.local [hbm:s3], $0xF7A  }
0x26: {  	[smem:$0x3F9D] =	sst s1;
	(tag) =	ssettag s2;
	_ =	strace s9  }
0x27: {  	s1 =	sld [smem:$0x3FAD]  }
0x28: {  	s2 =	sld [smem:$0x3FAE]  }
0x29: {  	s4 =	sld [smem:$0x3FB0]  }
0x2a: {  	p0 =	seq.s32 s5, $0x0;
	s5 =	sld [smem:$0x3FB1]  }
0x2b: {  	s6 =	sld [smem:$0x3FB2]  }
0x2c: {  	s7 =	sld [smem:$0x3FB3]  }
0x2d: {  	s3 =	simm.s32 $0x108;
	s8 =	sld [smem:$0x3FB4]  }
0x2e: {  	s3 =	simm.s32 @!p0 $0x1082;
	s9 =	sld [smem:$0x3FB5]  }
0x2f: {  	lr =	sadd.s32 s0, s3;
	s0 =	sld [smem:$0x3FAC]  }
0x30: {  	s3 =	sld [smem:$0x3FAF]  }
0x31: {  	[smem:$0x3FB8] =	sst s10  }
0x32: {  	s10 =	sld [smem:$0x3FB6];
	_ =	sdelay $0x3  }
0x33: {  	p0 =	seq.s32 s10, $0x1;
	s10 =	sld [smem:$0x3FB8];
	_ =	sdelay $0x3  }
0x34: {  	[smem:$0x3FB8] =	sst s10  }
0x35: {  	s10 =	sld [smem:$0x3FB7];
	_ =	sdelay $0x3  }
0x36: {  	p1 =	seq.s32 s10, $0x1;
	s10 =	sld [smem:$0x3FB8];
	_ =	sdelay $0x3  }
0x37: {  	[smem:$0x3FB8] =	sst s10  }
0x38: {  	s10 =	sld [smem:$0x3FB9]  }
0x39: {  	_ = 	snop;
	(pc) =	sbr.ind lr, $3  }
0x3a: {  	_ = 	snop  }
0x3b: {  	_ = 	snop  }
0x3c: {  	p2 =	seq.s32 s10, $0x1;
	s10 =	sld [smem:$0x3FB8]  }
0x3d: {  	_ =	shalt  }
0x3e: {  	_ =	shalt  }
0x3f: {  	_ =	shalt  }
0x40: {  	_ =	shalt  }
0x41: {  	_ =	shalt  }
0x42: {  	_ =	shalt  }
0x43: {  	_ =	shalt  }
0x44: {  	_ =	shalt  }
0x45: {  	_ =	shalt  }
0x46: {  	_ =	shalt  }
0x47: {  	_ =	shalt  }
0x48: {  	_ =	shalt  }
0x49: {  	_ =	shalt  }
0x4a: {  	_ =	shalt  }
0x4b: {  	_ =	shalt  }
0x4c: {  	_ =	shalt  }
0x4d: {  	_ =	shalt  }
0x4e: {  	_ =	shalt  }
0x4f: {  	_ =	shalt  }
0x50: {  	_ =	shalt  }
0x51: {  	_ =	shalt  }
0x52: {  	_ =	shalt  }
0x53: {  	_ =	shalt  }
0x54: {  	_ =	shalt  }
0x55: {  	_ =	shalt  }
0x56: {  	_ =	shalt  }
0x57: {  	_ =	shalt  }
0x58: {  	_ =	shalt  }
0x59: {  	_ =	shalt  }
0x5a: {  	_ =	shalt  }
0x5b: {  	_ =	shalt  }
0x5c: {  	_ =	shalt  }
0x5d: {  	_ =	shalt  }
0x5e: {  	_ =	shalt  }
0x5f: {  	_ =	shalt  }
0x60: {  	_ =	shalt  }
0x61: {  	_ =	shalt  }
0x62: {  	_ =	shalt  }
0x63: {  	_ =	shalt  }
0x64: {  	_ =	shalt  }
0x65: {  	_ =	shalt  }
0x66: {  	_ =	shalt  }
0x67: {  	_ =	shalt  }
0x68: {  	_ =	shalt  }
0x69: {  	_ =	shalt  }
0x6a: {  	_ =	shalt  }
0x6b: {  	_ =	shalt  }
0x6c: {  	_ =	shalt  }
0x6d: {  	_ =	shalt  }
0x6e: {  	_ =	shalt  }
0x6f: {  	_ =	shalt  }
0x70: {  	_ =	shalt  }
0x71: {  	_ =	shalt  }
0x72: {  	_ =	shalt  }
0x73: {  	_ =	shalt  }
0x74: {  	_ =	shalt  }
0x75: {  	_ =	shalt  }
0x76: {  	_ =	shalt  }
0x77: {  	_ =	shalt  }
0x78: {  	_ =	shalt  }
0x79: {  	_ =	shalt  }
0x7a: {  	_ =	shalt  }
0x7b: {  	_ =	shalt  }
0x7c: {  	_ =	shalt  }
0x7d: {  	_ =	shalt  }
0x7e: {  	_ =	shalt  }
0x7f: {  	_ =	shalt  }
0x80: {  	_ =	shalt  }
0x81: {  	_ =	shalt  }
0x82: {  	_ =	shalt  }
0x83: {  	_ =	shalt  }
0x84: {  	_ =	shalt  }
0x85: {  	_ =	shalt  }
0x86: {  	_ =	shalt  }
0x87: {  	_ =	shalt  }
.Lfunc_end0:
.L_simem_size_0:
called_computation.3_lowered:
.L_overlay_start_0:
0x88: {  	s2 =	sld [smem:$0x3FD9]  }
0x89: {  	s3 =	sld [smem:$0x3FFE];
	_ =	sdelay $0x1  }
0x8a: {  	s1 =	srdreg.scid  }
0x8b: {  	s0 =	sand.u32 $0x1, s1  }
0x8c: {  	s15 =	sshll.u32 s0, $0xA;
	s2 =	sadd.s32 s3, s2  }
0x8d: {  	s2 =	sadd.s32 s2, s15  }
0x8e: {  	[smem:$0x3FC4] =	sst s2  }
0x8f: {  	_ = 	snop  }
0x90: {  	s2 =	sld [smem:$0x3FD0];
	_ =	sdelay $0x2  }
0x91: {  	s16 =	simm.s32 $0xB;
	s4 =	simm.s32 $0x10  }
0x92: {  	[smem:s4], [sflag:s16] =	dma.local [hbm:s2], $0x1  }
0x93: {  	_ =	swait.eq [sflag:s16], $0x1  }
0x94: {  	[sflag:s16] =	ssyncset.done $0x0  }
0x95: {  	[sflag:s16] =	ssyncadd.s32 $0xFFFFFFFF  }
0x96: {  	s17 =	sld [smem:$0x11];
	(tm) =	ssettm $0x1  }
0x97: {  	s18 =	sld [smem:$0x3FFB];
	_ =	sdelay $0x3  }
0x98: {  	_ =	strace s18  }
0x99: {  	s2 =	sld [smem:$0x3FFC];
	_ =	sdelay $0x3  }
0x9a: {  	_ =	strace s2  }
0x9b: {  	s2 =	sld [smem:$0x3FFD];
	_ =	sdelay $0x3  }
0x9c: {  	_ =	strace s2  }
0x9d: {  	_ =	strace $0x8FFFFFFF  }
0x9e: {  	s19 =	sld [smem:$0x3FDB];
	_ =	sdelay $0x1  }
0x9f: {  	s20 =	simm.s32 $_scs_section_size  }
0xa0: {  	s5 =	simm.s32 $_size__tile_overlayer_lowered;
	s6 =	simm.s32 $_tile_overlayer_lowered  }
0xa1: {  	s7 =	simm.s32 $0x1BFF;
	s21 =	sshll.u32 s6, $0x1;
	s4 =	sadd.s32 s20, s19  }
0xa2: {  	s22 =	simm.s32 $0x0;
	s5 =	sshll.u32 s5, $0x1;
	s6 =	sadd.s32 s21, s4  }
0xa3: {  	[timem:s22], [sflag:s7] =	dma.local [hbm:s6], s5  }
0xa4: {  	_ =	swait.ge [sflag:s7], s5  }
0xa5: {  	s5 =	ssub.s32 $0x0, s5;
	[sflag:s7] =	ssyncset.done $0x0  }
0xa6: {  	[sflag:s7] =	ssyncadd.s32 s5;
	_ =	sdelay $0x1  }
0xa7: {  	s23 =	simm.s32 $0x1B8B  }
0xa8: {  	_ =	swait.ge [sflag:s23], $0x1  }
0xa9: {  	[sflag:s23] =	ssyncset.done $0x0  }
0xaa: {  	[sflag:s23] =	ssyncadd.s32 $0xFFFFFFFF  }
0xab: {  	s5 =	sld [smem:$0x0]  }
0xac: {  	s6 =	sand.u32 $0xFFFFFFFE, s1  }
0xad: {  	p0 =	sne.s32 s1, s6  }
0xae: {  	s6 =	sshll.u32 @p0 s6, $0xE  }
0xaf: {  	s6 =	sadd.s32 @p0 $0x11B8D, s6;
	s7 =	sshll.u32 @p0 s5, $0x11  }
0xb0: {  	s6 =	sor.u32 @p0 s7, s6  }
0xb1: {  	[sflag:s6] =	ssyncadd.remote.s32 @p0 $0x1;
	_ =	sdelay $0x1  }
0xb2: {  	s6 =	simm.s32 @p0 $0x1B8D  }
0xb3: {  	_ =	swait.eq @p0 [sflag:s6], $0x1  }
0xb4: {  	[sflag:s6] =	ssyncadd.s32 @p0 $0xFFFFFFFF  }
0xb5: {  	s7 =	sshll.u32 @!p0 s1, $0xE  }
0xb6: {  	s7 =	sor.u32 @!p0 $0x4000, s7;
	s6 =	simm.s32 @!p0 $0x1B8D  }
0xb7: {  	s5 =	sshll.u32 @!p0 s5, $0x11;
	s7 =	sadd.s32 @!p0 $0x11B8D, s7;
	_ =	swait.eq @!p0 [sflag:s6], $0x1  }
0xb8: {  	s5 =	sor.u32 @!p0 s5, s7;
	[sflag:s6] =	ssyncadd.s32 @!p0 $0xFFFFFFFF  }
0xb9: {  	s25 =	simm.s32 $0x1B8E;
	s24 =	sld [smem:$0x3FFE];
	[sflag:s5] =	ssyncadd.remote.s32 @!p0 $0x1  }
0xba: {  	s26 =	simm.s32 $execute0_lowered;
	[smem:$0x3FD2] =	sst s25  }
0xbb: {  	s6 =	sshll.u32 s26, $0x1;
	_ =	strace $0x80000049;
	[dreg:$0x1] =	wrdreg $0xFFFFFFFF  }
0xbc: {  	s28 =	simm.s32 $_size_execute0_lowered;
	s4 =	sadd.s32 s4, s6;
	[dreg:$0x0] =	wrdreg $0x0  }
0xbd: {  	s6 =	sshll.u32 s28, $0x1;
	[dreg:$0x2] =	wrdreg s4  }
0xbe: {  	[dreg:$0x3] =	wrdreg s6  }
0xbf: {  	[dreg:$0x4] =	wrdreg $0xC0  }
0xc0: {  	_ =	task [dreg:s22], $0x5FFFF  }
0xc1: {  	[dreg:$0x1] =	wrdreg $0xFFFFFFFF  }
0xc2: {  	[dreg:$0x0] =	wrdreg $0x60  }
0xc3: {  	[dreg:$0x2] =	wrdreg s24  }
0xc4: {  	[dreg:$0x3] =	wrdreg s17  }
0xc5: {  	[dreg:$0x4] =	wrdreg $0xA  }
0xc6: {  	_ =	task.clear_ibuf [dreg:s22], $0x5FFFF;
	_ =	strace $0x90000049  }
0xc7: {  	s29 =	simm.s32 $0xA;
	_ =	strace $0x8000004B  }
0xc8: {  	_ =	swait.ge [sflag:s29], $0x1  }
0xc9: {  	[sflag:s29] =	ssyncadd.s32 $0xFFFFFFFF  }
0xca: {  	_ =	strace $0x9000004B  }
0xcb: {  	_ =	sfence  }
0xcc: {  	s30 =	sld [smem:$0x0];
	_ =	sdelay $0x2  }
0xcd: {  	s31 =	sshll.u32 s1, $0xD;
	s1 =	sshrl.u32 s1, $0x2  }
0xce: {  	s4 =	sand.u32 $0x4000, s31;
	s1 =	sadd.s32 s1, s30  }
0xcf: {  	s0 =	sor.u32 s4, s0;
	s1 =	sshll.u32 s1, $0x11  }
0xd0: {  	s0 =	sor.u32 s1, s0  }
0xd1: {  	s0 =	sadd.s32 $0x8F2B, s0  }
0xd2: {  	[sflag:s0] =	ssyncadd.remote.s32 $0x1  }
0xd3: {  	_ =	sfence.sel $0xFFFF  }
0xd4: {  	[dreg:$0x0] =	wrdreg $0xFFFFFFFF;
	(pc) =	sbr.abs _section_cstart, $3  }
0xd5: {  	[dreg:$0x1] =	wrdreg $0xFFFFFFFF  }
0xd6: {  	_ =	task.clear_ibuf [dreg:s22], $0x2FFFF;
	_ =	strace $0x9FFFFFFF  }
0xd7: {  	(tm) =	ssettm $0x7FFFFFFF  }
tec
execute0_lowered:
.L_overlay_start_1:
0x0: {  	(tag) =	ssettag $0x1  }
0x1: {  	s0 =	srdreg.scid;
	s1 =	rddreg [dreg:$0x0]  }
0x2: {  	s4 =	stileid.u32;
	s10 =	rddreg [dreg:$0x1];
	s3 =	simm.s32 $0x0  }
0x3: {  	s29 =	simm.s32 $0x10400;
	s30 =	simm.s32 $0x3;
	s28 =	simm.s32 $0x5  }
0x4: {  	s0 =	sand.u32 $0x1, s0;
	s2 =	sshll.u32 s4, $0x1;
	s6 =	smul.u32 $0xC800, s4  }
0x5: {  	s2 =	sor.u32 s0, s2;
	s7 =	ssub.s32 $0x2, s0;
	s0 =	smul.u32 $0x6400, s0  }
0x6: {  	s31 =	simm.s32 $0xA;
	[smem:$0x7FF] =	sst s3;
	s5 =	smul.u32 $0xC80, s2  }
0x7: {  	s4 =	sadd.s32 $0x1A400, s1;
	s8 =	sshrl.u32 s7, $0x1;
	s9 =	smul.u32 $0x32000, s2  }
0x8: {  	_ =	strace $0x8000004A;
	s2 =	smul.u32 $0x190000, s2;
	s11 =	ssub.s32 s7, s8  }
0x9: {  	s0 =	sadd.s32 s0, s6;
	s7 =	simm.s32 $0x7;
	s12 =	sadd.s32 s10, s9  }
0xa: {  	s1 =	sadd.s32 s5, s1;
	s26 =	smax.u32 s11, $0x1;
	[dreg:$0xc] =	wrdreg s12  }
0xb: {  	s8 =	simm.s32 $0xC;
	s1 =	sadd.s32 $0x7BB600, s1;
	[dreg:$0x14] =	wrdreg s26  }
0xc: {  	s0 =	sshll.u32 s0, $0x3;
	s13 =	sadd.s32 $0x400, s12;
	[dreg:$0xb] =	wrdreg s1  }
0xd: {  	s2 =	sshrl.u32 s2, $0x3;
	s14 =	sadd.s32 $0x800, s12;
	[dreg:$0xd] =	wrdreg s13  }
0xe: {  	s5 =	simm.s32 $0xB;
	s15 =	sor.u32 $0x1C00, s0;
	[dreg:$0xe] =	wrdreg s14  }
0xf: {  	s9 =	simm.s32 $0x8;
	s6 =	sadd.s32 $0xC00, s12;
	[dreg:$0x3] =	wrdreg s15  }
0x10: {  	s11 =	simm.s32 $0xE;
	s16 =	sor.u32 $0x1800, s0;
	[dreg:$0xf] =	wrdreg s6  }
0x11: {  	s17 =	sor.u32 $0x1400, s0;
	s18 =	sor.u32 $0x1000, s0;
	[dreg:$0x4] =	wrdreg s16  }
0x12: {  	s2 =	sadd.s32 s10, s2;
	s19 =	sadd.s32 $0x2C00, s0;
	[dreg:$0x5] =	wrdreg s17  }
0x13: {  	s21 =	sadd.s32 $0x2800, s0;
	s23 =	sadd.s32 $0x2400, s0;
	[dreg:$0x6] =	wrdreg s18  }
0x14: {  	s0 =	sadd.s32 $0x2000, s0;
	s26 =	simm.s32 $0x2;
	[dreg:$0x7] =	wrdreg s19  }
0x15: {  	s10 =	simm.s32 $0xD;
	s12 =	simm.s32 $0xF;
	[dreg:$0x8] =	wrdreg s21  }
0x16: {  	s20 =	sadd.s32 $0x31000, s2;
	s22 =	sadd.s32 $0x31400, s2;
	[dreg:$0x9] =	wrdreg s23  }
0x17: {  	s24 =	sadd.s32 $0x31800, s2;
	s25 =	sadd.s32 $0x31C00, s2;
	[dreg:$0xa] =	wrdreg s0  }
0x18: {  	s16 =	simm.s32 $0x80;
	s17 =	simm.s32 $0x6400;
	s18 =	simm.s32 $0x8400  }
0x19: {  	s23 =	simm.s32 $0x1;
	s1 =	simm.s32 $0x12400;
	[dreg:$0x10] =	wrdreg s20  }
0x1a: {  	s0 =	simm.s32 $0x4;
	s21 =	simm.s32 $0x14400;
	[dreg:$0x11] =	wrdreg s22  }
0x1b: {  	s19 =	simm.s32 $0x6;
	s13 =	simm.s32 $0x10;
	[dreg:$0x12] =	wrdreg s24  }
0x1c: {  	s6 =	simm.s32 $0x0;
	[dreg:$0x13] =	wrdreg s25;
	s20 =	simm.s32 $0xA400  }
0x1d: {  	s22 =	simm.s32 $0xC400;
	s25 =	simm.s32 $0xE400;
	s24 =	simm.s32 $0x9  }
.LBB2_1:
0x1e: {  	[dreg:$0x15] =	wrdreg s6  }
0x1f: {  	s2 =	rddreg [dreg:$0xb];
	s15 =	simm.s32 $0x11  }
0x20: {  	[tilespmem:s3], [sflag:$0x11] =	stream.linear.gather [hbm4b:s2+s3], $0x6400, $0x38;
	[tilespmem:$0x16400] =	vst v63  }
0x21: {  	_ =	swait.ge [sflag:s15], $0x6400  }
0x22: {  	[sflag:s15] =	ssyncset.done $0x0  }
0x23: {  	[sflag:s15] =	ssyncadd.s32 $0xFFFF9C00  }
0x24: {  	[tilespmem:s17], [sflag:$0x1] =	stream.indirect.gather [hbm4b:s4+s16], $0x40, s3, s16, $0xb8;
	[tilespmem:$0x16400] =	vst v63  }
0x25: {  	_ = 	snop  }
0x26: {  	[tilespmem:s18], [sflag:$0x2] =	stream.indirect.gather [hbm4b:s4+s16], $0x40, s16, s16, $0xb8;
	[tilespmem:$0x16400] =	vst v63  }
0x27: {  	s6 =	simm.s32 $0x100  }
0x28: {  	[tilespmem:s20], [sflag:$0x3] =	stream.indirect.gather [hbm4b:s4+s16], $0x40, s6, s16, $0xb8;
	[tilespmem:$0x16400] =	vst v63  }
0x29: {  	s14 =	simm.s32 $0x180  }
0x2a: {  	[tilespmem:s22], [sflag:$0x4] =	stream.indirect.gather [hbm4b:s4+s16], $0x40, s14, s16, $0xb8;
	[tilespmem:$0x16400] =	vst v63  }
0x2b: {  	_ =	swait.ge [sflag:s23], $0x2000  }
0x2c: {  	[sflag:s23] =	ssyncset.done $0x0  }
0x2d: {  	s15 =	rddreg [dreg:$0xc];
	[sflag:s23] =	ssyncadd.s32 $0xFFFFE000  }
0x2e: {  	[hbm4b:s15+s3] =	stream.linear.scatter [tilespmem:s17], [sflag:$0x9], $0x2000, $0x38;
	[tilespmem:$0x16400] =	vst v63  }
0x2f: {  	s6 =	simm.s32 $0x200  }
0x30: {  	[tilespmem:s25], [sflag:$0x5] =	stream.indirect.gather [hbm4b:s4+s16], $0x40, s6, s16, $0xb8;
	[tilespmem:$0x16400] =	vst v63  }
0x31: {  	_ =	swait.ge [sflag:s26], $0x2000  }
0x32: {  	[sflag:s26] =	ssyncset.done $0x0  }
0x33: {  	s14 =	rddreg [dreg:$0xd];
	[sflag:s26] =	ssyncadd.s32 $0xFFFFE000  }
0x34: {  	[hbm4b:s14+s3] =	stream.linear.scatter [tilespmem:s18], [sflag:$0xA], $0x2000, $0x38;
	[tilespmem:$0x16400] =	vst v63  }
0x35: {  	s15 =	simm.s32 $0x280  }
0x36: {  	[tilespmem:s29], [sflag:$0x6] =	stream.indirect.gather [hbm4b:s4+s16], $0x40, s15, s16, $0xb8;
	[tilespmem:$0x16400] =	vst v63  }
0x37: {  	_ =	swait.ge [sflag:s30], $0x2000  }
0x38: {  	[sflag:s30] =	ssyncset.done $0x0  }
0x39: {  	s6 =	rddreg [dreg:$0xe];
	[sflag:s30] =	ssyncadd.s32 $0xFFFFE000  }
0x3a: {  	[hbm4b:s6+s3] =	stream.linear.scatter [tilespmem:s20], [sflag:$0xB], $0x2000, $0x38;
	[tilespmem:$0x16400] =	vst v63  }
0x3b: {  	s14 =	simm.s32 $0x300  }
0x3c: {  	[tilespmem:s1], [sflag:$0x7] =	stream.indirect.gather [hbm4b:s4+s16], $0x40, s14, s16, $0xb8;
	[tilespmem:$0x16400] =	vst v63  }
0x3d: {  	_ =	swait.ge [sflag:s0], $0x2000  }
0x3e: {  	[sflag:s0] =	ssyncset.done $0x0  }
0x3f: {  	s15 =	rddreg [dreg:$0xf];
	[sflag:s0] =	ssyncadd.s32 $0xFFFFE000  }
0x40: {  	[hbm4b:s15+s3] =	stream.linear.scatter [tilespmem:s22], [sflag:$0xC], $0x2000, $0x38;
	[tilespmem:$0x16400] =	vst v63  }
0x41: {  	s6 =	simm.s32 $0x380  }
0x42: {  	[tilespmem:s21], [sflag:$0x8] =	stream.indirect.gather [hbm4b:s4+s16], $0x40, s6, s16, $0xb8;
	[tilespmem:$0x16400] =	vst v63  }
0x43: {  	_ =	swait.ge [sflag:s24], $0x2000  }
0x44: {  	[sflag:s24] =	ssyncset.done $0x0  }
0x45: {  	s14 =	simm.s32 $0x400;
	[sflag:s24] =	ssyncadd.s32 $0xFFFFE000  }
0x46: {  	[tilespmem:s17], [sflag:$0x1] =	stream.indirect.gather [hbm4b:s4+s16], $0x40, s14, s16, $0xb8;
	[tilespmem:$0x16400] =	vst v63  }
0x47: {  	_ =	swait.ge [sflag:s28], $0x2000  }
0x48: {  	[sflag:s28] =	ssyncset.done $0x0  }
0x49: {  	s15 =	rddreg [dreg:$0x6];
	[sflag:s28] =	ssyncadd.s32 $0xFFFFE000  }
0x4a: {  	s14 =	rddreg [dreg:$0x1]  }
0x4b: {  	s2 =	sadd.s32 s14, s15  }
0x4c: {  	[hbm4b:s2+s3] =	stream.linear.scatter [tilespmem:s25], [sflag:$0xD], $0x2000, $0x38;
	[tilespmem:$0x16400] =	vst v63  }
0x4d: {  	_ =	swait.ge [sflag:s31], $0x2000  }
0x4e: {  	[sflag:s31] =	ssyncset.done $0x0  }
0x4f: {  	s6 =	simm.s32 $0x480;
	[sflag:s31] =	ssyncadd.s32 $0xFFFFE000  }
0x50: {  	[tilespmem:s18], [sflag:$0x2] =	stream.indirect.gather [hbm4b:s4+s16], $0x40, s6, s16, $0xb8;
	[tilespmem:$0x16400] =	vst v63  }
0x51: {  	_ =	swait.ge [sflag:s19], $0x2000  }
0x52: {  	s15 =	rddreg [dreg:$0x5];
	[sflag:s19] =	ssyncset.done $0x0  }
0x53: {  	[sflag:s19] =	ssyncadd.s32 $0xFFFFE000;
	s2 =	sadd.s32 s14, s15  }
0x54: {  	[hbm4b:s2+s3] =	stream.linear.scatter [tilespmem:s29], [sflag:$0xE], $0x2000, $0x38;
	[tilespmem:$0x16400] =	vst v63  }
0x55: {  	_ =	swait.ge [sflag:s5], $0x2000  }
0x56: {  	[sflag:s5] =	ssyncset.done $0x0  }
0x57: {  	s6 =	simm.s32 $0x500;
	[sflag:s5] =	ssyncadd.s32 $0xFFFFE000  }
0x58: {  	[tilespmem:s20], [sflag:$0x3] =	stream.indirect.gather [hbm4b:s4+s16], $0x40, s6, s16, $0xb8;
	[tilespmem:$0x16400] =	vst v63  }
0x59: {  	_ =	swait.ge [sflag:s7], $0x2000  }
0x5a: {  	s15 =	rddreg [dreg:$0x4];
	[sflag:s7] =	ssyncset.done $0x0  }
0x5b: {  	[sflag:s7] =	ssyncadd.s32 $0xFFFFE000;
	s2 =	sadd.s32 s14, s15  }
0x5c: {  	[hbm4b:s2+s3] =	stream.linear.scatter [tilespmem:s1], [sflag:$0xF], $0x2000, $0x38;
	[tilespmem:$0x16400] =	vst v63  }
0x5d: {  	_ =	swait.ge [sflag:s8], $0x2000  }
0x5e: {  	[sflag:s8] =	ssyncset.done $0x0  }
0x5f: {  	s6 =	simm.s32 $0x580;
	[sflag:s8] =	ssyncadd.s32 $0xFFFFE000  }
0x60: {  	[tilespmem:s22], [sflag:$0x4] =	stream.indirect.gather [hbm4b:s4+s16], $0x40, s6, s16, $0xb8;
	[tilespmem:$0x16400] =	vst v63  }
0x61: {  	_ =	swait.ge [sflag:s9], $0x2000  }
0x62: {  	s15 =	rddreg [dreg:$0x3];
	[sflag:s9] =	ssyncset.done $0x0  }
0x63: {  	[sflag:s9] =	ssyncadd.s32 $0xFFFFE000;
	s2 =	sadd.s32 s14, s15  }
0x64: {  	[hbm4b:s2+s3] =	stream.linear.scatter [tilespmem:s21], [sflag:$0x10], $0x2000, $0x38;
	[tilespmem:$0x16400] =	vst v63  }
0x65: {  	_ =	swait.ge [sflag:s10], $0x2000  }
0x66: {  	[sflag:s10] =	ssyncset.done $0x0  }
0x67: {  	s6 =	simm.s32 $0x600;
	[sflag:s10] =	ssyncadd.s32 $0xFFFFE000  }
0x68: {  	[tilespmem:s25], [sflag:$0x5] =	stream.indirect.gather [hbm4b:s4+s16], $0x40, s6, s16, $0xb8;
	[tilespmem:$0x16400] =	vst v63  }
0x69: {  	_ =	swait.ge [sflag:s23], $0x2000  }
0x6a: {  	s15 =	rddreg [dreg:$0xa];
	[sflag:s23] =	ssyncset.done $0x0  }
0x6b: {  	[sflag:s23] =	ssyncadd.s32 $0xFFFFE000;
	s2 =	sadd.s32 s14, s15  }
0x6c: {  	[hbm4b:s2+s3] =	stream.linear.scatter [tilespmem:s17], [sflag:$0x9], $0x2000, $0x38;
	[tilespmem:$0x16400] =	vst v63  }
0x6d: {  	_ =	swait.ge [sflag:s11], $0x2000  }
0x6e: {  	[sflag:s11] =	ssyncset.done $0x0  }
0x6f: {  	s6 =	simm.s32 $0x680;
	[sflag:s11] =	ssyncadd.s32 $0xFFFFE000  }
0x70: {  	[tilespmem:s29], [sflag:$0x6] =	stream.indirect.gather [hbm4b:s4+s16], $0x40, s6, s16, $0xb8;
	[tilespmem:$0x16400] =	vst v63  }
0x71: {  	_ =	swait.ge [sflag:s26], $0x2000  }
0x72: {  	s15 =	rddreg [dreg:$0x9];
	[sflag:s26] =	ssyncset.done $0x0  }
0x73: {  	[sflag:s26] =	ssyncadd.s32 $0xFFFFE000;
	s2 =	sadd.s32 s14, s15  }
0x74: {  	[hbm4b:s2+s3] =	stream.linear.scatter [tilespmem:s18], [sflag:$0xA], $0x2000, $0x38;
	[tilespmem:$0x16400] =	vst v63  }
0x75: {  	_ =	swait.ge [sflag:s12], $0x2000  }
0x76: {  	[sflag:s12] =	ssyncset.done $0x0  }
0x77: {  	s6 =	simm.s32 $0x700;
	[sflag:s12] =	ssyncadd.s32 $0xFFFFE000  }
0x78: {  	[tilespmem:s1], [sflag:$0x7] =	stream.indirect.gather [hbm4b:s4+s16], $0x40, s6, s16, $0xb8;
	[tilespmem:$0x16400] =	vst v63  }
0x79: {  	_ =	swait.ge [sflag:s30], $0x2000  }
0x7a: {  	s15 =	rddreg [dreg:$0x8];
	[sflag:s30] =	ssyncset.done $0x0  }
0x7b: {  	[sflag:s30] =	ssyncadd.s32 $0xFFFFE000;
	s2 =	sadd.s32 s14, s15  }
0x7c: {  	[hbm4b:s2+s3] =	stream.linear.scatter [tilespmem:s20], [sflag:$0xB], $0x2000, $0x38;
	[tilespmem:$0x16400] =	vst v63  }
0x7d: {  	_ =	swait.ge [sflag:s13], $0x2000  }
0x7e: {  	[sflag:s13] =	ssyncset.done $0x0  }
0x7f: {  	s6 =	simm.s32 $0x780;
	[sflag:s13] =	ssyncadd.s32 $0xFFFFE000  }
0x80: {  	[tilespmem:s21], [sflag:$0x8] =	stream.indirect.gather [hbm4b:s4+s16], $0x40, s6, s16, $0xb8;
	[tilespmem:$0x16400] =	vst v63  }
0x81: {  	_ =	swait.ge [sflag:s0], $0x2000  }
0x82: {  	s6 =	simm.s32 $0x1000;
	s15 =	rddreg [dreg:$0x7];
	[sflag:s0] =	ssyncset.done $0x0  }
0x83: {  	[sflag:s0] =	ssyncadd.s32 $0xFFFFE000;
	s2 =	sadd.s32 s14, s15;
	s15 =	sadd.s32 $0x2000, s14  }
.LBB2_2:
0x84: {  	[hbm4b:s2+s3] =	stream.linear.scatter [tilespmem:s22], [sflag:$0xC], $0x2000, $0x38;
	[tilespmem:$0x16400] =	vst v63  }
0x85: {  	s14 =	smov.u32 s6;
	_ =	swait.ge [sflag:s24], $0x2000  }
0x86: {  	s2 =	sshra.s32 s14, $0x2;
	[sflag:s24] =	ssyncset.done $0x0  }
0x87: {  	s14 =	sadd.s32 $0x400, s2;
	[sflag:s24] =	ssyncadd.s32 $0xFFFFE000  }
0x88: {  	[tilespmem:s17], [sflag:$0x1] =	stream.indirect.gather [hbm4b:s4+s16], $0x40, s14, s16, $0xb8;
	[tilespmem:$0x16400] =	vst v63  }
0x89: {  	_ =	swait.ge [sflag:s28], $0x2000  }
0x8a: {  	s14 =	rddreg [dreg:$0x6];
	[sflag:s28] =	ssyncset.done $0x0  }
0x8b: {  	[sflag:s28] =	ssyncadd.s32 $0xFFFFE000;
	s14 =	sadd.s32 s15, s14  }
0x8c: {  	[hbm4b:s14+s3] =	stream.linear.scatter [tilespmem:s25], [sflag:$0xD], $0x2000, $0x38;
	[tilespmem:$0x16400] =	vst v63  }
0x8d: {  	_ =	swait.ge [sflag:s31], $0x2000  }
0x8e: {  	[sflag:s31] =	ssyncset.done $0x0  }
0x8f: {  	s14 =	sadd.s32 $0x480, s2;
	[sflag:s31] =	ssyncadd.s32 $0xFFFFE000  }
0x90: {  	[tilespmem:s18], [sflag:$0x2] =	stream.indirect.gather [hbm4b:s4+s16], $0x40, s14, s16, $0xb8;
	[tilespmem:$0x16400] =	vst v63  }
0x91: {  	_ =	swait.ge [sflag:s19], $0x2000  }
0x92: {  	s14 =	rddreg [dreg:$0x5];
	[sflag:s19] =	ssyncset.done $0x0  }
0x93: {  	[sflag:s19] =	ssyncadd.s32 $0xFFFFE000;
	s14 =	sadd.s32 s15, s14  }
0x94: {  	[hbm4b:s14+s3] =	stream.linear.scatter [tilespmem:s29], [sflag:$0xE], $0x2000, $0x38;
	[tilespmem:$0x16400] =	vst v63  }
0x95: {  	_ =	swait.ge [sflag:s5], $0x2000  }
0x96: {  	[sflag:s5] =	ssyncset.done $0x0  }
0x97: {  	s14 =	sadd.s32 $0x500, s2;
	[sflag:s5] =	ssyncadd.s32 $0xFFFFE000  }
0x98: {  	[tilespmem:s20], [sflag:$0x3] =	stream.indirect.gather [hbm4b:s4+s16], $0x40, s14, s16, $0xb8;
	[tilespmem:$0x16400] =	vst v63  }
0x99: {  	_ =	swait.ge [sflag:s7], $0x2000  }
0x9a: {  	s14 =	rddreg [dreg:$0x4];
	[sflag:s7] =	ssyncset.done $0x0  }
0x9b: {  	[sflag:s7] =	ssyncadd.s32 $0xFFFFE000;
	s14 =	sadd.s32 s15, s14  }
0x9c: {  	[hbm4b:s14+s3] =	stream.linear.scatter [tilespmem:s1], [sflag:$0xF], $0x2000, $0x38;
	[tilespmem:$0x16400] =	vst v63  }
0x9d: {  	_ =	swait.ge [sflag:s8], $0x2000  }
0x9e: {  	[sflag:s8] =	ssyncset.done $0x0  }
0x9f: {  	s14 =	sadd.s32 $0x580, s2;
	[sflag:s8] =	ssyncadd.s32 $0xFFFFE000  }
0xa0: {  	[tilespmem:s22], [sflag:$0x4] =	stream.indirect.gather [hbm4b:s4+s16], $0x40, s14, s16, $0xb8;
	[tilespmem:$0x16400] =	vst v63  }
0xa1: {  	_ =	swait.ge [sflag:s9], $0x2000  }
0xa2: {  	s14 =	rddreg [dreg:$0x3];
	[sflag:s9] =	ssyncset.done $0x0  }
0xa3: {  	[sflag:s9] =	ssyncadd.s32 $0xFFFFE000;
	s14 =	sadd.s32 s15, s14  }
0xa4: {  	[hbm4b:s14+s3] =	stream.linear.scatter [tilespmem:s21], [sflag:$0x10], $0x2000, $0x38;
	[tilespmem:$0x16400] =	vst v63  }
0xa5: {  	_ =	swait.ge [sflag:s10], $0x2000  }
0xa6: {  	[sflag:s10] =	ssyncset.done $0x0  }
0xa7: {  	s14 =	sadd.s32 $0x600, s2;
	[sflag:s10] =	ssyncadd.s32 $0xFFFFE000  }
0xa8: {  	[tilespmem:s25], [sflag:$0x5] =	stream.indirect.gather [hbm4b:s4+s16], $0x40, s14, s16, $0xb8;
	[tilespmem:$0x16400] =	vst v63  }
0xa9: {  	_ =	swait.ge [sflag:s23], $0x2000  }
0xaa: {  	s14 =	rddreg [dreg:$0xa];
	[sflag:s23] =	ssyncset.done $0x0  }
0xab: {  	[sflag:s23] =	ssyncadd.s32 $0xFFFFE000;
	s14 =	sadd.s32 s15, s14  }
0xac: {  	[hbm4b:s14+s3] =	stream.linear.scatter [tilespmem:s17], [sflag:$0x9], $0x2000, $0x38;
	[tilespmem:$0x16400] =	vst v63  }
0xad: {  	_ =	swait.ge [sflag:s11], $0x2000  }
0xae: {  	[sflag:s11] =	ssyncset.done $0x0  }
0xaf: {  	s14 =	sadd.s32 $0x680, s2;
	[sflag:s11] =	ssyncadd.s32 $0xFFFFE000  }
0xb0: {  	[tilespmem:s29], [sflag:$0x6] =	stream.indirect.gather [hbm4b:s4+s16], $0x40, s14, s16, $0xb8;
	[tilespmem:$0x16400] =	vst v63  }
0xb1: {  	_ =	swait.ge [sflag:s26], $0x2000  }
0xb2: {  	s14 =	rddreg [dreg:$0x9];
	[sflag:s26] =	ssyncset.done $0x0  }
0xb3: {  	[sflag:s26] =	ssyncadd.s32 $0xFFFFE000;
	s14 =	sadd.s32 s15, s14  }
0xb4: {  	[hbm4b:s14+s3] =	stream.linear.scatter [tilespmem:s18], [sflag:$0xA], $0x2000, $0x38;
	[tilespmem:$0x16400] =	vst v63  }
0xb5: {  	_ =	swait.ge [sflag:s12], $0x2000  }
0xb6: {  	[sflag:s12] =	ssyncset.done $0x0  }
0xb7: {  	s14 =	sadd.s32 $0x700, s2;
	[sflag:s12] =	ssyncadd.s32 $0xFFFFE000  }
0xb8: {  	[tilespmem:s1], [sflag:$0x7] =	stream.indirect.gather [hbm4b:s4+s16], $0x40, s14, s16, $0xb8;
	[tilespmem:$0x16400] =	vst v63  }
0xb9: {  	_ =	swait.ge [sflag:s30], $0x2000  }
0xba: {  	s14 =	rddreg [dreg:$0x8];
	[sflag:s30] =	ssyncset.done $0x0  }
0xbb: {  	[sflag:s30] =	ssyncadd.s32 $0xFFFFE000;
	s14 =	sadd.s32 s15, s14  }
0xbc: {  	[hbm4b:s14+s3] =	stream.linear.scatter [tilespmem:s20], [sflag:$0xB], $0x2000, $0x38;
	[tilespmem:$0x16400] =	vst v63  }
0xbd: {  	_ =	swait.ge [sflag:s13], $0x2000  }
0xbe: {  	p0 =	sne.s32 s6, $0x17000;
	[sflag:s13] =	ssyncset.done $0x0  }
.Ltmp0:
0xbf: {  	s2 =	sadd.s32 $0x780, s2;
	[sflag:s13] =	ssyncadd.s32 $0xFFFFE000;
	(pc) =	sbr.rel @p0 .LBB2_2-.Ltmp0, $4  }
0xc0: {  	[tilespmem:s21], [sflag:$0x8] =	stream.indirect.gather [hbm4b:s4+s16], $0x40, s2, s16, $0xb8;
	[tilespmem:$0x16400] =	vst v63  }
0xc1: {  	_ =	swait.ge [sflag:s0], $0x2000  }
0xc2: {  	s6 =	sadd.s32 $0x1000, s6;
	[sflag:s0] =	ssyncset.done $0x0;
	s14 =	rddreg [dreg:$0x7]  }
0xc3: {  	[sflag:s0] =	ssyncadd.s32 $0xFFFFE000;
	s2 =	sadd.s32 s15, s14;
	s15 =	sadd.s32 $0x2000, s15  }
0xc4: {  	[hbm4b:s2+s3] =	stream.linear.scatter [tilespmem:s22], [sflag:$0xC], $0x2000, $0x38;
	[tilespmem:$0x16400] =	vst v63  }
0xc5: {  	_ =	swait.ge [sflag:s28], $0x2000  }
0xc6: {  	[sflag:s28] =	ssyncset.done $0x0  }
0xc7: {  	s14 =	rddreg [dreg:$0x10];
	[sflag:s28] =	ssyncadd.s32 $0xFFFFE000  }
0xc8: {  	[hbm4b:s14+s3] =	stream.linear.scatter [tilespmem:s25], [sflag:$0xD], $0x2000, $0x38;
	[tilespmem:$0x16400] =	vst v63  }
0xc9: {  	_ =	swait.ge [sflag:s19], $0x2000  }
0xca: {  	[sflag:s19] =	ssyncset.done $0x0  }
0xcb: {  	s15 =	rddreg [dreg:$0x11];
	[sflag:s19] =	ssyncadd.s32 $0xFFFFE000  }
0xcc: {  	[hbm4b:s15+s3] =	stream.linear.scatter [tilespmem:s29], [sflag:$0xE], $0x2000, $0x38;
	[tilespmem:$0x16400] =	vst v63  }
0xcd: {  	_ =	swait.ge [sflag:s7], $0x2000  }
0xce: {  	[sflag:s7] =	ssyncset.done $0x0  }
0xcf: {  	s6 =	rddreg [dreg:$0x12];
	[sflag:s7] =	ssyncadd.s32 $0xFFFFE000  }
0xd0: {  	[hbm4b:s6+s3] =	stream.linear.scatter [tilespmem:s1], [sflag:$0xF], $0x2000, $0x38;
	[tilespmem:$0x16400] =	vst v63  }
0xd1: {  	_ =	swait.ge [sflag:s9], $0x2000  }
0xd2: {  	[sflag:s9] =	ssyncset.done $0x0  }
0xd3: {  	s14 =	rddreg [dreg:$0x13];
	[sflag:s9] =	ssyncadd.s32 $0xFFFFE000  }
0xd4: {  	[hbm4b:s14+s3] =	stream.linear.scatter [tilespmem:s21], [sflag:$0x10], $0x2000, $0x38;
	[tilespmem:$0x16400] =	vst v63  }
0xd5: {  	_ =	swait.ge [sflag:s24], $0x2000  }
0xd6: {  	[sflag:s24] =	ssyncset.done $0x0  }
0xd7: {  	[sflag:s24] =	ssyncadd.s32 $0xFFFFE000  }
0xd8: {  	_ =	swait.ge [sflag:s31], $0x2000  }
0xd9: {  	[sflag:s31] =	ssyncset.done $0x0  }
0xda: {  	[sflag:s31] =	ssyncadd.s32 $0xFFFFE000  }
0xdb: {  	_ =	swait.ge [sflag:s5], $0x2000  }
0xdc: {  	[sflag:s5] =	ssyncset.done $0x0  }
0xdd: {  	[sflag:s5] =	ssyncadd.s32 $0xFFFFE000  }
0xde: {  	_ =	swait.ge [sflag:s8], $0x2000  }
0xdf: {  	[sflag:s8] =	ssyncset.done $0x0  }
0xe0: {  	[sflag:s8] =	ssyncadd.s32 $0xFFFFE000  }
0xe1: {  	_ =	swait.ge [sflag:s10], $0x2000  }
0xe2: {  	[sflag:s10] =	ssyncset.done $0x0  }
0xe3: {  	[sflag:s10] =	ssyncadd.s32 $0xFFFFE000  }
0xe4: {  	_ =	swait.ge [sflag:s11], $0x2000  }
0xe5: {  	[sflag:s11] =	ssyncset.done $0x0  }
0xe6: {  	[sflag:s11] =	ssyncadd.s32 $0xFFFFE000  }
0xe7: {  	_ =	swait.ge [sflag:s12], $0x2000  }
0xe8: {  	[sflag:s12] =	ssyncset.done $0x0  }
0xe9: {  	[sflag:s12] =	ssyncadd.s32 $0xFFFFE000  }
0xea: {  	_ =	swait.ge [sflag:s13], $0x2000  }
0xeb: {  	s6 =	rddreg [dreg:$0x15]  }
0xec: {  	s15 =	rddreg [dreg:$0x14];
	s6 =	sadd.s32 $0x1, s6  }
0xed: {  	p0 =	sne.s32 s6, s15  }
.Ltmp1:
0xee: {  	_ = 	snop;
	(pc) =	sbr.rel @p0 .LBB2_1-.Ltmp1, $3  }
0xef: {  	_ =	sdelay $0x1  }
0xf0: {  	[sflag:s13] =	ssyncset.done $0x0  }
0xf1: {  	[sflag:s13] =	ssyncadd.s32 $0xFFFFE000  }
0xf2: {  	_ =	sfence.sel $0x180000  }
0xf3: {  	[bflag:$0x0] =	sbarrier.arrive $0xFFFF  }
0xf4: {  	_ =	strace $0x9000004A  }
0xf5: {  	s0 =	stileid.u32;
	[bflag:$0x2] =	sbarrier.arrive $0xFFFF  }
0xf6: {  	p0 =	sne.s32 s0, $0x0;
	s0 =	rddreg [dreg:$0x2]  }
0xf7: {  	s0 =	sadd.s32 @!p0 $0x100000, s0  }
0xf8: {  	[sflag:s0] =	ssyncadd.tile.s32 @!p0 $0x1;
	_ =	shalt  }
.Lfunc_end2:
_tile_overlayer_lowered:
.L_overlay_start_2:
0xf9: {  	(tag) =	ssettag $0x2  }
0xfa: {  	s0 =	rddreg [dreg:$0x0];
	s2 =	stileid.u32  }
0xfb: {  	s1 =	rddreg [dreg:$0x1];
	p0 =	sne.s32 s2, $0x0  }
0xfc: {  	s3 =	rddreg [dreg:$0x2];
	[bflag:$0x3] =	sbarrier.arrive $0xFFFF;
	s2 =	simm.s32 @!p0 $0x1C11  }
0xfd: {  	[timem:s3], [sflag:s2] =	dma.local @!p0 [hbm:s0], s1  }
0xfe: {  	s0 =	simm.s32 @!p0 $0x11  }
0xff: {  	_ =	swait.ge @!p0 [sflag:s0], s1  }
0x100: {  	s1 =	ssub.s32 @!p0 $0x0, s1;
	[sflag:s0] =	ssyncset.done @!p0 $0x0  }
0x101: {  	[sflag:s0] =	ssyncadd.s32 @!p0 s1  }
0x102: {  	[bflag:$0x3] =	sbarrier.arrive $0xFFFF  }
0x103: {  	_ =	shalt  }

// kernel: sparse-core-data-format-call.1.cloned.1.call-start
scs
called_computation.1_lowered:
.L_overlay_start_0:
0x0: {  	s2 =	sld [smem:$0x3FD9]  }
0x1: {  	s3 =	sld [smem:$0x3FFE];
	_ =	sdelay $0x1  }
0x2: {  	s1 =	srdreg.scid  }
0x3: {  	s0 =	sand.u32 $0x1, s1  }
0x4: {  	s16 =	sshll.u32 s0, $0xA;
	s2 =	sadd.s32 s3, s2  }
0x5: {  	s2 =	sadd.s32 s2, s16  }
0x6: {  	[smem:$0x3FC4] =	sst s2  }
0x7: {  	_ = 	snop  }
0x8: {  	s2 =	sld [smem:$0x3FD0];
	_ =	sdelay $0x2  }
0x9: {  	s17 =	simm.s32 $0xB;
	s4 =	simm.s32 $0x10  }
0xa: {  	[smem:s4], [sflag:s17] =	dma.local [hbm:s2], $0x1  }
0xb: {  	_ =	swait.eq [sflag:s17], $0x1  }
0xc: {  	[sflag:s17] =	ssyncset.done $0x0  }
0xd: {  	[sflag:s17] =	ssyncadd.s32 $0xFFFFFFFF  }
0xe: {  	s18 =	sld [smem:$0x10];
	(tm) =	ssettm $0x1  }
0xf: {  	s19 =	sld [smem:$0x3FFB];
	_ =	sdelay $0x3  }
0x10: {  	_ =	strace s19  }
0x11: {  	s2 =	sld [smem:$0x3FFC];
	_ =	sdelay $0x3  }
0x12: {  	_ =	strace s2  }
0x13: {  	s2 =	sld [smem:$0x3FFD];
	_ =	sdelay $0x3  }
0x14: {  	_ =	strace s2  }
0x15: {  	_ =	strace $0x8FFFFFFF  }
0x16: {  	s20 =	sld [smem:$0x3FDB];
	_ =	sdelay $0x1  }
0x17: {  	s21 =	simm.s32 $_scs_section_size  }
0x18: {  	s5 =	simm.s32 $_size__tile_overlayer_lowered;
	s6 =	simm.s32 $_tile_overlayer_lowered  }
0x19: {  	s7 =	simm.s32 $0x1BFF;
	s22 =	sshll.u32 s6, $0x1;
	s4 =	sadd.s32 s21, s20  }
0x1a: {  	s23 =	simm.s32 $0x0;
	s5 =	sshll.u32 s5, $0x1;
	s6 =	sadd.s32 s22, s4  }
0x1b: {  	[timem:s23], [sflag:s7] =	dma.local [hbm:s6], s5  }
0x1c: {  	_ =	swait.ge [sflag:s7], s5  }
0x1d: {  	s5 =	ssub.s32 $0x0, s5;
	[sflag:s7] =	ssyncset.done $0x0  }
0x1e: {  	[sflag:s7] =	ssyncadd.s32 s5;
	_ =	sdelay $0x1  }
0x1f: {  	s24 =	simm.s32 $0x1B8B  }
0x20: {  	_ =	swait.ge [sflag:s24], $0x1  }
0x21: {  	[sflag:s24] =	ssyncset.done $0x0  }
0x22: {  	[sflag:s24] =	ssyncadd.s32 $0xFFFFFFFF  }
0x23: {  	s5 =	sld [smem:$0x0]  }
0x24: {  	s6 =	sand.u32 $0xFFFFFFFE, s1  }
0x25: {  	p0 =	sne.s32 s1, s6  }
0x26: {  	s6 =	sshll.u32 @p0 s6, $0xE  }
0x27: {  	s6 =	sadd.s32 @p0 $0x11B8D, s6;
	s7 =	sshll.u32 @p0 s5, $0x11  }
0x28: {  	s6 =	sor.u32 @p0 s7, s6  }
0x29: {  	[sflag:s6] =	ssyncadd.remote.s32 @p0 $0x1;
	_ =	sdelay $0x1  }
0x2a: {  	s6 =	simm.s32 @p0 $0x1B8D  }
0x2b: {  	_ =	swait.eq @p0 [sflag:s6], $0x1  }
0x2c: {  	[sflag:s6] =	ssyncadd.s32 @p0 $0xFFFFFFFF  }
0x2d: {  	s7 =	sshll.u32 @!p0 s1, $0xE  }
0x2e: {  	s7 =	sor.u32 @!p0 $0x4000, s7;
	s6 =	simm.s32 @!p0 $0x1B8D  }
0x2f: {  	s5 =	sshll.u32 @!p0 s5, $0x11;
	s7 =	sadd.s32 @!p0 $0x11B8D, s7;
	_ =	swait.eq @!p0 [sflag:s6], $0x1  }
0x30: {  	s5 =	sor.u32 @!p0 s5, s7;
	[sflag:s6] =	ssyncadd.s32 @!p0 $0xFFFFFFFF  }
0x31: {  	s26 =	simm.s32 $0x1B8E;
	s25 =	sld [smem:$0x3FFE];
	[sflag:s5] =	ssyncadd.remote.s32 @!p0 $0x1  }
0x32: {  	s27 =	simm.s32 $execute0_lowered;
	[smem:$0x3FD2] =	sst s26  }
0x33: {  	s6 =	sshll.u32 s27, $0x1;
	_ =	strace $0x8000004C;
	[dreg:$0x1] =	wrdreg $0xFFFFFFFF  }
0x34: {  	s28 =	simm.s32 $_size_execute0_lowered;
	s4 =	sadd.s32 s4, s6;
	[dreg:$0x0] =	wrdreg $0x0  }
0x35: {  	s6 =	sshll.u32 s28, $0x1;
	[dreg:$0x2] =	wrdreg s4  }
0x36: {  	[dreg:$0x3] =	wrdreg s6  }
0x37: {  	[dreg:$0x4] =	wrdreg $0xC0  }
0x38: {  	_ =	task [dreg:s23], $0x5FFFF  }
0x39: {  	[dreg:$0x1] =	wrdreg $0xFFFFFFFF  }
0x3a: {  	[dreg:$0x0] =	wrdreg $0x60  }
0x3b: {  	[dreg:$0x2] =	wrdreg s25  }
0x3c: {  	[dreg:$0x3] =	wrdreg s18  }
0x3d: {  	[dreg:$0x4] =	wrdreg $0x9  }
0x3e: {  	_ =	task.clear_ibuf [dreg:s23], $0x5FFFF;
	_ =	strace $0x9000004C  }
0x3f: {  	s29 =	simm.s32 $0x9;
	_ =	strace $0x8000004E  }
0x40: {  	_ =	swait.ge [sflag:s29], $0x1  }
0x41: {  	[sflag:s29] =	ssyncadd.s32 $0xFFFFFFFF  }
0x42: {  	_ =	strace $0x9000004E  }
0x43: {  	_ =	sfence  }
0x44: {  	s30 =	sld [smem:$0x0];
	_ =	sdelay $0x2  }
0x45: {  	s31 =	sshll.u32 s1, $0xD;
	s1 =	sshrl.u32 s1, $0x2  }
0x46: {  	s4 =	sand.u32 $0x4000, s31;
	s1 =	sadd.s32 s1, s30  }
0x47: {  	s0 =	sor.u32 s4, s0;
	s1 =	sshll.u32 s1, $0x11  }
0x48: {  	s0 =	sor.u32 s1, s0  }
0x49: {  	s0 =	sadd.s32 $0x8F2B, s0  }
0x4a: {  	[sflag:s0] =	ssyncadd.remote.s32 $0x1  }
0x4b: {  	_ =	sfence.sel $0xFFFF  }
0x4c: {  	[dreg:$0x0] =	wrdreg $0xFFFFFFFF;
	(pc) =	sbr.abs _section_cstart, $3  }
0x4d: {  	[dreg:$0x1] =	wrdreg $0xFFFFFFFF  }
0x4e: {  	_ =	task.clear_ibuf [dreg:s23], $0x2FFFF;
	_ =	strace $0x9FFFFFFF  }
0x4f: {  	(tm) =	ssettm $0x7FFFFFFF  }
tec
execute0_lowered:
.L_overlay_start_1:
0x0: {  	(tag) =	ssettag $0x1  }
0x1: {  	s0 =	srdreg.scid  }
0x2: {  	s1 =	sshll.u32 s0, $0x4  }
0x3: {  	s0 =	stileid.u32;
	s1 =	sand.u32 $0x10, s1  }
0x4: {  	s1 =	sor.u32 s0, s1  }
0x5: {  	s6 =	rddreg [dreg:$0x0];
	s4 =	simm.s32 $0x1;
	s2 =	sshll.u32 s1, $0x7  }
0x6: {  	s7 =	simm.s32 $0x2;
	s12 =	simm.s32 $0x0;
	s1 =	ssub.s32 $0x4000, s2  }
0x7: {  	s8 =	simm.s32 $0x20000;
	s13 =	simm.s32 $0x0;
	s3 =	sand.u32 $0xF80, s1  }
0x8: {  	s9 =	simm.s32 $0x0;
	s5 =	sshrl.u32 s1, $0xC;
	p0 =	sne.s32 s3, $0x0  }
.Ltmp0:
0x9: {  	s1 =	rddreg [dreg:$0x2];
	s4 =	simm.s32 @!p0 $0x0;
	(pc) =	sbr.rel .LBB1_1-.Ltmp0, $4  }
0xa: {  	s11 =	simm.s32 $0x0;
	s3 =	rddreg [dreg:$0x1];
	s5 =	sadd.s32 s4, s5  }
0xb: {  	_ =	strace $0x8000004D;
	s4 =	simm.s32 $0x1;
	s5 =	smul.u32 $0x32, s5  }
0xc: {  	s6 =	sadd.s32 $0x7D4600, s6;
	s10 =	smov.u32 s2;
	[sflag:s4] =	ssyncpa.u1 $0x0  }
0xd: {  	p0 =	por $0x0, $0x0;
	[sflag:s7] =	ssyncpa.u1 $0x0;
	s7 =	sor.u32 $0x1, s5  }
.LBB1_4:
0xe: {  	s16 =	sshll.u32 s13, $0x3;
	s17 =	sand.u32 $0x78, s13  }
0xf: {  	s30 =	sand.u32 $0x1F800, s13;
	s12 =	sshll.u32 s12, $0x11;
	s16 =	sand.u32 $0x3C00, s16  }
0x10: {  	[tilespmem:s15+$0x810 ss:$0x81] =	vst.msk $0xffff, v2;
	s31 =	sand.u32 $0x7, s13;
	s16 =	sor.u32 s17, s16;
	s17 =	sadd.s32 s3, s30  }
0x11: {  	[tilespmem:s15+$0x1020 ss:$0x81] =	vst.msk $0xffff, v0;
	s13 =	sshll.u32 s31, $0x12;
	s12 =	sadd.s32 s12, s17;
	s16 =	sshrl.u32 s16, $0x3  }
0x12: {  	[tilespmem:s15+$0x0 ss:$0x81] =	vst.msk $0xffff, v1;
	s13 =	sor.u32 $0x400, s13;
	s12 =	sadd.s32 s16, s12  }
0x13: {  	[hbm4b:s12+s13] =	stream.strided.scatter [tilespmem:s14], [sflag:$0x2], $0x2000, s8, s13, $0x20;
	[tilespmem:$0x8080] =	vst v63  }
.LBB1_5:
0x14: {  	s14 =	sadd.s32 $0x1, s9  }
0x15: {  	s12 =	sadd.s32 $0x1000, s10;
	s16 =	smov.u32 s10;
	p2 =	sgt.s32 s14, $0x31  }
0x16: {  	s16 =	smov.u32 @p2 s12  }
0x17: {  	s14 =	simm.s32 @p2 $0x0;
	p2 =	sgt.s32 s16, $0x3FFF  }
0x18: {  	s16 =	smov.u32 @p2 s2;
	p2 =	sne.s32 s11, s7  }
.Ltmp1:
0x19: {  	p1 =	slt.u32 s11, $0x2;
	(pc) =	sbr.rel @!p2 .LBB1_6-.Ltmp1, $4  }
0x1a: {  	s15 =	simm.s32 @!p1 $0x2  }
0x1b: {  	s13 =	smov.u32 s10;
	p0 =	por !p0, !p0;
	_ =	swait.ge @!p1 [sflag:s15], $0x2000  }
0x1c: {  	s12 =	smov.u32 s9;
	[sflag:s15] =	ssyncset.done @!p1 $0x0;
	s9 =	smov.u32 s14  }
0x1d: {  	s11 =	sadd.s32 $0x1, s11;
	[sflag:s15] =	ssyncadd.s32 @!p1 $0xFFFFE000;
	s10 =	smov.u32 s16  }
.LBB1_1:
0x1e: {  	p1 =	sge.u32 s11, s5  }
0x1f: {  	s14 =	sand.u32 @!p1 $0x1FFFFFF, s9  }
0x20: {  	s15 =	smulhi.u32 @!p1 $0x4924925, s14;
	_ =	sdelay $0x1  }
0x21: {  	s15 =	smul.u32 @!p1 $0x38, s15  }
0x22: {  	s16 =	sxor.u32 @!p1 $0xFFFFFFFF, s11;
	s17 =	smul.u32 @!p1 $0x380, s10  }
0x23: {  	s31 =	sadd.s32 $0xFFFFFFFF, s11;
	s16 =	sshll.u32 @!p1 s16, $0xD;
	s14 =	ssub.s32 @!p1 s14, s15  }
0x24: {  	s15 =	sand.u32 @!p1 $0x2000, s16;
	s16 =	sadd.s32 @!p1 s6, s17;
	s14 =	sshll.u32 @!p1 s14, $0x4  }
0x25: {  	s17 =	simm.s32 @!p1 $0x1C00;
	s14 =	sadd.s32 @!p1 s14, s16;
	s16 =	simm.s32 @!p1 $0x40  }
0x26: {  	[tilespmem:s15], [sflag:$0x1] =	stream.strided.gather @!p1 [hbm4b:s14+s16], $0x2000, s17, s16, $0x38;
	[tilespmem:$0x8080] =	vst v63  }
0x27: {  	p1 =	sge.u32 s31, s5  }
.Ltmp2:
0x28: {  	_ = 	snop;
	(pc) =	sbr.rel @p1 .LBB1_5-.Ltmp2, $1  }
0x29: {  	_ =	sdelay $0x3  }
0x2a: {  	s14 =	simm.s32 $0x1  }
0x2b: {  	_ =	swait.ge [sflag:s4], $0x2000;
	s14 =	simm.s32 @!p0 $0x0  }
0x2c: {  	[sflag:s4] =	ssyncset.done $0x0;
	s15 =	sshll.u32 s14, $0xD  }
0x2d: {  	[sflag:s4] =	ssyncadd.s32 $0xFFFFE000;
	s18 =	sor.u32 $0x20, s15  }
0x2e: {  	s14 =	smul.u32 $0x8100, s14;
	v3 =	vld [tilespmem:s18+$0x10]  }
0x2f: {  	s30 =	sand.u32 $0x1, s11;
	v2 =	vld [tilespmem:s18+$0xFFFFFFF0]  }
0x30: {  	s15 =	smul.u32 $0x8100, s30;
	s14 =	sshrl.u32 s14, $0x2;
	v0 =	vld [tilespmem:s18+$0x0]  }
0x31: {  	v1 =	vld [tilespmem:s18+$0xFFFFFFE0];
	s16 =	sor.u32 $0x4000, s14  }
0x32: {  	s31 =	sshrl.u32 s15, $0x2;
	s15 =	sadd.s32 $0x0, s16  }
0x33: {  	s17 =	simm.s32 $0x4;
	s18 =	sadd.s32 $0x40, s18;
	s14 =	sor.u32 $0x4000, s31;
	[tilespmem:s15+$0x1830 ss:$0x81] =	vst.msk $0xffff, v3  }
.LBB1_3:
0x34: {  	v3 =	vld [tilespmem:s18+$0x10];
	p1 =	sne.s32 s17, $0x1FC;
	[tilespmem:s15+$0x810 ss:$0x81] =	vst.msk $0xffff, v2;
	s19 =	smov.u32 s17;
	s17 =	sadd.s32 $0x4, s17  }
.Ltmp3:
0x35: {  	v2 =	vld [tilespmem:s18+$0xFFFFFFF0];
	[tilespmem:s15+$0x1020 ss:$0x81] =	vst.msk $0xffff, v0;
	(pc) =	sbr.rel @p1 .LBB1_3-.Ltmp3, $4  }
0x36: {  	v0 =	vld [tilespmem:s18+$0x0];
	[tilespmem:s15+$0x0 ss:$0x81] =	vst.msk $0xffff, v1  }
0x37: {  	s15 =	sshra.s32 s19, $0x2;
	v1 =	vld [tilespmem:s18+$0xFFFFFFE0]  }
0x38: {  	s15 =	sadd.s32 s15, s16  }
0x39: {  	s18 =	sadd.s32 $0x40, s18;
	[tilespmem:s15+$0x1830 ss:$0x81] =	vst.msk $0xffff, v3  }
.Ltmp4:
0x3a: {  	_ = 	snop;
	(pc) =	sbr.rel .LBB1_4-.Ltmp4, $1  }
0x3b: {  	_ =	sdelay $0x3  }
.LBB1_6:
0x3c: {  	_ =	sfence.sel $0x180000  }
0x3d: {  	s2 =	simm.s32 $0x1;
	[bflag:$0x0] =	sbarrier.arrive $0xFFFF  }
0x3e: {  	s31 =	simm.s32 $0x2;
	[sflag:s2] =	ssyncpa.u1 $0x1  }
0x3f: {  	[sflag:s31] =	ssyncpa.u1 $0x1  }
0x40: {  	p0 =	sne.s32 s0, $0x0;
	_ =	strace $0x9000004D  }
0x41: {  	s0 =	sadd.s32 @!p0 $0x100000, s1;
	[bflag:$0x2] =	sbarrier.arrive $0xFFFF  }
0x42: {  	[sflag:s0] =	ssyncadd.tile.s32 @!p0 $0x1;
	_ =	shalt  }
.Lfunc_end1:
_tile_overlayer_lowered:
.L_overlay_start_2:
0x43: {  	(tag) =	ssettag $0x2  }
0x44: {  	s0 =	rddreg [dreg:$0x0];
	s2 =	stileid.u32  }
0x45: {  	s1 =	rddreg [dreg:$0x1];
	p0 =	sne.s32 s2, $0x0  }
0x46: {  	s3 =	rddreg [dreg:$0x2];
	[bflag:$0x3] =	sbarrier.arrive $0xFFFF;
	s2 =	simm.s32 @!p0 $0x1C01  }
0x47: {  	[timem:s3], [sflag:s2] =	dma.local @!p0 [hbm:s0], s1  }
0x48: {  	s0 =	simm.s32 @!p0 $0x1  }
0x49: {  	_ =	swait.ge @!p0 [sflag:s0], s1  }
0x4a: {  	s1 =	ssub.s32 @!p0 $0x0, s1;
	[sflag:s0] =	ssyncset.done @!p0 $0x0  }
0x4b: {  	[sflag:s0] =	ssyncadd.s32 @!p0 s1  }
0x4c: {  	[bflag:$0x3] =	sbarrier.arrive $0xFFFF  }
0x4d: {  	_ =	shalt  }

// kernel: sparse-core-data-format-call.cloned.1.call-start
scs
called_computation_lowered:
.L_overlay_start_0:
0x0: {  	s2 =	sld [smem:$0x3FD9]  }
0x1: {  	s3 =	sld [smem:$0x3FFE];
	_ =	sdelay $0x1  }
0x2: {  	s1 =	srdreg.scid  }
0x3: {  	s0 =	sand.u32 $0x1, s1  }
0x4: {  	s16 =	sshll.u32 s0, $0xA;
	s2 =	sadd.s32 s3, s2  }
0x5: {  	s2 =	sadd.s32 s2, s16  }
0x6: {  	[smem:$0x3FC4] =	sst s2  }
0x7: {  	_ = 	snop  }
0x8: {  	s2 =	sld [smem:$0x3FD0];
	_ =	sdelay $0x2  }
0x9: {  	s17 =	simm.s32 $0xB;
	s4 =	simm.s32 $0x10  }
0xa: {  	[smem:s4], [sflag:s17] =	dma.local [hbm:s2], $0x1  }
0xb: {  	_ =	swait.eq [sflag:s17], $0x1  }
0xc: {  	[sflag:s17] =	ssyncset.done $0x0  }
0xd: {  	[sflag:s17] =	ssyncadd.s32 $0xFFFFFFFF  }
0xe: {  	s18 =	sld [smem:$0x11];
	(tm) =	ssettm $0x1  }
0xf: {  	s19 =	sld [smem:$0x3FFB];
	_ =	sdelay $0x3  }
0x10: {  	_ =	strace s19  }
0x11: {  	s2 =	sld [smem:$0x3FFC];
	_ =	sdelay $0x3  }
0x12: {  	_ =	strace s2  }
0x13: {  	s2 =	sld [smem:$0x3FFD];
	_ =	sdelay $0x3  }
0x14: {  	_ =	strace s2  }
0x15: {  	_ =	strace $0x8FFFFFFF  }
0x16: {  	s20 =	sld [smem:$0x3FDB];
	_ =	sdelay $0x1  }
0x17: {  	s21 =	simm.s32 $_scs_section_size  }
0x18: {  	s5 =	simm.s32 $_size__tile_overlayer_lowered;
	s6 =	simm.s32 $_tile_overlayer_lowered  }
0x19: {  	s7 =	simm.s32 $0x1BFF;
	s22 =	sshll.u32 s6, $0x1;
	s4 =	sadd.s32 s21, s20  }
0x1a: {  	s23 =	simm.s32 $0x0;
	s5 =	sshll.u32 s5, $0x1;
	s6 =	sadd.s32 s22, s4  }
0x1b: {  	[timem:s23], [sflag:s7] =	dma.local [hbm:s6], s5  }
0x1c: {  	_ =	swait.ge [sflag:s7], s5  }
0x1d: {  	s5 =	ssub.s32 $0x0, s5;
	[sflag:s7] =	ssyncset.done $0x0  }
0x1e: {  	[sflag:s7] =	ssyncadd.s32 s5;
	_ =	sdelay $0x1  }
0x1f: {  	s24 =	simm.s32 $0x1B8B  }
0x20: {  	_ =	swait.ge [sflag:s24], $0x1  }
0x21: {  	[sflag:s24] =	ssyncset.done $0x0  }
0x22: {  	[sflag:s24] =	ssyncadd.s32 $0xFFFFFFFF  }
0x23: {  	s5 =	sld [smem:$0x0]  }
0x24: {  	s6 =	sand.u32 $0xFFFFFFFE, s1  }
0x25: {  	p0 =	sne.s32 s1, s6  }
0x26: {  	s6 =	sshll.u32 @p0 s6, $0xE  }
0x27: {  	s6 =	sadd.s32 @p0 $0x11B8D, s6;
	s7 =	sshll.u32 @p0 s5, $0x11  }
0x28: {  	s6 =	sor.u32 @p0 s7, s6  }
0x29: {  	[sflag:s6] =	ssyncadd.remote.s32 @p0 $0x1;
	_ =	sdelay $0x1  }
0x2a: {  	s6 =	simm.s32 @p0 $0x1B8D  }
0x2b: {  	_ =	swait.eq @p0 [sflag:s6], $0x1  }
0x2c: {  	[sflag:s6] =	ssyncadd.s32 @p0 $0xFFFFFFFF  }
0x2d: {  	s7 =	sshll.u32 @!p0 s1, $0xE  }
0x2e: {  	s7 =	sor.u32 @!p0 $0x4000, s7;
	s6 =	simm.s32 @!p0 $0x1B8D  }
0x2f: {  	s5 =	sshll.u32 @!p0 s5, $0x11;
	s7 =	sadd.s32 @!p0 $0x11B8D, s7;
	_ =	swait.eq @!p0 [sflag:s6], $0x1  }
0x30: {  	s5 =	sor.u32 @!p0 s5, s7;
	[sflag:s6] =	ssyncadd.s32 @!p0 $0xFFFFFFFF  }
0x31: {  	s26 =	simm.s32 $0x1B8E;
	s25 =	sld [smem:$0x3FFE];
	[sflag:s5] =	ssyncadd.remote.s32 @!p0 $0x1  }
0x32: {  	s27 =	simm.s32 $execute0_lowered;
	[smem:$0x3FD2] =	sst s26  }
0x33: {  	s6 =	sshll.u32 s27, $0x1;
	_ =	strace $0x8000004F;
	[dreg:$0x1] =	wrdreg $0xFFFFFFFF  }
0x34: {  	s28 =	simm.s32 $_size_execute0_lowered;
	s4 =	sadd.s32 s4, s6;
	[dreg:$0x0] =	wrdreg $0x0  }
0x35: {  	s6 =	sshll.u32 s28, $0x1;
	[dreg:$0x2] =	wrdreg s4  }
0x36: {  	[dreg:$0x3] =	wrdreg s6  }
0x37: {  	[dreg:$0x4] =	wrdreg $0xC0  }
0x38: {  	_ =	task [dreg:s23], $0x5FFFF  }
0x39: {  	[dreg:$0x1] =	wrdreg $0xFFFFFFFF  }
0x3a: {  	[dreg:$0x0] =	wrdreg $0x60  }
0x3b: {  	[dreg:$0x2] =	wrdreg s25  }
0x3c: {  	[dreg:$0x3] =	wrdreg s18  }
0x3d: {  	[dreg:$0x4] =	wrdreg $0xA  }
0x3e: {  	_ =	task.clear_ibuf [dreg:s23], $0x5FFFF;
	_ =	strace $0x9000004F  }
0x3f: {  	s29 =	simm.s32 $0xA;
	_ =	strace $0x80000051  }
0x40: {  	_ =	swait.ge [sflag:s29], $0x1  }
0x41: {  	[sflag:s29] =	ssyncadd.s32 $0xFFFFFFFF  }
0x42: {  	_ =	strace $0x90000051  }
0x43: {  	_ =	sfence  }
0x44: {  	s30 =	sld [smem:$0x0];
	_ =	sdelay $0x2  }
0x45: {  	s31 =	sshll.u32 s1, $0xD;
	s1 =	sshrl.u32 s1, $0x2  }
0x46: {  	s4 =	sand.u32 $0x4000, s31;
	s1 =	sadd.s32 s1, s30  }
0x47: {  	s0 =	sor.u32 s4, s0;
	s1 =	sshll.u32 s1, $0x11  }
0x48: {  	s0 =	sor.u32 s1, s0  }
0x49: {  	s0 =	sadd.s32 $0x8F2B, s0  }
0x4a: {  	[sflag:s0] =	ssyncadd.remote.s32 $0x1  }
0x4b: {  	_ =	sfence.sel $0xFFFF  }
0x4c: {  	[dreg:$0x0] =	wrdreg $0xFFFFFFFF;
	(pc) =	sbr.abs _section_cstart, $3  }
0x4d: {  	[dreg:$0x1] =	wrdreg $0xFFFFFFFF  }
0x4e: {  	_ =	task.clear_ibuf [dreg:s23], $0x2FFFF;
	_ =	strace $0x9FFFFFFF  }
0x4f: {  	(tm) =	ssettm $0x7FFFFFFF  }
tec
execute0_lowered:
.L_overlay_start_1:
0x0: {  	(tag) =	ssettag $0x1  }
0x1: {  	s0 =	srdreg.scid  }
0x2: {  	s1 =	sshll.u32 s0, $0x4  }
0x3: {  	s0 =	stileid.u32;
	s1 =	sand.u32 $0x10, s1  }
0x4: {  	s1 =	sor.u32 s0, s1  }
0x5: {  	s6 =	rddreg [dreg:$0x0];
	s4 =	simm.s32 $0x1;
	s2 =	sshll.u32 s1, $0x7  }
0x6: {  	s7 =	simm.s32 $0x2;
	s12 =	simm.s32 $0x0;
	s1 =	ssub.s32 $0x4000, s2  }
0x7: {  	s8 =	simm.s32 $0x20000;
	s13 =	simm.s32 $0x0;
	s3 =	sand.u32 $0xF80, s1  }
0x8: {  	s9 =	simm.s32 $0x0;
	s5 =	sshrl.u32 s1, $0xC;
	p0 =	sne.s32 s3, $0x0  }
.Ltmp0:
0x9: {  	s1 =	rddreg [dreg:$0x2];
	s4 =	simm.s32 @!p0 $0x0;
	(pc) =	sbr.rel .LBB1_1-.Ltmp0, $4  }
0xa: {  	s11 =	simm.s32 $0x0;
	s3 =	rddreg [dreg:$0x1];
	s5 =	sadd.s32 s4, s5  }
0xb: {  	_ =	strace $0x80000050;
	s4 =	simm.s32 $0x1;
	s5 =	smul.u32 $0x32, s5  }
0xc: {  	s6 =	sadd.s32 $0x15D4600, s6;
	s10 =	smov.u32 s2;
	[sflag:s4] =	ssyncpa.u1 $0x0  }
0xd: {  	p0 =	por $0x0, $0x0;
	[sflag:s7] =	ssyncpa.u1 $0x0;
	s7 =	sor.u32 $0x1, s5  }
.LBB1_4:
0xe: {  	s16 =	sshll.u32 s13, $0x3;
	s17 =	sand.u32 $0x78, s13  }
0xf: {  	s30 =	sand.u32 $0x1F800, s13;
	s12 =	sshll.u32 s12, $0x11;
	s16 =	sand.u32 $0x3C00, s16  }
0x10: {  	[tilespmem:s15+$0x810 ss:$0x81] =	vst.msk $0xffff, v2;
	s31 =	sand.u32 $0x7, s13;
	s16 =	sor.u32 s17, s16;
	s17 =	sadd.s32 s3, s30  }
0x11: {  	[tilespmem:s15+$0x1020 ss:$0x81] =	vst.msk $0xffff, v0;
	s13 =	sshll.u32 s31, $0x12;
	s12 =	sadd.s32 s12, s17;
	s16 =	sshrl.u32 s16, $0x3  }
0x12: {  	[tilespmem:s15+$0x0 ss:$0x81] =	vst.msk $0xffff, v1;
	s13 =	sor.u32 $0x400, s13;
	s12 =	sadd.s32 s16, s12  }
0x13: {  	[hbm4b:s12+s13] =	stream.strided.scatter [tilespmem:s14], [sflag:$0x2], $0x2000, s8, s13, $0x20;
	[tilespmem:$0x8080] =	vst v63  }
.LBB1_5:
0x14: {  	s14 =	sadd.s32 $0x1, s9  }
0x15: {  	s12 =	sadd.s32 $0x1000, s10;
	s16 =	smov.u32 s10;
	p2 =	sgt.s32 s14, $0x31  }
0x16: {  	s16 =	smov.u32 @p2 s12  }
0x17: {  	s14 =	simm.s32 @p2 $0x0;
	p2 =	sgt.s32 s16, $0x3FFF  }
0x18: {  	s16 =	smov.u32 @p2 s2;
	p2 =	sne.s32 s11, s7  }
.Ltmp1:
0x19: {  	p1 =	slt.u32 s11, $0x2;
	(pc) =	sbr.rel @!p2 .LBB1_6-.Ltmp1, $4  }
0x1a: {  	s15 =	simm.s32 @!p1 $0x2  }
0x1b: {  	s13 =	smov.u32 s10;
	p0 =	por !p0, !p0;
	_ =	swait.ge @!p1 [sflag:s15], $0x2000  }
0x1c: {  	s12 =	smov.u32 s9;
	[sflag:s15] =	ssyncset.done @!p1 $0x0;
	s9 =	smov.u32 s14  }
0x1d: {  	s11 =	sadd.s32 $0x1, s11;
	[sflag:s15] =	ssyncadd.s32 @!p1 $0xFFFFE000;
	s10 =	smov.u32 s16  }
.LBB1_1:
0x1e: {  	p1 =	sge.u32 s11, s5  }
0x1f: {  	s14 =	sand.u32 @!p1 $0x1FFFFFF, s9  }
0x20: {  	s15 =	smulhi.u32 @!p1 $0x4924925, s14;
	_ =	sdelay $0x1  }
0x21: {  	s15 =	smul.u32 @!p1 $0x38, s15  }
0x22: {  	s16 =	sxor.u32 @!p1 $0xFFFFFFFF, s11;
	s17 =	smul.u32 @!p1 $0x380, s10  }
0x23: {  	s31 =	sadd.s32 $0xFFFFFFFF, s11;
	s16 =	sshll.u32 @!p1 s16, $0xD;
	s14 =	ssub.s32 @!p1 s14, s15  }
0x24: {  	s15 =	sand.u32 @!p1 $0x2000, s16;
	s16 =	sadd.s32 @!p1 s6, s17;
	s14 =	sshll.u32 @!p1 s14, $0x4  }
0x25: {  	s17 =	simm.s32 @!p1 $0x1C00;
	s14 =	sadd.s32 @!p1 s14, s16;
	s16 =	simm.s32 @!p1 $0x40  }
0x26: {  	[tilespmem:s15], [sflag:$0x1] =	stream.strided.gather @!p1 [hbm4b:s14+s16], $0x2000, s17, s16, $0x38;
	[tilespmem:$0x8080] =	vst v63  }
0x27: {  	p1 =	sge.u32 s31, s5  }
.Ltmp2:
0x28: {  	_ = 	snop;
	(pc) =	sbr.rel @p1 .LBB1_5-.Ltmp2, $1  }
0x29: {  	_ =	sdelay $0x3  }
0x2a: {  	s14 =	simm.s32 $0x1  }
0x2b: {  	_ =	swait.ge [sflag:s4], $0x2000;
	s14 =	simm.s32 @!p0 $0x0  }
0x2c: {  	[sflag:s4] =	ssyncset.done $0x0;
	s15 =	sshll.u32 s14, $0xD  }
0x2d: {  	[sflag:s4] =	ssyncadd.s32 $0xFFFFE000;
	s18 =	sor.u32 $0x20, s15  }
0x2e: {  	s14 =	smul.u32 $0x8100, s14;
	v3 =	vld [tilespmem:s18+$0x10]  }
0x2f: {  	s30 =	sand.u32 $0x1, s11;
	v2 =	vld [tilespmem:s18+$0xFFFFFFF0]  }
0x30: {  	s15 =	smul.u32 $0x8100, s30;
	s14 =	sshrl.u32 s14, $0x2;
	v0 =	vld [tilespmem:s18+$0x0]  }
0x31: {  	v1 =	vld [tilespmem:s18+$0xFFFFFFE0];
	s16 =	sor.u32 $0x4000, s14  }
0x32: {  	s31 =	sshrl.u32 s15, $0x2;
	s15 =	sadd.s32 $0x0, s16  }
0x33: {  	s17 =	simm.s32 $0x4;
	s18 =	sadd.s32 $0x40, s18;
	s14 =	sor.u32 $0x4000, s31;
	[tilespmem:s15+$0x1830 ss:$0x81] =	vst.msk $0xffff, v3  }
.LBB1_3:
0x34: {  	v3 =	vld [tilespmem:s18+$0x10];
	p1 =	sne.s32 s17, $0x1FC;
	[tilespmem:s15+$0x810 ss:$0x81] =	vst.msk $0xffff, v2;
	s19 =	smov.u32 s17;
	s17 =	sadd.s32 $0x4, s17  }
.Ltmp3:
0x35: {  	v2 =	vld [tilespmem:s18+$0xFFFFFFF0];
	[tilespmem:s15+$0x1020 ss:$0x81] =	vst.msk $0xffff, v0;
	(pc) =	sbr.rel @p1 .LBB1_3-.Ltmp3, $4  }
0x36: {  	v0 =	vld [tilespmem:s18+$0x0];
	[tilespmem:s15+$0x0 ss:$0x81] =	vst.msk $0xffff, v1  }
0x37: {  	s15 =	sshra.s32 s19, $0x2;
	v1 =	vld [tilespmem:s18+$0xFFFFFFE0]  }
0x38: {  	s15 =	sadd.s32 s15, s16  }
0x39: {  	s18 =	sadd.s32 $0x40, s18;
	[tilespmem:s15+$0x1830 ss:$0x81] =	vst.msk $0xffff, v3  }
.Ltmp4:
0x3a: {  	_ = 	snop;
	(pc) =	sbr.rel .LBB1_4-.Ltmp4, $1  }
0x3b: {  	_ =	sdelay $0x3  }
.LBB1_6:
0x3c: {  	_ =	sfence.sel $0x180000  }
0x3d: {  	s2 =	simm.s32 $0x1;
	[bflag:$0x0] =	sbarrier.arrive $0xFFFF  }
0x3e: {  	s31 =	simm.s32 $0x2;
	[sflag:s2] =	ssyncpa.u1 $0x1  }
0x3f: {  	[sflag:s31] =	ssyncpa.u1 $0x1  }
0x40: {  	p0 =	sne.s32 s0, $0x0;
	_ =	strace $0x90000050  }
0x41: {  	s0 =	sadd.s32 @!p0 $0x100000, s1;
	[bflag:$0x2] =	sbarrier.arrive $0xFFFF  }
0x42: {  	[sflag:s0] =	ssyncadd.tile.s32 @!p0 $0x1;
	_ =	shalt  }
.Lfunc_end1:
_tile_overlayer_lowered:
.L_overlay_start_2:
0x43: {  	(tag) =	ssettag $0x2  }
0x44: {  	s0 =	rddreg [dreg:$0x0];
	s2 =	stileid.u32  }
0x45: {  	s1 =	rddreg [dreg:$0x1];
	p0 =	sne.s32 s2, $0x0  }
0x46: {  	s3 =	rddreg [dreg:$0x2];
	[bflag:$0x3] =	sbarrier.arrive $0xFFFF;
	s2 =	simm.s32 @!p0 $0x1C01  }
0x47: {  	[timem:s3], [sflag:s2] =	dma.local @!p0 [hbm:s0], s1  }
0x48: {  	s0 =	simm.s32 @!p0 $0x1  }
0x49: {  	_ =	swait.ge @!p0 [sflag:s0], s1  }
0x4a: {  	s1 =	ssub.s32 @!p0 $0x0, s1;
	[sflag:s0] =	ssyncset.done @!p0 $0x0  }
0x4b: {  	[sflag:s0] =	ssyncadd.s32 @!p0 s1  }
0x4c: {  	[bflag:$0x3] =	sbarrier.arrive $0xFFFF  }
0x4d: {  	_ =	shalt  }

</sc_bundles>
